<compile_context>
chip_gen: v7x
topology: tpu7x:2x2x1
jax: 0.10.2.dev20260603
libtpu: 0.0.44.dev20260713+nightly
codegen_flags: <defaults>
</compile_context>

<pallas_src>
import functools

import jax
import jax.numpy as jnp
from jax import lax
from jax.experimental import pallas as pl
from jax.experimental.pallas import tpu as pltpu
from jax.experimental.pallas import tpu_sc as plsc

N_NODES = 10000
N_EDGES = 320000
D = 128

NC = 2
NS = 16
NW = NC * NS
PER_W = N_EDGES // NW

KN = 56
IBN = 24
GROUPS = 8
CHUNKS_N = IBN * GROUPS
PAD_N = CHUNKS_N * KN - PER_W
NRING = 3

KE = 56
IBE = IBN
CHUNKS_E = IBE * GROUPS
PAD_E = CHUNKS_E * KE - PER_W

ACC_ROWS = 10112
TRASH_ROW = N_NODES
ROWS_PER_SUB = ACC_ROWS // NS


def _sc_segment_sum(node_feats, emb_pair, gn, dn, ge, de, zeros_blk):
    mesh = plsc.VectorSubcoreMesh(core_axis_name="c", subcore_axis_name="s")

    @functools.partial(
        pl.kernel,
        out_type=jax.ShapeDtypeStruct((NC, ACC_ROWS, D), jnp.float32),
        mesh=mesh,
        scratch_types=[
            pltpu.VMEM((IBN, KN), jnp.int32),
            pltpu.VMEM((IBN, KN), jnp.int32),
            pltpu.VMEM((IBE, KE), jnp.int32),
            pltpu.VMEM((IBE, KE), jnp.int32),
            pltpu.VMEM((NRING, KN, D), jnp.float32),
            pltpu.VMEM((2, KE, D), jnp.float32),
            pltpu.VMEM_SHARED((ACC_ROWS, D), jnp.float32),
            pltpu.VMEM_SHARED((18, D), jnp.float32),
            [pltpu.SemaphoreType.DMA] * NRING,
            [pltpu.SemaphoreType.DMA] * NRING,
            [pltpu.SemaphoreType.DMA] * 2,
            [pltpu.SemaphoreType.DMA] * 2,
        ],
    )
    def kern(nf_hbm, e_hbm, gn_hbm, dn_hbm, ge_hbm, de_hbm, z_hbm, out_hbm,
             gn_v, dn_v, ge_v, de_v, nrows, erows, acc, emb_s,
             gsn, ssn, gse, sse):
        c = lax.axis_index("c")
        s = lax.axis_index("s")
        wid = s * NC + c

        pltpu.sync_copy(z_hbm, acc.at[pl.ds(s * ROWS_PER_SUB, ROWS_PER_SUB)])

        @pl.when(s == 0)
        def _():
            pltpu.sync_copy(e_hbm, emb_s)

        plsc.subcore_barrier()

        @pl.loop(0, GROUPS)
        def _(g):
            pltpu.sync_copy(gn_hbm.at[wid, pl.ds(g * IBN, IBN)], gn_v)
            pltpu.sync_copy(dn_hbm.at[wid, pl.ds(g * IBN, IBN)], dn_v)
            pltpu.sync_copy(ge_hbm.at[wid, pl.ds(g * IBE, IBE)], ge_v)
            pltpu.sync_copy(de_hbm.at[wid, pl.ds(g * IBE, IBE)], de_v)
            for b in range(NRING - 1):
                pltpu.async_copy(nf_hbm.at[gn_v.at[b]], nrows.at[b], gsn[b])
            pltpu.async_copy(emb_s.at[ge_v.at[0]], erows.at[0], gse[0])
            pltpu.async_copy(emb_s.at[ge_v.at[1]], erows.at[1], gse[1])

            for nt in range(IBN):
                nb = nt % NRING
                eb = nt % 2
                pltpu.make_async_copy(
                    nf_hbm.at[gn_v.at[nt]], nrows.at[nb], gsn[nb]).wait()
                pltpu.async_copy(
                    nrows.at[nb], acc.at[dn_v.at[nt]], ssn[nb], add=True)
                pltpu.make_async_copy(
                    emb_s.at[ge_v.at[nt]], erows.at[eb], gse[eb]).wait()
                pltpu.async_copy(
                    erows.at[eb], acc.at[de_v.at[nt]], sse[eb], add=True)
                rt = nt + NRING - 1
                if rt < IBN:
                    rb = rt % NRING
                    if nt > 0:
                        pltpu.make_async_copy(
                            nrows.at[rb], acc.at[dn_v.at[nt - 1]],
                            ssn[rb]).wait()
                    pltpu.async_copy(
                        nf_hbm.at[gn_v.at[rt]], nrows.at[rb], gsn[rb])
                if nt + 2 < IBE:
                    pltpu.make_async_copy(
                        erows.at[eb], acc.at[de_v.at[nt]], sse[eb]).wait()
                    pltpu.async_copy(
                        emb_s.at[ge_v.at[nt + 2]], erows.at[eb], gse[eb])

            for nt in range(IBN - NRING, IBN):
                nb = nt % NRING
                pltpu.make_async_copy(
                    nrows.at[nb], acc.at[dn_v.at[nt]], ssn[nb]).wait()
            for et in (IBE - 2, IBE - 1):
                pltpu.make_async_copy(
                    erows.at[et % 2], acc.at[de_v.at[et]], sse[et % 2]).wait()

        plsc.subcore_barrier()
        pltpu.sync_copy(
            acc.at[pl.ds(s * ROWS_PER_SUB, ROWS_PER_SUB)],
            out_hbm.at[c, pl.ds(s * ROWS_PER_SUB, ROWS_PER_SUB)])

    return kern(node_feats, emb_pair, gn, dn, ge, de, zeros_blk)


def _tc_mlp_bn(parts, node_feats, W1, b1, W2, b2, Wres, bres, gamma, beta):

    def body(parts_r, nf_r, W1_r, b1_r, W2_r, b2_r, Wres_r, bres_r,
             gamma_r, beta_r, out_r):
        agg = parts_r[0, :N_NODES, :] + parts_r[1, :N_NODES, :]
        h1 = jnp.maximum(
            jnp.dot(agg, W1_r[...], preferred_element_type=jnp.float32)
            + b1_r[...], 0.0)
        h = (jnp.dot(h1, W2_r[...], preferred_element_type=jnp.float32)
             + b2_r[...])
        res = (jnp.dot(nf_r[...], Wres_r[...],
                       preferred_element_type=jnp.float32) + bres_r[...])
        h = h + res
        mean = jnp.mean(h, axis=0, keepdims=True)
        var = jnp.mean((h - mean) ** 2, axis=0, keepdims=True)
        out_r[...] = ((h - mean) * lax.rsqrt(var + 1e-5) * gamma_r[...]
                      + beta_r[...])

    return pl.pallas_call(
        body,
        out_shape=jax.ShapeDtypeStruct((N_NODES, D), jnp.float32),
    )(parts, node_feats, W1, b1, W2, b2, Wres, bres, gamma, beta)


@jax.jit
def kernel(node_feats, edge_index, edge_feat_0, edge_feat_1,
           emb0, emb1, W1, b1, W2, b2, Wres, bres, gamma, beta):
    src = edge_index[0].astype(jnp.int32)
    dst = edge_index[1].astype(jnp.int32)
    eidx = (edge_feat_0.astype(jnp.int32) * 3
            + edge_feat_1.astype(jnp.int32))

    emb_pair = (emb0[:, None, :] + emb1[None, :, :]).reshape(18, D)

    pad_rows = (jnp.arange(PAD_N, dtype=jnp.int32) * 13) % N_NODES
    gn = jnp.concatenate(
        [src.reshape(NW, PER_W),
         jnp.broadcast_to(pad_rows, (NW, PAD_N))],
        axis=1).reshape(NW, CHUNKS_N, KN)
    dn = jnp.concatenate(
        [dst.reshape(NW, PER_W), jnp.full((NW, PAD_N), TRASH_ROW, jnp.int32)],
        axis=1).reshape(NW, CHUNKS_N, KN)
    ge = jnp.concatenate(
        [eidx.reshape(NW, PER_W), jnp.zeros((NW, PAD_E), jnp.int32)],
        axis=1).reshape(NW, CHUNKS_E, KE)
    de = jnp.concatenate(
        [dst.reshape(NW, PER_W), jnp.full((NW, PAD_E), TRASH_ROW, jnp.int32)],
        axis=1).reshape(NW, CHUNKS_E, KE)

    zeros_blk = jnp.zeros((ROWS_PER_SUB, D), jnp.float32)
    parts = _sc_segment_sum(node_feats, emb_pair, gn, dn, ge, de, zeros_blk)

    b1_2 = b1.reshape(1, 2 * D)
    b2_2 = b2.reshape(1, D)
    bres_2 = bres.reshape(1, D)
    gamma_2 = gamma.reshape(1, D)
    beta_2 = beta.reshape(1, D)
    return _tc_mlp_bn(parts, node_feats, W1, b1_2, W2, b2_2,
                      Wres, bres_2, gamma_2, beta_2)

# --- scband reference (transcript-rebuilt; emitter-appended) ---
"""Pipeline reference for scband-ginlayer-60215441490191 (READ-ONLY COPY).

The authoritative reference and input builder live on the scoring server;
editing this copy changes nothing except your own understanding.
"""

import jax, jax.numpy as jnp
import numpy as np

N_NODES = 10000
N_EDGES = 320000
EMB_DIM = 128
NUM_EMB = [6, 3]


def setup_inputs(seed: int = 0) -> dict:
    key = jax.random.key(seed)
    ks = jax.random.split(key, 16)
    node_feats = jax.random.normal(ks[0], (N_NODES, EMB_DIM), dtype=jnp.float32)
    edge_index = jax.random.randint(ks[1], (2, N_EDGES), 0, N_NODES, dtype=jnp.int64)
    edge_feat_0 = jax.random.randint(ks[2], (N_EDGES,), 0, NUM_EMB[0], dtype=jnp.int64)
    edge_feat_1 = jax.random.randint(ks[3], (N_EDGES,), 0, NUM_EMB[1], dtype=jnp.int64)
    # parameters
    emb0 = jax.random.normal(ks[4], (NUM_EMB[0], EMB_DIM), dtype=jnp.float32) * 0.1
    emb1 = jax.random.normal(ks[5], (NUM_EMB[1], EMB_DIM), dtype=jnp.float32) * 0.1
    W1 = jax.random.normal(ks[6], (EMB_DIM, 2 * EMB_DIM), dtype=jnp.float32) * 0.05
    b1 = jnp.zeros((2 * EMB_DIM,), dtype=jnp.float32)
    W2 = jax.random.normal(ks[7], (2 * EMB_DIM, EMB_DIM), dtype=jnp.float32) * 0.05
    b2 = jnp.zeros((EMB_DIM,), dtype=jnp.float32)
    Wres = jax.random.normal(ks[8], (EMB_DIM, EMB_DIM), dtype=jnp.float32) * 0.05
    bres = jnp.zeros((EMB_DIM,), dtype=jnp.float32)
    gamma = jnp.ones((EMB_DIM,), dtype=jnp.float32)
    beta = jnp.zeros((EMB_DIM,), dtype=jnp.float32)
    return {
        'node_feats': node_feats, 'edge_index': edge_index,
        'edge_feat_0': edge_feat_0, 'edge_feat_1': edge_feat_1,
        'emb0': emb0, 'emb1': emb1,
        'W1': W1, 'b1': b1, 'W2': W2, 'b2': b2,
        'Wres': Wres, 'bres': bres, 'gamma': gamma, 'beta': beta,
    }


def reference(node_feats, edge_index, edge_feat_0, edge_feat_1,
              emb0, emb1, W1, b1, W2, b2, Wres, bres, gamma, beta):
    src = edge_index[0]
    dst = edge_index[1]
    # edge embeddings: sum over categorical edge feature embeddings
    edge_embeds = jnp.take(emb0, edge_feat_0, axis=0) + jnp.take(emb1, edge_feat_1, axis=0)
    # message: u_add_e (source node feature + edge feature)
    m = jnp.take(node_feats, src, axis=0) + edge_embeds
    # aggregate: sum over destination nodes
    agg = jax.ops.segment_sum(m, dst, num_segments=node_feats.shape[0])
    # MLP: Linear -> ReLU -> Linear
    h = jnp.maximum(agg @ W1 + b1, 0.0) @ W2 + b2
    # residual connection (activation is None)
    res = node_feats @ Wres + bres
    h = h + res
    # dropout p=0.0 -> identity
    # BatchNorm1d (training mode: batch statistics, eps=1e-5)
    mean = jnp.mean(h, axis=0)
    var = jnp.var(h, axis=0)
    h = (h - mean) / jnp.sqrt(var + 1e-5) * gamma + beta
    # activation is None -> identity
    return h

if __name__ == "__main__":
    import jax
    _d = setup_inputs()
    print(jax.jit(kernel)(*tuple(_d.values())))

</pallas_src>

<mosaic_0001>
#map = affine_map<(d0, d1) -> (0, 0)>
#map1 = affine_map<(d0, d1) -> (0, 0, 0)>
module attributes {stable_mosaic.version = 14 : i64} {
  func.func @kern(%arg0: i32, %arg1: i32, %arg2: memref<10000x128xf32, #tpu.memory_space<hbm>>, %arg3: memref<18x128xf32, #tpu.memory_space<hbm>>, %arg4: memref<32x192x56xi32, #tpu.memory_space<hbm>>, %arg5: memref<32x192x56xi32, #tpu.memory_space<hbm>>, %arg6: memref<32x192x56xi32, #tpu.memory_space<hbm>>, %arg7: memref<32x192x56xi32, #tpu.memory_space<hbm>>, %arg8: memref<632x128xf32, #tpu.memory_space<hbm>>, %arg9: memref<2x10112x128xf32, #tpu.memory_space<hbm>>, %arg10: memref<24x56xi32, #tpu.memory_space<vmem>>, %arg11: memref<24x56xi32, #tpu.memory_space<vmem>>, %arg12: memref<24x56xi32, #tpu.memory_space<vmem>>, %arg13: memref<24x56xi32, #tpu.memory_space<vmem>>, %arg14: memref<3x56x128xf32, #tpu.memory_space<vmem>>, %arg15: memref<2x56x128xf32, #tpu.memory_space<vmem>>, %arg16: memref<10112x128xf32, #tpu.memory_space<vmem_shared>>, %arg17: memref<18x128xf32, #tpu.memory_space<vmem_shared>>, %arg18: memref<!tpu.dma_semaphore, #tpu.memory_space<semaphore_mem>>, %arg19: memref<!tpu.dma_semaphore, #tpu.memory_space<semaphore_mem>>, %arg20: memref<!tpu.dma_semaphore, #tpu.memory_space<semaphore_mem>>, %arg21: memref<!tpu.dma_semaphore, #tpu.memory_space<semaphore_mem>>, %arg22: memref<!tpu.dma_semaphore, #tpu.memory_space<semaphore_mem>>, %arg23: memref<!tpu.dma_semaphore, #tpu.memory_space<semaphore_mem>>, %arg24: memref<!tpu.dma_semaphore, #tpu.memory_space<semaphore_mem>>, %arg25: memref<!tpu.dma_semaphore, #tpu.memory_space<semaphore_mem>>, %arg26: memref<!tpu.dma_semaphore, #tpu.memory_space<semaphore_mem>>, %arg27: memref<!tpu.dma_semaphore, #tpu.memory_space<semaphore_mem>>) attributes {dimension_semantics = [#tpu.dimension_semantics<core_parallel>, #tpu.dimension_semantics<subcore_parallel>], iteration_bounds = array<i64: 2, 16>, scalar_prefetch = 0 : i64, scratch_operands = 18 : i64, tpu.core_type = #tpu.core_type<sc_vector_subcore>, window_params = [{transform_indices = #map}, {transform_indices = #map}, {transform_indices = #map1}, {transform_indices = #map1}, {transform_indices = #map1}, {transform_indices = #map1}, {transform_indices = #map}, {transform_indices = #map1}]} {
    %mul3A = arith.constant 2 : i32
    %mul3A_0 = arith.muli %arg1, %mul3A : i32
    %add3A = arith.addi %mul3A_0, %arg0 : i32
    %mul3A_1 = arith.constant 632 : i32
    %mul3A_2 = arith.muli %arg1, %mul3A_1 : i32
    "tpu.region"() ({
      %run_scoped3A = tpu.sem_alloc : memref<!tpu.dma_semaphore, #tpu.memory_space<semaphore_mem>>
      %dma_start3A = arith.constant 0 : i32
      %dma_start3A_14 = tpu.memref_slice %arg16[%mul3A_2, %dma_start3A] : memref<10112x128xf32, #tpu.memory_space<vmem_shared>> -> memref<632x128xf32, #tpu.memory_space<vmem_shared>>
      tpu.enqueue_dma source(%arg8 : memref<632x128xf32, #tpu.memory_space<hbm>>) target(%dma_start3A_14 : memref<632x128xf32, #tpu.memory_space<vmem_shared>>) target_semaphore(%run_scoped3A : memref<!tpu.dma_semaphore, #tpu.memory_space<semaphore_mem>>)
      %dma_wait3A = arith.constant 0 : i32
      %dma_wait3A_15 = tpu.memref_slice %arg16[%mul3A_2, %dma_wait3A] : memref<10112x128xf32, #tpu.memory_space<vmem_shared>> -> memref<632x128xf32, #tpu.memory_space<vmem_shared>>
      tpu.wait_dma2 semaphore(%run_scoped3A : memref<!tpu.dma_semaphore, #tpu.memory_space<semaphore_mem>>) src(%arg8 : memref<632x128xf32, #tpu.memory_space<hbm>>) dst(%dma_wait3A_15 : memref<632x128xf32, #tpu.memory_space<vmem_shared>>)
      tpu.yield
    }) : () -> ()
    %eq3A = arith.constant 0 : i32
    %eq3A_3 = arith.cmpi eq, %arg1, %eq3A : i32
    %convert_element_type3A = arith.extui %eq3A_3 : i1 to i32
    %cond3A = arith.constant 0 : i32
    %cond3A_4 = arith.cmpi ne, %convert_element_type3A, %cond3A : i32
    scf.if %cond3A_4 {
      "tpu.region"() ({
        %run_scoped3A = tpu.sem_alloc : memref<!tpu.dma_semaphore, #tpu.memory_space<semaphore_mem>>
        tpu.enqueue_dma source(%arg3 : memref<18x128xf32, #tpu.memory_space<hbm>>) target(%arg17 : memref<18x128xf32, #tpu.memory_space<vmem_shared>>) target_semaphore(%run_scoped3A : memref<!tpu.dma_semaphore, #tpu.memory_space<semaphore_mem>>)
        tpu.wait_dma2 semaphore(%run_scoped3A : memref<!tpu.dma_semaphore, #tpu.memory_space<semaphore_mem>>) src(%arg3 : memref<18x128xf32, #tpu.memory_space<hbm>>) dst(%arg17 : memref<18x128xf32, #tpu.memory_space<vmem_shared>>)
        tpu.yield
      }) : () -> ()
    } else {
    }
    %barrier3A = arith.constant 0 : index
    tpu.barrier barrier_id(%barrier3A)
    %scan3A = arith.constant 0 : i32
    %scan3A_5 = arith.constant 8 : i32
    %scan3A_6 = arith.addi %scan3A, %scan3A_5 : i32
    %scan3A_7 = arith.constant 1 : i32
    scf.for %scan3A_14 = %scan3A to %scan3A_6 step %scan3A_7  : i32 {
      %mul3A_15 = arith.constant 1 : i32
      %mul3A_16 = arith.muli %scan3A_14, %mul3A_15 : i32
      %add3A_17 = arith.constant 0 : i32
      %add3A_18 = arith.addi %add3A_17, %mul3A_16 : i32
      %mul3A_19 = arith.constant 24 : i32
      %mul3A_20 = arith.muli %add3A_18, %mul3A_19 : i32
      "tpu.region"() ({
        %run_scoped3A = tpu.sem_alloc : memref<!tpu.dma_semaphore, #tpu.memory_space<semaphore_mem>>
        %dma_start3A_2329 = arith.constant 0 : i32
        %dma_start3A_2330 = tpu.memref_slice %arg4[%add3A, %mul3A_20, %dma_start3A_2329] : memref<32x192x56xi32, #tpu.memory_space<hbm>> -> memref<1x24x56xi32, #tpu.memory_space<hbm>>
        %dma_start3A_2331 = tpu.memref_squeeze %dma_start3A_2330 : memref<1x24x56xi32, #tpu.memory_space<hbm>> -> memref<24x56xi32, #tpu.memory_space<hbm>>
        %dma_start3A_2332 = arith.constant 0 : i32
        %dma_start3A_2333 = tpu.memref_slice %arg4[%add3A, %mul3A_20, %dma_start3A_2332] : memref<32x192x56xi32, #tpu.memory_space<hbm>> -> memref<1x24x56xi32, #tpu.memory_space<hbm>>
        %dma_start3A_2334 = tpu.memref_squeeze %dma_start3A_2333 : memref<1x24x56xi32, #tpu.memory_space<hbm>> -> memref<24x56xi32, #tpu.memory_space<hbm>>
        tpu.enqueue_dma source(%dma_start3A_2334 : memref<24x56xi32, #tpu.memory_space<hbm>>) target(%arg10 : memref<24x56xi32, #tpu.memory_space<vmem>>) target_semaphore(%run_scoped3A : memref<!tpu.dma_semaphore, #tpu.memory_space<semaphore_mem>>)
        %dma_wait3A_2335 = arith.constant 0 : i32
        %dma_wait3A_2336 = tpu.memref_slice %arg4[%add3A, %mul3A_20, %dma_wait3A_2335] : memref<32x192x56xi32, #tpu.memory_space<hbm>> -> memref<1x24x56xi32, #tpu.memory_space<hbm>>
        %dma_wait3A_2337 = tpu.memref_squeeze %dma_wait3A_2336 : memref<1x24x56xi32, #tpu.memory_space<hbm>> -> memref<24x56xi32, #tpu.memory_space<hbm>>
        %dma_wait3A_2338 = arith.constant 0 : i32
        %dma_wait3A_2339 = tpu.memref_slice %arg4[%add3A, %mul3A_20, %dma_wait3A_2338] : memref<32x192x56xi32, #tpu.memory_space<hbm>> -> memref<1x24x56xi32, #tpu.memory_space<hbm>>
        %dma_wait3A_2340 = tpu.memref_squeeze %dma_wait3A_2339 : memref<1x24x56xi32, #tpu.memory_space<hbm>> -> memref<24x56xi32, #tpu.memory_space<hbm>>
        tpu.wait_dma2 semaphore(%run_scoped3A : memref<!tpu.dma_semaphore, #tpu.memory_space<semaphore_mem>>) src(%dma_wait3A_2340 : memref<24x56xi32, #tpu.memory_space<hbm>>) dst(%arg10 : memref<24x56xi32, #tpu.memory_space<vmem>>)
        tpu.yield
      }) : () -> ()
      %mul3A_21 = arith.constant 24 : i32
      %mul3A_22 = arith.muli %add3A_18, %mul3A_21 : i32
      "tpu.region"() ({
        %run_scoped3A = tpu.sem_alloc : memref<!tpu.dma_semaphore, #tpu.memory_space<semaphore_mem>>
        %dma_start3A_2329 = arith.constant 0 : i32
        %dma_start3A_2330 = tpu.memref_slice %arg5[%add3A, %mul3A_22, %dma_start3A_2329] : memref<32x192x56xi32, #tpu.memory_space<hbm>> -> memref<1x24x56xi32, #tpu.memory_space<hbm>>
        %dma_start3A_2331 = tpu.memref_squeeze %dma_start3A_2330 : memref<1x24x56xi32, #tpu.memory_space<hbm>> -> memref<24x56xi32, #tpu.memory_space<hbm>>
        %dma_start3A_2332 = arith.constant 0 : i32
        %dma_start3A_2333 = tpu.memref_slice %arg5[%add3A, %mul3A_22, %dma_start3A_2332] : memref<32x192x56xi32, #tpu.memory_space<hbm>> -> memref<1x24x56xi32, #tpu.memory_space<hbm>>
        %dma_start3A_2334 = tpu.memref_squeeze %dma_start3A_2333 : memref<1x24x56xi32, #tpu.memory_space<hbm>> -> memref<24x56xi32, #tpu.memory_space<hbm>>
        tpu.enqueue_dma source(%dma_start3A_2334 : memref<24x56xi32, #tpu.memory_space<hbm>>) target(%arg11 : memref<24x56xi32, #tpu.memory_space<vmem>>) target_semaphore(%run_scoped3A : memref<!tpu.dma_semaphore, #tpu.memory_space<semaphore_mem>>)
        %dma_wait3A_2335 = arith.constant 0 : i32
        %dma_wait3A_2336 = tpu.memref_slice %arg5[%add3A, %mul3A_22, %dma_wait3A_2335] : memref<32x192x56xi32, #tpu.memory_space<hbm>> -> memref<1x24x56xi32, #tpu.memory_space<hbm>>
        %dma_wait3A_2337 = tpu.memref_squeeze %dma_wait3A_2336 : memref<1x24x56xi32, #tpu.memory_space<hbm>> -> memref<24x56xi32, #tpu.memory_space<hbm>>
        %dma_wait3A_2338 = arith.constant 0 : i32
        %dma_wait3A_2339 = tpu.memref_slice %arg5[%add3A, %mul3A_22, %dma_wait3A_2338] : memref<32x192x56xi32, #tpu.memory_space<hbm>> -> memref<1x24x56xi32, #tpu.memory_space<hbm>>
        %dma_wait3A_2340 = tpu.memref_squeeze %dma_wait3A_2339 : memref<1x24x56xi32, #tpu.memory_space<hbm>> -> memref<24x56xi32, #tpu.memory_space<hbm>>
        tpu.wait_dma2 semaphore(%run_scoped3A : memref<!tpu.dma_semaphore, #tpu.memory_space<semaphore_mem>>) src(%dma_wait3A_2340 : memref<24x56xi32, #tpu.memory_space<hbm>>) dst(%arg11 : memref<24x56xi32, #tpu.memory_space<vmem>>)
        tpu.yield
      }) : () -> ()
      %mul3A_23 = arith.constant 24 : i32
      %mul3A_24 = arith.muli %add3A_18, %mul3A_23 : i32
      "tpu.region"() ({
        %run_scoped3A = tpu.sem_alloc : memref<!tpu.dma_semaphore, #tpu.memory_space<semaphore_mem>>
        %dma_start3A_2329 = arith.constant 0 : i32
        %dma_start3A_2330 = tpu.memref_slice %arg6[%add3A, %mul3A_24, %dma_start3A_2329] : memref<32x192x56xi32, #tpu.memory_space<hbm>> -> memref<1x24x56xi32, #tpu.memory_space<hbm>>
        %dma_start3A_2331 = tpu.memref_squeeze %dma_start3A_2330 : memref<1x24x56xi32, #tpu.memory_space<hbm>> -> memref<24x56xi32, #tpu.memory_space<hbm>>
        %dma_start3A_2332 = arith.constant 0 : i32
        %dma_start3A_2333 = tpu.memref_slice %arg6[%add3A, %mul3A_24, %dma_start3A_2332] : memref<32x192x56xi32, #tpu.memory_space<hbm>> -> memref<1x24x56xi32, #tpu.memory_space<hbm>>
        %dma_start3A_2334 = tpu.memref_squeeze %dma_start3A_2333 : memref<1x24x56xi32, #tpu.memory_space<hbm>> -> memref<24x56xi32, #tpu.memory_space<hbm>>
        tpu.enqueue_dma source(%dma_start3A_2334 : memref<24x56xi32, #tpu.memory_space<hbm>>) target(%arg12 : memref<24x56xi32, #tpu.memory_space<vmem>>) target_semaphore(%run_scoped3A : memref<!tpu.dma_semaphore, #tpu.memory_space<semaphore_mem>>)
        %dma_wait3A_2335 = arith.constant 0 : i32
        %dma_wait3A_2336 = tpu.memref_slice %arg6[%add3A, %mul3A_24, %dma_wait3A_2335] : memref<32x192x56xi32, #tpu.memory_space<hbm>> -> memref<1x24x56xi32, #tpu.memory_space<hbm>>
        %dma_wait3A_2337 = tpu.memref_squeeze %dma_wait3A_2336 : memref<1x24x56xi32, #tpu.memory_space<hbm>> -> memref<24x56xi32, #tpu.memory_space<hbm>>
        %dma_wait3A_2338 = arith.constant 0 : i32
        %dma_wait3A_2339 = tpu.memref_slice %arg6[%add3A, %mul3A_24, %dma_wait3A_2338] : memref<32x192x56xi32, #tpu.memory_space<hbm>> -> memref<1x24x56xi32, #tpu.memory_space<hbm>>
        %dma_wait3A_2340 = tpu.memref_squeeze %dma_wait3A_2339 : memref<1x24x56xi32, #tpu.memory_space<hbm>> -> memref<24x56xi32, #tpu.memory_space<hbm>>
        tpu.wait_dma2 semaphore(%run_scoped3A : memref<!tpu.dma_semaphore, #tpu.memory_space<semaphore_mem>>) src(%dma_wait3A_2340 : memref<24x56xi32, #tpu.memory_space<hbm>>) dst(%arg12 : memref<24x56xi32, #tpu.memory_space<vmem>>)
        tpu.yield
      }) : () -> ()
      %mul3A_25 = arith.constant 24 : i32
      %mul3A_26 = arith.muli %add3A_18, %mul3A_25 : i32
      "tpu.region"() ({
        %run_scoped3A = tpu.sem_alloc : memref<!tpu.dma_semaphore, #tpu.memory_space<semaphore_mem>>
        %dma_start3A_2329 = arith.constant 0 : i32
        %dma_start3A_2330 = tpu.memref_slice %arg7[%add3A, %mul3A_26, %dma_start3A_2329] : memref<32x192x56xi32, #tpu.memory_space<hbm>> -> memref<1x24x56xi32, #tpu.memory_space<hbm>>
        %dma_start3A_2331 = tpu.memref_squeeze %dma_start3A_2330 : memref<1x24x56xi32, #tpu.memory_space<hbm>> -> memref<24x56xi32, #tpu.memory_space<hbm>>
        %dma_start3A_2332 = arith.constant 0 : i32
        %dma_start3A_2333 = tpu.memref_slice %arg7[%add3A, %mul3A_26, %dma_start3A_2332] : memref<32x192x56xi32, #tpu.memory_space<hbm>> -> memref<1x24x56xi32, #tpu.memory_space<hbm>>
        %dma_start3A_2334 = tpu.memref_squeeze %dma_start3A_2333 : memref<1x24x56xi32, #tpu.memory_space<hbm>> -> memref<24x56xi32, #tpu.memory_space<hbm>>
        tpu.enqueue_dma source(%dma_start3A_2334 : memref<24x56xi32, #tpu.memory_space<hbm>>) target(%arg13 : memref<24x56xi32, #tpu.memory_space<vmem>>) target_semaphore(%run_scoped3A : memref<!tpu.dma_semaphore, #tpu.memory_space<semaphore_mem>>)
        %dma_wait3A_2335 = arith.constant 0 : i32
        %dma_wait3A_2336 = tpu.memref_slice %arg7[%add3A, %mul3A_26, %dma_wait3A_2335] : memref<32x192x56xi32, #tpu.memory_space<hbm>> -> memref<1x24x56xi32, #tpu.memory_space<hbm>>
        %dma_wait3A_2337 = tpu.memref_squeeze %dma_wait3A_2336 : memref<1x24x56xi32, #tpu.memory_space<hbm>> -> memref<24x56xi32, #tpu.memory_space<hbm>>
        %dma_wait3A_2338 = arith.constant 0 : i32
        %dma_wait3A_2339 = tpu.memref_slice %arg7[%add3A, %mul3A_26, %dma_wait3A_2338] : memref<32x192x56xi32, #tpu.memory_space<hbm>> -> memref<1x24x56xi32, #tpu.memory_space<hbm>>
        %dma_wait3A_2340 = tpu.memref_squeeze %dma_wait3A_2339 : memref<1x24x56xi32, #tpu.memory_space<hbm>> -> memref<24x56xi32, #tpu.memory_space<hbm>>
        tpu.wait_dma2 semaphore(%run_scoped3A : memref<!tpu.dma_semaphore, #tpu.memory_space<semaphore_mem>>) src(%dma_wait3A_2340 : memref<24x56xi32, #tpu.memory_space<hbm>>) dst(%arg13 : memref<24x56xi32, #tpu.memory_space<vmem>>)
        tpu.yield
      }) : () -> ()
      %dma_start3A = arith.constant 0 : i32
      %dma_start3A_27 = arith.constant 0 : i32
      %dma_start3A_28 = arith.constant 0 : i32
      %dma_start3A_29 = arith.constant 0 : i32
      %dma_start3A_30 = tpu.memref_slice %arg14[%dma_start3A_27, %dma_start3A_28, %dma_start3A_29] : memref<3x56x128xf32, #tpu.memory_space<vmem>> -> memref<1x56x128xf32, #tpu.memory_space<vmem>>
      %dma_start3A_31 = tpu.memref_squeeze %dma_start3A_30 : memref<1x56x128xf32, #tpu.memory_space<vmem>> -> memref<56x128xf32, #tpu.memory_space<vmem>>
      %dma_start3A_32 = arith.constant 0 : i32
      %dma_start3A_33 = tpu.memref_slice %arg10[%dma_start3A, %dma_start3A_32] : memref<24x56xi32, #tpu.memory_space<vmem>> -> memref<1x56xi32, #tpu.memory_space<vmem>>
      %dma_start3A_34 = tpu.memref_squeeze %dma_start3A_33 : memref<1x56xi32, #tpu.memory_space<vmem>> -> memref<56xi32, #tpu.memory_space<vmem>>
      %dma_start3A_35 = arith.constant 0 : i32
      %dma_start3A_36 = arith.constant 0 : i32
      %dma_start3A_37 = tpu.memref_slice %arg2[%dma_start3A_35, %dma_start3A_36] : memref<10000x128xf32, #tpu.memory_space<hbm>> -> memref<10000x128xf32, #tpu.memory_space<hbm>>
      tpu.enqueue_indirect_dma source(%dma_start3A_37 : memref<10000x128xf32, #tpu.memory_space<hbm>>) target(%dma_start3A_31 : memref<56x128xf32, #tpu.memory_space<vmem>>) offsets(%dma_start3A_34 : memref<56xi32, #tpu.memory_space<vmem>>) semaphore(%arg18 : memref<!tpu.dma_semaphore, #tpu.memory_space<semaphore_mem>>)
      %dma_start3A_38 = arith.constant 1 : i32
      %dma_start3A_39 = arith.constant 1 : i32
      %dma_start3A_40 = arith.constant 0 : i32
      %dma_start3A_41 = arith.constant 0 : i32
      %dma_start3A_42 = tpu.memref_slice %arg14[%dma_start3A_39, %dma_start3A_40, %dma_start3A_41] : memref<3x56x128xf32, #tpu.memory_space<vmem>> -> memref<1x56x128xf32, #tpu.memory_space<vmem>>
      %dma_start3A_43 = tpu.memref_squeeze %dma_start3A_42 : memref<1x56x128xf32, #tpu.memory_space<vmem>> -> memref<56x128xf32, #tpu.memory_space<vmem>>
      %dma_start3A_44 = arith.constant 0 : i32
      %dma_start3A_45 = tpu.memref_slice %arg10[%dma_start3A_38, %dma_start3A_44] : memref<24x56xi32, #tpu.memory_space<vmem>> -> memref<1x56xi32, #tpu.memory_space<vmem>>
      %dma_start3A_46 = tpu.memref_squeeze %dma_start3A_45 : memref<1x56xi32, #tpu.memory_space<vmem>> -> memref<56xi32, #tpu.memory_space<vmem>>
      %dma_start3A_47 = arith.constant 0 : i32
      %dma_start3A_48 = arith.constant 0 : i32
      %dma_start3A_49 = tpu.memref_slice %arg2[%dma_start3A_47, %dma_start3A_48] : memref<10000x128xf32, #tpu.memory_space<hbm>> -> memref<10000x128xf32, #tpu.memory_space<hbm>>
      tpu.enqueue_indirect_dma source(%dma_start3A_49 : memref<10000x128xf32, #tpu.memory_space<hbm>>) target(%dma_start3A_43 : memref<56x128xf32, #tpu.memory_space<vmem>>) offsets(%dma_start3A_46 : memref<56xi32, #tpu.memory_space<vmem>>) semaphore(%arg19 : memref<!tpu.dma_semaphore, #tpu.memory_space<semaphore_mem>>)
      %dma_start3A_50 = arith.constant 0 : i32
      %dma_start3A_51 = arith.constant 0 : i32
      %dma_start3A_52 = arith.constant 0 : i32
      %dma_start3A_53 = arith.constant 0 : i32
      %dma_start3A_54 = tpu.memref_slice %arg15[%dma_start3A_51, %dma_start3A_52, %dma_start3A_53] : memref<2x56x128xf32, #tpu.memory_space<vmem>> -> memref<1x56x128xf32, #tpu.memory_space<vmem>>
      %dma_start3A_55 = tpu.memref_squeeze %dma_start3A_54 : memref<1x56x128xf32, #tpu.memory_space<vmem>> -> memref<56x128xf32, #tpu.memory_space<vmem>>
      %dma_start3A_56 = arith.constant 0 : i32
      %dma_start3A_57 = tpu.memref_slice %arg12[%dma_start3A_50, %dma_start3A_56] : memref<24x56xi32, #tpu.memory_space<vmem>> -> memref<1x56xi32, #tpu.memory_space<vmem>>
      %dma_start3A_58 = tpu.memref_squeeze %dma_start3A_57 : memref<1x56xi32, #tpu.memory_space<vmem>> -> memref<56xi32, #tpu.memory_space<vmem>>
      %dma_start3A_59 = arith.constant 0 : i32
      %dma_start3A_60 = arith.constant 0 : i32
      %dma_start3A_61 = tpu.memref_slice %arg17[%dma_start3A_59, %dma_start3A_60] : memref<18x128xf32, #tpu.memory_space<vmem_shared>> -> memref<18x128xf32, #tpu.memory_space<vmem_shared>>
      tpu.enqueue_indirect_dma source(%dma_start3A_61 : memref<18x128xf32, #tpu.memory_space<vmem_shared>>) target(%dma_start3A_55 : memref<56x128xf32, #tpu.memory_space<vmem>>) offsets(%dma_start3A_58 : memref<56xi32, #tpu.memory_space<vmem>>) semaphore(%arg24 : memref<!tpu.dma_semaphore, #tpu.memory_space<semaphore_mem>>)
      %dma_start3A_62 = arith.constant 1 : i32
      %dma_start3A_63 = arith.constant 1 : i32
      %dma_start3A_64 = arith.constant 0 : i32
      %dma_start3A_65 = arith.constant 0 : i32
      %dma_start3A_66 = tpu.memref_slice %arg15[%dma_start3A_63, %dma_start3A_64, %dma_start3A_65] : memref<2x56x128xf32, #tpu.memory_space<vmem>> -> memref<1x56x128xf32, #tpu.memory_space<vmem>>
      %dma_start3A_67 = tpu.memref_squeeze %dma_start3A_66 : memref<1x56x128xf32, #tpu.memory_space<vmem>> -> memref<56x128xf32, #tpu.memory_space<vmem>>
      %dma_start3A_68 = arith.constant 0 : i32
      %dma_start3A_69 = tpu.memref_slice %arg12[%dma_start3A_62, %dma_start3A_68] : memref<24x56xi32, #tpu.memory_space<vmem>> -> memref<1x56xi32, #tpu.memory_space<vmem>>
      %dma_start3A_70 = tpu.memref_squeeze %dma_start3A_69 : memref<1x56xi32, #tpu.memory_space<vmem>> -> memref<56xi32, #tpu.memory_space<vmem>>
      %dma_start3A_71 = arith.constant 0 : i32
      %dma_start3A_72 = arith.constant 0 : i32
      %dma_start3A_73 = tpu.memref_slice %arg17[%dma_start3A_71, %dma_start3A_72] : memref<18x128xf32, #tpu.memory_space<vmem_shared>> -> memref<18x128xf32, #tpu.memory_space<vmem_shared>>
      tpu.enqueue_indirect_dma source(%dma_start3A_73 : memref<18x128xf32, #tpu.memory_space<vmem_shared>>) target(%dma_start3A_67 : memref<56x128xf32, #tpu.memory_space<vmem>>) offsets(%dma_start3A_70 : memref<56xi32, #tpu.memory_space<vmem>>) semaphore(%arg25 : memref<!tpu.dma_semaphore, #tpu.memory_space<semaphore_mem>>)
      %dma_wait3A = arith.constant 0 : i32
      %dma_wait3A_74 = arith.constant 0 : i32
      %dma_wait3A_75 = arith.constant 0 : i32
      %dma_wait3A_76 = arith.constant 0 : i32
      %dma_wait3A_77 = tpu.memref_slice %arg14[%dma_wait3A_74, %dma_wait3A_75, %dma_wait3A_76] : memref<3x56x128xf32, #tpu.memory_space<vmem>> -> memref<1x56x128xf32, #tpu.memory_space<vmem>>
      %dma_wait3A_78 = tpu.memref_squeeze %dma_wait3A_77 : memref<1x56x128xf32, #tpu.memory_space<vmem>> -> memref<56x128xf32, #tpu.memory_space<vmem>>
      %dma_wait3A_79 = arith.constant 0 : i32
      %dma_wait3A_80 = tpu.memref_slice %arg10[%dma_wait3A, %dma_wait3A_79] : memref<24x56xi32, #tpu.memory_space<vmem>> -> memref<1x56xi32, #tpu.memory_space<vmem>>
      %dma_wait3A_81 = tpu.memref_squeeze %dma_wait3A_80 : memref<1x56xi32, #tpu.memory_space<vmem>> -> memref<56xi32, #tpu.memory_space<vmem>>
      %dma_wait3A_82 = arith.constant 0 : i32
      %dma_wait3A_83 = arith.constant 0 : i32
      %dma_wait3A_84 = tpu.memref_slice %arg2[%dma_wait3A_82, %dma_wait3A_83] : memref<10000x128xf32, #tpu.memory_space<hbm>> -> memref<10000x128xf32, #tpu.memory_space<hbm>>
      tpu.wait_indirect_dma semaphore(%arg18 : memref<!tpu.dma_semaphore, #tpu.memory_space<semaphore_mem>>) src(%dma_wait3A_84 : memref<10000x128xf32, #tpu.memory_space<hbm>>) dst(%dma_wait3A_78 : memref<56x128xf32, #tpu.memory_space<vmem>>)
      %dma_start3A_85 = arith.constant 0 : i32
      %dma_start3A_86 = arith.constant 0 : i32
      %dma_start3A_87 = arith.constant 0 : i32
      %dma_start3A_88 = arith.constant 0 : i32
      %dma_start3A_89 = tpu.memref_slice %arg14[%dma_start3A_85, %dma_start3A_87, %dma_start3A_88] : memref<3x56x128xf32, #tpu.memory_space<vmem>> -> memref<1x56x128xf32, #tpu.memory_space<vmem>>
      %dma_start3A_90 = tpu.memref_squeeze %dma_start3A_89 : memref<1x56x128xf32, #tpu.memory_space<vmem>> -> memref<56x128xf32, #tpu.memory_space<vmem>>
      %dma_start3A_91 = arith.constant 0 : i32
      %dma_start3A_92 = tpu.memref_slice %arg11[%dma_start3A_86, %dma_start3A_91] : memref<24x56xi32, #tpu.memory_space<vmem>> -> memref<1x56xi32, #tpu.memory_space<vmem>>
      %dma_start3A_93 = tpu.memref_squeeze %dma_start3A_92 : memref<1x56xi32, #tpu.memory_space<vmem>> -> memref<56xi32, #tpu.memory_space<vmem>>
      %dma_start3A_94 = arith.constant 0 : i32
      %dma_start3A_95 = arith.constant 0 : i32
      %dma_start3A_96 = tpu.memref_slice %arg16[%dma_start3A_94, %dma_start3A_95] : memref<10112x128xf32, #tpu.memory_space<vmem_shared>> -> memref<10112x128xf32, #tpu.memory_space<vmem_shared>>
      tpu.enqueue_indirect_dma source(%dma_start3A_90 : memref<56x128xf32, #tpu.memory_space<vmem>>) target(%dma_start3A_96 : memref<10112x128xf32, #tpu.memory_space<vmem_shared>>) offsets(%dma_start3A_93 : memref<56xi32, #tpu.memory_space<vmem>>) semaphore(%arg21 : memref<!tpu.dma_semaphore, #tpu.memory_space<semaphore_mem>>) {add = true}
      %dma_wait3A_97 = arith.constant 0 : i32
      %dma_wait3A_98 = arith.constant 0 : i32
      %dma_wait3A_99 = arith.constant 0 : i32
      %dma_wait3A_100 = arith.constant 0 : i32
      %dma_wait3A_101 = tpu.memref_slice %arg15[%dma_wait3A_98, %dma_wait3A_99, %dma_wait3A_100] : memref<2x56x128xf32, #tpu.memory_space<vmem>> -> memref<1x56x128xf32, #tpu.memory_space<vmem>>
      %dma_wait3A_102 = tpu.memref_squeeze %dma_wait3A_101 : memref<1x56x128xf32, #tpu.memory_space<vmem>> -> memref<56x128xf32, #tpu.memory_space<vmem>>
      %dma_wait3A_103 = arith.constant 0 : i32
      %dma_wait3A_104 = tpu.memref_slice %arg12[%dma_wait3A_97, %dma_wait3A_103] : memref<24x56xi32, #tpu.memory_space<vmem>> -> memref<1x56xi32, #tpu.memory_space<vmem>>
      %dma_wait3A_105 = tpu.memref_squeeze %dma_wait3A_104 : memref<1x56xi32, #tpu.memory_space<vmem>> -> memref<56xi32, #tpu.memory_space<vmem>>
      %dma_wait3A_106 = arith.constant 0 : i32
      %dma_wait3A_107 = arith.constant 0 : i32
      %dma_wait3A_108 = tpu.memref_slice %arg17[%dma_wait3A_106, %dma_wait3A_107] : memref<18x128xf32, #tpu.memory_space<vmem_shared>> -> memref<18x128xf32, #tpu.memory_space<vmem_shared>>
      tpu.wait_indirect_dma semaphore(%arg24 : memref<!tpu.dma_semaphore, #tpu.memory_space<semaphore_mem>>) src(%dma_wait3A_108 : memref<18x128xf32, #tpu.memory_space<vmem_shared>>) dst(%dma_wait3A_102 : memref<56x128xf32, #tpu.memory_space<vmem>>)
      %dma_start3A_109 = arith.constant 0 : i32
      %dma_start3A_110 = arith.constant 0 : i32
      %dma_start3A_111 = arith.constant 0 : i32
      %dma_start3A_112 = arith.constant 0 : i32
      %dma_start3A_113 = tpu.memref_slice %arg15[%dma_start3A_109, %dma_start3A_111, %dma_start3A_112] : memref<2x56x128xf32, #tpu.memory_space<vmem>> -> memref<1x56x128xf32, #tpu.memory_space<vmem>>
      %dma_start3A_114 = tpu.memref_squeeze %dma_start3A_113 : memref<1x56x128xf32, #tpu.memory_space<vmem>> -> memref<56x128xf32, #tpu.memory_space<vmem>>
      %dma_start3A_115 = arith.constant 0 : i32
      %dma_start3A_116 = tpu.memref_slice %arg13[%dma_start3A_110, %dma_start3A_115] : memref<24x56xi32, #tpu.memory_space<vmem>> -> memref<1x56xi32, #tpu.memory_space<vmem>>
      %dma_start3A_117 = tpu.memref_squeeze %dma_start3A_116 : memref<1x56xi32, #tpu.memory_space<vmem>> -> memref<56xi32, #tpu.memory_space<vmem>>
      %dma_start3A_118 = arith.constant 0 : i32
      %dma_start3A_119 = arith.constant 0 : i32
      %dma_start3A_120 = tpu.memref_slice %arg16[%dma_start3A_118, %dma_start3A_119] : memref<10112x128xf32, #tpu.memory_space<vmem_shared>> -> memref<10112x128xf32, #tpu.memory_space<vmem_shared>>
      tpu.enqueue_indirect_dma source(%dma_start3A_114 : memref<56x128xf32, #tpu.memory_space<vmem>>) target(%dma_start3A_120 : memref<10112x128xf32, #tpu.memory_space<vmem_shared>>) offsets(%dma_start3A_117 : memref<56xi32, #tpu.memory_space<vmem>>) semaphore(%arg26 : memref<!tpu.dma_semaphore, #tpu.memory_space<semaphore_mem>>) {add = true}
      %dma_start3A_121 = arith.constant 2 : i32
      %dma_start3A_122 = arith.constant 2 : i32
      %dma_start3A_123 = arith.constant 0 : i32
      %dma_start3A_124 = arith.constant 0 : i32
      %dma_start3A_125 = tpu.memref_slice %arg14[%dma_start3A_122, %dma_start3A_123, %dma_start3A_124] : memref<3x56x128xf32, #tpu.memory_space<vmem>> -> memref<1x56x128xf32, #tpu.memory_space<vmem>>
      %dma_start3A_126 = tpu.memref_squeeze %dma_start3A_125 : memref<1x56x128xf32, #tpu.memory_space<vmem>> -> memref<56x128xf32, #tpu.memory_space<vmem>>
      %dma_start3A_127 = arith.constant 0 : i32
      %dma_start3A_128 = tpu.memref_slice %arg10[%dma_start3A_121, %dma_start3A_127] : memref<24x56xi32, #tpu.memory_space<vmem>> -> memref<1x56xi32, #tpu.memory_space<vmem>>
      %dma_start3A_129 = tpu.memref_squeeze %dma_start3A_128 : memref<1x56xi32, #tpu.memory_space<vmem>> -> memref<56xi32, #tpu.memory_space<vmem>>
      %dma_start3A_130 = arith.constant 0 : i32
      %dma_start3A_131 = arith.constant 0 : i32
      %dma_start3A_132 = tpu.memref_slice %arg2[%dma_start3A_130, %dma_start3A_131] : memref<10000x128xf32, #tpu.memory_space<hbm>> -> memref<10000x128xf32, #tpu.memory_space<hbm>>
      tpu.enqueue_indirect_dma source(%dma_start3A_132 : memref<10000x128xf32, #tpu.memory_space<hbm>>) target(%dma_start3A_126 : memref<56x128xf32, #tpu.memory_space<vmem>>) offsets(%dma_start3A_129 : memref<56xi32, #tpu.memory_space<vmem>>) semaphore(%arg20 : memref<!tpu.dma_semaphore, #tpu.memory_space<semaphore_mem>>)
      %dma_wait3A_133 = arith.constant 0 : i32
      %dma_wait3A_134 = arith.constant 0 : i32
      %dma_wait3A_135 = arith.constant 0 : i32
      %dma_wait3A_136 = arith.constant 0 : i32
      %dma_wait3A_137 = tpu.memref_slice %arg15[%dma_wait3A_133, %dma_wait3A_135, %dma_wait3A_136] : memref<2x56x128xf32, #tpu.memory_space<vmem>> -> memref<1x56x128xf32, #tpu.memory_space<vmem>>
      %dma_wait3A_138 = tpu.memref_squeeze %dma_wait3A_137 : memref<1x56x128xf32, #tpu.memory_space<vmem>> -> memref<56x128xf32, #tpu.memory_space<vmem>>
      %dma_wait3A_139 = arith.constant 0 : i32
      %dma_wait3A_140 = tpu.memref_slice %arg13[%dma_wait3A_134, %dma_wait3A_139] : memref<24x56xi32, #tpu.memory_space<vmem>> -> memref<1x56xi32, #tpu.memory_space<vmem>>
      %dma_wait3A_141 = tpu.memref_squeeze %dma_wait3A_140 : memref<1x56xi32, #tpu.memory_space<vmem>> -> memref<56xi32, #tpu.memory_space<vmem>>
      %dma_wait3A_142 = arith.constant 0 : i32
      %dma_wait3A_143 = arith.constant 0 : i32
      %dma_wait3A_144 = tpu.memref_slice %arg16[%dma_wait3A_142, %dma_wait3A_143] : memref<10112x128xf32, #tpu.memory_space<vmem_shared>> -> memref<10112x128xf32, #tpu.memory_space<vmem_shared>>
      tpu.wait_indirect_dma semaphore(%arg26 : memref<!tpu.dma_semaphore, #tpu.memory_space<semaphore_mem>>) src(%dma_wait3A_138 : memref<56x128xf32, #tpu.memory_space<vmem>>) dst(%dma_wait3A_144 : memref<10112x128xf32, #tpu.memory_space<vmem_shared>>)
      %dma_start3A_145 = arith.constant 2 : i32
      %dma_start3A_146 = arith.constant 0 : i32
      %dma_start3A_147 = arith.constant 0 : i32
      %dma_start3A_148 = arith.constant 0 : i32
      %dma_start3A_149 = tpu.memref_slice %arg15[%dma_start3A_146, %dma_start3A_147, %dma_start3A_148] : memref<2x56x128xf32, #tpu.memory_space<vmem>> -> memref<1x56x128xf32, #tpu.memory_space<vmem>>
      %dma_start3A_150 = tpu.memref_squeeze %dma_start3A_149 : memref<1x56x128xf32, #tpu.memory_space<vmem>> -> memref<56x128xf32, #tpu.memory_space<vmem>>
      %dma_start3A_151 = arith.constant 0 : i32
      %dma_start3A_152 = tpu.memref_slice %arg12[%dma_start3A_145, %dma_start3A_151] : memref<24x56xi32, #tpu.memory_space<vmem>> -> memref<1x56xi32, #tpu.memory_space<vmem>>
      %dma_start3A_153 = tpu.memref_squeeze %dma_start3A_152 : memref<1x56xi32, #tpu.memory_space<vmem>> -> memref<56xi32, #tpu.memory_space<vmem>>
      %dma_start3A_154 = arith.constant 0 : i32
      %dma_start3A_155 = arith.constant 0 : i32
      %dma_start3A_156 = tpu.memref_slice %arg17[%dma_start3A_154, %dma_start3A_155] : memref<18x128xf32, #tpu.memory_space<vmem_shared>> -> memref<18x128xf32, #tpu.memory_space<vmem_shared>>
      tpu.enqueue_indirect_dma source(%dma_start3A_156 : memref<18x128xf32, #tpu.memory_space<vmem_shared>>) target(%dma_start3A_150 : memref<56x128xf32, #tpu.memory_space<vmem>>) offsets(%dma_start3A_153 : memref<56xi32, #tpu.memory_space<vmem>>) semaphore(%arg24 : memref<!tpu.dma_semaphore, #tpu.memory_space<semaphore_mem>>)
      %dma_wait3A_157 = arith.constant 1 : i32
      %dma_wait3A_158 = arith.constant 1 : i32
      %dma_wait3A_159 = arith.constant 0 : i32
      %dma_wait3A_160 = arith.constant 0 : i32
      %dma_wait3A_161 = tpu.memref_slice %arg14[%dma_wait3A_158, %dma_wait3A_159, %dma_wait3A_160] : memref<3x56x128xf32, #tpu.memory_space<vmem>> -> memref<1x56x128xf32, #tpu.memory_space<vmem>>
      %dma_wait3A_162 = tpu.memref_squeeze %dma_wait3A_161 : memref<1x56x128xf32, #tpu.memory_space<vmem>> -> memref<56x128xf32, #tpu.memory_space<vmem>>
      %dma_wait3A_163 = arith.constant 0 : i32
      %dma_wait3A_164 = tpu.memref_slice %arg10[%dma_wait3A_157, %dma_wait3A_163] : memref<24x56xi32, #tpu.memory_space<vmem>> -> memref<1x56xi32, #tpu.memory_space<vmem>>
      %dma_wait3A_165 = tpu.memref_squeeze %dma_wait3A_164 : memref<1x56xi32, #tpu.memory_space<vmem>> -> memref<56xi32, #tpu.memory_space<vmem>>
      %dma_wait3A_166 = arith.constant 0 : i32
      %dma_wait3A_167 = arith.constant 0 : i32
      %dma_wait3A_168 = tpu.memref_slice %arg2[%dma_wait3A_166, %dma_wait3A_167] : memref<10000x128xf32, #tpu.memory_space<hbm>> -> memref<10000x128xf32, #tpu.memory_space<hbm>>
      tpu.wait_indirect_dma semaphore(%arg19 : memref<!tpu.dma_semaphore, #tpu.memory_space<semaphore_mem>>) src(%dma_wait3A_168 : memref<10000x128xf32, #tpu.memory_space<hbm>>) dst(%dma_wait3A_162 : memref<56x128xf32, #tpu.memory_space<vmem>>)
      %dma_start3A_169 = arith.constant 1 : i32
      %dma_start3A_170 = arith.constant 1 : i32
      %dma_start3A_171 = arith.constant 0 : i32
      %dma_start3A_172 = arith.constant 0 : i32
      %dma_start3A_173 = tpu.memref_slice %arg14[%dma_start3A_169, %dma_start3A_171, %dma_start3A_172] : memref<3x56x128xf32, #tpu.memory_space<vmem>> -> memref<1x56x128xf32, #tpu.memory_space<vmem>>
      %dma_start3A_174 = tpu.memref_squeeze %dma_start3A_173 : memref<1x56x128xf32, #tpu.memory_space<vmem>> -> memref<56x128xf32, #tpu.memory_space<vmem>>
      %dma_start3A_175 = arith.constant 0 : i32
      %dma_start3A_176 = tpu.memref_slice %arg11[%dma_start3A_170, %dma_start3A_175] : memref<24x56xi32, #tpu.memory_space<vmem>> -> memref<1x56xi32, #tpu.memory_space<vmem>>
      %dma_start3A_177 = tpu.memref_squeeze %dma_start3A_176 : memref<1x56xi32, #tpu.memory_space<vmem>> -> memref<56xi32, #tpu.memory_space<vmem>>
      %dma_start3A_178 = arith.constant 0 : i32
      %dma_start3A_179 = arith.constant 0 : i32
      %dma_start3A_180 = tpu.memref_slice %arg16[%dma_start3A_178, %dma_start3A_179] : memref<10112x128xf32, #tpu.memory_space<vmem_shared>> -> memref<10112x128xf32, #tpu.memory_space<vmem_shared>>
      tpu.enqueue_indirect_dma source(%dma_start3A_174 : memref<56x128xf32, #tpu.memory_space<vmem>>) target(%dma_start3A_180 : memref<10112x128xf32, #tpu.memory_space<vmem_shared>>) offsets(%dma_start3A_177 : memref<56xi32, #tpu.memory_space<vmem>>) semaphore(%arg22 : memref<!tpu.dma_semaphore, #tpu.memory_space<semaphore_mem>>) {add = true}
      %dma_wait3A_181 = arith.constant 1 : i32
      %dma_wait3A_182 = arith.constant 1 : i32
      %dma_wait3A_183 = arith.constant 0 : i32
      %dma_wait3A_184 = arith.constant 0 : i32
      %dma_wait3A_185 = tpu.memref_slice %arg15[%dma_wait3A_182, %dma_wait3A_183, %dma_wait3A_184] : memref<2x56x128xf32, #tpu.memory_space<vmem>> -> memref<1x56x128xf32, #tpu.memory_space<vmem>>
      %dma_wait3A_186 = tpu.memref_squeeze %dma_wait3A_185 : memref<1x56x128xf32, #tpu.memory_space<vmem>> -> memref<56x128xf32, #tpu.memory_space<vmem>>
      %dma_wait3A_187 = arith.constant 0 : i32
      %dma_wait3A_188 = tpu.memref_slice %arg12[%dma_wait3A_181, %dma_wait3A_187] : memref<24x56xi32, #tpu.memory_space<vmem>> -> memref<1x56xi32, #tpu.memory_space<vmem>>
      %dma_wait3A_189 = tpu.memref_squeeze %dma_wait3A_188 : memref<1x56xi32, #tpu.memory_space<vmem>> -> memref<56xi32, #tpu.memory_space<vmem>>
      %dma_wait3A_190 = arith.constant 0 : i32
      %dma_wait3A_191 = arith.constant 0 : i32
      %dma_wait3A_192 = tpu.memref_slice %arg17[%dma_wait3A_190, %dma_wait3A_191] : memref<18x128xf32, #tpu.memory_space<vmem_shared>> -> memref<18x128xf32, #tpu.memory_space<vmem_shared>>
      tpu.wait_indirect_dma semaphore(%arg25 : memref<!tpu.dma_semaphore, #tpu.memory_space<semaphore_mem>>) src(%dma_wait3A_192 : memref<18x128xf32, #tpu.memory_space<vmem_shared>>) dst(%dma_wait3A_186 : memref<56x128xf32, #tpu.memory_space<vmem>>)
      %dma_start3A_193 = arith.constant 1 : i32
      %dma_start3A_194 = arith.constant 1 : i32
      %dma_start3A_195 = arith.constant 0 : i32
      %dma_start3A_196 = arith.constant 0 : i32
      %dma_start3A_197 = tpu.memref_slice %arg15[%dma_start3A_193, %dma_start3A_195, %dma_start3A_196] : memref<2x56x128xf32, #tpu.memory_space<vmem>> -> memref<1x56x128xf32, #tpu.memory_space<vmem>>
      %dma_start3A_198 = tpu.memref_squeeze %dma_start3A_197 : memref<1x56x128xf32, #tpu.memory_space<vmem>> -> memref<56x128xf32, #tpu.memory_space<vmem>>
      %dma_start3A_199 = arith.constant 0 : i32
      %dma_start3A_200 = tpu.memref_slice %arg13[%dma_start3A_194, %dma_start3A_199] : memref<24x56xi32, #tpu.memory_space<vmem>> -> memref<1x56xi32, #tpu.memory_space<vmem>>
      %dma_start3A_201 = tpu.memref_squeeze %dma_start3A_200 : memref<1x56xi32, #tpu.memory_space<vmem>> -> memref<56xi32, #tpu.memory_space<vmem>>
      %dma_start3A_202 = arith.constant 0 : i32
      %dma_start3A_203 = arith.constant 0 : i32
      %dma_start3A_204 = tpu.memref_slice %arg16[%dma_start3A_202, %dma_start3A_203] : memref<10112x128xf32, #tpu.memory_space<vmem_shared>> -> memref<10112x128xf32, #tpu.memory_space<vmem_shared>>
      tpu.enqueue_indirect_dma source(%dma_start3A_198 : memref<56x128xf32, #tpu.memory_space<vmem>>) target(%dma_start3A_204 : memref<10112x128xf32, #tpu.memory_space<vmem_shared>>) offsets(%dma_start3A_201 : memref<56xi32, #tpu.memory_space<vmem>>) semaphore(%arg27 : memref<!tpu.dma_semaphore, #tpu.memory_space<semaphore_mem>>) {add = true}
      %dma_wait3A_205 = arith.constant 0 : i32
      %dma_wait3A_206 = arith.constant 0 : i32
      %dma_wait3A_207 = arith.constant 0 : i32
      %dma_wait3A_208 = arith.constant 0 : i32
      %dma_wait3A_209 = tpu.memref_slice %arg14[%dma_wait3A_205, %dma_wait3A_207, %dma_wait3A_208] : memref<3x56x128xf32, #tpu.memory_space<vmem>> -> memref<1x56x128xf32, #tpu.memory_space<vmem>>
      %dma_wait3A_210 = tpu.memref_squeeze %dma_wait3A_209 : memref<1x56x128xf32, #tpu.memory_space<vmem>> -> memref<56x128xf32, #tpu.memory_space<vmem>>
      %dma_wait3A_211 = arith.constant 0 : i32
      %dma_wait3A_212 = tpu.memref_slice %arg11[%dma_wait3A_206, %dma_wait3A_211] : memref<24x56xi32, #tpu.memory_space<vmem>> -> memref<1x56xi32, #tpu.memory_space<vmem>>
      %dma_wait3A_213 = tpu.memref_squeeze %dma_wait3A_212 : memref<1x56xi32, #tpu.memory_space<vmem>> -> memref<56xi32, #tpu.memory_space<vmem>>
      %dma_wait3A_214 = arith.constant 0 : i32
      %dma_wait3A_215 = arith.constant 0 : i32
      %dma_wait3A_216 = tpu.memref_slice %arg16[%dma_wait3A_214, %dma_wait3A_215] : memref<10112x128xf32, #tpu.memory_space<vmem_shared>> -> memref<10112x128xf32, #tpu.memory_space<vmem_shared>>
      tpu.wait_indirect_dma semaphore(%arg21 : memref<!tpu.dma_semaphore, #tpu.memory_space<semaphore_mem>>) src(%dma_wait3A_210 : memref<56x128xf32, #tpu.memory_space<vmem>>) dst(%dma_wait3A_216 : memref<10112x128xf32, #tpu.memory_space<vmem_shared>>)
      %dma_start3A_217 = arith.constant 3 : i32
      %dma_start3A_218 = arith.constant 0 : i32
      %dma_start3A_219 = arith.constant 0 : i32
      %dma_start3A_220 = arith.constant 0 : i32
      %dma_start3A_221 = tpu.memref_slice %arg14[%dma_start3A_218, %dma_start3A_219, %dma_start3A_220] : memref<3x56x128xf32, #tpu.memory_space<vmem>> -> memref<1x56x128xf32, #tpu.memory_space<vmem>>
      %dma_start3A_222 = tpu.memref_squeeze %dma_start3A_221 : memref<1x56x128xf32, #tpu.memory_space<vmem>> -> memref<56x128xf32, #tpu.memory_space<vmem>>
      %dma_start3A_223 = arith.constant 0 : i32
      %dma_start3A_224 = tpu.memref_slice %arg10[%dma_start3A_217, %dma_start3A_223] : memref<24x56xi32, #tpu.memory_space<vmem>> -> memref<1x56xi32, #tpu.memory_space<vmem>>
      %dma_start3A_225 = tpu.memref_squeeze %dma_start3A_224 : memref<1x56xi32, #tpu.memory_space<vmem>> -> memref<56xi32, #tpu.memory_space<vmem>>
      %dma_start3A_226 = arith.constant 0 : i32
      %dma_start3A_227 = arith.constant 0 : i32
      %dma_start3A_228 = tpu.memref_slice %arg2[%dma_start3A_226, %dma_start3A_227] : memref<10000x128xf32, #tpu.memory_space<hbm>> -> memref<10000x128xf32, #tpu.memory_space<hbm>>
      tpu.enqueue_indirect_dma source(%dma_start3A_228 : memref<10000x128xf32, #tpu.memory_space<hbm>>) target(%dma_start3A_222 : memref<56x128xf32, #tpu.memory_space<vmem>>) offsets(%dma_start3A_225 : memref<56xi32, #tpu.memory_space<vmem>>) semaphore(%arg18 : memref<!tpu.dma_semaphore, #tpu.memory_space<semaphore_mem>>)
      %dma_wait3A_229 = arith.constant 1 : i32
      %dma_wait3A_230 = arith.constant 1 : i32
      %dma_wait3A_231 = arith.constant 0 : i32
      %dma_wait3A_232 = arith.constant 0 : i32
      %dma_wait3A_233 = tpu.memref_slice %arg15[%dma_wait3A_229, %dma_wait3A_231, %dma_wait3A_232] : memref<2x56x128xf32, #tpu.memory_space<vmem>> -> memref<1x56x128xf32, #tpu.memory_space<vmem>>
      %dma_wait3A_234 = tpu.memref_squeeze %dma_wait3A_233 : memref<1x56x128xf32, #tpu.memory_space<vmem>> -> memref<56x128xf32, #tpu.memory_space<vmem>>
      %dma_wait3A_235 = arith.constant 0 : i32
      %dma_wait3A_236 = tpu.memref_slice %arg13[%dma_wait3A_230, %dma_wait3A_235] : memref<24x56xi32, #tpu.memory_space<vmem>> -> memref<1x56xi32, #tpu.memory_space<vmem>>
      %dma_wait3A_237 = tpu.memref_squeeze %dma_wait3A_236 : memref<1x56xi32, #tpu.memory_space<vmem>> -> memref<56xi32, #tpu.memory_space<vmem>>
      %dma_wait3A_238 = arith.constant 0 : i32
      %dma_wait3A_239 = arith.constant 0 : i32
      %dma_wait3A_240 = tpu.memref_slice %arg16[%dma_wait3A_238, %dma_wait3A_239] : memref<10112x128xf32, #tpu.memory_space<vmem_shared>> -> memref<10112x128xf32, #tpu.memory_space<vmem_shared>>
      tpu.wait_indirect_dma semaphore(%arg27 : memref<!tpu.dma_semaphore, #tpu.memory_space<semaphore_mem>>) src(%dma_wait3A_234 : memref<56x128xf32, #tpu.memory_space<vmem>>) dst(%dma_wait3A_240 : memref<10112x128xf32, #tpu.memory_space<vmem_shared>>)
      %dma_start3A_241 = arith.constant 3 : i32
      %dma_start3A_242 = arith.constant 1 : i32
      %dma_start3A_243 = arith.constant 0 : i32
      %dma_start3A_244 = arith.constant 0 : i32
      %dma_start3A_245 = tpu.memref_slice %arg15[%dma_start3A_242, %dma_start3A_243, %dma_start3A_244] : memref<2x56x128xf32, #tpu.memory_space<vmem>> -> memref<1x56x128xf32, #tpu.memory_space<vmem>>
      %dma_start3A_246 = tpu.memref_squeeze %dma_start3A_245 : memref<1x56x128xf32, #tpu.memory_space<vmem>> -> memref<56x128xf32, #tpu.memory_space<vmem>>
      %dma_start3A_247 = arith.constant 0 : i32
      %dma_start3A_248 = tpu.memref_slice %arg12[%dma_start3A_241, %dma_start3A_247] : memref<24x56xi32, #tpu.memory_space<vmem>> -> memref<1x56xi32, #tpu.memory_space<vmem>>
      %dma_start3A_249 = tpu.memref_squeeze %dma_start3A_248 : memref<1x56xi32, #tpu.memory_space<vmem>> -> memref<56xi32, #tpu.memory_space<vmem>>
      %dma_start3A_250 = arith.constant 0 : i32
      %dma_start3A_251 = arith.constant 0 : i32
      %dma_start3A_252 = tpu.memref_slice %arg17[%dma_start3A_250, %dma_start3A_251] : memref<18x128xf32, #tpu.memory_space<vmem_shared>> -> memref<18x128xf32, #tpu.memory_space<vmem_shared>>
      tpu.enqueue_indirect_dma source(%dma_start3A_252 : memref<18x128xf32, #tpu.memory_space<vmem_shared>>) target(%dma_start3A_246 : memref<56x128xf32, #tpu.memory_space<vmem>>) offsets(%dma_start3A_249 : memref<56xi32, #tpu.memory_space<vmem>>) semaphore(%arg25 : memref<!tpu.dma_semaphore, #tpu.memory_space<semaphore_mem>>)
      %dma_wait3A_253 = arith.constant 2 : i32
      %dma_wait3A_254 = arith.constant 2 : i32
      %dma_wait3A_255 = arith.constant 0 : i32
      %dma_wait3A_256 = arith.constant 0 : i32
      %dma_wait3A_257 = tpu.memref_slice %arg14[%dma_wait3A_254, %dma_wait3A_255, %dma_wait3A_256] : memref<3x56x128xf32, #tpu.memory_space<vmem>> -> memref<1x56x128xf32, #tpu.memory_space<vmem>>
      %dma_wait3A_258 = tpu.memref_squeeze %dma_wait3A_257 : memref<1x56x128xf32, #tpu.memory_space<vmem>> -> memref<56x128xf32, #tpu.memory_space<vmem>>
      %dma_wait3A_259 = arith.constant 0 : i32
      %dma_wait3A_260 = tpu.memref_slice %arg10[%dma_wait3A_253, %dma_wait3A_259] : memref<24x56xi32, #tpu.memory_space<vmem>> -> memref<1x56xi32, #tpu.memory_space<vmem>>
      %dma_wait3A_261 = tpu.memref_squeeze %dma_wait3A_260 : memref<1x56xi32, #tpu.memory_space<vmem>> -> memref<56xi32, #tpu.memory_space<vmem>>
      %dma_wait3A_262 = arith.constant 0 : i32
      %dma_wait3A_263 = arith.constant 0 : i32
      %dma_wait3A_264 = tpu.memref_slice %arg2[%dma_wait3A_262, %dma_wait3A_263] : memref<10000x128xf32, #tpu.memory_space<hbm>> -> memref<10000x128xf32, #tpu.memory_space<hbm>>
      tpu.wait_indirect_dma semaphore(%arg20 : memref<!tpu.dma_semaphore, #tpu.memory_space<semaphore_mem>>) src(%dma_wait3A_264 : memref<10000x128xf32, #tpu.memory_space<hbm>>) dst(%dma_wait3A_258 : memref<56x128xf32, #tpu.memory_space<vmem>>)
      %dma_start3A_265 = arith.constant 2 : i32
      %dma_start3A_266 = arith.constant 2 : i32
      %dma_start3A_267 = arith.constant 0 : i32
      %dma_start3A_268 = arith.constant 0 : i32
      %dma_start3A_269 = tpu.memref_slice %arg14[%dma_start3A_265, %dma_start3A_267, %dma_start3A_268] : memref<3x56x128xf32, #tpu.memory_space<vmem>> -> memref<1x56x128xf32, #tpu.memory_space<vmem>>
      %dma_start3A_270 = tpu.memref_squeeze %dma_start3A_269 : memref<1x56x128xf32, #tpu.memory_space<vmem>> -> memref<56x128xf32, #tpu.memory_space<vmem>>
      %dma_start3A_271 = arith.constant 0 : i32
      %dma_start3A_272 = tpu.memref_slice %arg11[%dma_start3A_266, %dma_start3A_271] : memref<24x56xi32, #tpu.memory_space<vmem>> -> memref<1x56xi32, #tpu.memory_space<vmem>>
      %dma_start3A_273 = tpu.memref_squeeze %dma_start3A_272 : memref<1x56xi32, #tpu.memory_space<vmem>> -> memref<56xi32, #tpu.memory_space<vmem>>
      %dma_start3A_274 = arith.constant 0 : i32
      %dma_start3A_275 = arith.constant 0 : i32
      %dma_start3A_276 = tpu.memref_slice %arg16[%dma_start3A_274, %dma_start3A_275] : memref<10112x128xf32, #tpu.memory_space<vmem_shared>> -> memref<10112x128xf32, #tpu.memory_space<vmem_shared>>
      tpu.enqueue_indirect_dma source(%dma_start3A_270 : memref<56x128xf32, #tpu.memory_space<vmem>>) target(%dma_start3A_276 : memref<10112x128xf32, #tpu.memory_space<vmem_shared>>) offsets(%dma_start3A_273 : memref<56xi32, #tpu.memory_space<vmem>>) semaphore(%arg23 : memref<!tpu.dma_semaphore, #tpu.memory_space<semaphore_mem>>) {add = true}
      %dma_wait3A_277 = arith.constant 2 : i32
      %dma_wait3A_278 = arith.constant 0 : i32
      %dma_wait3A_279 = arith.constant 0 : i32
      %dma_wait3A_280 = arith.constant 0 : i32
      %dma_wait3A_281 = tpu.memref_slice %arg15[%dma_wait3A_278, %dma_wait3A_279, %dma_wait3A_280] : memref<2x56x128xf32, #tpu.memory_space<vmem>> -> memref<1x56x128xf32, #tpu.memory_space<vmem>>
      %dma_wait3A_282 = tpu.memref_squeeze %dma_wait3A_281 : memref<1x56x128xf32, #tpu.memory_space<vmem>> -> memref<56x128xf32, #tpu.memory_space<vmem>>
      %dma_wait3A_283 = arith.constant 0 : i32
      %dma_wait3A_284 = tpu.memref_slice %arg12[%dma_wait3A_277, %dma_wait3A_283] : memref<24x56xi32, #tpu.memory_space<vmem>> -> memref<1x56xi32, #tpu.memory_space<vmem>>
      %dma_wait3A_285 = tpu.memref_squeeze %dma_wait3A_284 : memref<1x56xi32, #tpu.memory_space<vmem>> -> memref<56xi32, #tpu.memory_space<vmem>>
      %dma_wait3A_286 = arith.constant 0 : i32
      %dma_wait3A_287 = arith.constant 0 : i32
      %dma_wait3A_288 = tpu.memref_slice %arg17[%dma_wait3A_286, %dma_wait3A_287] : memref<18x128xf32, #tpu.memory_space<vmem_shared>> -> memref<18x128xf32, #tpu.memory_space<vmem_shared>>
      tpu.wait_indirect_dma semaphore(%arg24 : memref<!tpu.dma_semaphore, #tpu.memory_space<semaphore_mem>>) src(%dma_wait3A_288 : memref<18x128xf32, #tpu.memory_space<vmem_shared>>) dst(%dma_wait3A_282 : memref<56x128xf32, #tpu.memory_space<vmem>>)
      %dma_start3A_289 = arith.constant 0 : i32
      %dma_start3A_290 = arith.constant 2 : i32
      %dma_start3A_291 = arith.constant 0 : i32
      %dma_start3A_292 = arith.constant 0 : i32
      %dma_start3A_293 = tpu.memref_slice %arg15[%dma_start3A_289, %dma_start3A_291, %dma_start3A_292] : memref<2x56x128xf32, #tpu.memory_space<vmem>> -> memref<1x56x128xf32, #tpu.memory_space<vmem>>
      %dma_start3A_294 = tpu.memref_squeeze %dma_start3A_293 : memref<1x56x128xf32, #tpu.memory_space<vmem>> -> memref<56x128xf32, #tpu.memory_space<vmem>>
      %dma_start3A_295 = arith.constant 0 : i32
      %dma_start3A_296 = tpu.memref_slice %arg13[%dma_start3A_290, %dma_start3A_295] : memref<24x56xi32, #tpu.memory_space<vmem>> -> memref<1x56xi32, #tpu.memory_space<vmem>>
      %dma_start3A_297 = tpu.memref_squeeze %dma_start3A_296 : memref<1x56xi32, #tpu.memory_space<vmem>> -> memref<56xi32, #tpu.memory_space<vmem>>
      %dma_start3A_298 = arith.constant 0 : i32
      %dma_start3A_299 = arith.constant 0 : i32
      %dma_start3A_300 = tpu.memref_slice %arg16[%dma_start3A_298, %dma_start3A_299] : memref<10112x128xf32, #tpu.memory_space<vmem_shared>> -> memref<10112x128xf32, #tpu.memory_space<vmem_shared>>
      tpu.enqueue_indirect_dma source(%dma_start3A_294 : memref<56x128xf32, #tpu.memory_space<vmem>>) target(%dma_start3A_300 : memref<10112x128xf32, #tpu.memory_space<vmem_shared>>) offsets(%dma_start3A_297 : memref<56xi32, #tpu.memory_space<vmem>>) semaphore(%arg26 : memref<!tpu.dma_semaphore, #tpu.memory_space<semaphore_mem>>) {add = true}
      %dma_wait3A_301 = arith.constant 1 : i32
      %dma_wait3A_302 = arith.constant 1 : i32
      %dma_wait3A_303 = arith.constant 0 : i32
      %dma_wait3A_304 = arith.constant 0 : i32
      %dma_wait3A_305 = tpu.memref_slice %arg14[%dma_wait3A_301, %dma_wait3A_303, %dma_wait3A_304] : memref<3x56x128xf32, #tpu.memory_space<vmem>> -> memref<1x56x128xf32, #tpu.memory_space<vmem>>
      %dma_wait3A_306 = tpu.memref_squeeze %dma_wait3A_305 : memref<1x56x128xf32, #tpu.memory_space<vmem>> -> memref<56x128xf32, #tpu.memory_space<vmem>>
      %dma_wait3A_307 = arith.constant 0 : i32
      %dma_wait3A_308 = tpu.memref_slice %arg11[%dma_wait3A_302, %dma_wait3A_307] : memref<24x56xi32, #tpu.memory_space<vmem>> -> memref<1x56xi32, #tpu.memory_space<vmem>>
      %dma_wait3A_309 = tpu.memref_squeeze %dma_wait3A_308 : memref<1x56xi32, #tpu.memory_space<vmem>> -> memref<56xi32, #tpu.memory_space<vmem>>
      %dma_wait3A_310 = arith.constant 0 : i32
      %dma_wait3A_311 = arith.constant 0 : i32
      %dma_wait3A_312 = tpu.memref_slice %arg16[%dma_wait3A_310, %dma_wait3A_311] : memref<10112x128xf32, #tpu.memory_space<vmem_shared>> -> memref<10112x128xf32, #tpu.memory_space<vmem_shared>>
      tpu.wait_indirect_dma semaphore(%arg22 : memref<!tpu.dma_semaphore, #tpu.memory_space<semaphore_mem>>) src(%dma_wait3A_306 : memref<56x128xf32, #tpu.memory_space<vmem>>) dst(%dma_wait3A_312 : memref<10112x128xf32, #tpu.memory_space<vmem_shared>>)
      %dma_start3A_313 = arith.constant 4 : i32
      %dma_start3A_314 = arith.constant 1 : i32
      %dma_start3A_315 = arith.constant 0 : i32
      %dma_start3A_316 = arith.constant 0 : i32
      %dma_start3A_317 = tpu.memref_slice %arg14[%dma_start3A_314, %dma_start3A_315, %dma_start3A_316] : memref<3x56x128xf32, #tpu.memory_space<vmem>> -> memref<1x56x128xf32, #tpu.memory_space<vmem>>
      %dma_start3A_318 = tpu.memref_squeeze %dma_start3A_317 : memref<1x56x128xf32, #tpu.memory_space<vmem>> -> memref<56x128xf32, #tpu.memory_space<vmem>>
      %dma_start3A_319 = arith.constant 0 : i32
      %dma_start3A_320 = tpu.memref_slice %arg10[%dma_start3A_313, %dma_start3A_319] : memref<24x56xi32, #tpu.memory_space<vmem>> -> memref<1x56xi32, #tpu.memory_space<vmem>>
      %dma_start3A_321 = tpu.memref_squeeze %dma_start3A_320 : memref<1x56xi32, #tpu.memory_space<vmem>> -> memref<56xi32, #tpu.memory_space<vmem>>
      %dma_start3A_322 = arith.constant 0 : i32
      %dma_start3A_323 = arith.constant 0 : i32
      %dma_start3A_324 = tpu.memref_slice %arg2[%dma_start3A_322, %dma_start3A_323] : memref<10000x128xf32, #tpu.memory_space<hbm>> -> memref<10000x128xf32, #tpu.memory_space<hbm>>
      tpu.enqueue_indirect_dma source(%dma_start3A_324 : memref<10000x128xf32, #tpu.memory_space<hbm>>) target(%dma_start3A_318 : memref<56x128xf32, #tpu.memory_space<vmem>>) offsets(%dma_start3A_321 : memref<56xi32, #tpu.memory_space<vmem>>) semaphore(%arg19 : memref<!tpu.dma_semaphore, #tpu.memory_space<semaphore_mem>>)
      %dma_wait3A_325 = arith.constant 0 : i32
      %dma_wait3A_326 = arith.constant 2 : i32
      %dma_wait3A_327 = arith.constant 0 : i32
      %dma_wait3A_328 = arith.constant 0 : i32
      %dma_wait3A_329 = tpu.memref_slice %arg15[%dma_wait3A_325, %dma_wait3A_327, %dma_wait3A_328] : memref<2x56x128xf32, #tpu.memory_space<vmem>> -> memref<1x56x128xf32, #tpu.memory_space<vmem>>
      %dma_wait3A_330 = tpu.memref_squeeze %dma_wait3A_329 : memref<1x56x128xf32, #tpu.memory_space<vmem>> -> memref<56x128xf32, #tpu.memory_space<vmem>>
      %dma_wait3A_331 = arith.constant 0 : i32
      %dma_wait3A_332 = tpu.memref_slice %arg13[%dma_wait3A_326, %dma_wait3A_331] : memref<24x56xi32, #tpu.memory_space<vmem>> -> memref<1x56xi32, #tpu.memory_space<vmem>>
      %dma_wait3A_333 = tpu.memref_squeeze %dma_wait3A_332 : memref<1x56xi32, #tpu.memory_space<vmem>> -> memref<56xi32, #tpu.memory_space<vmem>>
      %dma_wait3A_334 = arith.constant 0 : i32
      %dma_wait3A_335 = arith.constant 0 : i32
      %dma_wait3A_336 = tpu.memref_slice %arg16[%dma_wait3A_334, %dma_wait3A_335] : memref<10112x128xf32, #tpu.memory_space<vmem_shared>> -> memref<10112x128xf32, #tpu.memory_space<vmem_shared>>
      tpu.wait_indirect_dma semaphore(%arg26 : memref<!tpu.dma_semaphore, #tpu.memory_space<semaphore_mem>>) src(%dma_wait3A_330 : memref<56x128xf32, #tpu.memory_space<vmem>>) dst(%dma_wait3A_336 : memref<10112x128xf32, #tpu.memory_space<vmem_shared>>)
      %dma_start3A_337 = arith.constant 4 : i32
      %dma_start3A_338 = arith.constant 0 : i32
      %dma_start3A_339 = arith.constant 0 : i32
      %dma_start3A_340 = arith.constant 0 : i32
      %dma_start3A_341 = tpu.memref_slice %arg15[%dma_start3A_338, %dma_start3A_339, %dma_start3A_340] : memref<2x56x128xf32, #tpu.memory_space<vmem>> -> memref<1x56x128xf32, #tpu.memory_space<vmem>>
      %dma_start3A_342 = tpu.memref_squeeze %dma_start3A_341 : memref<1x56x128xf32, #tpu.memory_space<vmem>> -> memref<56x128xf32, #tpu.memory_space<vmem>>
      %dma_start3A_343 = arith.constant 0 : i32
      %dma_start3A_344 = tpu.memref_slice %arg12[%dma_start3A_337, %dma_start3A_343] : memref<24x56xi32, #tpu.memory_space<vmem>> -> memref<1x56xi32, #tpu.memory_space<vmem>>
      %dma_start3A_345 = tpu.memref_squeeze %dma_start3A_344 : memref<1x56xi32, #tpu.memory_space<vmem>> -> memref<56xi32, #tpu.memory_space<vmem>>
      %dma_start3A_346 = arith.constant 0 : i32
      %dma_start3A_347 = arith.constant 0 : i32
      %dma_start3A_348 = tpu.memref_slice %arg17[%dma_start3A_346, %dma_start3A_347] : memref<18x128xf32, #tpu.memory_space<vmem_shared>> -> memref<18x128xf32, #tpu.memory_space<vmem_shared>>
      tpu.enqueue_indirect_dma source(%dma_start3A_348 : memref<18x128xf32, #tpu.memory_space<vmem_shared>>) target(%dma_start3A_342 : memref<56x128xf32, #tpu.memory_space<vmem>>) offsets(%dma_start3A_345 : memref<56xi32, #tpu.memory_space<vmem>>) semaphore(%arg24 : memref<!tpu.dma_semaphore, #tpu.memory_space<semaphore_mem>>)
      %dma_wait3A_349 = arith.constant 3 : i32
      %dma_wait3A_350 = arith.constant 0 : i32
      %dma_wait3A_351 = arith.constant 0 : i32
      %dma_wait3A_352 = arith.constant 0 : i32
      %dma_wait3A_353 = tpu.memref_slice %arg14[%dma_wait3A_350, %dma_wait3A_351, %dma_wait3A_352] : memref<3x56x128xf32, #tpu.memory_space<vmem>> -> memref<1x56x128xf32, #tpu.memory_space<vmem>>
      %dma_wait3A_354 = tpu.memref_squeeze %dma_wait3A_353 : memref<1x56x128xf32, #tpu.memory_space<vmem>> -> memref<56x128xf32, #tpu.memory_space<vmem>>
      %dma_wait3A_355 = arith.constant 0 : i32
      %dma_wait3A_356 = tpu.memref_slice %arg10[%dma_wait3A_349, %dma_wait3A_355] : memref<24x56xi32, #tpu.memory_space<vmem>> -> memref<1x56xi32, #tpu.memory_space<vmem>>
      %dma_wait3A_357 = tpu.memref_squeeze %dma_wait3A_356 : memref<1x56xi32, #tpu.memory_space<vmem>> -> memref<56xi32, #tpu.memory_space<vmem>>
      %dma_wait3A_358 = arith.constant 0 : i32
      %dma_wait3A_359 = arith.constant 0 : i32
      %dma_wait3A_360 = tpu.memref_slice %arg2[%dma_wait3A_358, %dma_wait3A_359] : memref<10000x128xf32, #tpu.memory_space<hbm>> -> memref<10000x128xf32, #tpu.memory_space<hbm>>
      tpu.wait_indirect_dma semaphore(%arg18 : memref<!tpu.dma_semaphore, #tpu.memory_space<semaphore_mem>>) src(%dma_wait3A_360 : memref<10000x128xf32, #tpu.memory_space<hbm>>) dst(%dma_wait3A_354 : memref<56x128xf32, #tpu.memory_space<vmem>>)
      %dma_start3A_361 = arith.constant 0 : i32
      %dma_start3A_362 = arith.constant 3 : i32
      %dma_start3A_363 = arith.constant 0 : i32
      %dma_start3A_364 = arith.constant 0 : i32
      %dma_start3A_365 = tpu.memref_slice %arg14[%dma_start3A_361, %dma_start3A_363, %dma_start3A_364] : memref<3x56x128xf32, #tpu.memory_space<vmem>> -> memref<1x56x128xf32, #tpu.memory_space<vmem>>
      %dma_start3A_366 = tpu.memref_squeeze %dma_start3A_365 : memref<1x56x128xf32, #tpu.memory_space<vmem>> -> memref<56x128xf32, #tpu.memory_space<vmem>>
      %dma_start3A_367 = arith.constant 0 : i32
      %dma_start3A_368 = tpu.memref_slice %arg11[%dma_start3A_362, %dma_start3A_367] : memref<24x56xi32, #tpu.memory_space<vmem>> -> memref<1x56xi32, #tpu.memory_space<vmem>>
      %dma_start3A_369 = tpu.memref_squeeze %dma_start3A_368 : memref<1x56xi32, #tpu.memory_space<vmem>> -> memref<56xi32, #tpu.memory_space<vmem>>
      %dma_start3A_370 = arith.constant 0 : i32
      %dma_start3A_371 = arith.constant 0 : i32
      %dma_start3A_372 = tpu.memref_slice %arg16[%dma_start3A_370, %dma_start3A_371] : memref<10112x128xf32, #tpu.memory_space<vmem_shared>> -> memref<10112x128xf32, #tpu.memory_space<vmem_shared>>
      tpu.enqueue_indirect_dma source(%dma_start3A_366 : memref<56x128xf32, #tpu.memory_space<vmem>>) target(%dma_start3A_372 : memref<10112x128xf32, #tpu.memory_space<vmem_shared>>) offsets(%dma_start3A_369 : memref<56xi32, #tpu.memory_space<vmem>>) semaphore(%arg21 : memref<!tpu.dma_semaphore, #tpu.memory_space<semaphore_mem>>) {add = true}
      %dma_wait3A_373 = arith.constant 3 : i32
      %dma_wait3A_374 = arith.constant 1 : i32
      %dma_wait3A_375 = arith.constant 0 : i32
      %dma_wait3A_376 = arith.constant 0 : i32
      %dma_wait3A_377 = tpu.memref_slice %arg15[%dma_wait3A_374, %dma_wait3A_375, %dma_wait3A_376] : memref<2x56x128xf32, #tpu.memory_space<vmem>> -> memref<1x56x128xf32, #tpu.memory_space<vmem>>
      %dma_wait3A_378 = tpu.memref_squeeze %dma_wait3A_377 : memref<1x56x128xf32, #tpu.memory_space<vmem>> -> memref<56x128xf32, #tpu.memory_space<vmem>>
      %dma_wait3A_379 = arith.constant 0 : i32
      %dma_wait3A_380 = tpu.memref_slice %arg12[%dma_wait3A_373, %dma_wait3A_379] : memref<24x56xi32, #tpu.memory_space<vmem>> -> memref<1x56xi32, #tpu.memory_space<vmem>>
      %dma_wait3A_381 = tpu.memref_squeeze %dma_wait3A_380 : memref<1x56xi32, #tpu.memory_space<vmem>> -> memref<56xi32, #tpu.memory_space<vmem>>
      %dma_wait3A_382 = arith.constant 0 : i32
      %dma_wait3A_383 = arith.constant 0 : i32
      %dma_wait3A_384 = tpu.memref_slice %arg17[%dma_wait3A_382, %dma_wait3A_383] : memref<18x128xf32, #tpu.memory_space<vmem_shared>> -> memref<18x128xf32, #tpu.memory_space<vmem_shared>>
      tpu.wait_indirect_dma semaphore(%arg25 : memref<!tpu.dma_semaphore, #tpu.memory_space<semaphore_mem>>) src(%dma_wait3A_384 : memref<18x128xf32, #tpu.memory_space<vmem_shared>>) dst(%dma_wait3A_378 : memref<56x128xf32, #tpu.memory_space<vmem>>)
      %dma_start3A_385 = arith.constant 1 : i32
      %dma_start3A_386 = arith.constant 3 : i32
      %dma_start3A_387 = arith.constant 0 : i32
      %dma_start3A_388 = arith.constant 0 : i32
      %dma_start3A_389 = tpu.memref_slice %arg15[%dma_start3A_385, %dma_start3A_387, %dma_start3A_388] : memref<2x56x128xf32, #tpu.memory_space<vmem>> -> memref<1x56x128xf32, #tpu.memory_space<vmem>>
      %dma_start3A_390 = tpu.memref_squeeze %dma_start3A_389 : memref<1x56x128xf32, #tpu.memory_space<vmem>> -> memref<56x128xf32, #tpu.memory_space<vmem>>
      %dma_start3A_391 = arith.constant 0 : i32
      %dma_start3A_392 = tpu.memref_slice %arg13[%dma_start3A_386, %dma_start3A_391] : memref<24x56xi32, #tpu.memory_space<vmem>> -> memref<1x56xi32, #tpu.memory_space<vmem>>
      %dma_start3A_393 = tpu.memref_squeeze %dma_start3A_392 : memref<1x56xi32, #tpu.memory_space<vmem>> -> memref<56xi32, #tpu.memory_space<vmem>>
      %dma_start3A_394 = arith.constant 0 : i32
      %dma_start3A_395 = arith.constant 0 : i32
      %dma_start3A_396 = tpu.memref_slice %arg16[%dma_start3A_394, %dma_start3A_395] : memref<10112x128xf32, #tpu.memory_space<vmem_shared>> -> memref<10112x128xf32, #tpu.memory_space<vmem_shared>>
      tpu.enqueue_indirect_dma source(%dma_start3A_390 : memref<56x128xf32, #tpu.memory_space<vmem>>) target(%dma_start3A_396 : memref<10112x128xf32, #tpu.memory_space<vmem_shared>>) offsets(%dma_start3A_393 : memref<56xi32, #tpu.memory_space<vmem>>) semaphore(%arg27 : memref<!tpu.dma_semaphore, #tpu.memory_space<semaphore_mem>>) {add = true}
      %dma_wait3A_397 = arith.constant 2 : i32
      %dma_wait3A_398 = arith.constant 2 : i32
      %dma_wait3A_399 = arith.constant 0 : i32
      %dma_wait3A_400 = arith.constant 0 : i32
      %dma_wait3A_401 = tpu.memref_slice %arg14[%dma_wait3A_397, %dma_wait3A_399, %dma_wait3A_400] : memref<3x56x128xf32, #tpu.memory_space<vmem>> -> memref<1x56x128xf32, #tpu.memory_space<vmem>>
      %dma_wait3A_402 = tpu.memref_squeeze %dma_wait3A_401 : memref<1x56x128xf32, #tpu.memory_space<vmem>> -> memref<56x128xf32, #tpu.memory_space<vmem>>
      %dma_wait3A_403 = arith.constant 0 : i32
      %dma_wait3A_404 = tpu.memref_slice %arg11[%dma_wait3A_398, %dma_wait3A_403] : memref<24x56xi32, #tpu.memory_space<vmem>> -> memref<1x56xi32, #tpu.memory_space<vmem>>
      %dma_wait3A_405 = tpu.memref_squeeze %dma_wait3A_404 : memref<1x56xi32, #tpu.memory_space<vmem>> -> memref<56xi32, #tpu.memory_space<vmem>>
      %dma_wait3A_406 = arith.constant 0 : i32
      %dma_wait3A_407 = arith.constant 0 : i32
      %dma_wait3A_408 = tpu.memref_slice %arg16[%dma_wait3A_406, %dma_wait3A_407] : memref<10112x128xf32, #tpu.memory_space<vmem_shared>> -> memref<10112x128xf32, #tpu.memory_space<vmem_shared>>
      tpu.wait_indirect_dma semaphore(%arg23 : memref<!tpu.dma_semaphore, #tpu.memory_space<semaphore_mem>>) src(%dma_wait3A_402 : memref<56x128xf32, #tpu.memory_space<vmem>>) dst(%dma_wait3A_408 : memref<10112x128xf32, #tpu.memory_space<vmem_shared>>)
      %dma_start3A_409 = arith.constant 5 : i32
      %dma_start3A_410 = arith.constant 2 : i32
      %dma_start3A_411 = arith.constant 0 : i32
      %dma_start3A_412 = arith.constant 0 : i32
      %dma_start3A_413 = tpu.memref_slice %arg14[%dma_start3A_410, %dma_start3A_411, %dma_start3A_412] : memref<3x56x128xf32, #tpu.memory_space<vmem>> -> memref<1x56x128xf32, #tpu.memory_space<vmem>>
      %dma_start3A_414 = tpu.memref_squeeze %dma_start3A_413 : memref<1x56x128xf32, #tpu.memory_space<vmem>> -> memref<56x128xf32, #tpu.memory_space<vmem>>
      %dma_start3A_415 = arith.constant 0 : i32
      %dma_start3A_416 = tpu.memref_slice %arg10[%dma_start3A_409, %dma_start3A_415] : memref<24x56xi32, #tpu.memory_space<vmem>> -> memref<1x56xi32, #tpu.memory_space<vmem>>
      %dma_start3A_417 = tpu.memref_squeeze %dma_start3A_416 : memref<1x56xi32, #tpu.memory_space<vmem>> -> memref<56xi32, #tpu.memory_space<vmem>>
      %dma_start3A_418 = arith.constant 0 : i32
      %dma_start3A_419 = arith.constant 0 : i32
      %dma_start3A_420 = tpu.memref_slice %arg2[%dma_start3A_418, %dma_start3A_419] : memref<10000x128xf32, #tpu.memory_space<hbm>> -> memref<10000x128xf32, #tpu.memory_space<hbm>>
      tpu.enqueue_indirect_dma source(%dma_start3A_420 : memref<10000x128xf32, #tpu.memory_space<hbm>>) target(%dma_start3A_414 : memref<56x128xf32, #tpu.memory_space<vmem>>) offsets(%dma_start3A_417 : memref<56xi32, #tpu.memory_space<vmem>>) semaphore(%arg20 : memref<!tpu.dma_semaphore, #tpu.memory_space<semaphore_mem>>)
      %dma_wait3A_421 = arith.constant 1 : i32
      %dma_wait3A_422 = arith.constant 3 : i32
      %dma_wait3A_423 = arith.constant 0 : i32
      %dma_wait3A_424 = arith.constant 0 : i32
      %dma_wait3A_425 = tpu.memref_slice %arg15[%dma_wait3A_421, %dma_wait3A_423, %dma_wait3A_424] : memref<2x56x128xf32, #tpu.memory_space<vmem>> -> memref<1x56x128xf32, #tpu.memory_space<vmem>>
      %dma_wait3A_426 = tpu.memref_squeeze %dma_wait3A_425 : memref<1x56x128xf32, #tpu.memory_space<vmem>> -> memref<56x128xf32, #tpu.memory_space<vmem>>
      %dma_wait3A_427 = arith.constant 0 : i32
      %dma_wait3A_428 = tpu.memref_slice %arg13[%dma_wait3A_422, %dma_wait3A_427] : memref<24x56xi32, #tpu.memory_space<vmem>> -> memref<1x56xi32, #tpu.memory_space<vmem>>
      %dma_wait3A_429 = tpu.memref_squeeze %dma_wait3A_428 : memref<1x56xi32, #tpu.memory_space<vmem>> -> memref<56xi32, #tpu.memory_space<vmem>>
      %dma_wait3A_430 = arith.constant 0 : i32
      %dma_wait3A_431 = arith.constant 0 : i32
      %dma_wait3A_432 = tpu.memref_slice %arg16[%dma_wait3A_430, %dma_wait3A_431] : memref<10112x128xf32, #tpu.memory_space<vmem_shared>> -> memref<10112x128xf32, #tpu.memory_space<vmem_shared>>
      tpu.wait_indirect_dma semaphore(%arg27 : memref<!tpu.dma_semaphore, #tpu.memory_space<semaphore_mem>>) src(%dma_wait3A_426 : memref<56x128xf32, #tpu.memory_space<vmem>>) dst(%dma_wait3A_432 : memref<10112x128xf32, #tpu.memory_space<vmem_shared>>)
      %dma_start3A_433 = arith.constant 5 : i32
      %dma_start3A_434 = arith.constant 1 : i32
      %dma_start3A_435 = arith.constant 0 : i32
      %dma_start3A_436 = arith.constant 0 : i32
      %dma_start3A_437 = tpu.memref_slice %arg15[%dma_start3A_434, %dma_start3A_435, %dma_start3A_436] : memref<2x56x128xf32, #tpu.memory_space<vmem>> -> memref<1x56x128xf32, #tpu.memory_space<vmem>>
      %dma_start3A_438 = tpu.memref_squeeze %dma_start3A_437 : memref<1x56x128xf32, #tpu.memory_space<vmem>> -> memref<56x128xf32, #tpu.memory_space<vmem>>
      %dma_start3A_439 = arith.constant 0 : i32
      %dma_start3A_440 = tpu.memref_slice %arg12[%dma_start3A_433, %dma_start3A_439] : memref<24x56xi32, #tpu.memory_space<vmem>> -> memref<1x56xi32, #tpu.memory_space<vmem>>
      %dma_start3A_441 = tpu.memref_squeeze %dma_start3A_440 : memref<1x56xi32, #tpu.memory_space<vmem>> -> memref<56xi32, #tpu.memory_space<vmem>>
      %dma_start3A_442 = arith.constant 0 : i32
      %dma_start3A_443 = arith.constant 0 : i32
      %dma_start3A_444 = tpu.memref_slice %arg17[%dma_start3A_442, %dma_start3A_443] : memref<18x128xf32, #tpu.memory_space<vmem_shared>> -> memref<18x128xf32, #tpu.memory_space<vmem_shared>>
      tpu.enqueue_indirect_dma source(%dma_start3A_444 : memref<18x128xf32, #tpu.memory_space<vmem_shared>>) target(%dma_start3A_438 : memref<56x128xf32, #tpu.memory_space<vmem>>) offsets(%dma_start3A_441 : memref<56xi32, #tpu.memory_space<vmem>>) semaphore(%arg25 : memref<!tpu.dma_semaphore, #tpu.memory_space<semaphore_mem>>)
      %dma_wait3A_445 = arith.constant 4 : i32
      %dma_wait3A_446 = arith.constant 1 : i32
      %dma_wait3A_447 = arith.constant 0 : i32
      %dma_wait3A_448 = arith.constant 0 : i32
      %dma_wait3A_449 = tpu.memref_slice %arg14[%dma_wait3A_446, %dma_wait3A_447, %dma_wait3A_448] : memref<3x56x128xf32, #tpu.memory_space<vmem>> -> memref<1x56x128xf32, #tpu.memory_space<vmem>>
      %dma_wait3A_450 = tpu.memref_squeeze %dma_wait3A_449 : memref<1x56x128xf32, #tpu.memory_space<vmem>> -> memref<56x128xf32, #tpu.memory_space<vmem>>
      %dma_wait3A_451 = arith.constant 0 : i32
      %dma_wait3A_452 = tpu.memref_slice %arg10[%dma_wait3A_445, %dma_wait3A_451] : memref<24x56xi32, #tpu.memory_space<vmem>> -> memref<1x56xi32, #tpu.memory_space<vmem>>
      %dma_wait3A_453 = tpu.memref_squeeze %dma_wait3A_452 : memref<1x56xi32, #tpu.memory_space<vmem>> -> memref<56xi32, #tpu.memory_space<vmem>>
      %dma_wait3A_454 = arith.constant 0 : i32
      %dma_wait3A_455 = arith.constant 0 : i32
      %dma_wait3A_456 = tpu.memref_slice %arg2[%dma_wait3A_454, %dma_wait3A_455] : memref<10000x128xf32, #tpu.memory_space<hbm>> -> memref<10000x128xf32, #tpu.memory_space<hbm>>
      tpu.wait_indirect_dma semaphore(%arg19 : memref<!tpu.dma_semaphore, #tpu.memory_space<semaphore_mem>>) src(%dma_wait3A_456 : memref<10000x128xf32, #tpu.memory_space<hbm>>) dst(%dma_wait3A_450 : memref<56x128xf32, #tpu.memory_space<vmem>>)
      %dma_start3A_457 = arith.constant 1 : i32
      %dma_start3A_458 = arith.constant 4 : i32
      %dma_start3A_459 = arith.constant 0 : i32
      %dma_start3A_460 = arith.constant 0 : i32
      %dma_start3A_461 = tpu.memref_slice %arg14[%dma_start3A_457, %dma_start3A_459, %dma_start3A_460] : memref<3x56x128xf32, #tpu.memory_space<vmem>> -> memref<1x56x128xf32, #tpu.memory_space<vmem>>
      %dma_start3A_462 = tpu.memref_squeeze %dma_start3A_461 : memref<1x56x128xf32, #tpu.memory_space<vmem>> -> memref<56x128xf32, #tpu.memory_space<vmem>>
      %dma_start3A_463 = arith.constant 0 : i32
      %dma_start3A_464 = tpu.memref_slice %arg11[%dma_start3A_458, %dma_start3A_463] : memref<24x56xi32, #tpu.memory_space<vmem>> -> memref<1x56xi32, #tpu.memory_space<vmem>>
      %dma_start3A_465 = tpu.memref_squeeze %dma_start3A_464 : memref<1x56xi32, #tpu.memory_space<vmem>> -> memref<56xi32, #tpu.memory_space<vmem>>
      %dma_start3A_466 = arith.constant 0 : i32
      %dma_start3A_467 = arith.constant 0 : i32
      %dma_start3A_468 = tpu.memref_slice %arg16[%dma_start3A_466, %dma_start3A_467] : memref<10112x128xf32, #tpu.memory_space<vmem_shared>> -> memref<10112x128xf32, #tpu.memory_space<vmem_shared>>
      tpu.enqueue_indirect_dma source(%dma_start3A_462 : memref<56x128xf32, #tpu.memory_space<vmem>>) target(%dma_start3A_468 : memref<10112x128xf32, #tpu.memory_space<vmem_shared>>) offsets(%dma_start3A_465 : memref<56xi32, #tpu.memory_space<vmem>>) semaphore(%arg22 : memref<!tpu.dma_semaphore, #tpu.memory_space<semaphore_mem>>) {add = true}
      %dma_wait3A_469 = arith.constant 4 : i32
      %dma_wait3A_470 = arith.constant 0 : i32
      %dma_wait3A_471 = arith.constant 0 : i32
      %dma_wait3A_472 = arith.constant 0 : i32
      %dma_wait3A_473 = tpu.memref_slice %arg15[%dma_wait3A_470, %dma_wait3A_471, %dma_wait3A_472] : memref<2x56x128xf32, #tpu.memory_space<vmem>> -> memref<1x56x128xf32, #tpu.memory_space<vmem>>
      %dma_wait3A_474 = tpu.memref_squeeze %dma_wait3A_473 : memref<1x56x128xf32, #tpu.memory_space<vmem>> -> memref<56x128xf32, #tpu.memory_space<vmem>>
      %dma_wait3A_475 = arith.constant 0 : i32
      %dma_wait3A_476 = tpu.memref_slice %arg12[%dma_wait3A_469, %dma_wait3A_475] : memref<24x56xi32, #tpu.memory_space<vmem>> -> memref<1x56xi32, #tpu.memory_space<vmem>>
      %dma_wait3A_477 = tpu.memref_squeeze %dma_wait3A_476 : memref<1x56xi32, #tpu.memory_space<vmem>> -> memref<56xi32, #tpu.memory_space<vmem>>
      %dma_wait3A_478 = arith.constant 0 : i32
      %dma_wait3A_479 = arith.constant 0 : i32
      %dma_wait3A_480 = tpu.memref_slice %arg17[%dma_wait3A_478, %dma_wait3A_479] : memref<18x128xf32, #tpu.memory_space<vmem_shared>> -> memref<18x128xf32, #tpu.memory_space<vmem_shared>>
      tpu.wait_indirect_dma semaphore(%arg24 : memref<!tpu.dma_semaphore, #tpu.memory_space<semaphore_mem>>) src(%dma_wait3A_480 : memref<18x128xf32, #tpu.memory_space<vmem_shared>>) dst(%dma_wait3A_474 : memref<56x128xf32, #tpu.memory_space<vmem>>)
      %dma_start3A_481 = arith.constant 0 : i32
      %dma_start3A_482 = arith.constant 4 : i32
      %dma_start3A_483 = arith.constant 0 : i32
      %dma_start3A_484 = arith.constant 0 : i32
      %dma_start3A_485 = tpu.memref_slice %arg15[%dma_start3A_481, %dma_start3A_483, %dma_start3A_484] : memref<2x56x128xf32, #tpu.memory_space<vmem>> -> memref<1x56x128xf32, #tpu.memory_space<vmem>>
      %dma_start3A_486 = tpu.memref_squeeze %dma_start3A_485 : memref<1x56x128xf32, #tpu.memory_space<vmem>> -> memref<56x128xf32, #tpu.memory_space<vmem>>
      %dma_start3A_487 = arith.constant 0 : i32
      %dma_start3A_488 = tpu.memref_slice %arg13[%dma_start3A_482, %dma_start3A_487] : memref<24x56xi32, #tpu.memory_space<vmem>> -> memref<1x56xi32, #tpu.memory_space<vmem>>
      %dma_start3A_489 = tpu.memref_squeeze %dma_start3A_488 : memref<1x56xi32, #tpu.memory_space<vmem>> -> memref<56xi32, #tpu.memory_space<vmem>>
      %dma_start3A_490 = arith.constant 0 : i32
      %dma_start3A_491 = arith.constant 0 : i32
      %dma_start3A_492 = tpu.memref_slice %arg16[%dma_start3A_490, %dma_start3A_491] : memref<10112x128xf32, #tpu.memory_space<vmem_shared>> -> memref<10112x128xf32, #tpu.memory_space<vmem_shared>>
      tpu.enqueue_indirect_dma source(%dma_start3A_486 : memref<56x128xf32, #tpu.memory_space<vmem>>) target(%dma_start3A_492 : memref<10112x128xf32, #tpu.memory_space<vmem_shared>>) offsets(%dma_start3A_489 : memref<56xi32, #tpu.memory_space<vmem>>) semaphore(%arg26 : memref<!tpu.dma_semaphore, #tpu.memory_space<semaphore_mem>>) {add = true}
      %dma_wait3A_493 = arith.constant 0 : i32
      %dma_wait3A_494 = arith.constant 3 : i32
      %dma_wait3A_495 = arith.constant 0 : i32
      %dma_wait3A_496 = arith.constant 0 : i32
      %dma_wait3A_497 = tpu.memref_slice %arg14[%dma_wait3A_493, %dma_wait3A_495, %dma_wait3A_496] : memref<3x56x128xf32, #tpu.memory_space<vmem>> -> memref<1x56x128xf32, #tpu.memory_space<vmem>>
      %dma_wait3A_498 = tpu.memref_squeeze %dma_wait3A_497 : memref<1x56x128xf32, #tpu.memory_space<vmem>> -> memref<56x128xf32, #tpu.memory_space<vmem>>
      %dma_wait3A_499 = arith.constant 0 : i32
      %dma_wait3A_500 = tpu.memref_slice %arg11[%dma_wait3A_494, %dma_wait3A_499] : memref<24x56xi32, #tpu.memory_space<vmem>> -> memref<1x56xi32, #tpu.memory_space<vmem>>
      %dma_wait3A_501 = tpu.memref_squeeze %dma_wait3A_500 : memref<1x56xi32, #tpu.memory_space<vmem>> -> memref<56xi32, #tpu.memory_space<vmem>>
      %dma_wait3A_502 = arith.constant 0 : i32
      %dma_wait3A_503 = arith.constant 0 : i32
      %dma_wait3A_504 = tpu.memref_slice %arg16[%dma_wait3A_502, %dma_wait3A_503] : memref<10112x128xf32, #tpu.memory_space<vmem_shared>> -> memref<10112x128xf32, #tpu.memory_space<vmem_shared>>
      tpu.wait_indirect_dma semaphore(%arg21 : memref<!tpu.dma_semaphore, #tpu.memory_space<semaphore_mem>>) src(%dma_wait3A_498 : memref<56x128xf32, #tpu.memory_space<vmem>>) dst(%dma_wait3A_504 : memref<10112x128xf32, #tpu.memory_space<vmem_shared>>)
      %dma_start3A_505 = arith.constant 6 : i32
      %dma_start3A_506 = arith.constant 0 : i32
      %dma_start3A_507 = arith.constant 0 : i32
      %dma_start3A_508 = arith.constant 0 : i32
      %dma_start3A_509 = tpu.memref_slice %arg14[%dma_start3A_506, %dma_start3A_507, %dma_start3A_508] : memref<3x56x128xf32, #tpu.memory_space<vmem>> -> memref<1x56x128xf32, #tpu.memory_space<vmem>>
      %dma_start3A_510 = tpu.memref_squeeze %dma_start3A_509 : memref<1x56x128xf32, #tpu.memory_space<vmem>> -> memref<56x128xf32, #tpu.memory_space<vmem>>
      %dma_start3A_511 = arith.constant 0 : i32
      %dma_start3A_512 = tpu.memref_slice %arg10[%dma_start3A_505, %dma_start3A_511] : memref<24x56xi32, #tpu.memory_space<vmem>> -> memref<1x56xi32, #tpu.memory_space<vmem>>
      %dma_start3A_513 = tpu.memref_squeeze %dma_start3A_512 : memref<1x56xi32, #tpu.memory_space<vmem>> -> memref<56xi32, #tpu.memory_space<vmem>>
      %dma_start3A_514 = arith.constant 0 : i32
      %dma_start3A_515 = arith.constant 0 : i32
      %dma_start3A_516 = tpu.memref_slice %arg2[%dma_start3A_514, %dma_start3A_515] : memref<10000x128xf32, #tpu.memory_space<hbm>> -> memref<10000x128xf32, #tpu.memory_space<hbm>>
      tpu.enqueue_indirect_dma source(%dma_start3A_516 : memref<10000x128xf32, #tpu.memory_space<hbm>>) target(%dma_start3A_510 : memref<56x128xf32, #tpu.memory_space<vmem>>) offsets(%dma_start3A_513 : memref<56xi32, #tpu.memory_space<vmem>>) semaphore(%arg18 : memref<!tpu.dma_semaphore, #tpu.memory_space<semaphore_mem>>)
      %dma_wait3A_517 = arith.constant 0 : i32
      %dma_wait3A_518 = arith.constant 4 : i32
      %dma_wait3A_519 = arith.constant 0 : i32
      %dma_wait3A_520 = arith.constant 0 : i32
      %dma_wait3A_521 = tpu.memref_slice %arg15[%dma_wait3A_517, %dma_wait3A_519, %dma_wait3A_520] : memref<2x56x128xf32, #tpu.memory_space<vmem>> -> memref<1x56x128xf32, #tpu.memory_space<vmem>>
      %dma_wait3A_522 = tpu.memref_squeeze %dma_wait3A_521 : memref<1x56x128xf32, #tpu.memory_space<vmem>> -> memref<56x128xf32, #tpu.memory_space<vmem>>
      %dma_wait3A_523 = arith.constant 0 : i32
      %dma_wait3A_524 = tpu.memref_slice %arg13[%dma_wait3A_518, %dma_wait3A_523] : memref<24x56xi32, #tpu.memory_space<vmem>> -> memref<1x56xi32, #tpu.memory_space<vmem>>
      %dma_wait3A_525 = tpu.memref_squeeze %dma_wait3A_524 : memref<1x56xi32, #tpu.memory_space<vmem>> -> memref<56xi32, #tpu.memory_space<vmem>>
      %dma_wait3A_526 = arith.constant 0 : i32
      %dma_wait3A_527 = arith.constant 0 : i32
      %dma_wait3A_528 = tpu.memref_slice %arg16[%dma_wait3A_526, %dma_wait3A_527] : memref<10112x128xf32, #tpu.memory_space<vmem_shared>> -> memref<10112x128xf32, #tpu.memory_space<vmem_shared>>
      tpu.wait_indirect_dma semaphore(%arg26 : memref<!tpu.dma_semaphore, #tpu.memory_space<semaphore_mem>>) src(%dma_wait3A_522 : memref<56x128xf32, #tpu.memory_space<vmem>>) dst(%dma_wait3A_528 : memref<10112x128xf32, #tpu.memory_space<vmem_shared>>)
      %dma_start3A_529 = arith.constant 6 : i32
      %dma_start3A_530 = arith.constant 0 : i32
      %dma_start3A_531 = arith.constant 0 : i32
      %dma_start3A_532 = arith.constant 0 : i32
      %dma_start3A_533 = tpu.memref_slice %arg15[%dma_start3A_530, %dma_start3A_531, %dma_start3A_532] : memref<2x56x128xf32, #tpu.memory_space<vmem>> -> memref<1x56x128xf32, #tpu.memory_space<vmem>>
      %dma_start3A_534 = tpu.memref_squeeze %dma_start3A_533 : memref<1x56x128xf32, #tpu.memory_space<vmem>> -> memref<56x128xf32, #tpu.memory_space<vmem>>
      %dma_start3A_535 = arith.constant 0 : i32
      %dma_start3A_536 = tpu.memref_slice %arg12[%dma_start3A_529, %dma_start3A_535] : memref<24x56xi32, #tpu.memory_space<vmem>> -> memref<1x56xi32, #tpu.memory_space<vmem>>
      %dma_start3A_537 = tpu.memref_squeeze %dma_start3A_536 : memref<1x56xi32, #tpu.memory_space<vmem>> -> memref<56xi32, #tpu.memory_space<vmem>>
      %dma_start3A_538 = arith.constant 0 : i32
      %dma_start3A_539 = arith.constant 0 : i32
      %dma_start3A_540 = tpu.memref_slice %arg17[%dma_start3A_538, %dma_start3A_539] : memref<18x128xf32, #tpu.memory_space<vmem_shared>> -> memref<18x128xf32, #tpu.memory_space<vmem_shared>>
      tpu.enqueue_indirect_dma source(%dma_start3A_540 : memref<18x128xf32, #tpu.memory_space<vmem_shared>>) target(%dma_start3A_534 : memref<56x128xf32, #tpu.memory_space<vmem>>) offsets(%dma_start3A_537 : memref<56xi32, #tpu.memory_space<vmem>>) semaphore(%arg24 : memref<!tpu.dma_semaphore, #tpu.memory_space<semaphore_mem>>)
      %dma_wait3A_541 = arith.constant 5 : i32
      %dma_wait3A_542 = arith.constant 2 : i32
      %dma_wait3A_543 = arith.constant 0 : i32
      %dma_wait3A_544 = arith.constant 0 : i32
      %dma_wait3A_545 = tpu.memref_slice %arg14[%dma_wait3A_542, %dma_wait3A_543, %dma_wait3A_544] : memref<3x56x128xf32, #tpu.memory_space<vmem>> -> memref<1x56x128xf32, #tpu.memory_space<vmem>>
      %dma_wait3A_546 = tpu.memref_squeeze %dma_wait3A_545 : memref<1x56x128xf32, #tpu.memory_space<vmem>> -> memref<56x128xf32, #tpu.memory_space<vmem>>
      %dma_wait3A_547 = arith.constant 0 : i32
      %dma_wait3A_548 = tpu.memref_slice %arg10[%dma_wait3A_541, %dma_wait3A_547] : memref<24x56xi32, #tpu.memory_space<vmem>> -> memref<1x56xi32, #tpu.memory_space<vmem>>
      %dma_wait3A_549 = tpu.memref_squeeze %dma_wait3A_548 : memref<1x56xi32, #tpu.memory_space<vmem>> -> memref<56xi32, #tpu.memory_space<vmem>>
      %dma_wait3A_550 = arith.constant 0 : i32
      %dma_wait3A_551 = arith.constant 0 : i32
      %dma_wait3A_552 = tpu.memref_slice %arg2[%dma_wait3A_550, %dma_wait3A_551] : memref<10000x128xf32, #tpu.memory_space<hbm>> -> memref<10000x128xf32, #tpu.memory_space<hbm>>
      tpu.wait_indirect_dma semaphore(%arg20 : memref<!tpu.dma_semaphore, #tpu.memory_space<semaphore_mem>>) src(%dma_wait3A_552 : memref<10000x128xf32, #tpu.memory_space<hbm>>) dst(%dma_wait3A_546 : memref<56x128xf32, #tpu.memory_space<vmem>>)
      %dma_start3A_553 = arith.constant 2 : i32
      %dma_start3A_554 = arith.constant 5 : i32
      %dma_start3A_555 = arith.constant 0 : i32
      %dma_start3A_556 = arith.constant 0 : i32
      %dma_start3A_557 = tpu.memref_slice %arg14[%dma_start3A_553, %dma_start3A_555, %dma_start3A_556] : memref<3x56x128xf32, #tpu.memory_space<vmem>> -> memref<1x56x128xf32, #tpu.memory_space<vmem>>
      %dma_start3A_558 = tpu.memref_squeeze %dma_start3A_557 : memref<1x56x128xf32, #tpu.memory_space<vmem>> -> memref<56x128xf32, #tpu.memory_space<vmem>>
      %dma_start3A_559 = arith.constant 0 : i32
      %dma_start3A_560 = tpu.memref_slice %arg11[%dma_start3A_554, %dma_start3A_559] : memref<24x56xi32, #tpu.memory_space<vmem>> -> memref<1x56xi32, #tpu.memory_space<vmem>>
      %dma_start3A_561 = tpu.memref_squeeze %dma_start3A_560 : memref<1x56xi32, #tpu.memory_space<vmem>> -> memref<56xi32, #tpu.memory_space<vmem>>
      %dma_start3A_562 = arith.constant 0 : i32
      %dma_start3A_563 = arith.constant 0 : i32
      %dma_start3A_564 = tpu.memref_slice %arg16[%dma_start3A_562, %dma_start3A_563] : memref<10112x128xf32, #tpu.memory_space<vmem_shared>> -> memref<10112x128xf32, #tpu.memory_space<vmem_shared>>
      tpu.enqueue_indirect_dma source(%dma_start3A_558 : memref<56x128xf32, #tpu.memory_space<vmem>>) target(%dma_start3A_564 : memref<10112x128xf32, #tpu.memory_space<vmem_shared>>) offsets(%dma_start3A_561 : memref<56xi32, #tpu.memory_space<vmem>>) semaphore(%arg23 : memref<!tpu.dma_semaphore, #tpu.memory_space<semaphore_mem>>) {add = true}
      %dma_wait3A_565 = arith.constant 5 : i32
      %dma_wait3A_566 = arith.constant 1 : i32
      %dma_wait3A_567 = arith.constant 0 : i32
      %dma_wait3A_568 = arith.constant 0 : i32
      %dma_wait3A_569 = tpu.memref_slice %arg15[%dma_wait3A_566, %dma_wait3A_567, %dma_wait3A_568] : memref<2x56x128xf32, #tpu.memory_space<vmem>> -> memref<1x56x128xf32, #tpu.memory_space<vmem>>
      %dma_wait3A_570 = tpu.memref_squeeze %dma_wait3A_569 : memref<1x56x128xf32, #tpu.memory_space<vmem>> -> memref<56x128xf32, #tpu.memory_space<vmem>>
      %dma_wait3A_571 = arith.constant 0 : i32
      %dma_wait3A_572 = tpu.memref_slice %arg12[%dma_wait3A_565, %dma_wait3A_571] : memref<24x56xi32, #tpu.memory_space<vmem>> -> memref<1x56xi32, #tpu.memory_space<vmem>>
      %dma_wait3A_573 = tpu.memref_squeeze %dma_wait3A_572 : memref<1x56xi32, #tpu.memory_space<vmem>> -> memref<56xi32, #tpu.memory_space<vmem>>
      %dma_wait3A_574 = arith.constant 0 : i32
      %dma_wait3A_575 = arith.constant 0 : i32
      %dma_wait3A_576 = tpu.memref_slice %arg17[%dma_wait3A_574, %dma_wait3A_575] : memref<18x128xf32, #tpu.memory_space<vmem_shared>> -> memref<18x128xf32, #tpu.memory_space<vmem_shared>>
      tpu.wait_indirect_dma semaphore(%arg25 : memref<!tpu.dma_semaphore, #tpu.memory_space<semaphore_mem>>) src(%dma_wait3A_576 : memref<18x128xf32, #tpu.memory_space<vmem_shared>>) dst(%dma_wait3A_570 : memref<56x128xf32, #tpu.memory_space<vmem>>)
      %dma_start3A_577 = arith.constant 1 : i32
      %dma_start3A_578 = arith.constant 5 : i32
      %dma_start3A_579 = arith.constant 0 : i32
      %dma_start3A_580 = arith.constant 0 : i32
      %dma_start3A_581 = tpu.memref_slice %arg15[%dma_start3A_577, %dma_start3A_579, %dma_start3A_580] : memref<2x56x128xf32, #tpu.memory_space<vmem>> -> memref<1x56x128xf32, #tpu.memory_space<vmem>>
      %dma_start3A_582 = tpu.memref_squeeze %dma_start3A_581 : memref<1x56x128xf32, #tpu.memory_space<vmem>> -> memref<56x128xf32, #tpu.memory_space<vmem>>
      %dma_start3A_583 = arith.constant 0 : i32
      %dma_start3A_584 = tpu.memref_slice %arg13[%dma_start3A_578, %dma_start3A_583] : memref<24x56xi32, #tpu.memory_space<vmem>> -> memref<1x56xi32, #tpu.memory_space<vmem>>
      %dma_start3A_585 = tpu.memref_squeeze %dma_start3A_584 : memref<1x56xi32, #tpu.memory_space<vmem>> -> memref<56xi32, #tpu.memory_space<vmem>>
      %dma_start3A_586 = arith.constant 0 : i32
      %dma_start3A_587 = arith.constant 0 : i32
      %dma_start3A_588 = tpu.memref_slice %arg16[%dma_start3A_586, %dma_start3A_587] : memref<10112x128xf32, #tpu.memory_space<vmem_shared>> -> memref<10112x128xf32, #tpu.memory_space<vmem_shared>>
      tpu.enqueue_indirect_dma source(%dma_start3A_582 : memref<56x128xf32, #tpu.memory_space<vmem>>) target(%dma_start3A_588 : memref<10112x128xf32, #tpu.memory_space<vmem_shared>>) offsets(%dma_start3A_585 : memref<56xi32, #tpu.memory_space<vmem>>) semaphore(%arg27 : memref<!tpu.dma_semaphore, #tpu.memory_space<semaphore_mem>>) {add = true}
      %dma_wait3A_589 = arith.constant 1 : i32
      %dma_wait3A_590 = arith.constant 4 : i32
      %dma_wait3A_591 = arith.constant 0 : i32
      %dma_wait3A_592 = arith.constant 0 : i32
      %dma_wait3A_593 = tpu.memref_slice %arg14[%dma_wait3A_589, %dma_wait3A_591, %dma_wait3A_592] : memref<3x56x128xf32, #tpu.memory_space<vmem>> -> memref<1x56x128xf32, #tpu.memory_space<vmem>>
      %dma_wait3A_594 = tpu.memref_squeeze %dma_wait3A_593 : memref<1x56x128xf32, #tpu.memory_space<vmem>> -> memref<56x128xf32, #tpu.memory_space<vmem>>
      %dma_wait3A_595 = arith.constant 0 : i32
      %dma_wait3A_596 = tpu.memref_slice %arg11[%dma_wait3A_590, %dma_wait3A_595] : memref<24x56xi32, #tpu.memory_space<vmem>> -> memref<1x56xi32, #tpu.memory_space<vmem>>
      %dma_wait3A_597 = tpu.memref_squeeze %dma_wait3A_596 : memref<1x56xi32, #tpu.memory_space<vmem>> -> memref<56xi32, #tpu.memory_space<vmem>>
      %dma_wait3A_598 = arith.constant 0 : i32
      %dma_wait3A_599 = arith.constant 0 : i32
      %dma_wait3A_600 = tpu.memref_slice %arg16[%dma_wait3A_598, %dma_wait3A_599] : memref<10112x128xf32, #tpu.memory_space<vmem_shared>> -> memref<10112x128xf32, #tpu.memory_space<vmem_shared>>
      tpu.wait_indirect_dma semaphore(%arg22 : memref<!tpu.dma_semaphore, #tpu.memory_space<semaphore_mem>>) src(%dma_wait3A_594 : memref<56x128xf32, #tpu.memory_space<vmem>>) dst(%dma_wait3A_600 : memref<10112x128xf32, #tpu.memory_space<vmem_shared>>)
      %dma_start3A_601 = arith.constant 7 : i32
      %dma_start3A_602 = arith.constant 1 : i32
      %dma_start3A_603 = arith.constant 0 : i32
      %dma_start3A_604 = arith.constant 0 : i32
      %dma_start3A_605 = tpu.memref_slice %arg14[%dma_start3A_602, %dma_start3A_603, %dma_start3A_604] : memref<3x56x128xf32, #tpu.memory_space<vmem>> -> memref<1x56x128xf32, #tpu.memory_space<vmem>>
      %dma_start3A_606 = tpu.memref_squeeze %dma_start3A_605 : memref<1x56x128xf32, #tpu.memory_space<vmem>> -> memref<56x128xf32, #tpu.memory_space<vmem>>
      %dma_start3A_607 = arith.constant 0 : i32
      %dma_start3A_608 = tpu.memref_slice %arg10[%dma_start3A_601, %dma_start3A_607] : memref<24x56xi32, #tpu.memory_space<vmem>> -> memref<1x56xi32, #tpu.memory_space<vmem>>
      %dma_start3A_609 = tpu.memref_squeeze %dma_start3A_608 : memref<1x56xi32, #tpu.memory_space<vmem>> -> memref<56xi32, #tpu.memory_space<vmem>>
      %dma_start3A_610 = arith.constant 0 : i32
      %dma_start3A_611 = arith.constant 0 : i32
      %dma_start3A_612 = tpu.memref_slice %arg2[%dma_start3A_610, %dma_start3A_611] : memref<10000x128xf32, #tpu.memory_space<hbm>> -> memref<10000x128xf32, #tpu.memory_space<hbm>>
      tpu.enqueue_indirect_dma source(%dma_start3A_612 : memref<10000x128xf32, #tpu.memory_space<hbm>>) target(%dma_start3A_606 : memref<56x128xf32, #tpu.memory_space<vmem>>) offsets(%dma_start3A_609 : memref<56xi32, #tpu.memory_space<vmem>>) semaphore(%arg19 : memref<!tpu.dma_semaphore, #tpu.memory_space<semaphore_mem>>)
      %dma_wait3A_613 = arith.constant 1 : i32
      %dma_wait3A_614 = arith.constant 5 : i32
      %dma_wait3A_615 = arith.constant 0 : i32
      %dma_wait3A_616 = arith.constant 0 : i32
      %dma_wait3A_617 = tpu.memref_slice %arg15[%dma_wait3A_613, %dma_wait3A_615, %dma_wait3A_616] : memref<2x56x128xf32, #tpu.memory_space<vmem>> -> memref<1x56x128xf32, #tpu.memory_space<vmem>>
      %dma_wait3A_618 = tpu.memref_squeeze %dma_wait3A_617 : memref<1x56x128xf32, #tpu.memory_space<vmem>> -> memref<56x128xf32, #tpu.memory_space<vmem>>
      %dma_wait3A_619 = arith.constant 0 : i32
      %dma_wait3A_620 = tpu.memref_slice %arg13[%dma_wait3A_614, %dma_wait3A_619] : memref<24x56xi32, #tpu.memory_space<vmem>> -> memref<1x56xi32, #tpu.memory_space<vmem>>
      %dma_wait3A_621 = tpu.memref_squeeze %dma_wait3A_620 : memref<1x56xi32, #tpu.memory_space<vmem>> -> memref<56xi32, #tpu.memory_space<vmem>>
      %dma_wait3A_622 = arith.constant 0 : i32
      %dma_wait3A_623 = arith.constant 0 : i32
      %dma_wait3A_624 = tpu.memref_slice %arg16[%dma_wait3A_622, %dma_wait3A_623] : memref<10112x128xf32, #tpu.memory_space<vmem_shared>> -> memref<10112x128xf32, #tpu.memory_space<vmem_shared>>
      tpu.wait_indirect_dma semaphore(%arg27 : memref<!tpu.dma_semaphore, #tpu.memory_space<semaphore_mem>>) src(%dma_wait3A_618 : memref<56x128xf32, #tpu.memory_space<vmem>>) dst(%dma_wait3A_624 : memref<10112x128xf32, #tpu.memory_space<vmem_shared>>)
      %dma_start3A_625 = arith.constant 7 : i32
      %dma_start3A_626 = arith.constant 1 : i32
      %dma_start3A_627 = arith.constant 0 : i32
      %dma_start3A_628 = arith.constant 0 : i32
      %dma_start3A_629 = tpu.memref_slice %arg15[%dma_start3A_626, %dma_start3A_627, %dma_start3A_628] : memref<2x56x128xf32, #tpu.memory_space<vmem>> -> memref<1x56x128xf32, #tpu.memory_space<vmem>>
      %dma_start3A_630 = tpu.memref_squeeze %dma_start3A_629 : memref<1x56x128xf32, #tpu.memory_space<vmem>> -> memref<56x128xf32, #tpu.memory_space<vmem>>
      %dma_start3A_631 = arith.constant 0 : i32
      %dma_start3A_632 = tpu.memref_slice %arg12[%dma_start3A_625, %dma_start3A_631] : memref<24x56xi32, #tpu.memory_space<vmem>> -> memref<1x56xi32, #tpu.memory_space<vmem>>
      %dma_start3A_633 = tpu.memref_squeeze %dma_start3A_632 : memref<1x56xi32, #tpu.memory_space<vmem>> -> memref<56xi32, #tpu.memory_space<vmem>>
      %dma_start3A_634 = arith.constant 0 : i32
      %dma_start3A_635 = arith.constant 0 : i32
      %dma_start3A_636 = tpu.memref_slice %arg17[%dma_start3A_634, %dma_start3A_635] : memref<18x128xf32, #tpu.memory_space<vmem_shared>> -> memref<18x128xf32, #tpu.memory_space<vmem_shared>>
      tpu.enqueue_indirect_dma source(%dma_start3A_636 : memref<18x128xf32, #tpu.memory_space<vmem_shared>>) target(%dma_start3A_630 : memref<56x128xf32, #tpu.memory_space<vmem>>) offsets(%dma_start3A_633 : memref<56xi32, #tpu.memory_space<vmem>>) semaphore(%arg25 : memref<!tpu.dma_semaphore, #tpu.memory_space<semaphore_mem>>)
      %dma_wait3A_637 = arith.constant 6 : i32
      %dma_wait3A_638 = arith.constant 0 : i32
      %dma_wait3A_639 = arith.constant 0 : i32
      %dma_wait3A_640 = arith.constant 0 : i32
      %dma_wait3A_641 = tpu.memref_slice %arg14[%dma_wait3A_638, %dma_wait3A_639, %dma_wait3A_640] : memref<3x56x128xf32, #tpu.memory_space<vmem>> -> memref<1x56x128xf32, #tpu.memory_space<vmem>>
      %dma_wait3A_642 = tpu.memref_squeeze %dma_wait3A_641 : memref<1x56x128xf32, #tpu.memory_space<vmem>> -> memref<56x128xf32, #tpu.memory_space<vmem>>
      %dma_wait3A_643 = arith.constant 0 : i32
      %dma_wait3A_644 = tpu.memref_slice %arg10[%dma_wait3A_637, %dma_wait3A_643] : memref<24x56xi32, #tpu.memory_space<vmem>> -> memref<1x56xi32, #tpu.memory_space<vmem>>
      %dma_wait3A_645 = tpu.memref_squeeze %dma_wait3A_644 : memref<1x56xi32, #tpu.memory_space<vmem>> -> memref<56xi32, #tpu.memory_space<vmem>>
      %dma_wait3A_646 = arith.constant 0 : i32
      %dma_wait3A_647 = arith.constant 0 : i32
      %dma_wait3A_648 = tpu.memref_slice %arg2[%dma_wait3A_646, %dma_wait3A_647] : memref<10000x128xf32, #tpu.memory_space<hbm>> -> memref<10000x128xf32, #tpu.memory_space<hbm>>
      tpu.wait_indirect_dma semaphore(%arg18 : memref<!tpu.dma_semaphore, #tpu.memory_space<semaphore_mem>>) src(%dma_wait3A_648 : memref<10000x128xf32, #tpu.memory_space<hbm>>) dst(%dma_wait3A_642 : memref<56x128xf32, #tpu.memory_space<vmem>>)
      %dma_start3A_649 = arith.constant 0 : i32
      %dma_start3A_650 = arith.constant 6 : i32
      %dma_start3A_651 = arith.constant 0 : i32
      %dma_start3A_652 = arith.constant 0 : i32
      %dma_start3A_653 = tpu.memref_slice %arg14[%dma_start3A_649, %dma_start3A_651, %dma_start3A_652] : memref<3x56x128xf32, #tpu.memory_space<vmem>> -> memref<1x56x128xf32, #tpu.memory_space<vmem>>
      %dma_start3A_654 = tpu.memref_squeeze %dma_start3A_653 : memref<1x56x128xf32, #tpu.memory_space<vmem>> -> memref<56x128xf32, #tpu.memory_space<vmem>>
      %dma_start3A_655 = arith.constant 0 : i32
      %dma_start3A_656 = tpu.memref_slice %arg11[%dma_start3A_650, %dma_start3A_655] : memref<24x56xi32, #tpu.memory_space<vmem>> -> memref<1x56xi32, #tpu.memory_space<vmem>>
      %dma_start3A_657 = tpu.memref_squeeze %dma_start3A_656 : memref<1x56xi32, #tpu.memory_space<vmem>> -> memref<56xi32, #tpu.memory_space<vmem>>
      %dma_start3A_658 = arith.constant 0 : i32
      %dma_start3A_659 = arith.constant 0 : i32
      %dma_start3A_660 = tpu.memref_slice %arg16[%dma_start3A_658, %dma_start3A_659] : memref<10112x128xf32, #tpu.memory_space<vmem_shared>> -> memref<10112x128xf32, #tpu.memory_space<vmem_shared>>
      tpu.enqueue_indirect_dma source(%dma_start3A_654 : memref<56x128xf32, #tpu.memory_space<vmem>>) target(%dma_start3A_660 : memref<10112x128xf32, #tpu.memory_space<vmem_shared>>) offsets(%dma_start3A_657 : memref<56xi32, #tpu.memory_space<vmem>>) semaphore(%arg21 : memref<!tpu.dma_semaphore, #tpu.memory_space<semaphore_mem>>) {add = true}
      %dma_wait3A_661 = arith.constant 6 : i32
      %dma_wait3A_662 = arith.constant 0 : i32
      %dma_wait3A_663 = arith.constant 0 : i32
      %dma_wait3A_664 = arith.constant 0 : i32
      %dma_wait3A_665 = tpu.memref_slice %arg15[%dma_wait3A_662, %dma_wait3A_663, %dma_wait3A_664] : memref<2x56x128xf32, #tpu.memory_space<vmem>> -> memref<1x56x128xf32, #tpu.memory_space<vmem>>
      %dma_wait3A_666 = tpu.memref_squeeze %dma_wait3A_665 : memref<1x56x128xf32, #tpu.memory_space<vmem>> -> memref<56x128xf32, #tpu.memory_space<vmem>>
      %dma_wait3A_667 = arith.constant 0 : i32
      %dma_wait3A_668 = tpu.memref_slice %arg12[%dma_wait3A_661, %dma_wait3A_667] : memref<24x56xi32, #tpu.memory_space<vmem>> -> memref<1x56xi32, #tpu.memory_space<vmem>>
      %dma_wait3A_669 = tpu.memref_squeeze %dma_wait3A_668 : memref<1x56xi32, #tpu.memory_space<vmem>> -> memref<56xi32, #tpu.memory_space<vmem>>
      %dma_wait3A_670 = arith.constant 0 : i32
      %dma_wait3A_671 = arith.constant 0 : i32
      %dma_wait3A_672 = tpu.memref_slice %arg17[%dma_wait3A_670, %dma_wait3A_671] : memref<18x128xf32, #tpu.memory_space<vmem_shared>> -> memref<18x128xf32, #tpu.memory_space<vmem_shared>>
      tpu.wait_indirect_dma semaphore(%arg24 : memref<!tpu.dma_semaphore, #tpu.memory_space<semaphore_mem>>) src(%dma_wait3A_672 : memref<18x128xf32, #tpu.memory_space<vmem_shared>>) dst(%dma_wait3A_666 : memref<56x128xf32, #tpu.memory_space<vmem>>)
      %dma_start3A_673 = arith.constant 0 : i32
      %dma_start3A_674 = arith.constant 6 : i32
      %dma_start3A_675 = arith.constant 0 : i32
      %dma_start3A_676 = arith.constant 0 : i32
      %dma_start3A_677 = tpu.memref_slice %arg15[%dma_start3A_673, %dma_start3A_675, %dma_start3A_676] : memref<2x56x128xf32, #tpu.memory_space<vmem>> -> memref<1x56x128xf32, #tpu.memory_space<vmem>>
      %dma_start3A_678 = tpu.memref_squeeze %dma_start3A_677 : memref<1x56x128xf32, #tpu.memory_space<vmem>> -> memref<56x128xf32, #tpu.memory_space<vmem>>
      %dma_start3A_679 = arith.constant 0 : i32
      %dma_start3A_680 = tpu.memref_slice %arg13[%dma_start3A_674, %dma_start3A_679] : memref<24x56xi32, #tpu.memory_space<vmem>> -> memref<1x56xi32, #tpu.memory_space<vmem>>
      %dma_start3A_681 = tpu.memref_squeeze %dma_start3A_680 : memref<1x56xi32, #tpu.memory_space<vmem>> -> memref<56xi32, #tpu.memory_space<vmem>>
      %dma_start3A_682 = arith.constant 0 : i32
      %dma_start3A_683 = arith.constant 0 : i32
      %dma_start3A_684 = tpu.memref_slice %arg16[%dma_start3A_682, %dma_start3A_683] : memref<10112x128xf32, #tpu.memory_space<vmem_shared>> -> memref<10112x128xf32, #tpu.memory_space<vmem_shared>>
      tpu.enqueue_indirect_dma source(%dma_start3A_678 : memref<56x128xf32, #tpu.memory_space<vmem>>) target(%dma_start3A_684 : memref<10112x128xf32, #tpu.memory_space<vmem_shared>>) offsets(%dma_start3A_681 : memref<56xi32, #tpu.memory_space<vmem>>) semaphore(%arg26 : memref<!tpu.dma_semaphore, #tpu.memory_space<semaphore_mem>>) {add = true}
      %dma_wait3A_685 = arith.constant 2 : i32
      %dma_wait3A_686 = arith.constant 5 : i32
      %dma_wait3A_687 = arith.constant 0 : i32
      %dma_wait3A_688 = arith.constant 0 : i32
      %dma_wait3A_689 = tpu.memref_slice %arg14[%dma_wait3A_685, %dma_wait3A_687, %dma_wait3A_688] : memref<3x56x128xf32, #tpu.memory_space<vmem>> -> memref<1x56x128xf32, #tpu.memory_space<vmem>>
      %dma_wait3A_690 = tpu.memref_squeeze %dma_wait3A_689 : memref<1x56x128xf32, #tpu.memory_space<vmem>> -> memref<56x128xf32, #tpu.memory_space<vmem>>
      %dma_wait3A_691 = arith.constant 0 : i32
      %dma_wait3A_692 = tpu.memref_slice %arg11[%dma_wait3A_686, %dma_wait3A_691] : memref<24x56xi32, #tpu.memory_space<vmem>> -> memref<1x56xi32, #tpu.memory_space<vmem>>
      %dma_wait3A_693 = tpu.memref_squeeze %dma_wait3A_692 : memref<1x56xi32, #tpu.memory_space<vmem>> -> memref<56xi32, #tpu.memory_space<vmem>>
      %dma_wait3A_694 = arith.constant 0 : i32
      %dma_wait3A_695 = arith.constant 0 : i32
      %dma_wait3A_696 = tpu.memref_slice %arg16[%dma_wait3A_694, %dma_wait3A_695] : memref<10112x128xf32, #tpu.memory_space<vmem_shared>> -> memref<10112x128xf32, #tpu.memory_space<vmem_shared>>
      tpu.wait_indirect_dma semaphore(%arg23 : memref<!tpu.dma_semaphore, #tpu.memory_space<semaphore_mem>>) src(%dma_wait3A_690 : memref<56x128xf32, #tpu.memory_space<vmem>>) dst(%dma_wait3A_696 : memref<10112x128xf32, #tpu.memory_space<vmem_shared>>)
      %dma_start3A_697 = arith.constant 8 : i32
      %dma_start3A_698 = arith.constant 2 : i32
      %dma_start3A_699 = arith.constant 0 : i32
      %dma_start3A_700 = arith.constant 0 : i32
      %dma_start3A_701 = tpu.memref_slice %arg14[%dma_start3A_698, %dma_start3A_699, %dma_start3A_700] : memref<3x56x128xf32, #tpu.memory_space<vmem>> -> memref<1x56x128xf32, #tpu.memory_space<vmem>>
      %dma_start3A_702 = tpu.memref_squeeze %dma_start3A_701 : memref<1x56x128xf32, #tpu.memory_space<vmem>> -> memref<56x128xf32, #tpu.memory_space<vmem>>
      %dma_start3A_703 = arith.constant 0 : i32
      %dma_start3A_704 = tpu.memref_slice %arg10[%dma_start3A_697, %dma_start3A_703] : memref<24x56xi32, #tpu.memory_space<vmem>> -> memref<1x56xi32, #tpu.memory_space<vmem>>
      %dma_start3A_705 = tpu.memref_squeeze %dma_start3A_704 : memref<1x56xi32, #tpu.memory_space<vmem>> -> memref<56xi32, #tpu.memory_space<vmem>>
      %dma_start3A_706 = arith.constant 0 : i32
      %dma_start3A_707 = arith.constant 0 : i32
      %dma_start3A_708 = tpu.memref_slice %arg2[%dma_start3A_706, %dma_start3A_707] : memref<10000x128xf32, #tpu.memory_space<hbm>> -> memref<10000x128xf32, #tpu.memory_space<hbm>>
      tpu.enqueue_indirect_dma source(%dma_start3A_708 : memref<10000x128xf32, #tpu.memory_space<hbm>>) target(%dma_start3A_702 : memref<56x128xf32, #tpu.memory_space<vmem>>) offsets(%dma_start3A_705 : memref<56xi32, #tpu.memory_space<vmem>>) semaphore(%arg20 : memref<!tpu.dma_semaphore, #tpu.memory_space<semaphore_mem>>)
      %dma_wait3A_709 = arith.constant 0 : i32
      %dma_wait3A_710 = arith.constant 6 : i32
      %dma_wait3A_711 = arith.constant 0 : i32
      %dma_wait3A_712 = arith.constant 0 : i32
      %dma_wait3A_713 = tpu.memref_slice %arg15[%dma_wait3A_709, %dma_wait3A_711, %dma_wait3A_712] : memref<2x56x128xf32, #tpu.memory_space<vmem>> -> memref<1x56x128xf32, #tpu.memory_space<vmem>>
      %dma_wait3A_714 = tpu.memref_squeeze %dma_wait3A_713 : memref<1x56x128xf32, #tpu.memory_space<vmem>> -> memref<56x128xf32, #tpu.memory_space<vmem>>
      %dma_wait3A_715 = arith.constant 0 : i32
      %dma_wait3A_716 = tpu.memref_slice %arg13[%dma_wait3A_710, %dma_wait3A_715] : memref<24x56xi32, #tpu.memory_space<vmem>> -> memref<1x56xi32, #tpu.memory_space<vmem>>
      %dma_wait3A_717 = tpu.memref_squeeze %dma_wait3A_716 : memref<1x56xi32, #tpu.memory_space<vmem>> -> memref<56xi32, #tpu.memory_space<vmem>>
      %dma_wait3A_718 = arith.constant 0 : i32
      %dma_wait3A_719 = arith.constant 0 : i32
      %dma_wait3A_720 = tpu.memref_slice %arg16[%dma_wait3A_718, %dma_wait3A_719] : memref<10112x128xf32, #tpu.memory_space<vmem_shared>> -> memref<10112x128xf32, #tpu.memory_space<vmem_shared>>
      tpu.wait_indirect_dma semaphore(%arg26 : memref<!tpu.dma_semaphore, #tpu.memory_space<semaphore_mem>>) src(%dma_wait3A_714 : memref<56x128xf32, #tpu.memory_space<vmem>>) dst(%dma_wait3A_720 : memref<10112x128xf32, #tpu.memory_space<vmem_shared>>)
      %dma_start3A_721 = arith.constant 8 : i32
      %dma_start3A_722 = arith.constant 0 : i32
      %dma_start3A_723 = arith.constant 0 : i32
      %dma_start3A_724 = arith.constant 0 : i32
      %dma_start3A_725 = tpu.memref_slice %arg15[%dma_start3A_722, %dma_start3A_723, %dma_start3A_724] : memref<2x56x128xf32, #tpu.memory_space<vmem>> -> memref<1x56x128xf32, #tpu.memory_space<vmem>>
      %dma_start3A_726 = tpu.memref_squeeze %dma_start3A_725 : memref<1x56x128xf32, #tpu.memory_space<vmem>> -> memref<56x128xf32, #tpu.memory_space<vmem>>
      %dma_start3A_727 = arith.constant 0 : i32
      %dma_start3A_728 = tpu.memref_slice %arg12[%dma_start3A_721, %dma_start3A_727] : memref<24x56xi32, #tpu.memory_space<vmem>> -> memref<1x56xi32, #tpu.memory_space<vmem>>
      %dma_start3A_729 = tpu.memref_squeeze %dma_start3A_728 : memref<1x56xi32, #tpu.memory_space<vmem>> -> memref<56xi32, #tpu.memory_space<vmem>>
      %dma_start3A_730 = arith.constant 0 : i32
      %dma_start3A_731 = arith.constant 0 : i32
      %dma_start3A_732 = tpu.memref_slice %arg17[%dma_start3A_730, %dma_start3A_731] : memref<18x128xf32, #tpu.memory_space<vmem_shared>> -> memref<18x128xf32, #tpu.memory_space<vmem_shared>>
      tpu.enqueue_indirect_dma source(%dma_start3A_732 : memref<18x128xf32, #tpu.memory_space<vmem_shared>>) target(%dma_start3A_726 : memref<56x128xf32, #tpu.memory_space<vmem>>) offsets(%dma_start3A_729 : memref<56xi32, #tpu.memory_space<vmem>>) semaphore(%arg24 : memref<!tpu.dma_semaphore, #tpu.memory_space<semaphore_mem>>)
      %dma_wait3A_733 = arith.constant 7 : i32
      %dma_wait3A_734 = arith.constant 1 : i32
      %dma_wait3A_735 = arith.constant 0 : i32
      %dma_wait3A_736 = arith.constant 0 : i32
      %dma_wait3A_737 = tpu.memref_slice %arg14[%dma_wait3A_734, %dma_wait3A_735, %dma_wait3A_736] : memref<3x56x128xf32, #tpu.memory_space<vmem>> -> memref<1x56x128xf32, #tpu.memory_space<vmem>>
      %dma_wait3A_738 = tpu.memref_squeeze %dma_wait3A_737 : memref<1x56x128xf32, #tpu.memory_space<vmem>> -> memref<56x128xf32, #tpu.memory_space<vmem>>
      %dma_wait3A_739 = arith.constant 0 : i32
      %dma_wait3A_740 = tpu.memref_slice %arg10[%dma_wait3A_733, %dma_wait3A_739] : memref<24x56xi32, #tpu.memory_space<vmem>> -> memref<1x56xi32, #tpu.memory_space<vmem>>
      %dma_wait3A_741 = tpu.memref_squeeze %dma_wait3A_740 : memref<1x56xi32, #tpu.memory_space<vmem>> -> memref<56xi32, #tpu.memory_space<vmem>>
      %dma_wait3A_742 = arith.constant 0 : i32
      %dma_wait3A_743 = arith.constant 0 : i32
      %dma_wait3A_744 = tpu.memref_slice %arg2[%dma_wait3A_742, %dma_wait3A_743] : memref<10000x128xf32, #tpu.memory_space<hbm>> -> memref<10000x128xf32, #tpu.memory_space<hbm>>
      tpu.wait_indirect_dma semaphore(%arg19 : memref<!tpu.dma_semaphore, #tpu.memory_space<semaphore_mem>>) src(%dma_wait3A_744 : memref<10000x128xf32, #tpu.memory_space<hbm>>) dst(%dma_wait3A_738 : memref<56x128xf32, #tpu.memory_space<vmem>>)
      %dma_start3A_745 = arith.constant 1 : i32
      %dma_start3A_746 = arith.constant 7 : i32
      %dma_start3A_747 = arith.constant 0 : i32
      %dma_start3A_748 = arith.constant 0 : i32
      %dma_start3A_749 = tpu.memref_slice %arg14[%dma_start3A_745, %dma_start3A_747, %dma_start3A_748] : memref<3x56x128xf32, #tpu.memory_space<vmem>> -> memref<1x56x128xf32, #tpu.memory_space<vmem>>
      %dma_start3A_750 = tpu.memref_squeeze %dma_start3A_749 : memref<1x56x128xf32, #tpu.memory_space<vmem>> -> memref<56x128xf32, #tpu.memory_space<vmem>>
      %dma_start3A_751 = arith.constant 0 : i32
      %dma_start3A_752 = tpu.memref_slice %arg11[%dma_start3A_746, %dma_start3A_751] : memref<24x56xi32, #tpu.memory_space<vmem>> -> memref<1x56xi32, #tpu.memory_space<vmem>>
      %dma_start3A_753 = tpu.memref_squeeze %dma_start3A_752 : memref<1x56xi32, #tpu.memory_space<vmem>> -> memref<56xi32, #tpu.memory_space<vmem>>
      %dma_start3A_754 = arith.constant 0 : i32
      %dma_start3A_755 = arith.constant 0 : i32
      %dma_start3A_756 = tpu.memref_slice %arg16[%dma_start3A_754, %dma_start3A_755] : memref<10112x128xf32, #tpu.memory_space<vmem_shared>> -> memref<10112x128xf32, #tpu.memory_space<vmem_shared>>
      tpu.enqueue_indirect_dma source(%dma_start3A_750 : memref<56x128xf32, #tpu.memory_space<vmem>>) target(%dma_start3A_756 : memref<10112x128xf32, #tpu.memory_space<vmem_shared>>) offsets(%dma_start3A_753 : memref<56xi32, #tpu.memory_space<vmem>>) semaphore(%arg22 : memref<!tpu.dma_semaphore, #tpu.memory_space<semaphore_mem>>) {add = true}
      %dma_wait3A_757 = arith.constant 7 : i32
      %dma_wait3A_758 = arith.constant 1 : i32
      %dma_wait3A_759 = arith.constant 0 : i32
      %dma_wait3A_760 = arith.constant 0 : i32
      %dma_wait3A_761 = tpu.memref_slice %arg15[%dma_wait3A_758, %dma_wait3A_759, %dma_wait3A_760] : memref<2x56x128xf32, #tpu.memory_space<vmem>> -> memref<1x56x128xf32, #tpu.memory_space<vmem>>
      %dma_wait3A_762 = tpu.memref_squeeze %dma_wait3A_761 : memref<1x56x128xf32, #tpu.memory_space<vmem>> -> memref<56x128xf32, #tpu.memory_space<vmem>>
      %dma_wait3A_763 = arith.constant 0 : i32
      %dma_wait3A_764 = tpu.memref_slice %arg12[%dma_wait3A_757, %dma_wait3A_763] : memref<24x56xi32, #tpu.memory_space<vmem>> -> memref<1x56xi32, #tpu.memory_space<vmem>>
      %dma_wait3A_765 = tpu.memref_squeeze %dma_wait3A_764 : memref<1x56xi32, #tpu.memory_space<vmem>> -> memref<56xi32, #tpu.memory_space<vmem>>
      %dma_wait3A_766 = arith.constant 0 : i32
      %dma_wait3A_767 = arith.constant 0 : i32
      %dma_wait3A_768 = tpu.memref_slice %arg17[%dma_wait3A_766, %dma_wait3A_767] : memref<18x128xf32, #tpu.memory_space<vmem_shared>> -> memref<18x128xf32, #tpu.memory_space<vmem_shared>>
      tpu.wait_indirect_dma semaphore(%arg25 : memref<!tpu.dma_semaphore, #tpu.memory_space<semaphore_mem>>) src(%dma_wait3A_768 : memref<18x128xf32, #tpu.memory_space<vmem_shared>>) dst(%dma_wait3A_762 : memref<56x128xf32, #tpu.memory_space<vmem>>)
      %dma_start3A_769 = arith.constant 1 : i32
      %dma_start3A_770 = arith.constant 7 : i32
      %dma_start3A_771 = arith.constant 0 : i32
      %dma_start3A_772 = arith.constant 0 : i32
      %dma_start3A_773 = tpu.memref_slice %arg15[%dma_start3A_769, %dma_start3A_771, %dma_start3A_772] : memref<2x56x128xf32, #tpu.memory_space<vmem>> -> memref<1x56x128xf32, #tpu.memory_space<vmem>>
      %dma_start3A_774 = tpu.memref_squeeze %dma_start3A_773 : memref<1x56x128xf32, #tpu.memory_space<vmem>> -> memref<56x128xf32, #tpu.memory_space<vmem>>
      %dma_start3A_775 = arith.constant 0 : i32
      %dma_start3A_776 = tpu.memref_slice %arg13[%dma_start3A_770, %dma_start3A_775] : memref<24x56xi32, #tpu.memory_space<vmem>> -> memref<1x56xi32, #tpu.memory_space<vmem>>
      %dma_start3A_777 = tpu.memref_squeeze %dma_start3A_776 : memref<1x56xi32, #tpu.memory_space<vmem>> -> memref<56xi32, #tpu.memory_space<vmem>>
      %dma_start3A_778 = arith.constant 0 : i32
      %dma_start3A_779 = arith.constant 0 : i32
      %dma_start3A_780 = tpu.memref_slice %arg16[%dma_start3A_778, %dma_start3A_779] : memref<10112x128xf32, #tpu.memory_space<vmem_shared>> -> memref<10112x128xf32, #tpu.memory_space<vmem_shared>>
      tpu.enqueue_indirect_dma source(%dma_start3A_774 : memref<56x128xf32, #tpu.memory_space<vmem>>) target(%dma_start3A_780 : memref<10112x128xf32, #tpu.memory_space<vmem_shared>>) offsets(%dma_start3A_777 : memref<56xi32, #tpu.memory_space<vmem>>) semaphore(%arg27 : memref<!tpu.dma_semaphore, #tpu.memory_space<semaphore_mem>>) {add = true}
      %dma_wait3A_781 = arith.constant 0 : i32
      %dma_wait3A_782 = arith.constant 6 : i32
      %dma_wait3A_783 = arith.constant 0 : i32
      %dma_wait3A_784 = arith.constant 0 : i32
      %dma_wait3A_785 = tpu.memref_slice %arg14[%dma_wait3A_781, %dma_wait3A_783, %dma_wait3A_784] : memref<3x56x128xf32, #tpu.memory_space<vmem>> -> memref<1x56x128xf32, #tpu.memory_space<vmem>>
      %dma_wait3A_786 = tpu.memref_squeeze %dma_wait3A_785 : memref<1x56x128xf32, #tpu.memory_space<vmem>> -> memref<56x128xf32, #tpu.memory_space<vmem>>
      %dma_wait3A_787 = arith.constant 0 : i32
      %dma_wait3A_788 = tpu.memref_slice %arg11[%dma_wait3A_782, %dma_wait3A_787] : memref<24x56xi32, #tpu.memory_space<vmem>> -> memref<1x56xi32, #tpu.memory_space<vmem>>
      %dma_wait3A_789 = tpu.memref_squeeze %dma_wait3A_788 : memref<1x56xi32, #tpu.memory_space<vmem>> -> memref<56xi32, #tpu.memory_space<vmem>>
      %dma_wait3A_790 = arith.constant 0 : i32
      %dma_wait3A_791 = arith.constant 0 : i32
      %dma_wait3A_792 = tpu.memref_slice %arg16[%dma_wait3A_790, %dma_wait3A_791] : memref<10112x128xf32, #tpu.memory_space<vmem_shared>> -> memref<10112x128xf32, #tpu.memory_space<vmem_shared>>
      tpu.wait_indirect_dma semaphore(%arg21 : memref<!tpu.dma_semaphore, #tpu.memory_space<semaphore_mem>>) src(%dma_wait3A_786 : memref<56x128xf32, #tpu.memory_space<vmem>>) dst(%dma_wait3A_792 : memref<10112x128xf32, #tpu.memory_space<vmem_shared>>)
      %dma_start3A_793 = arith.constant 9 : i32
      %dma_start3A_794 = arith.constant 0 : i32
      %dma_start3A_795 = arith.constant 0 : i32
      %dma_start3A_796 = arith.constant 0 : i32
      %dma_start3A_797 = tpu.memref_slice %arg14[%dma_start3A_794, %dma_start3A_795, %dma_start3A_796] : memref<3x56x128xf32, #tpu.memory_space<vmem>> -> memref<1x56x128xf32, #tpu.memory_space<vmem>>
      %dma_start3A_798 = tpu.memref_squeeze %dma_start3A_797 : memref<1x56x128xf32, #tpu.memory_space<vmem>> -> memref<56x128xf32, #tpu.memory_space<vmem>>
      %dma_start3A_799 = arith.constant 0 : i32
      %dma_start3A_800 = tpu.memref_slice %arg10[%dma_start3A_793, %dma_start3A_799] : memref<24x56xi32, #tpu.memory_space<vmem>> -> memref<1x56xi32, #tpu.memory_space<vmem>>
      %dma_start3A_801 = tpu.memref_squeeze %dma_start3A_800 : memref<1x56xi32, #tpu.memory_space<vmem>> -> memref<56xi32, #tpu.memory_space<vmem>>
      %dma_start3A_802 = arith.constant 0 : i32
      %dma_start3A_803 = arith.constant 0 : i32
      %dma_start3A_804 = tpu.memref_slice %arg2[%dma_start3A_802, %dma_start3A_803] : memref<10000x128xf32, #tpu.memory_space<hbm>> -> memref<10000x128xf32, #tpu.memory_space<hbm>>
      tpu.enqueue_indirect_dma source(%dma_start3A_804 : memref<10000x128xf32, #tpu.memory_space<hbm>>) target(%dma_start3A_798 : memref<56x128xf32, #tpu.memory_space<vmem>>) offsets(%dma_start3A_801 : memref<56xi32, #tpu.memory_space<vmem>>) semaphore(%arg18 : memref<!tpu.dma_semaphore, #tpu.memory_space<semaphore_mem>>)
      %dma_wait3A_805 = arith.constant 1 : i32
      %dma_wait3A_806 = arith.constant 7 : i32
      %dma_wait3A_807 = arith.constant 0 : i32
      %dma_wait3A_808 = arith.constant 0 : i32
      %dma_wait3A_809 = tpu.memref_slice %arg15[%dma_wait3A_805, %dma_wait3A_807, %dma_wait3A_808] : memref<2x56x128xf32, #tpu.memory_space<vmem>> -> memref<1x56x128xf32, #tpu.memory_space<vmem>>
      %dma_wait3A_810 = tpu.memref_squeeze %dma_wait3A_809 : memref<1x56x128xf32, #tpu.memory_space<vmem>> -> memref<56x128xf32, #tpu.memory_space<vmem>>
      %dma_wait3A_811 = arith.constant 0 : i32
      %dma_wait3A_812 = tpu.memref_slice %arg13[%dma_wait3A_806, %dma_wait3A_811] : memref<24x56xi32, #tpu.memory_space<vmem>> -> memref<1x56xi32, #tpu.memory_space<vmem>>
      %dma_wait3A_813 = tpu.memref_squeeze %dma_wait3A_812 : memref<1x56xi32, #tpu.memory_space<vmem>> -> memref<56xi32, #tpu.memory_space<vmem>>
      %dma_wait3A_814 = arith.constant 0 : i32
      %dma_wait3A_815 = arith.constant 0 : i32
      %dma_wait3A_816 = tpu.memref_slice %arg16[%dma_wait3A_814, %dma_wait3A_815] : memref<10112x128xf32, #tpu.memory_space<vmem_shared>> -> memref<10112x128xf32, #tpu.memory_space<vmem_shared>>
      tpu.wait_indirect_dma semaphore(%arg27 : memref<!tpu.dma_semaphore, #tpu.memory_space<semaphore_mem>>) src(%dma_wait3A_810 : memref<56x128xf32, #tpu.memory_space<vmem>>) dst(%dma_wait3A_816 : memref<10112x128xf32, #tpu.memory_space<vmem_shared>>)
      %dma_start3A_817 = arith.constant 9 : i32
      %dma_start3A_818 = arith.constant 1 : i32
      %dma_start3A_819 = arith.constant 0 : i32
      %dma_start3A_820 = arith.constant 0 : i32
      %dma_start3A_821 = tpu.memref_slice %arg15[%dma_start3A_818, %dma_start3A_819, %dma_start3A_820] : memref<2x56x128xf32, #tpu.memory_space<vmem>> -> memref<1x56x128xf32, #tpu.memory_space<vmem>>
      %dma_start3A_822 = tpu.memref_squeeze %dma_start3A_821 : memref<1x56x128xf32, #tpu.memory_space<vmem>> -> memref<56x128xf32, #tpu.memory_space<vmem>>
      %dma_start3A_823 = arith.constant 0 : i32
      %dma_start3A_824 = tpu.memref_slice %arg12[%dma_start3A_817, %dma_start3A_823] : memref<24x56xi32, #tpu.memory_space<vmem>> -> memref<1x56xi32, #tpu.memory_space<vmem>>
      %dma_start3A_825 = tpu.memref_squeeze %dma_start3A_824 : memref<1x56xi32, #tpu.memory_space<vmem>> -> memref<56xi32, #tpu.memory_space<vmem>>
      %dma_start3A_826 = arith.constant 0 : i32
      %dma_start3A_827 = arith.constant 0 : i32
      %dma_start3A_828 = tpu.memref_slice %arg17[%dma_start3A_826, %dma_start3A_827] : memref<18x128xf32, #tpu.memory_space<vmem_shared>> -> memref<18x128xf32, #tpu.memory_space<vmem_shared>>
      tpu.enqueue_indirect_dma source(%dma_start3A_828 : memref<18x128xf32, #tpu.memory_space<vmem_shared>>) target(%dma_start3A_822 : memref<56x128xf32, #tpu.memory_space<vmem>>) offsets(%dma_start3A_825 : memref<56xi32, #tpu.memory_space<vmem>>) semaphore(%arg25 : memref<!tpu.dma_semaphore, #tpu.memory_space<semaphore_mem>>)
      %dma_wait3A_829 = arith.constant 8 : i32
      %dma_wait3A_830 = arith.constant 2 : i32
      %dma_wait3A_831 = arith.constant 0 : i32
      %dma_wait3A_832 = arith.constant 0 : i32
      %dma_wait3A_833 = tpu.memref_slice %arg14[%dma_wait3A_830, %dma_wait3A_831, %dma_wait3A_832] : memref<3x56x128xf32, #tpu.memory_space<vmem>> -> memref<1x56x128xf32, #tpu.memory_space<vmem>>
      %dma_wait3A_834 = tpu.memref_squeeze %dma_wait3A_833 : memref<1x56x128xf32, #tpu.memory_space<vmem>> -> memref<56x128xf32, #tpu.memory_space<vmem>>
      %dma_wait3A_835 = arith.constant 0 : i32
      %dma_wait3A_836 = tpu.memref_slice %arg10[%dma_wait3A_829, %dma_wait3A_835] : memref<24x56xi32, #tpu.memory_space<vmem>> -> memref<1x56xi32, #tpu.memory_space<vmem>>
      %dma_wait3A_837 = tpu.memref_squeeze %dma_wait3A_836 : memref<1x56xi32, #tpu.memory_space<vmem>> -> memref<56xi32, #tpu.memory_space<vmem>>
      %dma_wait3A_838 = arith.constant 0 : i32
      %dma_wait3A_839 = arith.constant 0 : i32
      %dma_wait3A_840 = tpu.memref_slice %arg2[%dma_wait3A_838, %dma_wait3A_839] : memref<10000x128xf32, #tpu.memory_space<hbm>> -> memref<10000x128xf32, #tpu.memory_space<hbm>>
      tpu.wait_indirect_dma semaphore(%arg20 : memref<!tpu.dma_semaphore, #tpu.memory_space<semaphore_mem>>) src(%dma_wait3A_840 : memref<10000x128xf32, #tpu.memory_space<hbm>>) dst(%dma_wait3A_834 : memref<56x128xf32, #tpu.memory_space<vmem>>)
      %dma_start3A_841 = arith.constant 2 : i32
      %dma_start3A_842 = arith.constant 8 : i32
      %dma_start3A_843 = arith.constant 0 : i32
      %dma_start3A_844 = arith.constant 0 : i32
      %dma_start3A_845 = tpu.memref_slice %arg14[%dma_start3A_841, %dma_start3A_843, %dma_start3A_844] : memref<3x56x128xf32, #tpu.memory_space<vmem>> -> memref<1x56x128xf32, #tpu.memory_space<vmem>>
      %dma_start3A_846 = tpu.memref_squeeze %dma_start3A_845 : memref<1x56x128xf32, #tpu.memory_space<vmem>> -> memref<56x128xf32, #tpu.memory_space<vmem>>
      %dma_start3A_847 = arith.constant 0 : i32
      %dma_start3A_848 = tpu.memref_slice %arg11[%dma_start3A_842, %dma_start3A_847] : memref<24x56xi32, #tpu.memory_space<vmem>> -> memref<1x56xi32, #tpu.memory_space<vmem>>
      %dma_start3A_849 = tpu.memref_squeeze %dma_start3A_848 : memref<1x56xi32, #tpu.memory_space<vmem>> -> memref<56xi32, #tpu.memory_space<vmem>>
      %dma_start3A_850 = arith.constant 0 : i32
      %dma_start3A_851 = arith.constant 0 : i32
      %dma_start3A_852 = tpu.memref_slice %arg16[%dma_start3A_850, %dma_start3A_851] : memref<10112x128xf32, #tpu.memory_space<vmem_shared>> -> memref<10112x128xf32, #tpu.memory_space<vmem_shared>>
      tpu.enqueue_indirect_dma source(%dma_start3A_846 : memref<56x128xf32, #tpu.memory_space<vmem>>) target(%dma_start3A_852 : memref<10112x128xf32, #tpu.memory_space<vmem_shared>>) offsets(%dma_start3A_849 : memref<56xi32, #tpu.memory_space<vmem>>) semaphore(%arg23 : memref<!tpu.dma_semaphore, #tpu.memory_space<semaphore_mem>>) {add = true}
      %dma_wait3A_853 = arith.constant 8 : i32
      %dma_wait3A_854 = arith.constant 0 : i32
      %dma_wait3A_855 = arith.constant 0 : i32
      %dma_wait3A_856 = arith.constant 0 : i32
      %dma_wait3A_857 = tpu.memref_slice %arg15[%dma_wait3A_854, %dma_wait3A_855, %dma_wait3A_856] : memref<2x56x128xf32, #tpu.memory_space<vmem>> -> memref<1x56x128xf32, #tpu.memory_space<vmem>>
      %dma_wait3A_858 = tpu.memref_squeeze %dma_wait3A_857 : memref<1x56x128xf32, #tpu.memory_space<vmem>> -> memref<56x128xf32, #tpu.memory_space<vmem>>
      %dma_wait3A_859 = arith.constant 0 : i32
      %dma_wait3A_860 = tpu.memref_slice %arg12[%dma_wait3A_853, %dma_wait3A_859] : memref<24x56xi32, #tpu.memory_space<vmem>> -> memref<1x56xi32, #tpu.memory_space<vmem>>
      %dma_wait3A_861 = tpu.memref_squeeze %dma_wait3A_860 : memref<1x56xi32, #tpu.memory_space<vmem>> -> memref<56xi32, #tpu.memory_space<vmem>>
      %dma_wait3A_862 = arith.constant 0 : i32
      %dma_wait3A_863 = arith.constant 0 : i32
      %dma_wait3A_864 = tpu.memref_slice %arg17[%dma_wait3A_862, %dma_wait3A_863] : memref<18x128xf32, #tpu.memory_space<vmem_shared>> -> memref<18x128xf32, #tpu.memory_space<vmem_shared>>
      tpu.wait_indirect_dma semaphore(%arg24 : memref<!tpu.dma_semaphore, #tpu.memory_space<semaphore_mem>>) src(%dma_wait3A_864 : memref<18x128xf32, #tpu.memory_space<vmem_shared>>) dst(%dma_wait3A_858 : memref<56x128xf32, #tpu.memory_space<vmem>>)
      %dma_start3A_865 = arith.constant 0 : i32
      %dma_start3A_866 = arith.constant 8 : i32
      %dma_start3A_867 = arith.constant 0 : i32
      %dma_start3A_868 = arith.constant 0 : i32
      %dma_start3A_869 = tpu.memref_slice %arg15[%dma_start3A_865, %dma_start3A_867, %dma_start3A_868] : memref<2x56x128xf32, #tpu.memory_space<vmem>> -> memref<1x56x128xf32, #tpu.memory_space<vmem>>
      %dma_start3A_870 = tpu.memref_squeeze %dma_start3A_869 : memref<1x56x128xf32, #tpu.memory_space<vmem>> -> memref<56x128xf32, #tpu.memory_space<vmem>>
      %dma_start3A_871 = arith.constant 0 : i32
      %dma_start3A_872 = tpu.memref_slice %arg13[%dma_start3A_866, %dma_start3A_871] : memref<24x56xi32, #tpu.memory_space<vmem>> -> memref<1x56xi32, #tpu.memory_space<vmem>>
      %dma_start3A_873 = tpu.memref_squeeze %dma_start3A_872 : memref<1x56xi32, #tpu.memory_space<vmem>> -> memref<56xi32, #tpu.memory_space<vmem>>
      %dma_start3A_874 = arith.constant 0 : i32
      %dma_start3A_875 = arith.constant 0 : i32
      %dma_start3A_876 = tpu.memref_slice %arg16[%dma_start3A_874, %dma_start3A_875] : memref<10112x128xf32, #tpu.memory_space<vmem_shared>> -> memref<10112x128xf32, #tpu.memory_space<vmem_shared>>
      tpu.enqueue_indirect_dma source(%dma_start3A_870 : memref<56x128xf32, #tpu.memory_space<vmem>>) target(%dma_start3A_876 : memref<10112x128xf32, #tpu.memory_space<vmem_shared>>) offsets(%dma_start3A_873 : memref<56xi32, #tpu.memory_space<vmem>>) semaphore(%arg26 : memref<!tpu.dma_semaphore, #tpu.memory_space<semaphore_mem>>) {add = true}
      %dma_wait3A_877 = arith.constant 1 : i32
      %dma_wait3A_878 = arith.constant 7 : i32
      %dma_wait3A_879 = arith.constant 0 : i32
      %dma_wait3A_880 = arith.constant 0 : i32
      %dma_wait3A_881 = tpu.memref_slice %arg14[%dma_wait3A_877, %dma_wait3A_879, %dma_wait3A_880] : memref<3x56x128xf32, #tpu.memory_space<vmem>> -> memref<1x56x128xf32, #tpu.memory_space<vmem>>
      %dma_wait3A_882 = tpu.memref_squeeze %dma_wait3A_881 : memref<1x56x128xf32, #tpu.memory_space<vmem>> -> memref<56x128xf32, #tpu.memory_space<vmem>>
      %dma_wait3A_883 = arith.constant 0 : i32
      %dma_wait3A_884 = tpu.memref_slice %arg11[%dma_wait3A_878, %dma_wait3A_883] : memref<24x56xi32, #tpu.memory_space<vmem>> -> memref<1x56xi32, #tpu.memory_space<vmem>>
      %dma_wait3A_885 = tpu.memref_squeeze %dma_wait3A_884 : memref<1x56xi32, #tpu.memory_space<vmem>> -> memref<56xi32, #tpu.memory_space<vmem>>
      %dma_wait3A_886 = arith.constant 0 : i32
      %dma_wait3A_887 = arith.constant 0 : i32
      %dma_wait3A_888 = tpu.memref_slice %arg16[%dma_wait3A_886, %dma_wait3A_887] : memref<10112x128xf32, #tpu.memory_space<vmem_shared>> -> memref<10112x128xf32, #tpu.memory_space<vmem_shared>>
      tpu.wait_indirect_dma semaphore(%arg22 : memref<!tpu.dma_semaphore, #tpu.memory_space<semaphore_mem>>) src(%dma_wait3A_882 : memref<56x128xf32, #tpu.memory_space<vmem>>) dst(%dma_wait3A_888 : memref<10112x128xf32, #tpu.memory_space<vmem_shared>>)
      %dma_start3A_889 = arith.constant 10 : i32
      %dma_start3A_890 = arith.constant 1 : i32
      %dma_start3A_891 = arith.constant 0 : i32
      %dma_start3A_892 = arith.constant 0 : i32
      %dma_start3A_893 = tpu.memref_slice %arg14[%dma_start3A_890, %dma_start3A_891, %dma_start3A_892] : memref<3x56x128xf32, #tpu.memory_space<vmem>> -> memref<1x56x128xf32, #tpu.memory_space<vmem>>
      %dma_start3A_894 = tpu.memref_squeeze %dma_start3A_893 : memref<1x56x128xf32, #tpu.memory_space<vmem>> -> memref<56x128xf32, #tpu.memory_space<vmem>>
      %dma_start3A_895 = arith.constant 0 : i32
      %dma_start3A_896 = tpu.memref_slice %arg10[%dma_start3A_889, %dma_start3A_895] : memref<24x56xi32, #tpu.memory_space<vmem>> -> memref<1x56xi32, #tpu.memory_space<vmem>>
      %dma_start3A_897 = tpu.memref_squeeze %dma_start3A_896 : memref<1x56xi32, #tpu.memory_space<vmem>> -> memref<56xi32, #tpu.memory_space<vmem>>
      %dma_start3A_898 = arith.constant 0 : i32
      %dma_start3A_899 = arith.constant 0 : i32
      %dma_start3A_900 = tpu.memref_slice %arg2[%dma_start3A_898, %dma_start3A_899] : memref<10000x128xf32, #tpu.memory_space<hbm>> -> memref<10000x128xf32, #tpu.memory_space<hbm>>
      tpu.enqueue_indirect_dma source(%dma_start3A_900 : memref<10000x128xf32, #tpu.memory_space<hbm>>) target(%dma_start3A_894 : memref<56x128xf32, #tpu.memory_space<vmem>>) offsets(%dma_start3A_897 : memref<56xi32, #tpu.memory_space<vmem>>) semaphore(%arg19 : memref<!tpu.dma_semaphore, #tpu.memory_space<semaphore_mem>>)
      %dma_wait3A_901 = arith.constant 0 : i32
      %dma_wait3A_902 = arith.constant 8 : i32
      %dma_wait3A_903 = arith.constant 0 : i32
      %dma_wait3A_904 = arith.constant 0 : i32
      %dma_wait3A_905 = tpu.memref_slice %arg15[%dma_wait3A_901, %dma_wait3A_903, %dma_wait3A_904] : memref<2x56x128xf32, #tpu.memory_space<vmem>> -> memref<1x56x128xf32, #tpu.memory_space<vmem>>
      %dma_wait3A_906 = tpu.memref_squeeze %dma_wait3A_905 : memref<1x56x128xf32, #tpu.memory_space<vmem>> -> memref<56x128xf32, #tpu.memory_space<vmem>>
      %dma_wait3A_907 = arith.constant 0 : i32
      %dma_wait3A_908 = tpu.memref_slice %arg13[%dma_wait3A_902, %dma_wait3A_907] : memref<24x56xi32, #tpu.memory_space<vmem>> -> memref<1x56xi32, #tpu.memory_space<vmem>>
      %dma_wait3A_909 = tpu.memref_squeeze %dma_wait3A_908 : memref<1x56xi32, #tpu.memory_space<vmem>> -> memref<56xi32, #tpu.memory_space<vmem>>
      %dma_wait3A_910 = arith.constant 0 : i32
      %dma_wait3A_911 = arith.constant 0 : i32
      %dma_wait3A_912 = tpu.memref_slice %arg16[%dma_wait3A_910, %dma_wait3A_911] : memref<10112x128xf32, #tpu.memory_space<vmem_shared>> -> memref<10112x128xf32, #tpu.memory_space<vmem_shared>>
      tpu.wait_indirect_dma semaphore(%arg26 : memref<!tpu.dma_semaphore, #tpu.memory_space<semaphore_mem>>) src(%dma_wait3A_906 : memref<56x128xf32, #tpu.memory_space<vmem>>) dst(%dma_wait3A_912 : memref<10112x128xf32, #tpu.memory_space<vmem_shared>>)
      %dma_start3A_913 = arith.constant 10 : i32
      %dma_start3A_914 = arith.constant 0 : i32
      %dma_start3A_915 = arith.constant 0 : i32
      %dma_start3A_916 = arith.constant 0 : i32
      %dma_start3A_917 = tpu.memref_slice %arg15[%dma_start3A_914, %dma_start3A_915, %dma_start3A_916] : memref<2x56x128xf32, #tpu.memory_space<vmem>> -> memref<1x56x128xf32, #tpu.memory_space<vmem>>
      %dma_start3A_918 = tpu.memref_squeeze %dma_start3A_917 : memref<1x56x128xf32, #tpu.memory_space<vmem>> -> memref<56x128xf32, #tpu.memory_space<vmem>>
      %dma_start3A_919 = arith.constant 0 : i32
      %dma_start3A_920 = tpu.memref_slice %arg12[%dma_start3A_913, %dma_start3A_919] : memref<24x56xi32, #tpu.memory_space<vmem>> -> memref<1x56xi32, #tpu.memory_space<vmem>>
      %dma_start3A_921 = tpu.memref_squeeze %dma_start3A_920 : memref<1x56xi32, #tpu.memory_space<vmem>> -> memref<56xi32, #tpu.memory_space<vmem>>
      %dma_start3A_922 = arith.constant 0 : i32
      %dma_start3A_923 = arith.constant 0 : i32
      %dma_start3A_924 = tpu.memref_slice %arg17[%dma_start3A_922, %dma_start3A_923] : memref<18x128xf32, #tpu.memory_space<vmem_shared>> -> memref<18x128xf32, #tpu.memory_space<vmem_shared>>
      tpu.enqueue_indirect_dma source(%dma_start3A_924 : memref<18x128xf32, #tpu.memory_space<vmem_shared>>) target(%dma_start3A_918 : memref<56x128xf32, #tpu.memory_space<vmem>>) offsets(%dma_start3A_921 : memref<56xi32, #tpu.memory_space<vmem>>) semaphore(%arg24 : memref<!tpu.dma_semaphore, #tpu.memory_space<semaphore_mem>>)
      %dma_wait3A_925 = arith.constant 9 : i32
      %dma_wait3A_926 = arith.constant 0 : i32
      %dma_wait3A_927 = arith.constant 0 : i32
      %dma_wait3A_928 = arith.constant 0 : i32
      %dma_wait3A_929 = tpu.memref_slice %arg14[%dma_wait3A_926, %dma_wait3A_927, %dma_wait3A_928] : memref<3x56x128xf32, #tpu.memory_space<vmem>> -> memref<1x56x128xf32, #tpu.memory_space<vmem>>
      %dma_wait3A_930 = tpu.memref_squeeze %dma_wait3A_929 : memref<1x56x128xf32, #tpu.memory_space<vmem>> -> memref<56x128xf32, #tpu.memory_space<vmem>>
      %dma_wait3A_931 = arith.constant 0 : i32
      %dma_wait3A_932 = tpu.memref_slice %arg10[%dma_wait3A_925, %dma_wait3A_931] : memref<24x56xi32, #tpu.memory_space<vmem>> -> memref<1x56xi32, #tpu.memory_space<vmem>>
      %dma_wait3A_933 = tpu.memref_squeeze %dma_wait3A_932 : memref<1x56xi32, #tpu.memory_space<vmem>> -> memref<56xi32, #tpu.memory_space<vmem>>
      %dma_wait3A_934 = arith.constant 0 : i32
      %dma_wait3A_935 = arith.constant 0 : i32
      %dma_wait3A_936 = tpu.memref_slice %arg2[%dma_wait3A_934, %dma_wait3A_935] : memref<10000x128xf32, #tpu.memory_space<hbm>> -> memref<10000x128xf32, #tpu.memory_space<hbm>>
      tpu.wait_indirect_dma semaphore(%arg18 : memref<!tpu.dma_semaphore, #tpu.memory_space<semaphore_mem>>) src(%dma_wait3A_936 : memref<10000x128xf32, #tpu.memory_space<hbm>>) dst(%dma_wait3A_930 : memref<56x128xf32, #tpu.memory_space<vmem>>)
      %dma_start3A_937 = arith.constant 0 : i32
      %dma_start3A_938 = arith.constant 9 : i32
      %dma_start3A_939 = arith.constant 0 : i32
      %dma_start3A_940 = arith.constant 0 : i32
      %dma_start3A_941 = tpu.memref_slice %arg14[%dma_start3A_937, %dma_start3A_939, %dma_start3A_940] : memref<3x56x128xf32, #tpu.memory_space<vmem>> -> memref<1x56x128xf32, #tpu.memory_space<vmem>>
      %dma_start3A_942 = tpu.memref_squeeze %dma_start3A_941 : memref<1x56x128xf32, #tpu.memory_space<vmem>> -> memref<56x128xf32, #tpu.memory_space<vmem>>
      %dma_start3A_943 = arith.constant 0 : i32
      %dma_start3A_944 = tpu.memref_slice %arg11[%dma_start3A_938, %dma_start3A_943] : memref<24x56xi32, #tpu.memory_space<vmem>> -> memref<1x56xi32, #tpu.memory_space<vmem>>
      %dma_start3A_945 = tpu.memref_squeeze %dma_start3A_944 : memref<1x56xi32, #tpu.memory_space<vmem>> -> memref<56xi32, #tpu.memory_space<vmem>>
      %dma_start3A_946 = arith.constant 0 : i32
      %dma_start3A_947 = arith.constant 0 : i32
      %dma_start3A_948 = tpu.memref_slice %arg16[%dma_start3A_946, %dma_start3A_947] : memref<10112x128xf32, #tpu.memory_space<vmem_shared>> -> memref<10112x128xf32, #tpu.memory_space<vmem_shared>>
      tpu.enqueue_indirect_dma source(%dma_start3A_942 : memref<56x128xf32, #tpu.memory_space<vmem>>) target(%dma_start3A_948 : memref<10112x128xf32, #tpu.memory_space<vmem_shared>>) offsets(%dma_start3A_945 : memref<56xi32, #tpu.memory_space<vmem>>) semaphore(%arg21 : memref<!tpu.dma_semaphore, #tpu.memory_space<semaphore_mem>>) {add = true}
      %dma_wait3A_949 = arith.constant 9 : i32
      %dma_wait3A_950 = arith.constant 1 : i32
      %dma_wait3A_951 = arith.constant 0 : i32
      %dma_wait3A_952 = arith.constant 0 : i32
      %dma_wait3A_953 = tpu.memref_slice %arg15[%dma_wait3A_950, %dma_wait3A_951, %dma_wait3A_952] : memref<2x56x128xf32, #tpu.memory_space<vmem>> -> memref<1x56x128xf32, #tpu.memory_space<vmem>>
      %dma_wait3A_954 = tpu.memref_squeeze %dma_wait3A_953 : memref<1x56x128xf32, #tpu.memory_space<vmem>> -> memref<56x128xf32, #tpu.memory_space<vmem>>
      %dma_wait3A_955 = arith.constant 0 : i32
      %dma_wait3A_956 = tpu.memref_slice %arg12[%dma_wait3A_949, %dma_wait3A_955] : memref<24x56xi32, #tpu.memory_space<vmem>> -> memref<1x56xi32, #tpu.memory_space<vmem>>
      %dma_wait3A_957 = tpu.memref_squeeze %dma_wait3A_956 : memref<1x56xi32, #tpu.memory_space<vmem>> -> memref<56xi32, #tpu.memory_space<vmem>>
      %dma_wait3A_958 = arith.constant 0 : i32
      %dma_wait3A_959 = arith.constant 0 : i32
      %dma_wait3A_960 = tpu.memref_slice %arg17[%dma_wait3A_958, %dma_wait3A_959] : memref<18x128xf32, #tpu.memory_space<vmem_shared>> -> memref<18x128xf32, #tpu.memory_space<vmem_shared>>
      tpu.wait_indirect_dma semaphore(%arg25 : memref<!tpu.dma_semaphore, #tpu.memory_space<semaphore_mem>>) src(%dma_wait3A_960 : memref<18x128xf32, #tpu.memory_space<vmem_shared>>) dst(%dma_wait3A_954 : memref<56x128xf32, #tpu.memory_space<vmem>>)
      %dma_start3A_961 = arith.constant 1 : i32
      %dma_start3A_962 = arith.constant 9 : i32
      %dma_start3A_963 = arith.constant 0 : i32
      %dma_start3A_964 = arith.constant 0 : i32
      %dma_start3A_965 = tpu.memref_slice %arg15[%dma_start3A_961, %dma_start3A_963, %dma_start3A_964] : memref<2x56x128xf32, #tpu.memory_space<vmem>> -> memref<1x56x128xf32, #tpu.memory_space<vmem>>
      %dma_start3A_966 = tpu.memref_squeeze %dma_start3A_965 : memref<1x56x128xf32, #tpu.memory_space<vmem>> -> memref<56x128xf32, #tpu.memory_space<vmem>>
      %dma_start3A_967 = arith.constant 0 : i32
      %dma_start3A_968 = tpu.memref_slice %arg13[%dma_start3A_962, %dma_start3A_967] : memref<24x56xi32, #tpu.memory_space<vmem>> -> memref<1x56xi32, #tpu.memory_space<vmem>>
      %dma_start3A_969 = tpu.memref_squeeze %dma_start3A_968 : memref<1x56xi32, #tpu.memory_space<vmem>> -> memref<56xi32, #tpu.memory_space<vmem>>
      %dma_start3A_970 = arith.constant 0 : i32
      %dma_start3A_971 = arith.constant 0 : i32
      %dma_start3A_972 = tpu.memref_slice %arg16[%dma_start3A_970, %dma_start3A_971] : memref<10112x128xf32, #tpu.memory_space<vmem_shared>> -> memref<10112x128xf32, #tpu.memory_space<vmem_shared>>
      tpu.enqueue_indirect_dma source(%dma_start3A_966 : memref<56x128xf32, #tpu.memory_space<vmem>>) target(%dma_start3A_972 : memref<10112x128xf32, #tpu.memory_space<vmem_shared>>) offsets(%dma_start3A_969 : memref<56xi32, #tpu.memory_space<vmem>>) semaphore(%arg27 : memref<!tpu.dma_semaphore, #tpu.memory_space<semaphore_mem>>) {add = true}
      %dma_wait3A_973 = arith.constant 2 : i32
      %dma_wait3A_974 = arith.constant 8 : i32
      %dma_wait3A_975 = arith.constant 0 : i32
      %dma_wait3A_976 = arith.constant 0 : i32
      %dma_wait3A_977 = tpu.memref_slice %arg14[%dma_wait3A_973, %dma_wait3A_975, %dma_wait3A_976] : memref<3x56x128xf32, #tpu.memory_space<vmem>> -> memref<1x56x128xf32, #tpu.memory_space<vmem>>
      %dma_wait3A_978 = tpu.memref_squeeze %dma_wait3A_977 : memref<1x56x128xf32, #tpu.memory_space<vmem>> -> memref<56x128xf32, #tpu.memory_space<vmem>>
      %dma_wait3A_979 = arith.constant 0 : i32
      %dma_wait3A_980 = tpu.memref_slice %arg11[%dma_wait3A_974, %dma_wait3A_979] : memref<24x56xi32, #tpu.memory_space<vmem>> -> memref<1x56xi32, #tpu.memory_space<vmem>>
      %dma_wait3A_981 = tpu.memref_squeeze %dma_wait3A_980 : memref<1x56xi32, #tpu.memory_space<vmem>> -> memref<56xi32, #tpu.memory_space<vmem>>
      %dma_wait3A_982 = arith.constant 0 : i32
      %dma_wait3A_983 = arith.constant 0 : i32
      %dma_wait3A_984 = tpu.memref_slice %arg16[%dma_wait3A_982, %dma_wait3A_983] : memref<10112x128xf32, #tpu.memory_space<vmem_shared>> -> memref<10112x128xf32, #tpu.memory_space<vmem_shared>>
      tpu.wait_indirect_dma semaphore(%arg23 : memref<!tpu.dma_semaphore, #tpu.memory_space<semaphore_mem>>) src(%dma_wait3A_978 : memref<56x128xf32, #tpu.memory_space<vmem>>) dst(%dma_wait3A_984 : memref<10112x128xf32, #tpu.memory_space<vmem_shared>>)
      %dma_start3A_985 = arith.constant 11 : i32
      %dma_start3A_986 = arith.constant 2 : i32
      %dma_start3A_987 = arith.constant 0 : i32
      %dma_start3A_988 = arith.constant 0 : i32
      %dma_start3A_989 = tpu.memref_slice %arg14[%dma_start3A_986, %dma_start3A_987, %dma_start3A_988] : memref<3x56x128xf32, #tpu.memory_space<vmem>> -> memref<1x56x128xf32, #tpu.memory_space<vmem>>
      %dma_start3A_990 = tpu.memref_squeeze %dma_start3A_989 : memref<1x56x128xf32, #tpu.memory_space<vmem>> -> memref<56x128xf32, #tpu.memory_space<vmem>>
      %dma_start3A_991 = arith.constant 0 : i32
      %dma_start3A_992 = tpu.memref_slice %arg10[%dma_start3A_985, %dma_start3A_991] : memref<24x56xi32, #tpu.memory_space<vmem>> -> memref<1x56xi32, #tpu.memory_space<vmem>>
      %dma_start3A_993 = tpu.memref_squeeze %dma_start3A_992 : memref<1x56xi32, #tpu.memory_space<vmem>> -> memref<56xi32, #tpu.memory_space<vmem>>
      %dma_start3A_994 = arith.constant 0 : i32
      %dma_start3A_995 = arith.constant 0 : i32
      %dma_start3A_996 = tpu.memref_slice %arg2[%dma_start3A_994, %dma_start3A_995] : memref<10000x128xf32, #tpu.memory_space<hbm>> -> memref<10000x128xf32, #tpu.memory_space<hbm>>
      tpu.enqueue_indirect_dma source(%dma_start3A_996 : memref<10000x128xf32, #tpu.memory_space<hbm>>) target(%dma_start3A_990 : memref<56x128xf32, #tpu.memory_space<vmem>>) offsets(%dma_start3A_993 : memref<56xi32, #tpu.memory_space<vmem>>) semaphore(%arg20 : memref<!tpu.dma_semaphore, #tpu.memory_space<semaphore_mem>>)
      %dma_wait3A_997 = arith.constant 1 : i32
      %dma_wait3A_998 = arith.constant 9 : i32
      %dma_wait3A_999 = arith.constant 0 : i32
      %dma_wait3A_1000 = arith.constant 0 : i32
      %dma_wait3A_1001 = tpu.memref_slice %arg15[%dma_wait3A_997, %dma_wait3A_999, %dma_wait3A_1000] : memref<2x56x128xf32, #tpu.memory_space<vmem>> -> memref<1x56x128xf32, #tpu.memory_space<vmem>>
      %dma_wait3A_1002 = tpu.memref_squeeze %dma_wait3A_1001 : memref<1x56x128xf32, #tpu.memory_space<vmem>> -> memref<56x128xf32, #tpu.memory_space<vmem>>
      %dma_wait3A_1003 = arith.constant 0 : i32
      %dma_wait3A_1004 = tpu.memref_slice %arg13[%dma_wait3A_998, %dma_wait3A_1003] : memref<24x56xi32, #tpu.memory_space<vmem>> -> memref<1x56xi32, #tpu.memory_space<vmem>>
      %dma_wait3A_1005 = tpu.memref_squeeze %dma_wait3A_1004 : memref<1x56xi32, #tpu.memory_space<vmem>> -> memref<56xi32, #tpu.memory_space<vmem>>
      %dma_wait3A_1006 = arith.constant 0 : i32
      %dma_wait3A_1007 = arith.constant 0 : i32
      %dma_wait3A_1008 = tpu.memref_slice %arg16[%dma_wait3A_1006, %dma_wait3A_1007] : memref<10112x128xf32, #tpu.memory_space<vmem_shared>> -> memref<10112x128xf32, #tpu.memory_space<vmem_shared>>
      tpu.wait_indirect_dma semaphore(%arg27 : memref<!tpu.dma_semaphore, #tpu.memory_space<semaphore_mem>>) src(%dma_wait3A_1002 : memref<56x128xf32, #tpu.memory_space<vmem>>) dst(%dma_wait3A_1008 : memref<10112x128xf32, #tpu.memory_space<vmem_shared>>)
      %dma_start3A_1009 = arith.constant 11 : i32
      %dma_start3A_1010 = arith.constant 1 : i32
      %dma_start3A_1011 = arith.constant 0 : i32
      %dma_start3A_1012 = arith.constant 0 : i32
      %dma_start3A_1013 = tpu.memref_slice %arg15[%dma_start3A_1010, %dma_start3A_1011, %dma_start3A_1012] : memref<2x56x128xf32, #tpu.memory_space<vmem>> -> memref<1x56x128xf32, #tpu.memory_space<vmem>>
      %dma_start3A_1014 = tpu.memref_squeeze %dma_start3A_1013 : memref<1x56x128xf32, #tpu.memory_space<vmem>> -> memref<56x128xf32, #tpu.memory_space<vmem>>
      %dma_start3A_1015 = arith.constant 0 : i32
      %dma_start3A_1016 = tpu.memref_slice %arg12[%dma_start3A_1009, %dma_start3A_1015] : memref<24x56xi32, #tpu.memory_space<vmem>> -> memref<1x56xi32, #tpu.memory_space<vmem>>
      %dma_start3A_1017 = tpu.memref_squeeze %dma_start3A_1016 : memref<1x56xi32, #tpu.memory_space<vmem>> -> memref<56xi32, #tpu.memory_space<vmem>>
      %dma_start3A_1018 = arith.constant 0 : i32
      %dma_start3A_1019 = arith.constant 0 : i32
      %dma_start3A_1020 = tpu.memref_slice %arg17[%dma_start3A_1018, %dma_start3A_1019] : memref<18x128xf32, #tpu.memory_space<vmem_shared>> -> memref<18x128xf32, #tpu.memory_space<vmem_shared>>
      tpu.enqueue_indirect_dma source(%dma_start3A_1020 : memref<18x128xf32, #tpu.memory_space<vmem_shared>>) target(%dma_start3A_1014 : memref<56x128xf32, #tpu.memory_space<vmem>>) offsets(%dma_start3A_1017 : memref<56xi32, #tpu.memory_space<vmem>>) semaphore(%arg25 : memref<!tpu.dma_semaphore, #tpu.memory_space<semaphore_mem>>)
      %dma_wait3A_1021 = arith.constant 10 : i32
      %dma_wait3A_1022 = arith.constant 1 : i32
      %dma_wait3A_1023 = arith.constant 0 : i32
      %dma_wait3A_1024 = arith.constant 0 : i32
      %dma_wait3A_1025 = tpu.memref_slice %arg14[%dma_wait3A_1022, %dma_wait3A_1023, %dma_wait3A_1024] : memref<3x56x128xf32, #tpu.memory_space<vmem>> -> memref<1x56x128xf32, #tpu.memory_space<vmem>>
      %dma_wait3A_1026 = tpu.memref_squeeze %dma_wait3A_1025 : memref<1x56x128xf32, #tpu.memory_space<vmem>> -> memref<56x128xf32, #tpu.memory_space<vmem>>
      %dma_wait3A_1027 = arith.constant 0 : i32
      %dma_wait3A_1028 = tpu.memref_slice %arg10[%dma_wait3A_1021, %dma_wait3A_1027] : memref<24x56xi32, #tpu.memory_space<vmem>> -> memref<1x56xi32, #tpu.memory_space<vmem>>
      %dma_wait3A_1029 = tpu.memref_squeeze %dma_wait3A_1028 : memref<1x56xi32, #tpu.memory_space<vmem>> -> memref<56xi32, #tpu.memory_space<vmem>>
      %dma_wait3A_1030 = arith.constant 0 : i32
      %dma_wait3A_1031 = arith.constant 0 : i32
      %dma_wait3A_1032 = tpu.memref_slice %arg2[%dma_wait3A_1030, %dma_wait3A_1031] : memref<10000x128xf32, #tpu.memory_space<hbm>> -> memref<10000x128xf32, #tpu.memory_space<hbm>>
      tpu.wait_indirect_dma semaphore(%arg19 : memref<!tpu.dma_semaphore, #tpu.memory_space<semaphore_mem>>) src(%dma_wait3A_1032 : memref<10000x128xf32, #tpu.memory_space<hbm>>) dst(%dma_wait3A_1026 : memref<56x128xf32, #tpu.memory_space<vmem>>)
      %dma_start3A_1033 = arith.constant 1 : i32
      %dma_start3A_1034 = arith.constant 10 : i32
      %dma_start3A_1035 = arith.constant 0 : i32
      %dma_start3A_1036 = arith.constant 0 : i32
      %dma_start3A_1037 = tpu.memref_slice %arg14[%dma_start3A_1033, %dma_start3A_1035, %dma_start3A_1036] : memref<3x56x128xf32, #tpu.memory_space<vmem>> -> memref<1x56x128xf32, #tpu.memory_space<vmem>>
      %dma_start3A_1038 = tpu.memref_squeeze %dma_start3A_1037 : memref<1x56x128xf32, #tpu.memory_space<vmem>> -> memref<56x128xf32, #tpu.memory_space<vmem>>
      %dma_start3A_1039 = arith.constant 0 : i32
      %dma_start3A_1040 = tpu.memref_slice %arg11[%dma_start3A_1034, %dma_start3A_1039] : memref<24x56xi32, #tpu.memory_space<vmem>> -> memref<1x56xi32, #tpu.memory_space<vmem>>
      %dma_start3A_1041 = tpu.memref_squeeze %dma_start3A_1040 : memref<1x56xi32, #tpu.memory_space<vmem>> -> memref<56xi32, #tpu.memory_space<vmem>>
      %dma_start3A_1042 = arith.constant 0 : i32
      %dma_start3A_1043 = arith.constant 0 : i32
      %dma_start3A_1044 = tpu.memref_slice %arg16[%dma_start3A_1042, %dma_start3A_1043] : memref<10112x128xf32, #tpu.memory_space<vmem_shared>> -> memref<10112x128xf32, #tpu.memory_space<vmem_shared>>
      tpu.enqueue_indirect_dma source(%dma_start3A_1038 : memref<56x128xf32, #tpu.memory_space<vmem>>) target(%dma_start3A_1044 : memref<10112x128xf32, #tpu.memory_space<vmem_shared>>) offsets(%dma_start3A_1041 : memref<56xi32, #tpu.memory_space<vmem>>) semaphore(%arg22 : memref<!tpu.dma_semaphore, #tpu.memory_space<semaphore_mem>>) {add = true}
      %dma_wait3A_1045 = arith.constant 10 : i32
      %dma_wait3A_1046 = arith.constant 0 : i32
      %dma_wait3A_1047 = arith.constant 0 : i32
      %dma_wait3A_1048 = arith.constant 0 : i32
      %dma_wait3A_1049 = tpu.memref_slice %arg15[%dma_wait3A_1046, %dma_wait3A_1047, %dma_wait3A_1048] : memref<2x56x128xf32, #tpu.memory_space<vmem>> -> memref<1x56x128xf32, #tpu.memory_space<vmem>>
      %dma_wait3A_1050 = tpu.memref_squeeze %dma_wait3A_1049 : memref<1x56x128xf32, #tpu.memory_space<vmem>> -> memref<56x128xf32, #tpu.memory_space<vmem>>
      %dma_wait3A_1051 = arith.constant 0 : i32
      %dma_wait3A_1052 = tpu.memref_slice %arg12[%dma_wait3A_1045, %dma_wait3A_1051] : memref<24x56xi32, #tpu.memory_space<vmem>> -> memref<1x56xi32, #tpu.memory_space<vmem>>
      %dma_wait3A_1053 = tpu.memref_squeeze %dma_wait3A_1052 : memref<1x56xi32, #tpu.memory_space<vmem>> -> memref<56xi32, #tpu.memory_space<vmem>>
      %dma_wait3A_1054 = arith.constant 0 : i32
      %dma_wait3A_1055 = arith.constant 0 : i32
      %dma_wait3A_1056 = tpu.memref_slice %arg17[%dma_wait3A_1054, %dma_wait3A_1055] : memref<18x128xf32, #tpu.memory_space<vmem_shared>> -> memref<18x128xf32, #tpu.memory_space<vmem_shared>>
      tpu.wait_indirect_dma semaphore(%arg24 : memref<!tpu.dma_semaphore, #tpu.memory_space<semaphore_mem>>) src(%dma_wait3A_1056 : memref<18x128xf32, #tpu.memory_space<vmem_shared>>) dst(%dma_wait3A_1050 : memref<56x128xf32, #tpu.memory_space<vmem>>)
      %dma_start3A_1057 = arith.constant 0 : i32
      %dma_start3A_1058 = arith.constant 10 : i32
      %dma_start3A_1059 = arith.constant 0 : i32
      %dma_start3A_1060 = arith.constant 0 : i32
      %dma_start3A_1061 = tpu.memref_slice %arg15[%dma_start3A_1057, %dma_start3A_1059, %dma_start3A_1060] : memref<2x56x128xf32, #tpu.memory_space<vmem>> -> memref<1x56x128xf32, #tpu.memory_space<vmem>>
      %dma_start3A_1062 = tpu.memref_squeeze %dma_start3A_1061 : memref<1x56x128xf32, #tpu.memory_space<vmem>> -> memref<56x128xf32, #tpu.memory_space<vmem>>
      %dma_start3A_1063 = arith.constant 0 : i32
      %dma_start3A_1064 = tpu.memref_slice %arg13[%dma_start3A_1058, %dma_start3A_1063] : memref<24x56xi32, #tpu.memory_space<vmem>> -> memref<1x56xi32, #tpu.memory_space<vmem>>
      %dma_start3A_1065 = tpu.memref_squeeze %dma_start3A_1064 : memref<1x56xi32, #tpu.memory_space<vmem>> -> memref<56xi32, #tpu.memory_space<vmem>>
      %dma_start3A_1066 = arith.constant 0 : i32
      %dma_start3A_1067 = arith.constant 0 : i32
      %dma_start3A_1068 = tpu.memref_slice %arg16[%dma_start3A_1066, %dma_start3A_1067] : memref<10112x128xf32, #tpu.memory_space<vmem_shared>> -> memref<10112x128xf32, #tpu.memory_space<vmem_shared>>
      tpu.enqueue_indirect_dma source(%dma_start3A_1062 : memref<56x128xf32, #tpu.memory_space<vmem>>) target(%dma_start3A_1068 : memref<10112x128xf32, #tpu.memory_space<vmem_shared>>) offsets(%dma_start3A_1065 : memref<56xi32, #tpu.memory_space<vmem>>) semaphore(%arg26 : memref<!tpu.dma_semaphore, #tpu.memory_space<semaphore_mem>>) {add = true}
      %dma_wait3A_1069 = arith.constant 0 : i32
      %dma_wait3A_1070 = arith.constant 9 : i32
      %dma_wait3A_1071 = arith.constant 0 : i32
      %dma_wait3A_1072 = arith.constant 0 : i32
      %dma_wait3A_1073 = tpu.memref_slice %arg14[%dma_wait3A_1069, %dma_wait3A_1071, %dma_wait3A_1072] : memref<3x56x128xf32, #tpu.memory_space<vmem>> -> memref<1x56x128xf32, #tpu.memory_space<vmem>>
      %dma_wait3A_1074 = tpu.memref_squeeze %dma_wait3A_1073 : memref<1x56x128xf32, #tpu.memory_space<vmem>> -> memref<56x128xf32, #tpu.memory_space<vmem>>
      %dma_wait3A_1075 = arith.constant 0 : i32
      %dma_wait3A_1076 = tpu.memref_slice %arg11[%dma_wait3A_1070, %dma_wait3A_1075] : memref<24x56xi32, #tpu.memory_space<vmem>> -> memref<1x56xi32, #tpu.memory_space<vmem>>
      %dma_wait3A_1077 = tpu.memref_squeeze %dma_wait3A_1076 : memref<1x56xi32, #tpu.memory_space<vmem>> -> memref<56xi32, #tpu.memory_space<vmem>>
      %dma_wait3A_1078 = arith.constant 0 : i32
      %dma_wait3A_1079 = arith.constant 0 : i32
      %dma_wait3A_1080 = tpu.memref_slice %arg16[%dma_wait3A_1078, %dma_wait3A_1079] : memref<10112x128xf32, #tpu.memory_space<vmem_shared>> -> memref<10112x128xf32, #tpu.memory_space<vmem_shared>>
      tpu.wait_indirect_dma semaphore(%arg21 : memref<!tpu.dma_semaphore, #tpu.memory_space<semaphore_mem>>) src(%dma_wait3A_1074 : memref<56x128xf32, #tpu.memory_space<vmem>>) dst(%dma_wait3A_1080 : memref<10112x128xf32, #tpu.memory_space<vmem_shared>>)
      %dma_start3A_1081 = arith.constant 12 : i32
      %dma_start3A_1082 = arith.constant 0 : i32
      %dma_start3A_1083 = arith.constant 0 : i32
      %dma_start3A_1084 = arith.constant 0 : i32
      %dma_start3A_1085 = tpu.memref_slice %arg14[%dma_start3A_1082, %dma_start3A_1083, %dma_start3A_1084] : memref<3x56x128xf32, #tpu.memory_space<vmem>> -> memref<1x56x128xf32, #tpu.memory_space<vmem>>
      %dma_start3A_1086 = tpu.memref_squeeze %dma_start3A_1085 : memref<1x56x128xf32, #tpu.memory_space<vmem>> -> memref<56x128xf32, #tpu.memory_space<vmem>>
      %dma_start3A_1087 = arith.constant 0 : i32
      %dma_start3A_1088 = tpu.memref_slice %arg10[%dma_start3A_1081, %dma_start3A_1087] : memref<24x56xi32, #tpu.memory_space<vmem>> -> memref<1x56xi32, #tpu.memory_space<vmem>>
      %dma_start3A_1089 = tpu.memref_squeeze %dma_start3A_1088 : memref<1x56xi32, #tpu.memory_space<vmem>> -> memref<56xi32, #tpu.memory_space<vmem>>
      %dma_start3A_1090 = arith.constant 0 : i32
      %dma_start3A_1091 = arith.constant 0 : i32
      %dma_start3A_1092 = tpu.memref_slice %arg2[%dma_start3A_1090, %dma_start3A_1091] : memref<10000x128xf32, #tpu.memory_space<hbm>> -> memref<10000x128xf32, #tpu.memory_space<hbm>>
      tpu.enqueue_indirect_dma source(%dma_start3A_1092 : memref<10000x128xf32, #tpu.memory_space<hbm>>) target(%dma_start3A_1086 : memref<56x128xf32, #tpu.memory_space<vmem>>) offsets(%dma_start3A_1089 : memref<56xi32, #tpu.memory_space<vmem>>) semaphore(%arg18 : memref<!tpu.dma_semaphore, #tpu.memory_space<semaphore_mem>>)
      %dma_wait3A_1093 = arith.constant 0 : i32
      %dma_wait3A_1094 = arith.constant 10 : i32
      %dma_wait3A_1095 = arith.constant 0 : i32
      %dma_wait3A_1096 = arith.constant 0 : i32
      %dma_wait3A_1097 = tpu.memref_slice %arg15[%dma_wait3A_1093, %dma_wait3A_1095, %dma_wait3A_1096] : memref<2x56x128xf32, #tpu.memory_space<vmem>> -> memref<1x56x128xf32, #tpu.memory_space<vmem>>
      %dma_wait3A_1098 = tpu.memref_squeeze %dma_wait3A_1097 : memref<1x56x128xf32, #tpu.memory_space<vmem>> -> memref<56x128xf32, #tpu.memory_space<vmem>>
      %dma_wait3A_1099 = arith.constant 0 : i32
      %dma_wait3A_1100 = tpu.memref_slice %arg13[%dma_wait3A_1094, %dma_wait3A_1099] : memref<24x56xi32, #tpu.memory_space<vmem>> -> memref<1x56xi32, #tpu.memory_space<vmem>>
      %dma_wait3A_1101 = tpu.memref_squeeze %dma_wait3A_1100 : memref<1x56xi32, #tpu.memory_space<vmem>> -> memref<56xi32, #tpu.memory_space<vmem>>
      %dma_wait3A_1102 = arith.constant 0 : i32
      %dma_wait3A_1103 = arith.constant 0 : i32
      %dma_wait3A_1104 = tpu.memref_slice %arg16[%dma_wait3A_1102, %dma_wait3A_1103] : memref<10112x128xf32, #tpu.memory_space<vmem_shared>> -> memref<10112x128xf32, #tpu.memory_space<vmem_shared>>
      tpu.wait_indirect_dma semaphore(%arg26 : memref<!tpu.dma_semaphore, #tpu.memory_space<semaphore_mem>>) src(%dma_wait3A_1098 : memref<56x128xf32, #tpu.memory_space<vmem>>) dst(%dma_wait3A_1104 : memref<10112x128xf32, #tpu.memory_space<vmem_shared>>)
      %dma_start3A_1105 = arith.constant 12 : i32
      %dma_start3A_1106 = arith.constant 0 : i32
      %dma_start3A_1107 = arith.constant 0 : i32
      %dma_start3A_1108 = arith.constant 0 : i32
      %dma_start3A_1109 = tpu.memref_slice %arg15[%dma_start3A_1106, %dma_start3A_1107, %dma_start3A_1108] : memref<2x56x128xf32, #tpu.memory_space<vmem>> -> memref<1x56x128xf32, #tpu.memory_space<vmem>>
      %dma_start3A_1110 = tpu.memref_squeeze %dma_start3A_1109 : memref<1x56x128xf32, #tpu.memory_space<vmem>> -> memref<56x128xf32, #tpu.memory_space<vmem>>
      %dma_start3A_1111 = arith.constant 0 : i32
      %dma_start3A_1112 = tpu.memref_slice %arg12[%dma_start3A_1105, %dma_start3A_1111] : memref<24x56xi32, #tpu.memory_space<vmem>> -> memref<1x56xi32, #tpu.memory_space<vmem>>
      %dma_start3A_1113 = tpu.memref_squeeze %dma_start3A_1112 : memref<1x56xi32, #tpu.memory_space<vmem>> -> memref<56xi32, #tpu.memory_space<vmem>>
      %dma_start3A_1114 = arith.constant 0 : i32
      %dma_start3A_1115 = arith.constant 0 : i32
      %dma_start3A_1116 = tpu.memref_slice %arg17[%dma_start3A_1114, %dma_start3A_1115] : memref<18x128xf32, #tpu.memory_space<vmem_shared>> -> memref<18x128xf32, #tpu.memory_space<vmem_shared>>
      tpu.enqueue_indirect_dma source(%dma_start3A_1116 : memref<18x128xf32, #tpu.memory_space<vmem_shared>>) target(%dma_start3A_1110 : memref<56x128xf32, #tpu.memory_space<vmem>>) offsets(%dma_start3A_1113 : memref<56xi32, #tpu.memory_space<vmem>>) semaphore(%arg24 : memref<!tpu.dma_semaphore, #tpu.memory_space<semaphore_mem>>)
      %dma_wait3A_1117 = arith.constant 11 : i32
      %dma_wait3A_1118 = arith.constant 2 : i32
      %dma_wait3A_1119 = arith.constant 0 : i32
      %dma_wait3A_1120 = arith.constant 0 : i32
      %dma_wait3A_1121 = tpu.memref_slice %arg14[%dma_wait3A_1118, %dma_wait3A_1119, %dma_wait3A_1120] : memref<3x56x128xf32, #tpu.memory_space<vmem>> -> memref<1x56x128xf32, #tpu.memory_space<vmem>>
      %dma_wait3A_1122 = tpu.memref_squeeze %dma_wait3A_1121 : memref<1x56x128xf32, #tpu.memory_space<vmem>> -> memref<56x128xf32, #tpu.memory_space<vmem>>
      %dma_wait3A_1123 = arith.constant 0 : i32
      %dma_wait3A_1124 = tpu.memref_slice %arg10[%dma_wait3A_1117, %dma_wait3A_1123] : memref<24x56xi32, #tpu.memory_space<vmem>> -> memref<1x56xi32, #tpu.memory_space<vmem>>
      %dma_wait3A_1125 = tpu.memref_squeeze %dma_wait3A_1124 : memref<1x56xi32, #tpu.memory_space<vmem>> -> memref<56xi32, #tpu.memory_space<vmem>>
      %dma_wait3A_1126 = arith.constant 0 : i32
      %dma_wait3A_1127 = arith.constant 0 : i32
      %dma_wait3A_1128 = tpu.memref_slice %arg2[%dma_wait3A_1126, %dma_wait3A_1127] : memref<10000x128xf32, #tpu.memory_space<hbm>> -> memref<10000x128xf32, #tpu.memory_space<hbm>>
      tpu.wait_indirect_dma semaphore(%arg20 : memref<!tpu.dma_semaphore, #tpu.memory_space<semaphore_mem>>) src(%dma_wait3A_1128 : memref<10000x128xf32, #tpu.memory_space<hbm>>) dst(%dma_wait3A_1122 : memref<56x128xf32, #tpu.memory_space<vmem>>)
      %dma_start3A_1129 = arith.constant 2 : i32
      %dma_start3A_1130 = arith.constant 11 : i32
      %dma_start3A_1131 = arith.constant 0 : i32
      %dma_start3A_1132 = arith.constant 0 : i32
      %dma_start3A_1133 = tpu.memref_slice %arg14[%dma_start3A_1129, %dma_start3A_1131, %dma_start3A_1132] : memref<3x56x128xf32, #tpu.memory_space<vmem>> -> memref<1x56x128xf32, #tpu.memory_space<vmem>>
      %dma_start3A_1134 = tpu.memref_squeeze %dma_start3A_1133 : memref<1x56x128xf32, #tpu.memory_space<vmem>> -> memref<56x128xf32, #tpu.memory_space<vmem>>
      %dma_start3A_1135 = arith.constant 0 : i32
      %dma_start3A_1136 = tpu.memref_slice %arg11[%dma_start3A_1130, %dma_start3A_1135] : memref<24x56xi32, #tpu.memory_space<vmem>> -> memref<1x56xi32, #tpu.memory_space<vmem>>
      %dma_start3A_1137 = tpu.memref_squeeze %dma_start3A_1136 : memref<1x56xi32, #tpu.memory_space<vmem>> -> memref<56xi32, #tpu.memory_space<vmem>>
      %dma_start3A_1138 = arith.constant 0 : i32
      %dma_start3A_1139 = arith.constant 0 : i32
      %dma_start3A_1140 = tpu.memref_slice %arg16[%dma_start3A_1138, %dma_start3A_1139] : memref<10112x128xf32, #tpu.memory_space<vmem_shared>> -> memref<10112x128xf32, #tpu.memory_space<vmem_shared>>
      tpu.enqueue_indirect_dma source(%dma_start3A_1134 : memref<56x128xf32, #tpu.memory_space<vmem>>) target(%dma_start3A_1140 : memref<10112x128xf32, #tpu.memory_space<vmem_shared>>) offsets(%dma_start3A_1137 : memref<56xi32, #tpu.memory_space<vmem>>) semaphore(%arg23 : memref<!tpu.dma_semaphore, #tpu.memory_space<semaphore_mem>>) {add = true}
      %dma_wait3A_1141 = arith.constant 11 : i32
      %dma_wait3A_1142 = arith.constant 1 : i32
      %dma_wait3A_1143 = arith.constant 0 : i32
      %dma_wait3A_1144 = arith.constant 0 : i32
      %dma_wait3A_1145 = tpu.memref_slice %arg15[%dma_wait3A_1142, %dma_wait3A_1143, %dma_wait3A_1144] : memref<2x56x128xf32, #tpu.memory_space<vmem>> -> memref<1x56x128xf32, #tpu.memory_space<vmem>>
      %dma_wait3A_1146 = tpu.memref_squeeze %dma_wait3A_1145 : memref<1x56x128xf32, #tpu.memory_space<vmem>> -> memref<56x128xf32, #tpu.memory_space<vmem>>
      %dma_wait3A_1147 = arith.constant 0 : i32
      %dma_wait3A_1148 = tpu.memref_slice %arg12[%dma_wait3A_1141, %dma_wait3A_1147] : memref<24x56xi32, #tpu.memory_space<vmem>> -> memref<1x56xi32, #tpu.memory_space<vmem>>
      %dma_wait3A_1149 = tpu.memref_squeeze %dma_wait3A_1148 : memref<1x56xi32, #tpu.memory_space<vmem>> -> memref<56xi32, #tpu.memory_space<vmem>>
      %dma_wait3A_1150 = arith.constant 0 : i32
      %dma_wait3A_1151 = arith.constant 0 : i32
      %dma_wait3A_1152 = tpu.memref_slice %arg17[%dma_wait3A_1150, %dma_wait3A_1151] : memref<18x128xf32, #tpu.memory_space<vmem_shared>> -> memref<18x128xf32, #tpu.memory_space<vmem_shared>>
      tpu.wait_indirect_dma semaphore(%arg25 : memref<!tpu.dma_semaphore, #tpu.memory_space<semaphore_mem>>) src(%dma_wait3A_1152 : memref<18x128xf32, #tpu.memory_space<vmem_shared>>) dst(%dma_wait3A_1146 : memref<56x128xf32, #tpu.memory_space<vmem>>)
      %dma_start3A_1153 = arith.constant 1 : i32
      %dma_start3A_1154 = arith.constant 11 : i32
      %dma_start3A_1155 = arith.constant 0 : i32
      %dma_start3A_1156 = arith.constant 0 : i32
      %dma_start3A_1157 = tpu.memref_slice %arg15[%dma_start3A_1153, %dma_start3A_1155, %dma_start3A_1156] : memref<2x56x128xf32, #tpu.memory_space<vmem>> -> memref<1x56x128xf32, #tpu.memory_space<vmem>>
      %dma_start3A_1158 = tpu.memref_squeeze %dma_start3A_1157 : memref<1x56x128xf32, #tpu.memory_space<vmem>> -> memref<56x128xf32, #tpu.memory_space<vmem>>
      %dma_start3A_1159 = arith.constant 0 : i32
      %dma_start3A_1160 = tpu.memref_slice %arg13[%dma_start3A_1154, %dma_start3A_1159] : memref<24x56xi32, #tpu.memory_space<vmem>> -> memref<1x56xi32, #tpu.memory_space<vmem>>
      %dma_start3A_1161 = tpu.memref_squeeze %dma_start3A_1160 : memref<1x56xi32, #tpu.memory_space<vmem>> -> memref<56xi32, #tpu.memory_space<vmem>>
      %dma_start3A_1162 = arith.constant 0 : i32
      %dma_start3A_1163 = arith.constant 0 : i32
      %dma_start3A_1164 = tpu.memref_slice %arg16[%dma_start3A_1162, %dma_start3A_1163] : memref<10112x128xf32, #tpu.memory_space<vmem_shared>> -> memref<10112x128xf32, #tpu.memory_space<vmem_shared>>
      tpu.enqueue_indirect_dma source(%dma_start3A_1158 : memref<56x128xf32, #tpu.memory_space<vmem>>) target(%dma_start3A_1164 : memref<10112x128xf32, #tpu.memory_space<vmem_shared>>) offsets(%dma_start3A_1161 : memref<56xi32, #tpu.memory_space<vmem>>) semaphore(%arg27 : memref<!tpu.dma_semaphore, #tpu.memory_space<semaphore_mem>>) {add = true}
      %dma_wait3A_1165 = arith.constant 1 : i32
      %dma_wait3A_1166 = arith.constant 10 : i32
      %dma_wait3A_1167 = arith.constant 0 : i32
      %dma_wait3A_1168 = arith.constant 0 : i32
      %dma_wait3A_1169 = tpu.memref_slice %arg14[%dma_wait3A_1165, %dma_wait3A_1167, %dma_wait3A_1168] : memref<3x56x128xf32, #tpu.memory_space<vmem>> -> memref<1x56x128xf32, #tpu.memory_space<vmem>>
      %dma_wait3A_1170 = tpu.memref_squeeze %dma_wait3A_1169 : memref<1x56x128xf32, #tpu.memory_space<vmem>> -> memref<56x128xf32, #tpu.memory_space<vmem>>
      %dma_wait3A_1171 = arith.constant 0 : i32
      %dma_wait3A_1172 = tpu.memref_slice %arg11[%dma_wait3A_1166, %dma_wait3A_1171] : memref<24x56xi32, #tpu.memory_space<vmem>> -> memref<1x56xi32, #tpu.memory_space<vmem>>
      %dma_wait3A_1173 = tpu.memref_squeeze %dma_wait3A_1172 : memref<1x56xi32, #tpu.memory_space<vmem>> -> memref<56xi32, #tpu.memory_space<vmem>>
      %dma_wait3A_1174 = arith.constant 0 : i32
      %dma_wait3A_1175 = arith.constant 0 : i32
      %dma_wait3A_1176 = tpu.memref_slice %arg16[%dma_wait3A_1174, %dma_wait3A_1175] : memref<10112x128xf32, #tpu.memory_space<vmem_shared>> -> memref<10112x128xf32, #tpu.memory_space<vmem_shared>>
      tpu.wait_indirect_dma semaphore(%arg22 : memref<!tpu.dma_semaphore, #tpu.memory_space<semaphore_mem>>) src(%dma_wait3A_1170 : memref<56x128xf32, #tpu.memory_space<vmem>>) dst(%dma_wait3A_1176 : memref<10112x128xf32, #tpu.memory_space<vmem_shared>>)
      %dma_start3A_1177 = arith.constant 13 : i32
      %dma_start3A_1178 = arith.constant 1 : i32
      %dma_start3A_1179 = arith.constant 0 : i32
      %dma_start3A_1180 = arith.constant 0 : i32
      %dma_start3A_1181 = tpu.memref_slice %arg14[%dma_start3A_1178, %dma_start3A_1179, %dma_start3A_1180] : memref<3x56x128xf32, #tpu.memory_space<vmem>> -> memref<1x56x128xf32, #tpu.memory_space<vmem>>
      %dma_start3A_1182 = tpu.memref_squeeze %dma_start3A_1181 : memref<1x56x128xf32, #tpu.memory_space<vmem>> -> memref<56x128xf32, #tpu.memory_space<vmem>>
      %dma_start3A_1183 = arith.constant 0 : i32
      %dma_start3A_1184 = tpu.memref_slice %arg10[%dma_start3A_1177, %dma_start3A_1183] : memref<24x56xi32, #tpu.memory_space<vmem>> -> memref<1x56xi32, #tpu.memory_space<vmem>>
      %dma_start3A_1185 = tpu.memref_squeeze %dma_start3A_1184 : memref<1x56xi32, #tpu.memory_space<vmem>> -> memref<56xi32, #tpu.memory_space<vmem>>
      %dma_start3A_1186 = arith.constant 0 : i32
      %dma_start3A_1187 = arith.constant 0 : i32
      %dma_start3A_1188 = tpu.memref_slice %arg2[%dma_start3A_1186, %dma_start3A_1187] : memref<10000x128xf32, #tpu.memory_space<hbm>> -> memref<10000x128xf32, #tpu.memory_space<hbm>>
      tpu.enqueue_indirect_dma source(%dma_start3A_1188 : memref<10000x128xf32, #tpu.memory_space<hbm>>) target(%dma_start3A_1182 : memref<56x128xf32, #tpu.memory_space<vmem>>) offsets(%dma_start3A_1185 : memref<56xi32, #tpu.memory_space<vmem>>) semaphore(%arg19 : memref<!tpu.dma_semaphore, #tpu.memory_space<semaphore_mem>>)
      %dma_wait3A_1189 = arith.constant 1 : i32
      %dma_wait3A_1190 = arith.constant 11 : i32
      %dma_wait3A_1191 = arith.constant 0 : i32
      %dma_wait3A_1192 = arith.constant 0 : i32
      %dma_wait3A_1193 = tpu.memref_slice %arg15[%dma_wait3A_1189, %dma_wait3A_1191, %dma_wait3A_1192] : memref<2x56x128xf32, #tpu.memory_space<vmem>> -> memref<1x56x128xf32, #tpu.memory_space<vmem>>
      %dma_wait3A_1194 = tpu.memref_squeeze %dma_wait3A_1193 : memref<1x56x128xf32, #tpu.memory_space<vmem>> -> memref<56x128xf32, #tpu.memory_space<vmem>>
      %dma_wait3A_1195 = arith.constant 0 : i32
      %dma_wait3A_1196 = tpu.memref_slice %arg13[%dma_wait3A_1190, %dma_wait3A_1195] : memref<24x56xi32, #tpu.memory_space<vmem>> -> memref<1x56xi32, #tpu.memory_space<vmem>>
      %dma_wait3A_1197 = tpu.memref_squeeze %dma_wait3A_1196 : memref<1x56xi32, #tpu.memory_space<vmem>> -> memref<56xi32, #tpu.memory_space<vmem>>
      %dma_wait3A_1198 = arith.constant 0 : i32
      %dma_wait3A_1199 = arith.constant 0 : i32
      %dma_wait3A_1200 = tpu.memref_slice %arg16[%dma_wait3A_1198, %dma_wait3A_1199] : memref<10112x128xf32, #tpu.memory_space<vmem_shared>> -> memref<10112x128xf32, #tpu.memory_space<vmem_shared>>
      tpu.wait_indirect_dma semaphore(%arg27 : memref<!tpu.dma_semaphore, #tpu.memory_space<semaphore_mem>>) src(%dma_wait3A_1194 : memref<56x128xf32, #tpu.memory_space<vmem>>) dst(%dma_wait3A_1200 : memref<10112x128xf32, #tpu.memory_space<vmem_shared>>)
      %dma_start3A_1201 = arith.constant 13 : i32
      %dma_start3A_1202 = arith.constant 1 : i32
      %dma_start3A_1203 = arith.constant 0 : i32
      %dma_start3A_1204 = arith.constant 0 : i32
      %dma_start3A_1205 = tpu.memref_slice %arg15[%dma_start3A_1202, %dma_start3A_1203, %dma_start3A_1204] : memref<2x56x128xf32, #tpu.memory_space<vmem>> -> memref<1x56x128xf32, #tpu.memory_space<vmem>>
      %dma_start3A_1206 = tpu.memref_squeeze %dma_start3A_1205 : memref<1x56x128xf32, #tpu.memory_space<vmem>> -> memref<56x128xf32, #tpu.memory_space<vmem>>
      %dma_start3A_1207 = arith.constant 0 : i32
      %dma_start3A_1208 = tpu.memref_slice %arg12[%dma_start3A_1201, %dma_start3A_1207] : memref<24x56xi32, #tpu.memory_space<vmem>> -> memref<1x56xi32, #tpu.memory_space<vmem>>
      %dma_start3A_1209 = tpu.memref_squeeze %dma_start3A_1208 : memref<1x56xi32, #tpu.memory_space<vmem>> -> memref<56xi32, #tpu.memory_space<vmem>>
      %dma_start3A_1210 = arith.constant 0 : i32
      %dma_start3A_1211 = arith.constant 0 : i32
      %dma_start3A_1212 = tpu.memref_slice %arg17[%dma_start3A_1210, %dma_start3A_1211] : memref<18x128xf32, #tpu.memory_space<vmem_shared>> -> memref<18x128xf32, #tpu.memory_space<vmem_shared>>
      tpu.enqueue_indirect_dma source(%dma_start3A_1212 : memref<18x128xf32, #tpu.memory_space<vmem_shared>>) target(%dma_start3A_1206 : memref<56x128xf32, #tpu.memory_space<vmem>>) offsets(%dma_start3A_1209 : memref<56xi32, #tpu.memory_space<vmem>>) semaphore(%arg25 : memref<!tpu.dma_semaphore, #tpu.memory_space<semaphore_mem>>)
      %dma_wait3A_1213 = arith.constant 12 : i32
      %dma_wait3A_1214 = arith.constant 0 : i32
      %dma_wait3A_1215 = arith.constant 0 : i32
      %dma_wait3A_1216 = arith.constant 0 : i32
      %dma_wait3A_1217 = tpu.memref_slice %arg14[%dma_wait3A_1214, %dma_wait3A_1215, %dma_wait3A_1216] : memref<3x56x128xf32, #tpu.memory_space<vmem>> -> memref<1x56x128xf32, #tpu.memory_space<vmem>>
      %dma_wait3A_1218 = tpu.memref_squeeze %dma_wait3A_1217 : memref<1x56x128xf32, #tpu.memory_space<vmem>> -> memref<56x128xf32, #tpu.memory_space<vmem>>
      %dma_wait3A_1219 = arith.constant 0 : i32
      %dma_wait3A_1220 = tpu.memref_slice %arg10[%dma_wait3A_1213, %dma_wait3A_1219] : memref<24x56xi32, #tpu.memory_space<vmem>> -> memref<1x56xi32, #tpu.memory_space<vmem>>
      %dma_wait3A_1221 = tpu.memref_squeeze %dma_wait3A_1220 : memref<1x56xi32, #tpu.memory_space<vmem>> -> memref<56xi32, #tpu.memory_space<vmem>>
      %dma_wait3A_1222 = arith.constant 0 : i32
      %dma_wait3A_1223 = arith.constant 0 : i32
      %dma_wait3A_1224 = tpu.memref_slice %arg2[%dma_wait3A_1222, %dma_wait3A_1223] : memref<10000x128xf32, #tpu.memory_space<hbm>> -> memref<10000x128xf32, #tpu.memory_space<hbm>>
      tpu.wait_indirect_dma semaphore(%arg18 : memref<!tpu.dma_semaphore, #tpu.memory_space<semaphore_mem>>) src(%dma_wait3A_1224 : memref<10000x128xf32, #tpu.memory_space<hbm>>) dst(%dma_wait3A_1218 : memref<56x128xf32, #tpu.memory_space<vmem>>)
      %dma_start3A_1225 = arith.constant 0 : i32
      %dma_start3A_1226 = arith.constant 12 : i32
      %dma_start3A_1227 = arith.constant 0 : i32
      %dma_start3A_1228 = arith.constant 0 : i32
      %dma_start3A_1229 = tpu.memref_slice %arg14[%dma_start3A_1225, %dma_start3A_1227, %dma_start3A_1228] : memref<3x56x128xf32, #tpu.memory_space<vmem>> -> memref<1x56x128xf32, #tpu.memory_space<vmem>>
      %dma_start3A_1230 = tpu.memref_squeeze %dma_start3A_1229 : memref<1x56x128xf32, #tpu.memory_space<vmem>> -> memref<56x128xf32, #tpu.memory_space<vmem>>
      %dma_start3A_1231 = arith.constant 0 : i32
      %dma_start3A_1232 = tpu.memref_slice %arg11[%dma_start3A_1226, %dma_start3A_1231] : memref<24x56xi32, #tpu.memory_space<vmem>> -> memref<1x56xi32, #tpu.memory_space<vmem>>
      %dma_start3A_1233 = tpu.memref_squeeze %dma_start3A_1232 : memref<1x56xi32, #tpu.memory_space<vmem>> -> memref<56xi32, #tpu.memory_space<vmem>>
      %dma_start3A_1234 = arith.constant 0 : i32
      %dma_start3A_1235 = arith.constant 0 : i32
      %dma_start3A_1236 = tpu.memref_slice %arg16[%dma_start3A_1234, %dma_start3A_1235] : memref<10112x128xf32, #tpu.memory_space<vmem_shared>> -> memref<10112x128xf32, #tpu.memory_space<vmem_shared>>
      tpu.enqueue_indirect_dma source(%dma_start3A_1230 : memref<56x128xf32, #tpu.memory_space<vmem>>) target(%dma_start3A_1236 : memref<10112x128xf32, #tpu.memory_space<vmem_shared>>) offsets(%dma_start3A_1233 : memref<56xi32, #tpu.memory_space<vmem>>) semaphore(%arg21 : memref<!tpu.dma_semaphore, #tpu.memory_space<semaphore_mem>>) {add = true}
      %dma_wait3A_1237 = arith.constant 12 : i32
      %dma_wait3A_1238 = arith.constant 0 : i32
      %dma_wait3A_1239 = arith.constant 0 : i32
      %dma_wait3A_1240 = arith.constant 0 : i32
      %dma_wait3A_1241 = tpu.memref_slice %arg15[%dma_wait3A_1238, %dma_wait3A_1239, %dma_wait3A_1240] : memref<2x56x128xf32, #tpu.memory_space<vmem>> -> memref<1x56x128xf32, #tpu.memory_space<vmem>>
      %dma_wait3A_1242 = tpu.memref_squeeze %dma_wait3A_1241 : memref<1x56x128xf32, #tpu.memory_space<vmem>> -> memref<56x128xf32, #tpu.memory_space<vmem>>
      %dma_wait3A_1243 = arith.constant 0 : i32
      %dma_wait3A_1244 = tpu.memref_slice %arg12[%dma_wait3A_1237, %dma_wait3A_1243] : memref<24x56xi32, #tpu.memory_space<vmem>> -> memref<1x56xi32, #tpu.memory_space<vmem>>
      %dma_wait3A_1245 = tpu.memref_squeeze %dma_wait3A_1244 : memref<1x56xi32, #tpu.memory_space<vmem>> -> memref<56xi32, #tpu.memory_space<vmem>>
      %dma_wait3A_1246 = arith.constant 0 : i32
      %dma_wait3A_1247 = arith.constant 0 : i32
      %dma_wait3A_1248 = tpu.memref_slice %arg17[%dma_wait3A_1246, %dma_wait3A_1247] : memref<18x128xf32, #tpu.memory_space<vmem_shared>> -> memref<18x128xf32, #tpu.memory_space<vmem_shared>>
      tpu.wait_indirect_dma semaphore(%arg24 : memref<!tpu.dma_semaphore, #tpu.memory_space<semaphore_mem>>) src(%dma_wait3A_1248 : memref<18x128xf32, #tpu.memory_space<vmem_shared>>) dst(%dma_wait3A_1242 : memref<56x128xf32, #tpu.memory_space<vmem>>)
      %dma_start3A_1249 = arith.constant 0 : i32
      %dma_start3A_1250 = arith.constant 12 : i32
      %dma_start3A_1251 = arith.constant 0 : i32
      %dma_start3A_1252 = arith.constant 0 : i32
      %dma_start3A_1253 = tpu.memref_slice %arg15[%dma_start3A_1249, %dma_start3A_1251, %dma_start3A_1252] : memref<2x56x128xf32, #tpu.memory_space<vmem>> -> memref<1x56x128xf32, #tpu.memory_space<vmem>>
      %dma_start3A_1254 = tpu.memref_squeeze %dma_start3A_1253 : memref<1x56x128xf32, #tpu.memory_space<vmem>> -> memref<56x128xf32, #tpu.memory_space<vmem>>
      %dma_start3A_1255 = arith.constant 0 : i32
      %dma_start3A_1256 = tpu.memref_slice %arg13[%dma_start3A_1250, %dma_start3A_1255] : memref<24x56xi32, #tpu.memory_space<vmem>> -> memref<1x56xi32, #tpu.memory_space<vmem>>
      %dma_start3A_1257 = tpu.memref_squeeze %dma_start3A_1256 : memref<1x56xi32, #tpu.memory_space<vmem>> -> memref<56xi32, #tpu.memory_space<vmem>>
      %dma_start3A_1258 = arith.constant 0 : i32
      %dma_start3A_1259 = arith.constant 0 : i32
      %dma_start3A_1260 = tpu.memref_slice %arg16[%dma_start3A_1258, %dma_start3A_1259] : memref<10112x128xf32, #tpu.memory_space<vmem_shared>> -> memref<10112x128xf32, #tpu.memory_space<vmem_shared>>
      tpu.enqueue_indirect_dma source(%dma_start3A_1254 : memref<56x128xf32, #tpu.memory_space<vmem>>) target(%dma_start3A_1260 : memref<10112x128xf32, #tpu.memory_space<vmem_shared>>) offsets(%dma_start3A_1257 : memref<56xi32, #tpu.memory_space<vmem>>) semaphore(%arg26 : memref<!tpu.dma_semaphore, #tpu.memory_space<semaphore_mem>>) {add = true}
      %dma_wait3A_1261 = arith.constant 2 : i32
      %dma_wait3A_1262 = arith.constant 11 : i32
      %dma_wait3A_1263 = arith.constant 0 : i32
      %dma_wait3A_1264 = arith.constant 0 : i32
      %dma_wait3A_1265 = tpu.memref_slice %arg14[%dma_wait3A_1261, %dma_wait3A_1263, %dma_wait3A_1264] : memref<3x56x128xf32, #tpu.memory_space<vmem>> -> memref<1x56x128xf32, #tpu.memory_space<vmem>>
      %dma_wait3A_1266 = tpu.memref_squeeze %dma_wait3A_1265 : memref<1x56x128xf32, #tpu.memory_space<vmem>> -> memref<56x128xf32, #tpu.memory_space<vmem>>
      %dma_wait3A_1267 = arith.constant 0 : i32
      %dma_wait3A_1268 = tpu.memref_slice %arg11[%dma_wait3A_1262, %dma_wait3A_1267] : memref<24x56xi32, #tpu.memory_space<vmem>> -> memref<1x56xi32, #tpu.memory_space<vmem>>
      %dma_wait3A_1269 = tpu.memref_squeeze %dma_wait3A_1268 : memref<1x56xi32, #tpu.memory_space<vmem>> -> memref<56xi32, #tpu.memory_space<vmem>>
      %dma_wait3A_1270 = arith.constant 0 : i32
      %dma_wait3A_1271 = arith.constant 0 : i32
      %dma_wait3A_1272 = tpu.memref_slice %arg16[%dma_wait3A_1270, %dma_wait3A_1271] : memref<10112x128xf32, #tpu.memory_space<vmem_shared>> -> memref<10112x128xf32, #tpu.memory_space<vmem_shared>>
      tpu.wait_indirect_dma semaphore(%arg23 : memref<!tpu.dma_semaphore, #tpu.memory_space<semaphore_mem>>) src(%dma_wait3A_1266 : memref<56x128xf32, #tpu.memory_space<vmem>>) dst(%dma_wait3A_1272 : memref<10112x128xf32, #tpu.memory_space<vmem_shared>>)
      %dma_start3A_1273 = arith.constant 14 : i32
      %dma_start3A_1274 = arith.constant 2 : i32
      %dma_start3A_1275 = arith.constant 0 : i32
      %dma_start3A_1276 = arith.constant 0 : i32
      %dma_start3A_1277 = tpu.memref_slice %arg14[%dma_start3A_1274, %dma_start3A_1275, %dma_start3A_1276] : memref<3x56x128xf32, #tpu.memory_space<vmem>> -> memref<1x56x128xf32, #tpu.memory_space<vmem>>
      %dma_start3A_1278 = tpu.memref_squeeze %dma_start3A_1277 : memref<1x56x128xf32, #tpu.memory_space<vmem>> -> memref<56x128xf32, #tpu.memory_space<vmem>>
      %dma_start3A_1279 = arith.constant 0 : i32
      %dma_start3A_1280 = tpu.memref_slice %arg10[%dma_start3A_1273, %dma_start3A_1279] : memref<24x56xi32, #tpu.memory_space<vmem>> -> memref<1x56xi32, #tpu.memory_space<vmem>>
      %dma_start3A_1281 = tpu.memref_squeeze %dma_start3A_1280 : memref<1x56xi32, #tpu.memory_space<vmem>> -> memref<56xi32, #tpu.memory_space<vmem>>
      %dma_start3A_1282 = arith.constant 0 : i32
      %dma_start3A_1283 = arith.constant 0 : i32
      %dma_start3A_1284 = tpu.memref_slice %arg2[%dma_start3A_1282, %dma_start3A_1283] : memref<10000x128xf32, #tpu.memory_space<hbm>> -> memref<10000x128xf32, #tpu.memory_space<hbm>>
      tpu.enqueue_indirect_dma source(%dma_start3A_1284 : memref<10000x128xf32, #tpu.memory_space<hbm>>) target(%dma_start3A_1278 : memref<56x128xf32, #tpu.memory_space<vmem>>) offsets(%dma_start3A_1281 : memref<56xi32, #tpu.memory_space<vmem>>) semaphore(%arg20 : memref<!tpu.dma_semaphore, #tpu.memory_space<semaphore_mem>>)
      %dma_wait3A_1285 = arith.constant 0 : i32
      %dma_wait3A_1286 = arith.constant 12 : i32
      %dma_wait3A_1287 = arith.constant 0 : i32
      %dma_wait3A_1288 = arith.constant 0 : i32
      %dma_wait3A_1289 = tpu.memref_slice %arg15[%dma_wait3A_1285, %dma_wait3A_1287, %dma_wait3A_1288] : memref<2x56x128xf32, #tpu.memory_space<vmem>> -> memref<1x56x128xf32, #tpu.memory_space<vmem>>
      %dma_wait3A_1290 = tpu.memref_squeeze %dma_wait3A_1289 : memref<1x56x128xf32, #tpu.memory_space<vmem>> -> memref<56x128xf32, #tpu.memory_space<vmem>>
      %dma_wait3A_1291 = arith.constant 0 : i32
      %dma_wait3A_1292 = tpu.memref_slice %arg13[%dma_wait3A_1286, %dma_wait3A_1291] : memref<24x56xi32, #tpu.memory_space<vmem>> -> memref<1x56xi32, #tpu.memory_space<vmem>>
      %dma_wait3A_1293 = tpu.memref_squeeze %dma_wait3A_1292 : memref<1x56xi32, #tpu.memory_space<vmem>> -> memref<56xi32, #tpu.memory_space<vmem>>
      %dma_wait3A_1294 = arith.constant 0 : i32
      %dma_wait3A_1295 = arith.constant 0 : i32
      %dma_wait3A_1296 = tpu.memref_slice %arg16[%dma_wait3A_1294, %dma_wait3A_1295] : memref<10112x128xf32, #tpu.memory_space<vmem_shared>> -> memref<10112x128xf32, #tpu.memory_space<vmem_shared>>
      tpu.wait_indirect_dma semaphore(%arg26 : memref<!tpu.dma_semaphore, #tpu.memory_space<semaphore_mem>>) src(%dma_wait3A_1290 : memref<56x128xf32, #tpu.memory_space<vmem>>) dst(%dma_wait3A_1296 : memref<10112x128xf32, #tpu.memory_space<vmem_shared>>)
      %dma_start3A_1297 = arith.constant 14 : i32
      %dma_start3A_1298 = arith.constant 0 : i32
      %dma_start3A_1299 = arith.constant 0 : i32
      %dma_start3A_1300 = arith.constant 0 : i32
      %dma_start3A_1301 = tpu.memref_slice %arg15[%dma_start3A_1298, %dma_start3A_1299, %dma_start3A_1300] : memref<2x56x128xf32, #tpu.memory_space<vmem>> -> memref<1x56x128xf32, #tpu.memory_space<vmem>>
      %dma_start3A_1302 = tpu.memref_squeeze %dma_start3A_1301 : memref<1x56x128xf32, #tpu.memory_space<vmem>> -> memref<56x128xf32, #tpu.memory_space<vmem>>
      %dma_start3A_1303 = arith.constant 0 : i32
      %dma_start3A_1304 = tpu.memref_slice %arg12[%dma_start3A_1297, %dma_start3A_1303] : memref<24x56xi32, #tpu.memory_space<vmem>> -> memref<1x56xi32, #tpu.memory_space<vmem>>
      %dma_start3A_1305 = tpu.memref_squeeze %dma_start3A_1304 : memref<1x56xi32, #tpu.memory_space<vmem>> -> memref<56xi32, #tpu.memory_space<vmem>>
      %dma_start3A_1306 = arith.constant 0 : i32
      %dma_start3A_1307 = arith.constant 0 : i32
      %dma_start3A_1308 = tpu.memref_slice %arg17[%dma_start3A_1306, %dma_start3A_1307] : memref<18x128xf32, #tpu.memory_space<vmem_shared>> -> memref<18x128xf32, #tpu.memory_space<vmem_shared>>
      tpu.enqueue_indirect_dma source(%dma_start3A_1308 : memref<18x128xf32, #tpu.memory_space<vmem_shared>>) target(%dma_start3A_1302 : memref<56x128xf32, #tpu.memory_space<vmem>>) offsets(%dma_start3A_1305 : memref<56xi32, #tpu.memory_space<vmem>>) semaphore(%arg24 : memref<!tpu.dma_semaphore, #tpu.memory_space<semaphore_mem>>)
      %dma_wait3A_1309 = arith.constant 13 : i32
      %dma_wait3A_1310 = arith.constant 1 : i32
      %dma_wait3A_1311 = arith.constant 0 : i32
      %dma_wait3A_1312 = arith.constant 0 : i32
      %dma_wait3A_1313 = tpu.memref_slice %arg14[%dma_wait3A_1310, %dma_wait3A_1311, %dma_wait3A_1312] : memref<3x56x128xf32, #tpu.memory_space<vmem>> -> memref<1x56x128xf32, #tpu.memory_space<vmem>>
      %dma_wait3A_1314 = tpu.memref_squeeze %dma_wait3A_1313 : memref<1x56x128xf32, #tpu.memory_space<vmem>> -> memref<56x128xf32, #tpu.memory_space<vmem>>
      %dma_wait3A_1315 = arith.constant 0 : i32
      %dma_wait3A_1316 = tpu.memref_slice %arg10[%dma_wait3A_1309, %dma_wait3A_1315] : memref<24x56xi32, #tpu.memory_space<vmem>> -> memref<1x56xi32, #tpu.memory_space<vmem>>
      %dma_wait3A_1317 = tpu.memref_squeeze %dma_wait3A_1316 : memref<1x56xi32, #tpu.memory_space<vmem>> -> memref<56xi32, #tpu.memory_space<vmem>>
      %dma_wait3A_1318 = arith.constant 0 : i32
      %dma_wait3A_1319 = arith.constant 0 : i32
      %dma_wait3A_1320 = tpu.memref_slice %arg2[%dma_wait3A_1318, %dma_wait3A_1319] : memref<10000x128xf32, #tpu.memory_space<hbm>> -> memref<10000x128xf32, #tpu.memory_space<hbm>>
      tpu.wait_indirect_dma semaphore(%arg19 : memref<!tpu.dma_semaphore, #tpu.memory_space<semaphore_mem>>) src(%dma_wait3A_1320 : memref<10000x128xf32, #tpu.memory_space<hbm>>) dst(%dma_wait3A_1314 : memref<56x128xf32, #tpu.memory_space<vmem>>)
      %dma_start3A_1321 = arith.constant 1 : i32
      %dma_start3A_1322 = arith.constant 13 : i32
      %dma_start3A_1323 = arith.constant 0 : i32
      %dma_start3A_1324 = arith.constant 0 : i32
      %dma_start3A_1325 = tpu.memref_slice %arg14[%dma_start3A_1321, %dma_start3A_1323, %dma_start3A_1324] : memref<3x56x128xf32, #tpu.memory_space<vmem>> -> memref<1x56x128xf32, #tpu.memory_space<vmem>>
      %dma_start3A_1326 = tpu.memref_squeeze %dma_start3A_1325 : memref<1x56x128xf32, #tpu.memory_space<vmem>> -> memref<56x128xf32, #tpu.memory_space<vmem>>
      %dma_start3A_1327 = arith.constant 0 : i32
      %dma_start3A_1328 = tpu.memref_slice %arg11[%dma_start3A_1322, %dma_start3A_1327] : memref<24x56xi32, #tpu.memory_space<vmem>> -> memref<1x56xi32, #tpu.memory_space<vmem>>
      %dma_start3A_1329 = tpu.memref_squeeze %dma_start3A_1328 : memref<1x56xi32, #tpu.memory_space<vmem>> -> memref<56xi32, #tpu.memory_space<vmem>>
      %dma_start3A_1330 = arith.constant 0 : i32
      %dma_start3A_1331 = arith.constant 0 : i32
      %dma_start3A_1332 = tpu.memref_slice %arg16[%dma_start3A_1330, %dma_start3A_1331] : memref<10112x128xf32, #tpu.memory_space<vmem_shared>> -> memref<10112x128xf32, #tpu.memory_space<vmem_shared>>
      tpu.enqueue_indirect_dma source(%dma_start3A_1326 : memref<56x128xf32, #tpu.memory_space<vmem>>) target(%dma_start3A_1332 : memref<10112x128xf32, #tpu.memory_space<vmem_shared>>) offsets(%dma_start3A_1329 : memref<56xi32, #tpu.memory_space<vmem>>) semaphore(%arg22 : memref<!tpu.dma_semaphore, #tpu.memory_space<semaphore_mem>>) {add = true}
      %dma_wait3A_1333 = arith.constant 13 : i32
      %dma_wait3A_1334 = arith.constant 1 : i32
      %dma_wait3A_1335 = arith.constant 0 : i32
      %dma_wait3A_1336 = arith.constant 0 : i32
      %dma_wait3A_1337 = tpu.memref_slice %arg15[%dma_wait3A_1334, %dma_wait3A_1335, %dma_wait3A_1336] : memref<2x56x128xf32, #tpu.memory_space<vmem>> -> memref<1x56x128xf32, #tpu.memory_space<vmem>>
      %dma_wait3A_1338 = tpu.memref_squeeze %dma_wait3A_1337 : memref<1x56x128xf32, #tpu.memory_space<vmem>> -> memref<56x128xf32, #tpu.memory_space<vmem>>
      %dma_wait3A_1339 = arith.constant 0 : i32
      %dma_wait3A_1340 = tpu.memref_slice %arg12[%dma_wait3A_1333, %dma_wait3A_1339] : memref<24x56xi32, #tpu.memory_space<vmem>> -> memref<1x56xi32, #tpu.memory_space<vmem>>
      %dma_wait3A_1341 = tpu.memref_squeeze %dma_wait3A_1340 : memref<1x56xi32, #tpu.memory_space<vmem>> -> memref<56xi32, #tpu.memory_space<vmem>>
      %dma_wait3A_1342 = arith.constant 0 : i32
      %dma_wait3A_1343 = arith.constant 0 : i32
      %dma_wait3A_1344 = tpu.memref_slice %arg17[%dma_wait3A_1342, %dma_wait3A_1343] : memref<18x128xf32, #tpu.memory_space<vmem_shared>> -> memref<18x128xf32, #tpu.memory_space<vmem_shared>>
      tpu.wait_indirect_dma semaphore(%arg25 : memref<!tpu.dma_semaphore, #tpu.memory_space<semaphore_mem>>) src(%dma_wait3A_1344 : memref<18x128xf32, #tpu.memory_space<vmem_shared>>) dst(%dma_wait3A_1338 : memref<56x128xf32, #tpu.memory_space<vmem>>)
      %dma_start3A_1345 = arith.constant 1 : i32
      %dma_start3A_1346 = arith.constant 13 : i32
      %dma_start3A_1347 = arith.constant 0 : i32
      %dma_start3A_1348 = arith.constant 0 : i32
      %dma_start3A_1349 = tpu.memref_slice %arg15[%dma_start3A_1345, %dma_start3A_1347, %dma_start3A_1348] : memref<2x56x128xf32, #tpu.memory_space<vmem>> -> memref<1x56x128xf32, #tpu.memory_space<vmem>>
      %dma_start3A_1350 = tpu.memref_squeeze %dma_start3A_1349 : memref<1x56x128xf32, #tpu.memory_space<vmem>> -> memref<56x128xf32, #tpu.memory_space<vmem>>
      %dma_start3A_1351 = arith.constant 0 : i32
      %dma_start3A_1352 = tpu.memref_slice %arg13[%dma_start3A_1346, %dma_start3A_1351] : memref<24x56xi32, #tpu.memory_space<vmem>> -> memref<1x56xi32, #tpu.memory_space<vmem>>
      %dma_start3A_1353 = tpu.memref_squeeze %dma_start3A_1352 : memref<1x56xi32, #tpu.memory_space<vmem>> -> memref<56xi32, #tpu.memory_space<vmem>>
      %dma_start3A_1354 = arith.constant 0 : i32
      %dma_start3A_1355 = arith.constant 0 : i32
      %dma_start3A_1356 = tpu.memref_slice %arg16[%dma_start3A_1354, %dma_start3A_1355] : memref<10112x128xf32, #tpu.memory_space<vmem_shared>> -> memref<10112x128xf32, #tpu.memory_space<vmem_shared>>
      tpu.enqueue_indirect_dma source(%dma_start3A_1350 : memref<56x128xf32, #tpu.memory_space<vmem>>) target(%dma_start3A_1356 : memref<10112x128xf32, #tpu.memory_space<vmem_shared>>) offsets(%dma_start3A_1353 : memref<56xi32, #tpu.memory_space<vmem>>) semaphore(%arg27 : memref<!tpu.dma_semaphore, #tpu.memory_space<semaphore_mem>>) {add = true}
      %dma_wait3A_1357 = arith.constant 0 : i32
      %dma_wait3A_1358 = arith.constant 12 : i32
      %dma_wait3A_1359 = arith.constant 0 : i32
      %dma_wait3A_1360 = arith.constant 0 : i32
      %dma_wait3A_1361 = tpu.memref_slice %arg14[%dma_wait3A_1357, %dma_wait3A_1359, %dma_wait3A_1360] : memref<3x56x128xf32, #tpu.memory_space<vmem>> -> memref<1x56x128xf32, #tpu.memory_space<vmem>>
      %dma_wait3A_1362 = tpu.memref_squeeze %dma_wait3A_1361 : memref<1x56x128xf32, #tpu.memory_space<vmem>> -> memref<56x128xf32, #tpu.memory_space<vmem>>
      %dma_wait3A_1363 = arith.constant 0 : i32
      %dma_wait3A_1364 = tpu.memref_slice %arg11[%dma_wait3A_1358, %dma_wait3A_1363] : memref<24x56xi32, #tpu.memory_space<vmem>> -> memref<1x56xi32, #tpu.memory_space<vmem>>
      %dma_wait3A_1365 = tpu.memref_squeeze %dma_wait3A_1364 : memref<1x56xi32, #tpu.memory_space<vmem>> -> memref<56xi32, #tpu.memory_space<vmem>>
      %dma_wait3A_1366 = arith.constant 0 : i32
      %dma_wait3A_1367 = arith.constant 0 : i32
      %dma_wait3A_1368 = tpu.memref_slice %arg16[%dma_wait3A_1366, %dma_wait3A_1367] : memref<10112x128xf32, #tpu.memory_space<vmem_shared>> -> memref<10112x128xf32, #tpu.memory_space<vmem_shared>>
      tpu.wait_indirect_dma semaphore(%arg21 : memref<!tpu.dma_semaphore, #tpu.memory_space<semaphore_mem>>) src(%dma_wait3A_1362 : memref<56x128xf32, #tpu.memory_space<vmem>>) dst(%dma_wait3A_1368 : memref<10112x128xf32, #tpu.memory_space<vmem_shared>>)
      %dma_start3A_1369 = arith.constant 15 : i32
      %dma_start3A_1370 = arith.constant 0 : i32
      %dma_start3A_1371 = arith.constant 0 : i32
      %dma_start3A_1372 = arith.constant 0 : i32
      %dma_start3A_1373 = tpu.memref_slice %arg14[%dma_start3A_1370, %dma_start3A_1371, %dma_start3A_1372] : memref<3x56x128xf32, #tpu.memory_space<vmem>> -> memref<1x56x128xf32, #tpu.memory_space<vmem>>
      %dma_start3A_1374 = tpu.memref_squeeze %dma_start3A_1373 : memref<1x56x128xf32, #tpu.memory_space<vmem>> -> memref<56x128xf32, #tpu.memory_space<vmem>>
      %dma_start3A_1375 = arith.constant 0 : i32
      %dma_start3A_1376 = tpu.memref_slice %arg10[%dma_start3A_1369, %dma_start3A_1375] : memref<24x56xi32, #tpu.memory_space<vmem>> -> memref<1x56xi32, #tpu.memory_space<vmem>>
      %dma_start3A_1377 = tpu.memref_squeeze %dma_start3A_1376 : memref<1x56xi32, #tpu.memory_space<vmem>> -> memref<56xi32, #tpu.memory_space<vmem>>
      %dma_start3A_1378 = arith.constant 0 : i32
      %dma_start3A_1379 = arith.constant 0 : i32
      %dma_start3A_1380 = tpu.memref_slice %arg2[%dma_start3A_1378, %dma_start3A_1379] : memref<10000x128xf32, #tpu.memory_space<hbm>> -> memref<10000x128xf32, #tpu.memory_space<hbm>>
      tpu.enqueue_indirect_dma source(%dma_start3A_1380 : memref<10000x128xf32, #tpu.memory_space<hbm>>) target(%dma_start3A_1374 : memref<56x128xf32, #tpu.memory_space<vmem>>) offsets(%dma_start3A_1377 : memref<56xi32, #tpu.memory_space<vmem>>) semaphore(%arg18 : memref<!tpu.dma_semaphore, #tpu.memory_space<semaphore_mem>>)
      %dma_wait3A_1381 = arith.constant 1 : i32
      %dma_wait3A_1382 = arith.constant 13 : i32
      %dma_wait3A_1383 = arith.constant 0 : i32
      %dma_wait3A_1384 = arith.constant 0 : i32
      %dma_wait3A_1385 = tpu.memref_slice %arg15[%dma_wait3A_1381, %dma_wait3A_1383, %dma_wait3A_1384] : memref<2x56x128xf32, #tpu.memory_space<vmem>> -> memref<1x56x128xf32, #tpu.memory_space<vmem>>
      %dma_wait3A_1386 = tpu.memref_squeeze %dma_wait3A_1385 : memref<1x56x128xf32, #tpu.memory_space<vmem>> -> memref<56x128xf32, #tpu.memory_space<vmem>>
      %dma_wait3A_1387 = arith.constant 0 : i32
      %dma_wait3A_1388 = tpu.memref_slice %arg13[%dma_wait3A_1382, %dma_wait3A_1387] : memref<24x56xi32, #tpu.memory_space<vmem>> -> memref<1x56xi32, #tpu.memory_space<vmem>>
      %dma_wait3A_1389 = tpu.memref_squeeze %dma_wait3A_1388 : memref<1x56xi32, #tpu.memory_space<vmem>> -> memref<56xi32, #tpu.memory_space<vmem>>
      %dma_wait3A_1390 = arith.constant 0 : i32
      %dma_wait3A_1391 = arith.constant 0 : i32
      %dma_wait3A_1392 = tpu.memref_slice %arg16[%dma_wait3A_1390, %dma_wait3A_1391] : memref<10112x128xf32, #tpu.memory_space<vmem_shared>> -> memref<10112x128xf32, #tpu.memory_space<vmem_shared>>
      tpu.wait_indirect_dma semaphore(%arg27 : memref<!tpu.dma_semaphore, #tpu.memory_space<semaphore_mem>>) src(%dma_wait3A_1386 : memref<56x128xf32, #tpu.memory_space<vmem>>) dst(%dma_wait3A_1392 : memref<10112x128xf32, #tpu.memory_space<vmem_shared>>)
      %dma_start3A_1393 = arith.constant 15 : i32
      %dma_start3A_1394 = arith.constant 1 : i32
      %dma_start3A_1395 = arith.constant 0 : i32
      %dma_start3A_1396 = arith.constant 0 : i32
      %dma_start3A_1397 = tpu.memref_slice %arg15[%dma_start3A_1394, %dma_start3A_1395, %dma_start3A_1396] : memref<2x56x128xf32, #tpu.memory_space<vmem>> -> memref<1x56x128xf32, #tpu.memory_space<vmem>>
      %dma_start3A_1398 = tpu.memref_squeeze %dma_start3A_1397 : memref<1x56x128xf32, #tpu.memory_space<vmem>> -> memref<56x128xf32, #tpu.memory_space<vmem>>
      %dma_start3A_1399 = arith.constant 0 : i32
      %dma_start3A_1400 = tpu.memref_slice %arg12[%dma_start3A_1393, %dma_start3A_1399] : memref<24x56xi32, #tpu.memory_space<vmem>> -> memref<1x56xi32, #tpu.memory_space<vmem>>
      %dma_start3A_1401 = tpu.memref_squeeze %dma_start3A_1400 : memref<1x56xi32, #tpu.memory_space<vmem>> -> memref<56xi32, #tpu.memory_space<vmem>>
      %dma_start3A_1402 = arith.constant 0 : i32
      %dma_start3A_1403 = arith.constant 0 : i32
      %dma_start3A_1404 = tpu.memref_slice %arg17[%dma_start3A_1402, %dma_start3A_1403] : memref<18x128xf32, #tpu.memory_space<vmem_shared>> -> memref<18x128xf32, #tpu.memory_space<vmem_shared>>
      tpu.enqueue_indirect_dma source(%dma_start3A_1404 : memref<18x128xf32, #tpu.memory_space<vmem_shared>>) target(%dma_start3A_1398 : memref<56x128xf32, #tpu.memory_space<vmem>>) offsets(%dma_start3A_1401 : memref<56xi32, #tpu.memory_space<vmem>>) semaphore(%arg25 : memref<!tpu.dma_semaphore, #tpu.memory_space<semaphore_mem>>)
      %dma_wait3A_1405 = arith.constant 14 : i32
      %dma_wait3A_1406 = arith.constant 2 : i32
      %dma_wait3A_1407 = arith.constant 0 : i32
      %dma_wait3A_1408 = arith.constant 0 : i32
      %dma_wait3A_1409 = tpu.memref_slice %arg14[%dma_wait3A_1406, %dma_wait3A_1407, %dma_wait3A_1408] : memref<3x56x128xf32, #tpu.memory_space<vmem>> -> memref<1x56x128xf32, #tpu.memory_space<vmem>>
      %dma_wait3A_1410 = tpu.memref_squeeze %dma_wait3A_1409 : memref<1x56x128xf32, #tpu.memory_space<vmem>> -> memref<56x128xf32, #tpu.memory_space<vmem>>
      %dma_wait3A_1411 = arith.constant 0 : i32
      %dma_wait3A_1412 = tpu.memref_slice %arg10[%dma_wait3A_1405, %dma_wait3A_1411] : memref<24x56xi32, #tpu.memory_space<vmem>> -> memref<1x56xi32, #tpu.memory_space<vmem>>
      %dma_wait3A_1413 = tpu.memref_squeeze %dma_wait3A_1412 : memref<1x56xi32, #tpu.memory_space<vmem>> -> memref<56xi32, #tpu.memory_space<vmem>>
      %dma_wait3A_1414 = arith.constant 0 : i32
      %dma_wait3A_1415 = arith.constant 0 : i32
      %dma_wait3A_1416 = tpu.memref_slice %arg2[%dma_wait3A_1414, %dma_wait3A_1415] : memref<10000x128xf32, #tpu.memory_space<hbm>> -> memref<10000x128xf32, #tpu.memory_space<hbm>>
      tpu.wait_indirect_dma semaphore(%arg20 : memref<!tpu.dma_semaphore, #tpu.memory_space<semaphore_mem>>) src(%dma_wait3A_1416 : memref<10000x128xf32, #tpu.memory_space<hbm>>) dst(%dma_wait3A_1410 : memref<56x128xf32, #tpu.memory_space<vmem>>)
      %dma_start3A_1417 = arith.constant 2 : i32
      %dma_start3A_1418 = arith.constant 14 : i32
      %dma_start3A_1419 = arith.constant 0 : i32
      %dma_start3A_1420 = arith.constant 0 : i32
      %dma_start3A_1421 = tpu.memref_slice %arg14[%dma_start3A_1417, %dma_start3A_1419, %dma_start3A_1420] : memref<3x56x128xf32, #tpu.memory_space<vmem>> -> memref<1x56x128xf32, #tpu.memory_space<vmem>>
      %dma_start3A_1422 = tpu.memref_squeeze %dma_start3A_1421 : memref<1x56x128xf32, #tpu.memory_space<vmem>> -> memref<56x128xf32, #tpu.memory_space<vmem>>
      %dma_start3A_1423 = arith.constant 0 : i32
      %dma_start3A_1424 = tpu.memref_slice %arg11[%dma_start3A_1418, %dma_start3A_1423] : memref<24x56xi32, #tpu.memory_space<vmem>> -> memref<1x56xi32, #tpu.memory_space<vmem>>
      %dma_start3A_1425 = tpu.memref_squeeze %dma_start3A_1424 : memref<1x56xi32, #tpu.memory_space<vmem>> -> memref<56xi32, #tpu.memory_space<vmem>>
      %dma_start3A_1426 = arith.constant 0 : i32
      %dma_start3A_1427 = arith.constant 0 : i32
      %dma_start3A_1428 = tpu.memref_slice %arg16[%dma_start3A_1426, %dma_start3A_1427] : memref<10112x128xf32, #tpu.memory_space<vmem_shared>> -> memref<10112x128xf32, #tpu.memory_space<vmem_shared>>
      tpu.enqueue_indirect_dma source(%dma_start3A_1422 : memref<56x128xf32, #tpu.memory_space<vmem>>) target(%dma_start3A_1428 : memref<10112x128xf32, #tpu.memory_space<vmem_shared>>) offsets(%dma_start3A_1425 : memref<56xi32, #tpu.memory_space<vmem>>) semaphore(%arg23 : memref<!tpu.dma_semaphore, #tpu.memory_space<semaphore_mem>>) {add = true}
      %dma_wait3A_1429 = arith.constant 14 : i32
      %dma_wait3A_1430 = arith.constant 0 : i32
      %dma_wait3A_1431 = arith.constant 0 : i32
      %dma_wait3A_1432 = arith.constant 0 : i32
      %dma_wait3A_1433 = tpu.memref_slice %arg15[%dma_wait3A_1430, %dma_wait3A_1431, %dma_wait3A_1432] : memref<2x56x128xf32, #tpu.memory_space<vmem>> -> memref<1x56x128xf32, #tpu.memory_space<vmem>>
      %dma_wait3A_1434 = tpu.memref_squeeze %dma_wait3A_1433 : memref<1x56x128xf32, #tpu.memory_space<vmem>> -> memref<56x128xf32, #tpu.memory_space<vmem>>
      %dma_wait3A_1435 = arith.constant 0 : i32
      %dma_wait3A_1436 = tpu.memref_slice %arg12[%dma_wait3A_1429, %dma_wait3A_1435] : memref<24x56xi32, #tpu.memory_space<vmem>> -> memref<1x56xi32, #tpu.memory_space<vmem>>
      %dma_wait3A_1437 = tpu.memref_squeeze %dma_wait3A_1436 : memref<1x56xi32, #tpu.memory_space<vmem>> -> memref<56xi32, #tpu.memory_space<vmem>>
      %dma_wait3A_1438 = arith.constant 0 : i32
      %dma_wait3A_1439 = arith.constant 0 : i32
      %dma_wait3A_1440 = tpu.memref_slice %arg17[%dma_wait3A_1438, %dma_wait3A_1439] : memref<18x128xf32, #tpu.memory_space<vmem_shared>> -> memref<18x128xf32, #tpu.memory_space<vmem_shared>>
      tpu.wait_indirect_dma semaphore(%arg24 : memref<!tpu.dma_semaphore, #tpu.memory_space<semaphore_mem>>) src(%dma_wait3A_1440 : memref<18x128xf32, #tpu.memory_space<vmem_shared>>) dst(%dma_wait3A_1434 : memref<56x128xf32, #tpu.memory_space<vmem>>)
      %dma_start3A_1441 = arith.constant 0 : i32
      %dma_start3A_1442 = arith.constant 14 : i32
      %dma_start3A_1443 = arith.constant 0 : i32
      %dma_start3A_1444 = arith.constant 0 : i32
      %dma_start3A_1445 = tpu.memref_slice %arg15[%dma_start3A_1441, %dma_start3A_1443, %dma_start3A_1444] : memref<2x56x128xf32, #tpu.memory_space<vmem>> -> memref<1x56x128xf32, #tpu.memory_space<vmem>>
      %dma_start3A_1446 = tpu.memref_squeeze %dma_start3A_1445 : memref<1x56x128xf32, #tpu.memory_space<vmem>> -> memref<56x128xf32, #tpu.memory_space<vmem>>
      %dma_start3A_1447 = arith.constant 0 : i32
      %dma_start3A_1448 = tpu.memref_slice %arg13[%dma_start3A_1442, %dma_start3A_1447] : memref<24x56xi32, #tpu.memory_space<vmem>> -> memref<1x56xi32, #tpu.memory_space<vmem>>
      %dma_start3A_1449 = tpu.memref_squeeze %dma_start3A_1448 : memref<1x56xi32, #tpu.memory_space<vmem>> -> memref<56xi32, #tpu.memory_space<vmem>>
      %dma_start3A_1450 = arith.constant 0 : i32
      %dma_start3A_1451 = arith.constant 0 : i32
      %dma_start3A_1452 = tpu.memref_slice %arg16[%dma_start3A_1450, %dma_start3A_1451] : memref<10112x128xf32, #tpu.memory_space<vmem_shared>> -> memref<10112x128xf32, #tpu.memory_space<vmem_shared>>
      tpu.enqueue_indirect_dma source(%dma_start3A_1446 : memref<56x128xf32, #tpu.memory_space<vmem>>) target(%dma_start3A_1452 : memref<10112x128xf32, #tpu.memory_space<vmem_shared>>) offsets(%dma_start3A_1449 : memref<56xi32, #tpu.memory_space<vmem>>) semaphore(%arg26 : memref<!tpu.dma_semaphore, #tpu.memory_space<semaphore_mem>>) {add = true}
      %dma_wait3A_1453 = arith.constant 1 : i32
      %dma_wait3A_1454 = arith.constant 13 : i32
      %dma_wait3A_1455 = arith.constant 0 : i32
      %dma_wait3A_1456 = arith.constant 0 : i32
      %dma_wait3A_1457 = tpu.memref_slice %arg14[%dma_wait3A_1453, %dma_wait3A_1455, %dma_wait3A_1456] : memref<3x56x128xf32, #tpu.memory_space<vmem>> -> memref<1x56x128xf32, #tpu.memory_space<vmem>>
      %dma_wait3A_1458 = tpu.memref_squeeze %dma_wait3A_1457 : memref<1x56x128xf32, #tpu.memory_space<vmem>> -> memref<56x128xf32, #tpu.memory_space<vmem>>
      %dma_wait3A_1459 = arith.constant 0 : i32
      %dma_wait3A_1460 = tpu.memref_slice %arg11[%dma_wait3A_1454, %dma_wait3A_1459] : memref<24x56xi32, #tpu.memory_space<vmem>> -> memref<1x56xi32, #tpu.memory_space<vmem>>
      %dma_wait3A_1461 = tpu.memref_squeeze %dma_wait3A_1460 : memref<1x56xi32, #tpu.memory_space<vmem>> -> memref<56xi32, #tpu.memory_space<vmem>>
      %dma_wait3A_1462 = arith.constant 0 : i32
      %dma_wait3A_1463 = arith.constant 0 : i32
      %dma_wait3A_1464 = tpu.memref_slice %arg16[%dma_wait3A_1462, %dma_wait3A_1463] : memref<10112x128xf32, #tpu.memory_space<vmem_shared>> -> memref<10112x128xf32, #tpu.memory_space<vmem_shared>>
      tpu.wait_indirect_dma semaphore(%arg22 : memref<!tpu.dma_semaphore, #tpu.memory_space<semaphore_mem>>) src(%dma_wait3A_1458 : memref<56x128xf32, #tpu.memory_space<vmem>>) dst(%dma_wait3A_1464 : memref<10112x128xf32, #tpu.memory_space<vmem_shared>>)
      %dma_start3A_1465 = arith.constant 16 : i32
      %dma_start3A_1466 = arith.constant 1 : i32
      %dma_start3A_1467 = arith.constant 0 : i32
      %dma_start3A_1468 = arith.constant 0 : i32
      %dma_start3A_1469 = tpu.memref_slice %arg14[%dma_start3A_1466, %dma_start3A_1467, %dma_start3A_1468] : memref<3x56x128xf32, #tpu.memory_space<vmem>> -> memref<1x56x128xf32, #tpu.memory_space<vmem>>
      %dma_start3A_1470 = tpu.memref_squeeze %dma_start3A_1469 : memref<1x56x128xf32, #tpu.memory_space<vmem>> -> memref<56x128xf32, #tpu.memory_space<vmem>>
      %dma_start3A_1471 = arith.constant 0 : i32
      %dma_start3A_1472 = tpu.memref_slice %arg10[%dma_start3A_1465, %dma_start3A_1471] : memref<24x56xi32, #tpu.memory_space<vmem>> -> memref<1x56xi32, #tpu.memory_space<vmem>>
      %dma_start3A_1473 = tpu.memref_squeeze %dma_start3A_1472 : memref<1x56xi32, #tpu.memory_space<vmem>> -> memref<56xi32, #tpu.memory_space<vmem>>
      %dma_start3A_1474 = arith.constant 0 : i32
      %dma_start3A_1475 = arith.constant 0 : i32
      %dma_start3A_1476 = tpu.memref_slice %arg2[%dma_start3A_1474, %dma_start3A_1475] : memref<10000x128xf32, #tpu.memory_space<hbm>> -> memref<10000x128xf32, #tpu.memory_space<hbm>>
      tpu.enqueue_indirect_dma source(%dma_start3A_1476 : memref<10000x128xf32, #tpu.memory_space<hbm>>) target(%dma_start3A_1470 : memref<56x128xf32, #tpu.memory_space<vmem>>) offsets(%dma_start3A_1473 : memref<56xi32, #tpu.memory_space<vmem>>) semaphore(%arg19 : memref<!tpu.dma_semaphore, #tpu.memory_space<semaphore_mem>>)
      %dma_wait3A_1477 = arith.constant 0 : i32
      %dma_wait3A_1478 = arith.constant 14 : i32
      %dma_wait3A_1479 = arith.constant 0 : i32
      %dma_wait3A_1480 = arith.constant 0 : i32
      %dma_wait3A_1481 = tpu.memref_slice %arg15[%dma_wait3A_1477, %dma_wait3A_1479, %dma_wait3A_1480] : memref<2x56x128xf32, #tpu.memory_space<vmem>> -> memref<1x56x128xf32, #tpu.memory_space<vmem>>
      %dma_wait3A_1482 = tpu.memref_squeeze %dma_wait3A_1481 : memref<1x56x128xf32, #tpu.memory_space<vmem>> -> memref<56x128xf32, #tpu.memory_space<vmem>>
      %dma_wait3A_1483 = arith.constant 0 : i32
      %dma_wait3A_1484 = tpu.memref_slice %arg13[%dma_wait3A_1478, %dma_wait3A_1483] : memref<24x56xi32, #tpu.memory_space<vmem>> -> memref<1x56xi32, #tpu.memory_space<vmem>>
      %dma_wait3A_1485 = tpu.memref_squeeze %dma_wait3A_1484 : memref<1x56xi32, #tpu.memory_space<vmem>> -> memref<56xi32, #tpu.memory_space<vmem>>
      %dma_wait3A_1486 = arith.constant 0 : i32
      %dma_wait3A_1487 = arith.constant 0 : i32
      %dma_wait3A_1488 = tpu.memref_slice %arg16[%dma_wait3A_1486, %dma_wait3A_1487] : memref<10112x128xf32, #tpu.memory_space<vmem_shared>> -> memref<10112x128xf32, #tpu.memory_space<vmem_shared>>
      tpu.wait_indirect_dma semaphore(%arg26 : memref<!tpu.dma_semaphore, #tpu.memory_space<semaphore_mem>>) src(%dma_wait3A_1482 : memref<56x128xf32, #tpu.memory_space<vmem>>) dst(%dma_wait3A_1488 : memref<10112x128xf32, #tpu.memory_space<vmem_shared>>)
      %dma_start3A_1489 = arith.constant 16 : i32
      %dma_start3A_1490 = arith.constant 0 : i32
      %dma_start3A_1491 = arith.constant 0 : i32
      %dma_start3A_1492 = arith.constant 0 : i32
      %dma_start3A_1493 = tpu.memref_slice %arg15[%dma_start3A_1490, %dma_start3A_1491, %dma_start3A_1492] : memref<2x56x128xf32, #tpu.memory_space<vmem>> -> memref<1x56x128xf32, #tpu.memory_space<vmem>>
      %dma_start3A_1494 = tpu.memref_squeeze %dma_start3A_1493 : memref<1x56x128xf32, #tpu.memory_space<vmem>> -> memref<56x128xf32, #tpu.memory_space<vmem>>
      %dma_start3A_1495 = arith.constant 0 : i32
      %dma_start3A_1496 = tpu.memref_slice %arg12[%dma_start3A_1489, %dma_start3A_1495] : memref<24x56xi32, #tpu.memory_space<vmem>> -> memref<1x56xi32, #tpu.memory_space<vmem>>
      %dma_start3A_1497 = tpu.memref_squeeze %dma_start3A_1496 : memref<1x56xi32, #tpu.memory_space<vmem>> -> memref<56xi32, #tpu.memory_space<vmem>>
      %dma_start3A_1498 = arith.constant 0 : i32
      %dma_start3A_1499 = arith.constant 0 : i32
      %dma_start3A_1500 = tpu.memref_slice %arg17[%dma_start3A_1498, %dma_start3A_1499] : memref<18x128xf32, #tpu.memory_space<vmem_shared>> -> memref<18x128xf32, #tpu.memory_space<vmem_shared>>
      tpu.enqueue_indirect_dma source(%dma_start3A_1500 : memref<18x128xf32, #tpu.memory_space<vmem_shared>>) target(%dma_start3A_1494 : memref<56x128xf32, #tpu.memory_space<vmem>>) offsets(%dma_start3A_1497 : memref<56xi32, #tpu.memory_space<vmem>>) semaphore(%arg24 : memref<!tpu.dma_semaphore, #tpu.memory_space<semaphore_mem>>)
      %dma_wait3A_1501 = arith.constant 15 : i32
      %dma_wait3A_1502 = arith.constant 0 : i32
      %dma_wait3A_1503 = arith.constant 0 : i32
      %dma_wait3A_1504 = arith.constant 0 : i32
      %dma_wait3A_1505 = tpu.memref_slice %arg14[%dma_wait3A_1502, %dma_wait3A_1503, %dma_wait3A_1504] : memref<3x56x128xf32, #tpu.memory_space<vmem>> -> memref<1x56x128xf32, #tpu.memory_space<vmem>>
      %dma_wait3A_1506 = tpu.memref_squeeze %dma_wait3A_1505 : memref<1x56x128xf32, #tpu.memory_space<vmem>> -> memref<56x128xf32, #tpu.memory_space<vmem>>
      %dma_wait3A_1507 = arith.constant 0 : i32
      %dma_wait3A_1508 = tpu.memref_slice %arg10[%dma_wait3A_1501, %dma_wait3A_1507] : memref<24x56xi32, #tpu.memory_space<vmem>> -> memref<1x56xi32, #tpu.memory_space<vmem>>
      %dma_wait3A_1509 = tpu.memref_squeeze %dma_wait3A_1508 : memref<1x56xi32, #tpu.memory_space<vmem>> -> memref<56xi32, #tpu.memory_space<vmem>>
      %dma_wait3A_1510 = arith.constant 0 : i32
      %dma_wait3A_1511 = arith.constant 0 : i32
      %dma_wait3A_1512 = tpu.memref_slice %arg2[%dma_wait3A_1510, %dma_wait3A_1511] : memref<10000x128xf32, #tpu.memory_space<hbm>> -> memref<10000x128xf32, #tpu.memory_space<hbm>>
      tpu.wait_indirect_dma semaphore(%arg18 : memref<!tpu.dma_semaphore, #tpu.memory_space<semaphore_mem>>) src(%dma_wait3A_1512 : memref<10000x128xf32, #tpu.memory_space<hbm>>) dst(%dma_wait3A_1506 : memref<56x128xf32, #tpu.memory_space<vmem>>)
      %dma_start3A_1513 = arith.constant 0 : i32
      %dma_start3A_1514 = arith.constant 15 : i32
      %dma_start3A_1515 = arith.constant 0 : i32
      %dma_start3A_1516 = arith.constant 0 : i32
      %dma_start3A_1517 = tpu.memref_slice %arg14[%dma_start3A_1513, %dma_start3A_1515, %dma_start3A_1516] : memref<3x56x128xf32, #tpu.memory_space<vmem>> -> memref<1x56x128xf32, #tpu.memory_space<vmem>>
      %dma_start3A_1518 = tpu.memref_squeeze %dma_start3A_1517 : memref<1x56x128xf32, #tpu.memory_space<vmem>> -> memref<56x128xf32, #tpu.memory_space<vmem>>
      %dma_start3A_1519 = arith.constant 0 : i32
      %dma_start3A_1520 = tpu.memref_slice %arg11[%dma_start3A_1514, %dma_start3A_1519] : memref<24x56xi32, #tpu.memory_space<vmem>> -> memref<1x56xi32, #tpu.memory_space<vmem>>
      %dma_start3A_1521 = tpu.memref_squeeze %dma_start3A_1520 : memref<1x56xi32, #tpu.memory_space<vmem>> -> memref<56xi32, #tpu.memory_space<vmem>>
      %dma_start3A_1522 = arith.constant 0 : i32
      %dma_start3A_1523 = arith.constant 0 : i32
      %dma_start3A_1524 = tpu.memref_slice %arg16[%dma_start3A_1522, %dma_start3A_1523] : memref<10112x128xf32, #tpu.memory_space<vmem_shared>> -> memref<10112x128xf32, #tpu.memory_space<vmem_shared>>
      tpu.enqueue_indirect_dma source(%dma_start3A_1518 : memref<56x128xf32, #tpu.memory_space<vmem>>) target(%dma_start3A_1524 : memref<10112x128xf32, #tpu.memory_space<vmem_shared>>) offsets(%dma_start3A_1521 : memref<56xi32, #tpu.memory_space<vmem>>) semaphore(%arg21 : memref<!tpu.dma_semaphore, #tpu.memory_space<semaphore_mem>>) {add = true}
      %dma_wait3A_1525 = arith.constant 15 : i32
      %dma_wait3A_1526 = arith.constant 1 : i32
      %dma_wait3A_1527 = arith.constant 0 : i32
      %dma_wait3A_1528 = arith.constant 0 : i32
      %dma_wait3A_1529 = tpu.memref_slice %arg15[%dma_wait3A_1526, %dma_wait3A_1527, %dma_wait3A_1528] : memref<2x56x128xf32, #tpu.memory_space<vmem>> -> memref<1x56x128xf32, #tpu.memory_space<vmem>>
      %dma_wait3A_1530 = tpu.memref_squeeze %dma_wait3A_1529 : memref<1x56x128xf32, #tpu.memory_space<vmem>> -> memref<56x128xf32, #tpu.memory_space<vmem>>
      %dma_wait3A_1531 = arith.constant 0 : i32
      %dma_wait3A_1532 = tpu.memref_slice %arg12[%dma_wait3A_1525, %dma_wait3A_1531] : memref<24x56xi32, #tpu.memory_space<vmem>> -> memref<1x56xi32, #tpu.memory_space<vmem>>
      %dma_wait3A_1533 = tpu.memref_squeeze %dma_wait3A_1532 : memref<1x56xi32, #tpu.memory_space<vmem>> -> memref<56xi32, #tpu.memory_space<vmem>>
      %dma_wait3A_1534 = arith.constant 0 : i32
      %dma_wait3A_1535 = arith.constant 0 : i32
      %dma_wait3A_1536 = tpu.memref_slice %arg17[%dma_wait3A_1534, %dma_wait3A_1535] : memref<18x128xf32, #tpu.memory_space<vmem_shared>> -> memref<18x128xf32, #tpu.memory_space<vmem_shared>>
      tpu.wait_indirect_dma semaphore(%arg25 : memref<!tpu.dma_semaphore, #tpu.memory_space<semaphore_mem>>) src(%dma_wait3A_1536 : memref<18x128xf32, #tpu.memory_space<vmem_shared>>) dst(%dma_wait3A_1530 : memref<56x128xf32, #tpu.memory_space<vmem>>)
      %dma_start3A_1537 = arith.constant 1 : i32
      %dma_start3A_1538 = arith.constant 15 : i32
      %dma_start3A_1539 = arith.constant 0 : i32
      %dma_start3A_1540 = arith.constant 0 : i32
      %dma_start3A_1541 = tpu.memref_slice %arg15[%dma_start3A_1537, %dma_start3A_1539, %dma_start3A_1540] : memref<2x56x128xf32, #tpu.memory_space<vmem>> -> memref<1x56x128xf32, #tpu.memory_space<vmem>>
      %dma_start3A_1542 = tpu.memref_squeeze %dma_start3A_1541 : memref<1x56x128xf32, #tpu.memory_space<vmem>> -> memref<56x128xf32, #tpu.memory_space<vmem>>
      %dma_start3A_1543 = arith.constant 0 : i32
      %dma_start3A_1544 = tpu.memref_slice %arg13[%dma_start3A_1538, %dma_start3A_1543] : memref<24x56xi32, #tpu.memory_space<vmem>> -> memref<1x56xi32, #tpu.memory_space<vmem>>
      %dma_start3A_1545 = tpu.memref_squeeze %dma_start3A_1544 : memref<1x56xi32, #tpu.memory_space<vmem>> -> memref<56xi32, #tpu.memory_space<vmem>>
      %dma_start3A_1546 = arith.constant 0 : i32
      %dma_start3A_1547 = arith.constant 0 : i32
      %dma_start3A_1548 = tpu.memref_slice %arg16[%dma_start3A_1546, %dma_start3A_1547] : memref<10112x128xf32, #tpu.memory_space<vmem_shared>> -> memref<10112x128xf32, #tpu.memory_space<vmem_shared>>
      tpu.enqueue_indirect_dma source(%dma_start3A_1542 : memref<56x128xf32, #tpu.memory_space<vmem>>) target(%dma_start3A_1548 : memref<10112x128xf32, #tpu.memory_space<vmem_shared>>) offsets(%dma_start3A_1545 : memref<56xi32, #tpu.memory_space<vmem>>) semaphore(%arg27 : memref<!tpu.dma_semaphore, #tpu.memory_space<semaphore_mem>>) {add = true}
      %dma_wait3A_1549 = arith.constant 2 : i32
      %dma_wait3A_1550 = arith.constant 14 : i32
      %dma_wait3A_1551 = arith.constant 0 : i32
      %dma_wait3A_1552 = arith.constant 0 : i32
      %dma_wait3A_1553 = tpu.memref_slice %arg14[%dma_wait3A_1549, %dma_wait3A_1551, %dma_wait3A_1552] : memref<3x56x128xf32, #tpu.memory_space<vmem>> -> memref<1x56x128xf32, #tpu.memory_space<vmem>>
      %dma_wait3A_1554 = tpu.memref_squeeze %dma_wait3A_1553 : memref<1x56x128xf32, #tpu.memory_space<vmem>> -> memref<56x128xf32, #tpu.memory_space<vmem>>
      %dma_wait3A_1555 = arith.constant 0 : i32
      %dma_wait3A_1556 = tpu.memref_slice %arg11[%dma_wait3A_1550, %dma_wait3A_1555] : memref<24x56xi32, #tpu.memory_space<vmem>> -> memref<1x56xi32, #tpu.memory_space<vmem>>
      %dma_wait3A_1557 = tpu.memref_squeeze %dma_wait3A_1556 : memref<1x56xi32, #tpu.memory_space<vmem>> -> memref<56xi32, #tpu.memory_space<vmem>>
      %dma_wait3A_1558 = arith.constant 0 : i32
      %dma_wait3A_1559 = arith.constant 0 : i32
      %dma_wait3A_1560 = tpu.memref_slice %arg16[%dma_wait3A_1558, %dma_wait3A_1559] : memref<10112x128xf32, #tpu.memory_space<vmem_shared>> -> memref<10112x128xf32, #tpu.memory_space<vmem_shared>>
      tpu.wait_indirect_dma semaphore(%arg23 : memref<!tpu.dma_semaphore, #tpu.memory_space<semaphore_mem>>) src(%dma_wait3A_1554 : memref<56x128xf32, #tpu.memory_space<vmem>>) dst(%dma_wait3A_1560 : memref<10112x128xf32, #tpu.memory_space<vmem_shared>>)
      %dma_start3A_1561 = arith.constant 17 : i32
      %dma_start3A_1562 = arith.constant 2 : i32
      %dma_start3A_1563 = arith.constant 0 : i32
      %dma_start3A_1564 = arith.constant 0 : i32
      %dma_start3A_1565 = tpu.memref_slice %arg14[%dma_start3A_1562, %dma_start3A_1563, %dma_start3A_1564] : memref<3x56x128xf32, #tpu.memory_space<vmem>> -> memref<1x56x128xf32, #tpu.memory_space<vmem>>
      %dma_start3A_1566 = tpu.memref_squeeze %dma_start3A_1565 : memref<1x56x128xf32, #tpu.memory_space<vmem>> -> memref<56x128xf32, #tpu.memory_space<vmem>>
      %dma_start3A_1567 = arith.constant 0 : i32
      %dma_start3A_1568 = tpu.memref_slice %arg10[%dma_start3A_1561, %dma_start3A_1567] : memref<24x56xi32, #tpu.memory_space<vmem>> -> memref<1x56xi32, #tpu.memory_space<vmem>>
      %dma_start3A_1569 = tpu.memref_squeeze %dma_start3A_1568 : memref<1x56xi32, #tpu.memory_space<vmem>> -> memref<56xi32, #tpu.memory_space<vmem>>
      %dma_start3A_1570 = arith.constant 0 : i32
      %dma_start3A_1571 = arith.constant 0 : i32
      %dma_start3A_1572 = tpu.memref_slice %arg2[%dma_start3A_1570, %dma_start3A_1571] : memref<10000x128xf32, #tpu.memory_space<hbm>> -> memref<10000x128xf32, #tpu.memory_space<hbm>>
      tpu.enqueue_indirect_dma source(%dma_start3A_1572 : memref<10000x128xf32, #tpu.memory_space<hbm>>) target(%dma_start3A_1566 : memref<56x128xf32, #tpu.memory_space<vmem>>) offsets(%dma_start3A_1569 : memref<56xi32, #tpu.memory_space<vmem>>) semaphore(%arg20 : memref<!tpu.dma_semaphore, #tpu.memory_space<semaphore_mem>>)
      %dma_wait3A_1573 = arith.constant 1 : i32
      %dma_wait3A_1574 = arith.constant 15 : i32
      %dma_wait3A_1575 = arith.constant 0 : i32
      %dma_wait3A_1576 = arith.constant 0 : i32
      %dma_wait3A_1577 = tpu.memref_slice %arg15[%dma_wait3A_1573, %dma_wait3A_1575, %dma_wait3A_1576] : memref<2x56x128xf32, #tpu.memory_space<vmem>> -> memref<1x56x128xf32, #tpu.memory_space<vmem>>
      %dma_wait3A_1578 = tpu.memref_squeeze %dma_wait3A_1577 : memref<1x56x128xf32, #tpu.memory_space<vmem>> -> memref<56x128xf32, #tpu.memory_space<vmem>>
      %dma_wait3A_1579 = arith.constant 0 : i32
      %dma_wait3A_1580 = tpu.memref_slice %arg13[%dma_wait3A_1574, %dma_wait3A_1579] : memref<24x56xi32, #tpu.memory_space<vmem>> -> memref<1x56xi32, #tpu.memory_space<vmem>>
      %dma_wait3A_1581 = tpu.memref_squeeze %dma_wait3A_1580 : memref<1x56xi32, #tpu.memory_space<vmem>> -> memref<56xi32, #tpu.memory_space<vmem>>
      %dma_wait3A_1582 = arith.constant 0 : i32
      %dma_wait3A_1583 = arith.constant 0 : i32
      %dma_wait3A_1584 = tpu.memref_slice %arg16[%dma_wait3A_1582, %dma_wait3A_1583] : memref<10112x128xf32, #tpu.memory_space<vmem_shared>> -> memref<10112x128xf32, #tpu.memory_space<vmem_shared>>
      tpu.wait_indirect_dma semaphore(%arg27 : memref<!tpu.dma_semaphore, #tpu.memory_space<semaphore_mem>>) src(%dma_wait3A_1578 : memref<56x128xf32, #tpu.memory_space<vmem>>) dst(%dma_wait3A_1584 : memref<10112x128xf32, #tpu.memory_space<vmem_shared>>)
      %dma_start3A_1585 = arith.constant 17 : i32
      %dma_start3A_1586 = arith.constant 1 : i32
      %dma_start3A_1587 = arith.constant 0 : i32
      %dma_start3A_1588 = arith.constant 0 : i32
      %dma_start3A_1589 = tpu.memref_slice %arg15[%dma_start3A_1586, %dma_start3A_1587, %dma_start3A_1588] : memref<2x56x128xf32, #tpu.memory_space<vmem>> -> memref<1x56x128xf32, #tpu.memory_space<vmem>>
      %dma_start3A_1590 = tpu.memref_squeeze %dma_start3A_1589 : memref<1x56x128xf32, #tpu.memory_space<vmem>> -> memref<56x128xf32, #tpu.memory_space<vmem>>
      %dma_start3A_1591 = arith.constant 0 : i32
      %dma_start3A_1592 = tpu.memref_slice %arg12[%dma_start3A_1585, %dma_start3A_1591] : memref<24x56xi32, #tpu.memory_space<vmem>> -> memref<1x56xi32, #tpu.memory_space<vmem>>
      %dma_start3A_1593 = tpu.memref_squeeze %dma_start3A_1592 : memref<1x56xi32, #tpu.memory_space<vmem>> -> memref<56xi32, #tpu.memory_space<vmem>>
      %dma_start3A_1594 = arith.constant 0 : i32
      %dma_start3A_1595 = arith.constant 0 : i32
      %dma_start3A_1596 = tpu.memref_slice %arg17[%dma_start3A_1594, %dma_start3A_1595] : memref<18x128xf32, #tpu.memory_space<vmem_shared>> -> memref<18x128xf32, #tpu.memory_space<vmem_shared>>
      tpu.enqueue_indirect_dma source(%dma_start3A_1596 : memref<18x128xf32, #tpu.memory_space<vmem_shared>>) target(%dma_start3A_1590 : memref<56x128xf32, #tpu.memory_space<vmem>>) offsets(%dma_start3A_1593 : memref<56xi32, #tpu.memory_space<vmem>>) semaphore(%arg25 : memref<!tpu.dma_semaphore, #tpu.memory_space<semaphore_mem>>)
      %dma_wait3A_1597 = arith.constant 16 : i32
      %dma_wait3A_1598 = arith.constant 1 : i32
      %dma_wait3A_1599 = arith.constant 0 : i32
      %dma_wait3A_1600 = arith.constant 0 : i32
      %dma_wait3A_1601 = tpu.memref_slice %arg14[%dma_wait3A_1598, %dma_wait3A_1599, %dma_wait3A_1600] : memref<3x56x128xf32, #tpu.memory_space<vmem>> -> memref<1x56x128xf32, #tpu.memory_space<vmem>>
      %dma_wait3A_1602 = tpu.memref_squeeze %dma_wait3A_1601 : memref<1x56x128xf32, #tpu.memory_space<vmem>> -> memref<56x128xf32, #tpu.memory_space<vmem>>
      %dma_wait3A_1603 = arith.constant 0 : i32
      %dma_wait3A_1604 = tpu.memref_slice %arg10[%dma_wait3A_1597, %dma_wait3A_1603] : memref<24x56xi32, #tpu.memory_space<vmem>> -> memref<1x56xi32, #tpu.memory_space<vmem>>
      %dma_wait3A_1605 = tpu.memref_squeeze %dma_wait3A_1604 : memref<1x56xi32, #tpu.memory_space<vmem>> -> memref<56xi32, #tpu.memory_space<vmem>>
      %dma_wait3A_1606 = arith.constant 0 : i32
      %dma_wait3A_1607 = arith.constant 0 : i32
      %dma_wait3A_1608 = tpu.memref_slice %arg2[%dma_wait3A_1606, %dma_wait3A_1607] : memref<10000x128xf32, #tpu.memory_space<hbm>> -> memref<10000x128xf32, #tpu.memory_space<hbm>>
      tpu.wait_indirect_dma semaphore(%arg19 : memref<!tpu.dma_semaphore, #tpu.memory_space<semaphore_mem>>) src(%dma_wait3A_1608 : memref<10000x128xf32, #tpu.memory_space<hbm>>) dst(%dma_wait3A_1602 : memref<56x128xf32, #tpu.memory_space<vmem>>)
      %dma_start3A_1609 = arith.constant 1 : i32
      %dma_start3A_1610 = arith.constant 16 : i32
      %dma_start3A_1611 = arith.constant 0 : i32
      %dma_start3A_1612 = arith.constant 0 : i32
      %dma_start3A_1613 = tpu.memref_slice %arg14[%dma_start3A_1609, %dma_start3A_1611, %dma_start3A_1612] : memref<3x56x128xf32, #tpu.memory_space<vmem>> -> memref<1x56x128xf32, #tpu.memory_space<vmem>>
      %dma_start3A_1614 = tpu.memref_squeeze %dma_start3A_1613 : memref<1x56x128xf32, #tpu.memory_space<vmem>> -> memref<56x128xf32, #tpu.memory_space<vmem>>
      %dma_start3A_1615 = arith.constant 0 : i32
      %dma_start3A_1616 = tpu.memref_slice %arg11[%dma_start3A_1610, %dma_start3A_1615] : memref<24x56xi32, #tpu.memory_space<vmem>> -> memref<1x56xi32, #tpu.memory_space<vmem>>
      %dma_start3A_1617 = tpu.memref_squeeze %dma_start3A_1616 : memref<1x56xi32, #tpu.memory_space<vmem>> -> memref<56xi32, #tpu.memory_space<vmem>>
      %dma_start3A_1618 = arith.constant 0 : i32
      %dma_start3A_1619 = arith.constant 0 : i32
      %dma_start3A_1620 = tpu.memref_slice %arg16[%dma_start3A_1618, %dma_start3A_1619] : memref<10112x128xf32, #tpu.memory_space<vmem_shared>> -> memref<10112x128xf32, #tpu.memory_space<vmem_shared>>
      tpu.enqueue_indirect_dma source(%dma_start3A_1614 : memref<56x128xf32, #tpu.memory_space<vmem>>) target(%dma_start3A_1620 : memref<10112x128xf32, #tpu.memory_space<vmem_shared>>) offsets(%dma_start3A_1617 : memref<56xi32, #tpu.memory_space<vmem>>) semaphore(%arg22 : memref<!tpu.dma_semaphore, #tpu.memory_space<semaphore_mem>>) {add = true}
      %dma_wait3A_1621 = arith.constant 16 : i32
      %dma_wait3A_1622 = arith.constant 0 : i32
      %dma_wait3A_1623 = arith.constant 0 : i32
      %dma_wait3A_1624 = arith.constant 0 : i32
      %dma_wait3A_1625 = tpu.memref_slice %arg15[%dma_wait3A_1622, %dma_wait3A_1623, %dma_wait3A_1624] : memref<2x56x128xf32, #tpu.memory_space<vmem>> -> memref<1x56x128xf32, #tpu.memory_space<vmem>>
      %dma_wait3A_1626 = tpu.memref_squeeze %dma_wait3A_1625 : memref<1x56x128xf32, #tpu.memory_space<vmem>> -> memref<56x128xf32, #tpu.memory_space<vmem>>
      %dma_wait3A_1627 = arith.constant 0 : i32
      %dma_wait3A_1628 = tpu.memref_slice %arg12[%dma_wait3A_1621, %dma_wait3A_1627] : memref<24x56xi32, #tpu.memory_space<vmem>> -> memref<1x56xi32, #tpu.memory_space<vmem>>
      %dma_wait3A_1629 = tpu.memref_squeeze %dma_wait3A_1628 : memref<1x56xi32, #tpu.memory_space<vmem>> -> memref<56xi32, #tpu.memory_space<vmem>>
      %dma_wait3A_1630 = arith.constant 0 : i32
      %dma_wait3A_1631 = arith.constant 0 : i32
      %dma_wait3A_1632 = tpu.memref_slice %arg17[%dma_wait3A_1630, %dma_wait3A_1631] : memref<18x128xf32, #tpu.memory_space<vmem_shared>> -> memref<18x128xf32, #tpu.memory_space<vmem_shared>>
      tpu.wait_indirect_dma semaphore(%arg24 : memref<!tpu.dma_semaphore, #tpu.memory_space<semaphore_mem>>) src(%dma_wait3A_1632 : memref<18x128xf32, #tpu.memory_space<vmem_shared>>) dst(%dma_wait3A_1626 : memref<56x128xf32, #tpu.memory_space<vmem>>)
      %dma_start3A_1633 = arith.constant 0 : i32
      %dma_start3A_1634 = arith.constant 16 : i32
      %dma_start3A_1635 = arith.constant 0 : i32
      %dma_start3A_1636 = arith.constant 0 : i32
      %dma_start3A_1637 = tpu.memref_slice %arg15[%dma_start3A_1633, %dma_start3A_1635, %dma_start3A_1636] : memref<2x56x128xf32, #tpu.memory_space<vmem>> -> memref<1x56x128xf32, #tpu.memory_space<vmem>>
      %dma_start3A_1638 = tpu.memref_squeeze %dma_start3A_1637 : memref<1x56x128xf32, #tpu.memory_space<vmem>> -> memref<56x128xf32, #tpu.memory_space<vmem>>
      %dma_start3A_1639 = arith.constant 0 : i32
      %dma_start3A_1640 = tpu.memref_slice %arg13[%dma_start3A_1634, %dma_start3A_1639] : memref<24x56xi32, #tpu.memory_space<vmem>> -> memref<1x56xi32, #tpu.memory_space<vmem>>
      %dma_start3A_1641 = tpu.memref_squeeze %dma_start3A_1640 : memref<1x56xi32, #tpu.memory_space<vmem>> -> memref<56xi32, #tpu.memory_space<vmem>>
      %dma_start3A_1642 = arith.constant 0 : i32
      %dma_start3A_1643 = arith.constant 0 : i32
      %dma_start3A_1644 = tpu.memref_slice %arg16[%dma_start3A_1642, %dma_start3A_1643] : memref<10112x128xf32, #tpu.memory_space<vmem_shared>> -> memref<10112x128xf32, #tpu.memory_space<vmem_shared>>
      tpu.enqueue_indirect_dma source(%dma_start3A_1638 : memref<56x128xf32, #tpu.memory_space<vmem>>) target(%dma_start3A_1644 : memref<10112x128xf32, #tpu.memory_space<vmem_shared>>) offsets(%dma_start3A_1641 : memref<56xi32, #tpu.memory_space<vmem>>) semaphore(%arg26 : memref<!tpu.dma_semaphore, #tpu.memory_space<semaphore_mem>>) {add = true}
      %dma_wait3A_1645 = arith.constant 0 : i32
      %dma_wait3A_1646 = arith.constant 15 : i32
      %dma_wait3A_1647 = arith.constant 0 : i32
      %dma_wait3A_1648 = arith.constant 0 : i32
      %dma_wait3A_1649 = tpu.memref_slice %arg14[%dma_wait3A_1645, %dma_wait3A_1647, %dma_wait3A_1648] : memref<3x56x128xf32, #tpu.memory_space<vmem>> -> memref<1x56x128xf32, #tpu.memory_space<vmem>>
      %dma_wait3A_1650 = tpu.memref_squeeze %dma_wait3A_1649 : memref<1x56x128xf32, #tpu.memory_space<vmem>> -> memref<56x128xf32, #tpu.memory_space<vmem>>
      %dma_wait3A_1651 = arith.constant 0 : i32
      %dma_wait3A_1652 = tpu.memref_slice %arg11[%dma_wait3A_1646, %dma_wait3A_1651] : memref<24x56xi32, #tpu.memory_space<vmem>> -> memref<1x56xi32, #tpu.memory_space<vmem>>
      %dma_wait3A_1653 = tpu.memref_squeeze %dma_wait3A_1652 : memref<1x56xi32, #tpu.memory_space<vmem>> -> memref<56xi32, #tpu.memory_space<vmem>>
      %dma_wait3A_1654 = arith.constant 0 : i32
      %dma_wait3A_1655 = arith.constant 0 : i32
      %dma_wait3A_1656 = tpu.memref_slice %arg16[%dma_wait3A_1654, %dma_wait3A_1655] : memref<10112x128xf32, #tpu.memory_space<vmem_shared>> -> memref<10112x128xf32, #tpu.memory_space<vmem_shared>>
      tpu.wait_indirect_dma semaphore(%arg21 : memref<!tpu.dma_semaphore, #tpu.memory_space<semaphore_mem>>) src(%dma_wait3A_1650 : memref<56x128xf32, #tpu.memory_space<vmem>>) dst(%dma_wait3A_1656 : memref<10112x128xf32, #tpu.memory_space<vmem_shared>>)
      %dma_start3A_1657 = arith.constant 18 : i32
      %dma_start3A_1658 = arith.constant 0 : i32
      %dma_start3A_1659 = arith.constant 0 : i32
      %dma_start3A_1660 = arith.constant 0 : i32
      %dma_start3A_1661 = tpu.memref_slice %arg14[%dma_start3A_1658, %dma_start3A_1659, %dma_start3A_1660] : memref<3x56x128xf32, #tpu.memory_space<vmem>> -> memref<1x56x128xf32, #tpu.memory_space<vmem>>
      %dma_start3A_1662 = tpu.memref_squeeze %dma_start3A_1661 : memref<1x56x128xf32, #tpu.memory_space<vmem>> -> memref<56x128xf32, #tpu.memory_space<vmem>>
      %dma_start3A_1663 = arith.constant 0 : i32
      %dma_start3A_1664 = tpu.memref_slice %arg10[%dma_start3A_1657, %dma_start3A_1663] : memref<24x56xi32, #tpu.memory_space<vmem>> -> memref<1x56xi32, #tpu.memory_space<vmem>>
      %dma_start3A_1665 = tpu.memref_squeeze %dma_start3A_1664 : memref<1x56xi32, #tpu.memory_space<vmem>> -> memref<56xi32, #tpu.memory_space<vmem>>
      %dma_start3A_1666 = arith.constant 0 : i32
      %dma_start3A_1667 = arith.constant 0 : i32
      %dma_start3A_1668 = tpu.memref_slice %arg2[%dma_start3A_1666, %dma_start3A_1667] : memref<10000x128xf32, #tpu.memory_space<hbm>> -> memref<10000x128xf32, #tpu.memory_space<hbm>>
      tpu.enqueue_indirect_dma source(%dma_start3A_1668 : memref<10000x128xf32, #tpu.memory_space<hbm>>) target(%dma_start3A_1662 : memref<56x128xf32, #tpu.memory_space<vmem>>) offsets(%dma_start3A_1665 : memref<56xi32, #tpu.memory_space<vmem>>) semaphore(%arg18 : memref<!tpu.dma_semaphore, #tpu.memory_space<semaphore_mem>>)
      %dma_wait3A_1669 = arith.constant 0 : i32
      %dma_wait3A_1670 = arith.constant 16 : i32
      %dma_wait3A_1671 = arith.constant 0 : i32
      %dma_wait3A_1672 = arith.constant 0 : i32
      %dma_wait3A_1673 = tpu.memref_slice %arg15[%dma_wait3A_1669, %dma_wait3A_1671, %dma_wait3A_1672] : memref<2x56x128xf32, #tpu.memory_space<vmem>> -> memref<1x56x128xf32, #tpu.memory_space<vmem>>
      %dma_wait3A_1674 = tpu.memref_squeeze %dma_wait3A_1673 : memref<1x56x128xf32, #tpu.memory_space<vmem>> -> memref<56x128xf32, #tpu.memory_space<vmem>>
      %dma_wait3A_1675 = arith.constant 0 : i32
      %dma_wait3A_1676 = tpu.memref_slice %arg13[%dma_wait3A_1670, %dma_wait3A_1675] : memref<24x56xi32, #tpu.memory_space<vmem>> -> memref<1x56xi32, #tpu.memory_space<vmem>>
      %dma_wait3A_1677 = tpu.memref_squeeze %dma_wait3A_1676 : memref<1x56xi32, #tpu.memory_space<vmem>> -> memref<56xi32, #tpu.memory_space<vmem>>
      %dma_wait3A_1678 = arith.constant 0 : i32
      %dma_wait3A_1679 = arith.constant 0 : i32
      %dma_wait3A_1680 = tpu.memref_slice %arg16[%dma_wait3A_1678, %dma_wait3A_1679] : memref<10112x128xf32, #tpu.memory_space<vmem_shared>> -> memref<10112x128xf32, #tpu.memory_space<vmem_shared>>
      tpu.wait_indirect_dma semaphore(%arg26 : memref<!tpu.dma_semaphore, #tpu.memory_space<semaphore_mem>>) src(%dma_wait3A_1674 : memref<56x128xf32, #tpu.memory_space<vmem>>) dst(%dma_wait3A_1680 : memref<10112x128xf32, #tpu.memory_space<vmem_shared>>)
      %dma_start3A_1681 = arith.constant 18 : i32
      %dma_start3A_1682 = arith.constant 0 : i32
      %dma_start3A_1683 = arith.constant 0 : i32
      %dma_start3A_1684 = arith.constant 0 : i32
      %dma_start3A_1685 = tpu.memref_slice %arg15[%dma_start3A_1682, %dma_start3A_1683, %dma_start3A_1684] : memref<2x56x128xf32, #tpu.memory_space<vmem>> -> memref<1x56x128xf32, #tpu.memory_space<vmem>>
      %dma_start3A_1686 = tpu.memref_squeeze %dma_start3A_1685 : memref<1x56x128xf32, #tpu.memory_space<vmem>> -> memref<56x128xf32, #tpu.memory_space<vmem>>
      %dma_start3A_1687 = arith.constant 0 : i32
      %dma_start3A_1688 = tpu.memref_slice %arg12[%dma_start3A_1681, %dma_start3A_1687] : memref<24x56xi32, #tpu.memory_space<vmem>> -> memref<1x56xi32, #tpu.memory_space<vmem>>
      %dma_start3A_1689 = tpu.memref_squeeze %dma_start3A_1688 : memref<1x56xi32, #tpu.memory_space<vmem>> -> memref<56xi32, #tpu.memory_space<vmem>>
      %dma_start3A_1690 = arith.constant 0 : i32
      %dma_start3A_1691 = arith.constant 0 : i32
      %dma_start3A_1692 = tpu.memref_slice %arg17[%dma_start3A_1690, %dma_start3A_1691] : memref<18x128xf32, #tpu.memory_space<vmem_shared>> -> memref<18x128xf32, #tpu.memory_space<vmem_shared>>
      tpu.enqueue_indirect_dma source(%dma_start3A_1692 : memref<18x128xf32, #tpu.memory_space<vmem_shared>>) target(%dma_start3A_1686 : memref<56x128xf32, #tpu.memory_space<vmem>>) offsets(%dma_start3A_1689 : memref<56xi32, #tpu.memory_space<vmem>>) semaphore(%arg24 : memref<!tpu.dma_semaphore, #tpu.memory_space<semaphore_mem>>)
      %dma_wait3A_1693 = arith.constant 17 : i32
      %dma_wait3A_1694 = arith.constant 2 : i32
      %dma_wait3A_1695 = arith.constant 0 : i32
      %dma_wait3A_1696 = arith.constant 0 : i32
      %dma_wait3A_1697 = tpu.memref_slice %arg14[%dma_wait3A_1694, %dma_wait3A_1695, %dma_wait3A_1696] : memref<3x56x128xf32, #tpu.memory_space<vmem>> -> memref<1x56x128xf32, #tpu.memory_space<vmem>>
      %dma_wait3A_1698 = tpu.memref_squeeze %dma_wait3A_1697 : memref<1x56x128xf32, #tpu.memory_space<vmem>> -> memref<56x128xf32, #tpu.memory_space<vmem>>
      %dma_wait3A_1699 = arith.constant 0 : i32
      %dma_wait3A_1700 = tpu.memref_slice %arg10[%dma_wait3A_1693, %dma_wait3A_1699] : memref<24x56xi32, #tpu.memory_space<vmem>> -> memref<1x56xi32, #tpu.memory_space<vmem>>
      %dma_wait3A_1701 = tpu.memref_squeeze %dma_wait3A_1700 : memref<1x56xi32, #tpu.memory_space<vmem>> -> memref<56xi32, #tpu.memory_space<vmem>>
      %dma_wait3A_1702 = arith.constant 0 : i32
      %dma_wait3A_1703 = arith.constant 0 : i32
      %dma_wait3A_1704 = tpu.memref_slice %arg2[%dma_wait3A_1702, %dma_wait3A_1703] : memref<10000x128xf32, #tpu.memory_space<hbm>> -> memref<10000x128xf32, #tpu.memory_space<hbm>>
      tpu.wait_indirect_dma semaphore(%arg20 : memref<!tpu.dma_semaphore, #tpu.memory_space<semaphore_mem>>) src(%dma_wait3A_1704 : memref<10000x128xf32, #tpu.memory_space<hbm>>) dst(%dma_wait3A_1698 : memref<56x128xf32, #tpu.memory_space<vmem>>)
      %dma_start3A_1705 = arith.constant 2 : i32
      %dma_start3A_1706 = arith.constant 17 : i32
      %dma_start3A_1707 = arith.constant 0 : i32
      %dma_start3A_1708 = arith.constant 0 : i32
      %dma_start3A_1709 = tpu.memref_slice %arg14[%dma_start3A_1705, %dma_start3A_1707, %dma_start3A_1708] : memref<3x56x128xf32, #tpu.memory_space<vmem>> -> memref<1x56x128xf32, #tpu.memory_space<vmem>>
      %dma_start3A_1710 = tpu.memref_squeeze %dma_start3A_1709 : memref<1x56x128xf32, #tpu.memory_space<vmem>> -> memref<56x128xf32, #tpu.memory_space<vmem>>
      %dma_start3A_1711 = arith.constant 0 : i32
      %dma_start3A_1712 = tpu.memref_slice %arg11[%dma_start3A_1706, %dma_start3A_1711] : memref<24x56xi32, #tpu.memory_space<vmem>> -> memref<1x56xi32, #tpu.memory_space<vmem>>
      %dma_start3A_1713 = tpu.memref_squeeze %dma_start3A_1712 : memref<1x56xi32, #tpu.memory_space<vmem>> -> memref<56xi32, #tpu.memory_space<vmem>>
      %dma_start3A_1714 = arith.constant 0 : i32
      %dma_start3A_1715 = arith.constant 0 : i32
      %dma_start3A_1716 = tpu.memref_slice %arg16[%dma_start3A_1714, %dma_start3A_1715] : memref<10112x128xf32, #tpu.memory_space<vmem_shared>> -> memref<10112x128xf32, #tpu.memory_space<vmem_shared>>
      tpu.enqueue_indirect_dma source(%dma_start3A_1710 : memref<56x128xf32, #tpu.memory_space<vmem>>) target(%dma_start3A_1716 : memref<10112x128xf32, #tpu.memory_space<vmem_shared>>) offsets(%dma_start3A_1713 : memref<56xi32, #tpu.memory_space<vmem>>) semaphore(%arg23 : memref<!tpu.dma_semaphore, #tpu.memory_space<semaphore_mem>>) {add = true}
      %dma_wait3A_1717 = arith.constant 17 : i32
      %dma_wait3A_1718 = arith.constant 1 : i32
      %dma_wait3A_1719 = arith.constant 0 : i32
      %dma_wait3A_1720 = arith.constant 0 : i32
      %dma_wait3A_1721 = tpu.memref_slice %arg15[%dma_wait3A_1718, %dma_wait3A_1719, %dma_wait3A_1720] : memref<2x56x128xf32, #tpu.memory_space<vmem>> -> memref<1x56x128xf32, #tpu.memory_space<vmem>>
      %dma_wait3A_1722 = tpu.memref_squeeze %dma_wait3A_1721 : memref<1x56x128xf32, #tpu.memory_space<vmem>> -> memref<56x128xf32, #tpu.memory_space<vmem>>
      %dma_wait3A_1723 = arith.constant 0 : i32
      %dma_wait3A_1724 = tpu.memref_slice %arg12[%dma_wait3A_1717, %dma_wait3A_1723] : memref<24x56xi32, #tpu.memory_space<vmem>> -> memref<1x56xi32, #tpu.memory_space<vmem>>
      %dma_wait3A_1725 = tpu.memref_squeeze %dma_wait3A_1724 : memref<1x56xi32, #tpu.memory_space<vmem>> -> memref<56xi32, #tpu.memory_space<vmem>>
      %dma_wait3A_1726 = arith.constant 0 : i32
      %dma_wait3A_1727 = arith.constant 0 : i32
      %dma_wait3A_1728 = tpu.memref_slice %arg17[%dma_wait3A_1726, %dma_wait3A_1727] : memref<18x128xf32, #tpu.memory_space<vmem_shared>> -> memref<18x128xf32, #tpu.memory_space<vmem_shared>>
      tpu.wait_indirect_dma semaphore(%arg25 : memref<!tpu.dma_semaphore, #tpu.memory_space<semaphore_mem>>) src(%dma_wait3A_1728 : memref<18x128xf32, #tpu.memory_space<vmem_shared>>) dst(%dma_wait3A_1722 : memref<56x128xf32, #tpu.memory_space<vmem>>)
      %dma_start3A_1729 = arith.constant 1 : i32
      %dma_start3A_1730 = arith.constant 17 : i32
      %dma_start3A_1731 = arith.constant 0 : i32
      %dma_start3A_1732 = arith.constant 0 : i32
      %dma_start3A_1733 = tpu.memref_slice %arg15[%dma_start3A_1729, %dma_start3A_1731, %dma_start3A_1732] : memref<2x56x128xf32, #tpu.memory_space<vmem>> -> memref<1x56x128xf32, #tpu.memory_space<vmem>>
      %dma_start3A_1734 = tpu.memref_squeeze %dma_start3A_1733 : memref<1x56x128xf32, #tpu.memory_space<vmem>> -> memref<56x128xf32, #tpu.memory_space<vmem>>
      %dma_start3A_1735 = arith.constant 0 : i32
      %dma_start3A_1736 = tpu.memref_slice %arg13[%dma_start3A_1730, %dma_start3A_1735] : memref<24x56xi32, #tpu.memory_space<vmem>> -> memref<1x56xi32, #tpu.memory_space<vmem>>
      %dma_start3A_1737 = tpu.memref_squeeze %dma_start3A_1736 : memref<1x56xi32, #tpu.memory_space<vmem>> -> memref<56xi32, #tpu.memory_space<vmem>>
      %dma_start3A_1738 = arith.constant 0 : i32
      %dma_start3A_1739 = arith.constant 0 : i32
      %dma_start3A_1740 = tpu.memref_slice %arg16[%dma_start3A_1738, %dma_start3A_1739] : memref<10112x128xf32, #tpu.memory_space<vmem_shared>> -> memref<10112x128xf32, #tpu.memory_space<vmem_shared>>
      tpu.enqueue_indirect_dma source(%dma_start3A_1734 : memref<56x128xf32, #tpu.memory_space<vmem>>) target(%dma_start3A_1740 : memref<10112x128xf32, #tpu.memory_space<vmem_shared>>) offsets(%dma_start3A_1737 : memref<56xi32, #tpu.memory_space<vmem>>) semaphore(%arg27 : memref<!tpu.dma_semaphore, #tpu.memory_space<semaphore_mem>>) {add = true}
      %dma_wait3A_1741 = arith.constant 1 : i32
      %dma_wait3A_1742 = arith.constant 16 : i32
      %dma_wait3A_1743 = arith.constant 0 : i32
      %dma_wait3A_1744 = arith.constant 0 : i32
      %dma_wait3A_1745 = tpu.memref_slice %arg14[%dma_wait3A_1741, %dma_wait3A_1743, %dma_wait3A_1744] : memref<3x56x128xf32, #tpu.memory_space<vmem>> -> memref<1x56x128xf32, #tpu.memory_space<vmem>>
      %dma_wait3A_1746 = tpu.memref_squeeze %dma_wait3A_1745 : memref<1x56x128xf32, #tpu.memory_space<vmem>> -> memref<56x128xf32, #tpu.memory_space<vmem>>
      %dma_wait3A_1747 = arith.constant 0 : i32
      %dma_wait3A_1748 = tpu.memref_slice %arg11[%dma_wait3A_1742, %dma_wait3A_1747] : memref<24x56xi32, #tpu.memory_space<vmem>> -> memref<1x56xi32, #tpu.memory_space<vmem>>
      %dma_wait3A_1749 = tpu.memref_squeeze %dma_wait3A_1748 : memref<1x56xi32, #tpu.memory_space<vmem>> -> memref<56xi32, #tpu.memory_space<vmem>>
      %dma_wait3A_1750 = arith.constant 0 : i32
      %dma_wait3A_1751 = arith.constant 0 : i32
      %dma_wait3A_1752 = tpu.memref_slice %arg16[%dma_wait3A_1750, %dma_wait3A_1751] : memref<10112x128xf32, #tpu.memory_space<vmem_shared>> -> memref<10112x128xf32, #tpu.memory_space<vmem_shared>>
      tpu.wait_indirect_dma semaphore(%arg22 : memref<!tpu.dma_semaphore, #tpu.memory_space<semaphore_mem>>) src(%dma_wait3A_1746 : memref<56x128xf32, #tpu.memory_space<vmem>>) dst(%dma_wait3A_1752 : memref<10112x128xf32, #tpu.memory_space<vmem_shared>>)
      %dma_start3A_1753 = arith.constant 19 : i32
      %dma_start3A_1754 = arith.constant 1 : i32
      %dma_start3A_1755 = arith.constant 0 : i32
      %dma_start3A_1756 = arith.constant 0 : i32
      %dma_start3A_1757 = tpu.memref_slice %arg14[%dma_start3A_1754, %dma_start3A_1755, %dma_start3A_1756] : memref<3x56x128xf32, #tpu.memory_space<vmem>> -> memref<1x56x128xf32, #tpu.memory_space<vmem>>
      %dma_start3A_1758 = tpu.memref_squeeze %dma_start3A_1757 : memref<1x56x128xf32, #tpu.memory_space<vmem>> -> memref<56x128xf32, #tpu.memory_space<vmem>>
      %dma_start3A_1759 = arith.constant 0 : i32
      %dma_start3A_1760 = tpu.memref_slice %arg10[%dma_start3A_1753, %dma_start3A_1759] : memref<24x56xi32, #tpu.memory_space<vmem>> -> memref<1x56xi32, #tpu.memory_space<vmem>>
      %dma_start3A_1761 = tpu.memref_squeeze %dma_start3A_1760 : memref<1x56xi32, #tpu.memory_space<vmem>> -> memref<56xi32, #tpu.memory_space<vmem>>
      %dma_start3A_1762 = arith.constant 0 : i32
      %dma_start3A_1763 = arith.constant 0 : i32
      %dma_start3A_1764 = tpu.memref_slice %arg2[%dma_start3A_1762, %dma_start3A_1763] : memref<10000x128xf32, #tpu.memory_space<hbm>> -> memref<10000x128xf32, #tpu.memory_space<hbm>>
      tpu.enqueue_indirect_dma source(%dma_start3A_1764 : memref<10000x128xf32, #tpu.memory_space<hbm>>) target(%dma_start3A_1758 : memref<56x128xf32, #tpu.memory_space<vmem>>) offsets(%dma_start3A_1761 : memref<56xi32, #tpu.memory_space<vmem>>) semaphore(%arg19 : memref<!tpu.dma_semaphore, #tpu.memory_space<semaphore_mem>>)
      %dma_wait3A_1765 = arith.constant 1 : i32
      %dma_wait3A_1766 = arith.constant 17 : i32
      %dma_wait3A_1767 = arith.constant 0 : i32
      %dma_wait3A_1768 = arith.constant 0 : i32
      %dma_wait3A_1769 = tpu.memref_slice %arg15[%dma_wait3A_1765, %dma_wait3A_1767, %dma_wait3A_1768] : memref<2x56x128xf32, #tpu.memory_space<vmem>> -> memref<1x56x128xf32, #tpu.memory_space<vmem>>
      %dma_wait3A_1770 = tpu.memref_squeeze %dma_wait3A_1769 : memref<1x56x128xf32, #tpu.memory_space<vmem>> -> memref<56x128xf32, #tpu.memory_space<vmem>>
      %dma_wait3A_1771 = arith.constant 0 : i32
      %dma_wait3A_1772 = tpu.memref_slice %arg13[%dma_wait3A_1766, %dma_wait3A_1771] : memref<24x56xi32, #tpu.memory_space<vmem>> -> memref<1x56xi32, #tpu.memory_space<vmem>>
      %dma_wait3A_1773 = tpu.memref_squeeze %dma_wait3A_1772 : memref<1x56xi32, #tpu.memory_space<vmem>> -> memref<56xi32, #tpu.memory_space<vmem>>
      %dma_wait3A_1774 = arith.constant 0 : i32
      %dma_wait3A_1775 = arith.constant 0 : i32
      %dma_wait3A_1776 = tpu.memref_slice %arg16[%dma_wait3A_1774, %dma_wait3A_1775] : memref<10112x128xf32, #tpu.memory_space<vmem_shared>> -> memref<10112x128xf32, #tpu.memory_space<vmem_shared>>
      tpu.wait_indirect_dma semaphore(%arg27 : memref<!tpu.dma_semaphore, #tpu.memory_space<semaphore_mem>>) src(%dma_wait3A_1770 : memref<56x128xf32, #tpu.memory_space<vmem>>) dst(%dma_wait3A_1776 : memref<10112x128xf32, #tpu.memory_space<vmem_shared>>)
      %dma_start3A_1777 = arith.constant 19 : i32
      %dma_start3A_1778 = arith.constant 1 : i32
      %dma_start3A_1779 = arith.constant 0 : i32
      %dma_start3A_1780 = arith.constant 0 : i32
      %dma_start3A_1781 = tpu.memref_slice %arg15[%dma_start3A_1778, %dma_start3A_1779, %dma_start3A_1780] : memref<2x56x128xf32, #tpu.memory_space<vmem>> -> memref<1x56x128xf32, #tpu.memory_space<vmem>>
      %dma_start3A_1782 = tpu.memref_squeeze %dma_start3A_1781 : memref<1x56x128xf32, #tpu.memory_space<vmem>> -> memref<56x128xf32, #tpu.memory_space<vmem>>
      %dma_start3A_1783 = arith.constant 0 : i32
      %dma_start3A_1784 = tpu.memref_slice %arg12[%dma_start3A_1777, %dma_start3A_1783] : memref<24x56xi32, #tpu.memory_space<vmem>> -> memref<1x56xi32, #tpu.memory_space<vmem>>
      %dma_start3A_1785 = tpu.memref_squeeze %dma_start3A_1784 : memref<1x56xi32, #tpu.memory_space<vmem>> -> memref<56xi32, #tpu.memory_space<vmem>>
      %dma_start3A_1786 = arith.constant 0 : i32
      %dma_start3A_1787 = arith.constant 0 : i32
      %dma_start3A_1788 = tpu.memref_slice %arg17[%dma_start3A_1786, %dma_start3A_1787] : memref<18x128xf32, #tpu.memory_space<vmem_shared>> -> memref<18x128xf32, #tpu.memory_space<vmem_shared>>
      tpu.enqueue_indirect_dma source(%dma_start3A_1788 : memref<18x128xf32, #tpu.memory_space<vmem_shared>>) target(%dma_start3A_1782 : memref<56x128xf32, #tpu.memory_space<vmem>>) offsets(%dma_start3A_1785 : memref<56xi32, #tpu.memory_space<vmem>>) semaphore(%arg25 : memref<!tpu.dma_semaphore, #tpu.memory_space<semaphore_mem>>)
      %dma_wait3A_1789 = arith.constant 18 : i32
      %dma_wait3A_1790 = arith.constant 0 : i32
      %dma_wait3A_1791 = arith.constant 0 : i32
      %dma_wait3A_1792 = arith.constant 0 : i32
      %dma_wait3A_1793 = tpu.memref_slice %arg14[%dma_wait3A_1790, %dma_wait3A_1791, %dma_wait3A_1792] : memref<3x56x128xf32, #tpu.memory_space<vmem>> -> memref<1x56x128xf32, #tpu.memory_space<vmem>>
      %dma_wait3A_1794 = tpu.memref_squeeze %dma_wait3A_1793 : memref<1x56x128xf32, #tpu.memory_space<vmem>> -> memref<56x128xf32, #tpu.memory_space<vmem>>
      %dma_wait3A_1795 = arith.constant 0 : i32
      %dma_wait3A_1796 = tpu.memref_slice %arg10[%dma_wait3A_1789, %dma_wait3A_1795] : memref<24x56xi32, #tpu.memory_space<vmem>> -> memref<1x56xi32, #tpu.memory_space<vmem>>
      %dma_wait3A_1797 = tpu.memref_squeeze %dma_wait3A_1796 : memref<1x56xi32, #tpu.memory_space<vmem>> -> memref<56xi32, #tpu.memory_space<vmem>>
      %dma_wait3A_1798 = arith.constant 0 : i32
      %dma_wait3A_1799 = arith.constant 0 : i32
      %dma_wait3A_1800 = tpu.memref_slice %arg2[%dma_wait3A_1798, %dma_wait3A_1799] : memref<10000x128xf32, #tpu.memory_space<hbm>> -> memref<10000x128xf32, #tpu.memory_space<hbm>>
      tpu.wait_indirect_dma semaphore(%arg18 : memref<!tpu.dma_semaphore, #tpu.memory_space<semaphore_mem>>) src(%dma_wait3A_1800 : memref<10000x128xf32, #tpu.memory_space<hbm>>) dst(%dma_wait3A_1794 : memref<56x128xf32, #tpu.memory_space<vmem>>)
      %dma_start3A_1801 = arith.constant 0 : i32
      %dma_start3A_1802 = arith.constant 18 : i32
      %dma_start3A_1803 = arith.constant 0 : i32
      %dma_start3A_1804 = arith.constant 0 : i32
      %dma_start3A_1805 = tpu.memref_slice %arg14[%dma_start3A_1801, %dma_start3A_1803, %dma_start3A_1804] : memref<3x56x128xf32, #tpu.memory_space<vmem>> -> memref<1x56x128xf32, #tpu.memory_space<vmem>>
      %dma_start3A_1806 = tpu.memref_squeeze %dma_start3A_1805 : memref<1x56x128xf32, #tpu.memory_space<vmem>> -> memref<56x128xf32, #tpu.memory_space<vmem>>
      %dma_start3A_1807 = arith.constant 0 : i32
      %dma_start3A_1808 = tpu.memref_slice %arg11[%dma_start3A_1802, %dma_start3A_1807] : memref<24x56xi32, #tpu.memory_space<vmem>> -> memref<1x56xi32, #tpu.memory_space<vmem>>
      %dma_start3A_1809 = tpu.memref_squeeze %dma_start3A_1808 : memref<1x56xi32, #tpu.memory_space<vmem>> -> memref<56xi32, #tpu.memory_space<vmem>>
      %dma_start3A_1810 = arith.constant 0 : i32
      %dma_start3A_1811 = arith.constant 0 : i32
      %dma_start3A_1812 = tpu.memref_slice %arg16[%dma_start3A_1810, %dma_start3A_1811] : memref<10112x128xf32, #tpu.memory_space<vmem_shared>> -> memref<10112x128xf32, #tpu.memory_space<vmem_shared>>
      tpu.enqueue_indirect_dma source(%dma_start3A_1806 : memref<56x128xf32, #tpu.memory_space<vmem>>) target(%dma_start3A_1812 : memref<10112x128xf32, #tpu.memory_space<vmem_shared>>) offsets(%dma_start3A_1809 : memref<56xi32, #tpu.memory_space<vmem>>) semaphore(%arg21 : memref<!tpu.dma_semaphore, #tpu.memory_space<semaphore_mem>>) {add = true}
      %dma_wait3A_1813 = arith.constant 18 : i32
      %dma_wait3A_1814 = arith.constant 0 : i32
      %dma_wait3A_1815 = arith.constant 0 : i32
      %dma_wait3A_1816 = arith.constant 0 : i32
      %dma_wait3A_1817 = tpu.memref_slice %arg15[%dma_wait3A_1814, %dma_wait3A_1815, %dma_wait3A_1816] : memref<2x56x128xf32, #tpu.memory_space<vmem>> -> memref<1x56x128xf32, #tpu.memory_space<vmem>>
      %dma_wait3A_1818 = tpu.memref_squeeze %dma_wait3A_1817 : memref<1x56x128xf32, #tpu.memory_space<vmem>> -> memref<56x128xf32, #tpu.memory_space<vmem>>
      %dma_wait3A_1819 = arith.constant 0 : i32
      %dma_wait3A_1820 = tpu.memref_slice %arg12[%dma_wait3A_1813, %dma_wait3A_1819] : memref<24x56xi32, #tpu.memory_space<vmem>> -> memref<1x56xi32, #tpu.memory_space<vmem>>
      %dma_wait3A_1821 = tpu.memref_squeeze %dma_wait3A_1820 : memref<1x56xi32, #tpu.memory_space<vmem>> -> memref<56xi32, #tpu.memory_space<vmem>>
      %dma_wait3A_1822 = arith.constant 0 : i32
      %dma_wait3A_1823 = arith.constant 0 : i32
      %dma_wait3A_1824 = tpu.memref_slice %arg17[%dma_wait3A_1822, %dma_wait3A_1823] : memref<18x128xf32, #tpu.memory_space<vmem_shared>> -> memref<18x128xf32, #tpu.memory_space<vmem_shared>>
      tpu.wait_indirect_dma semaphore(%arg24 : memref<!tpu.dma_semaphore, #tpu.memory_space<semaphore_mem>>) src(%dma_wait3A_1824 : memref<18x128xf32, #tpu.memory_space<vmem_shared>>) dst(%dma_wait3A_1818 : memref<56x128xf32, #tpu.memory_space<vmem>>)
      %dma_start3A_1825 = arith.constant 0 : i32
      %dma_start3A_1826 = arith.constant 18 : i32
      %dma_start3A_1827 = arith.constant 0 : i32
      %dma_start3A_1828 = arith.constant 0 : i32
      %dma_start3A_1829 = tpu.memref_slice %arg15[%dma_start3A_1825, %dma_start3A_1827, %dma_start3A_1828] : memref<2x56x128xf32, #tpu.memory_space<vmem>> -> memref<1x56x128xf32, #tpu.memory_space<vmem>>
      %dma_start3A_1830 = tpu.memref_squeeze %dma_start3A_1829 : memref<1x56x128xf32, #tpu.memory_space<vmem>> -> memref<56x128xf32, #tpu.memory_space<vmem>>
      %dma_start3A_1831 = arith.constant 0 : i32
      %dma_start3A_1832 = tpu.memref_slice %arg13[%dma_start3A_1826, %dma_start3A_1831] : memref<24x56xi32, #tpu.memory_space<vmem>> -> memref<1x56xi32, #tpu.memory_space<vmem>>
      %dma_start3A_1833 = tpu.memref_squeeze %dma_start3A_1832 : memref<1x56xi32, #tpu.memory_space<vmem>> -> memref<56xi32, #tpu.memory_space<vmem>>
      %dma_start3A_1834 = arith.constant 0 : i32
      %dma_start3A_1835 = arith.constant 0 : i32
      %dma_start3A_1836 = tpu.memref_slice %arg16[%dma_start3A_1834, %dma_start3A_1835] : memref<10112x128xf32, #tpu.memory_space<vmem_shared>> -> memref<10112x128xf32, #tpu.memory_space<vmem_shared>>
      tpu.enqueue_indirect_dma source(%dma_start3A_1830 : memref<56x128xf32, #tpu.memory_space<vmem>>) target(%dma_start3A_1836 : memref<10112x128xf32, #tpu.memory_space<vmem_shared>>) offsets(%dma_start3A_1833 : memref<56xi32, #tpu.memory_space<vmem>>) semaphore(%arg26 : memref<!tpu.dma_semaphore, #tpu.memory_space<semaphore_mem>>) {add = true}
      %dma_wait3A_1837 = arith.constant 2 : i32
      %dma_wait3A_1838 = arith.constant 17 : i32
      %dma_wait3A_1839 = arith.constant 0 : i32
      %dma_wait3A_1840 = arith.constant 0 : i32
      %dma_wait3A_1841 = tpu.memref_slice %arg14[%dma_wait3A_1837, %dma_wait3A_1839, %dma_wait3A_1840] : memref<3x56x128xf32, #tpu.memory_space<vmem>> -> memref<1x56x128xf32, #tpu.memory_space<vmem>>
      %dma_wait3A_1842 = tpu.memref_squeeze %dma_wait3A_1841 : memref<1x56x128xf32, #tpu.memory_space<vmem>> -> memref<56x128xf32, #tpu.memory_space<vmem>>
      %dma_wait3A_1843 = arith.constant 0 : i32
      %dma_wait3A_1844 = tpu.memref_slice %arg11[%dma_wait3A_1838, %dma_wait3A_1843] : memref<24x56xi32, #tpu.memory_space<vmem>> -> memref<1x56xi32, #tpu.memory_space<vmem>>
      %dma_wait3A_1845 = tpu.memref_squeeze %dma_wait3A_1844 : memref<1x56xi32, #tpu.memory_space<vmem>> -> memref<56xi32, #tpu.memory_space<vmem>>
      %dma_wait3A_1846 = arith.constant 0 : i32
      %dma_wait3A_1847 = arith.constant 0 : i32
      %dma_wait3A_1848 = tpu.memref_slice %arg16[%dma_wait3A_1846, %dma_wait3A_1847] : memref<10112x128xf32, #tpu.memory_space<vmem_shared>> -> memref<10112x128xf32, #tpu.memory_space<vmem_shared>>
      tpu.wait_indirect_dma semaphore(%arg23 : memref<!tpu.dma_semaphore, #tpu.memory_space<semaphore_mem>>) src(%dma_wait3A_1842 : memref<56x128xf32, #tpu.memory_space<vmem>>) dst(%dma_wait3A_1848 : memref<10112x128xf32, #tpu.memory_space<vmem_shared>>)
      %dma_start3A_1849 = arith.constant 20 : i32
      %dma_start3A_1850 = arith.constant 2 : i32
      %dma_start3A_1851 = arith.constant 0 : i32
      %dma_start3A_1852 = arith.constant 0 : i32
      %dma_start3A_1853 = tpu.memref_slice %arg14[%dma_start3A_1850, %dma_start3A_1851, %dma_start3A_1852] : memref<3x56x128xf32, #tpu.memory_space<vmem>> -> memref<1x56x128xf32, #tpu.memory_space<vmem>>
      %dma_start3A_1854 = tpu.memref_squeeze %dma_start3A_1853 : memref<1x56x128xf32, #tpu.memory_space<vmem>> -> memref<56x128xf32, #tpu.memory_space<vmem>>
      %dma_start3A_1855 = arith.constant 0 : i32
      %dma_start3A_1856 = tpu.memref_slice %arg10[%dma_start3A_1849, %dma_start3A_1855] : memref<24x56xi32, #tpu.memory_space<vmem>> -> memref<1x56xi32, #tpu.memory_space<vmem>>
      %dma_start3A_1857 = tpu.memref_squeeze %dma_start3A_1856 : memref<1x56xi32, #tpu.memory_space<vmem>> -> memref<56xi32, #tpu.memory_space<vmem>>
      %dma_start3A_1858 = arith.constant 0 : i32
      %dma_start3A_1859 = arith.constant 0 : i32
      %dma_start3A_1860 = tpu.memref_slice %arg2[%dma_start3A_1858, %dma_start3A_1859] : memref<10000x128xf32, #tpu.memory_space<hbm>> -> memref<10000x128xf32, #tpu.memory_space<hbm>>
      tpu.enqueue_indirect_dma source(%dma_start3A_1860 : memref<10000x128xf32, #tpu.memory_space<hbm>>) target(%dma_start3A_1854 : memref<56x128xf32, #tpu.memory_space<vmem>>) offsets(%dma_start3A_1857 : memref<56xi32, #tpu.memory_space<vmem>>) semaphore(%arg20 : memref<!tpu.dma_semaphore, #tpu.memory_space<semaphore_mem>>)
      %dma_wait3A_1861 = arith.constant 0 : i32
      %dma_wait3A_1862 = arith.constant 18 : i32
      %dma_wait3A_1863 = arith.constant 0 : i32
      %dma_wait3A_1864 = arith.constant 0 : i32
      %dma_wait3A_1865 = tpu.memref_slice %arg15[%dma_wait3A_1861, %dma_wait3A_1863, %dma_wait3A_1864] : memref<2x56x128xf32, #tpu.memory_space<vmem>> -> memref<1x56x128xf32, #tpu.memory_space<vmem>>
      %dma_wait3A_1866 = tpu.memref_squeeze %dma_wait3A_1865 : memref<1x56x128xf32, #tpu.memory_space<vmem>> -> memref<56x128xf32, #tpu.memory_space<vmem>>
      %dma_wait3A_1867 = arith.constant 0 : i32
      %dma_wait3A_1868 = tpu.memref_slice %arg13[%dma_wait3A_1862, %dma_wait3A_1867] : memref<24x56xi32, #tpu.memory_space<vmem>> -> memref<1x56xi32, #tpu.memory_space<vmem>>
      %dma_wait3A_1869 = tpu.memref_squeeze %dma_wait3A_1868 : memref<1x56xi32, #tpu.memory_space<vmem>> -> memref<56xi32, #tpu.memory_space<vmem>>
      %dma_wait3A_1870 = arith.constant 0 : i32
      %dma_wait3A_1871 = arith.constant 0 : i32
      %dma_wait3A_1872 = tpu.memref_slice %arg16[%dma_wait3A_1870, %dma_wait3A_1871] : memref<10112x128xf32, #tpu.memory_space<vmem_shared>> -> memref<10112x128xf32, #tpu.memory_space<vmem_shared>>
      tpu.wait_indirect_dma semaphore(%arg26 : memref<!tpu.dma_semaphore, #tpu.memory_space<semaphore_mem>>) src(%dma_wait3A_1866 : memref<56x128xf32, #tpu.memory_space<vmem>>) dst(%dma_wait3A_1872 : memref<10112x128xf32, #tpu.memory_space<vmem_shared>>)
      %dma_start3A_1873 = arith.constant 20 : i32
      %dma_start3A_1874 = arith.constant 0 : i32
      %dma_start3A_1875 = arith.constant 0 : i32
      %dma_start3A_1876 = arith.constant 0 : i32
      %dma_start3A_1877 = tpu.memref_slice %arg15[%dma_start3A_1874, %dma_start3A_1875, %dma_start3A_1876] : memref<2x56x128xf32, #tpu.memory_space<vmem>> -> memref<1x56x128xf32, #tpu.memory_space<vmem>>
      %dma_start3A_1878 = tpu.memref_squeeze %dma_start3A_1877 : memref<1x56x128xf32, #tpu.memory_space<vmem>> -> memref<56x128xf32, #tpu.memory_space<vmem>>
      %dma_start3A_1879 = arith.constant 0 : i32
      %dma_start3A_1880 = tpu.memref_slice %arg12[%dma_start3A_1873, %dma_start3A_1879] : memref<24x56xi32, #tpu.memory_space<vmem>> -> memref<1x56xi32, #tpu.memory_space<vmem>>
      %dma_start3A_1881 = tpu.memref_squeeze %dma_start3A_1880 : memref<1x56xi32, #tpu.memory_space<vmem>> -> memref<56xi32, #tpu.memory_space<vmem>>
      %dma_start3A_1882 = arith.constant 0 : i32
      %dma_start3A_1883 = arith.constant 0 : i32
      %dma_start3A_1884 = tpu.memref_slice %arg17[%dma_start3A_1882, %dma_start3A_1883] : memref<18x128xf32, #tpu.memory_space<vmem_shared>> -> memref<18x128xf32, #tpu.memory_space<vmem_shared>>
      tpu.enqueue_indirect_dma source(%dma_start3A_1884 : memref<18x128xf32, #tpu.memory_space<vmem_shared>>) target(%dma_start3A_1878 : memref<56x128xf32, #tpu.memory_space<vmem>>) offsets(%dma_start3A_1881 : memref<56xi32, #tpu.memory_space<vmem>>) semaphore(%arg24 : memref<!tpu.dma_semaphore, #tpu.memory_space<semaphore_mem>>)
      %dma_wait3A_1885 = arith.constant 19 : i32
      %dma_wait3A_1886 = arith.constant 1 : i32
      %dma_wait3A_1887 = arith.constant 0 : i32
      %dma_wait3A_1888 = arith.constant 0 : i32
      %dma_wait3A_1889 = tpu.memref_slice %arg14[%dma_wait3A_1886, %dma_wait3A_1887, %dma_wait3A_1888] : memref<3x56x128xf32, #tpu.memory_space<vmem>> -> memref<1x56x128xf32, #tpu.memory_space<vmem>>
      %dma_wait3A_1890 = tpu.memref_squeeze %dma_wait3A_1889 : memref<1x56x128xf32, #tpu.memory_space<vmem>> -> memref<56x128xf32, #tpu.memory_space<vmem>>
      %dma_wait3A_1891 = arith.constant 0 : i32
      %dma_wait3A_1892 = tpu.memref_slice %arg10[%dma_wait3A_1885, %dma_wait3A_1891] : memref<24x56xi32, #tpu.memory_space<vmem>> -> memref<1x56xi32, #tpu.memory_space<vmem>>
      %dma_wait3A_1893 = tpu.memref_squeeze %dma_wait3A_1892 : memref<1x56xi32, #tpu.memory_space<vmem>> -> memref<56xi32, #tpu.memory_space<vmem>>
      %dma_wait3A_1894 = arith.constant 0 : i32
      %dma_wait3A_1895 = arith.constant 0 : i32
      %dma_wait3A_1896 = tpu.memref_slice %arg2[%dma_wait3A_1894, %dma_wait3A_1895] : memref<10000x128xf32, #tpu.memory_space<hbm>> -> memref<10000x128xf32, #tpu.memory_space<hbm>>
      tpu.wait_indirect_dma semaphore(%arg19 : memref<!tpu.dma_semaphore, #tpu.memory_space<semaphore_mem>>) src(%dma_wait3A_1896 : memref<10000x128xf32, #tpu.memory_space<hbm>>) dst(%dma_wait3A_1890 : memref<56x128xf32, #tpu.memory_space<vmem>>)
      %dma_start3A_1897 = arith.constant 1 : i32
      %dma_start3A_1898 = arith.constant 19 : i32
      %dma_start3A_1899 = arith.constant 0 : i32
      %dma_start3A_1900 = arith.constant 0 : i32
      %dma_start3A_1901 = tpu.memref_slice %arg14[%dma_start3A_1897, %dma_start3A_1899, %dma_start3A_1900] : memref<3x56x128xf32, #tpu.memory_space<vmem>> -> memref<1x56x128xf32, #tpu.memory_space<vmem>>
      %dma_start3A_1902 = tpu.memref_squeeze %dma_start3A_1901 : memref<1x56x128xf32, #tpu.memory_space<vmem>> -> memref<56x128xf32, #tpu.memory_space<vmem>>
      %dma_start3A_1903 = arith.constant 0 : i32
      %dma_start3A_1904 = tpu.memref_slice %arg11[%dma_start3A_1898, %dma_start3A_1903] : memref<24x56xi32, #tpu.memory_space<vmem>> -> memref<1x56xi32, #tpu.memory_space<vmem>>
      %dma_start3A_1905 = tpu.memref_squeeze %dma_start3A_1904 : memref<1x56xi32, #tpu.memory_space<vmem>> -> memref<56xi32, #tpu.memory_space<vmem>>
      %dma_start3A_1906 = arith.constant 0 : i32
      %dma_start3A_1907 = arith.constant 0 : i32
      %dma_start3A_1908 = tpu.memref_slice %arg16[%dma_start3A_1906, %dma_start3A_1907] : memref<10112x128xf32, #tpu.memory_space<vmem_shared>> -> memref<10112x128xf32, #tpu.memory_space<vmem_shared>>
      tpu.enqueue_indirect_dma source(%dma_start3A_1902 : memref<56x128xf32, #tpu.memory_space<vmem>>) target(%dma_start3A_1908 : memref<10112x128xf32, #tpu.memory_space<vmem_shared>>) offsets(%dma_start3A_1905 : memref<56xi32, #tpu.memory_space<vmem>>) semaphore(%arg22 : memref<!tpu.dma_semaphore, #tpu.memory_space<semaphore_mem>>) {add = true}
      %dma_wait3A_1909 = arith.constant 19 : i32
      %dma_wait3A_1910 = arith.constant 1 : i32
      %dma_wait3A_1911 = arith.constant 0 : i32
      %dma_wait3A_1912 = arith.constant 0 : i32
      %dma_wait3A_1913 = tpu.memref_slice %arg15[%dma_wait3A_1910, %dma_wait3A_1911, %dma_wait3A_1912] : memref<2x56x128xf32, #tpu.memory_space<vmem>> -> memref<1x56x128xf32, #tpu.memory_space<vmem>>
      %dma_wait3A_1914 = tpu.memref_squeeze %dma_wait3A_1913 : memref<1x56x128xf32, #tpu.memory_space<vmem>> -> memref<56x128xf32, #tpu.memory_space<vmem>>
      %dma_wait3A_1915 = arith.constant 0 : i32
      %dma_wait3A_1916 = tpu.memref_slice %arg12[%dma_wait3A_1909, %dma_wait3A_1915] : memref<24x56xi32, #tpu.memory_space<vmem>> -> memref<1x56xi32, #tpu.memory_space<vmem>>
      %dma_wait3A_1917 = tpu.memref_squeeze %dma_wait3A_1916 : memref<1x56xi32, #tpu.memory_space<vmem>> -> memref<56xi32, #tpu.memory_space<vmem>>
      %dma_wait3A_1918 = arith.constant 0 : i32
      %dma_wait3A_1919 = arith.constant 0 : i32
      %dma_wait3A_1920 = tpu.memref_slice %arg17[%dma_wait3A_1918, %dma_wait3A_1919] : memref<18x128xf32, #tpu.memory_space<vmem_shared>> -> memref<18x128xf32, #tpu.memory_space<vmem_shared>>
      tpu.wait_indirect_dma semaphore(%arg25 : memref<!tpu.dma_semaphore, #tpu.memory_space<semaphore_mem>>) src(%dma_wait3A_1920 : memref<18x128xf32, #tpu.memory_space<vmem_shared>>) dst(%dma_wait3A_1914 : memref<56x128xf32, #tpu.memory_space<vmem>>)
      %dma_start3A_1921 = arith.constant 1 : i32
      %dma_start3A_1922 = arith.constant 19 : i32
      %dma_start3A_1923 = arith.constant 0 : i32
      %dma_start3A_1924 = arith.constant 0 : i32
      %dma_start3A_1925 = tpu.memref_slice %arg15[%dma_start3A_1921, %dma_start3A_1923, %dma_start3A_1924] : memref<2x56x128xf32, #tpu.memory_space<vmem>> -> memref<1x56x128xf32, #tpu.memory_space<vmem>>
      %dma_start3A_1926 = tpu.memref_squeeze %dma_start3A_1925 : memref<1x56x128xf32, #tpu.memory_space<vmem>> -> memref<56x128xf32, #tpu.memory_space<vmem>>
      %dma_start3A_1927 = arith.constant 0 : i32
      %dma_start3A_1928 = tpu.memref_slice %arg13[%dma_start3A_1922, %dma_start3A_1927] : memref<24x56xi32, #tpu.memory_space<vmem>> -> memref<1x56xi32, #tpu.memory_space<vmem>>
      %dma_start3A_1929 = tpu.memref_squeeze %dma_start3A_1928 : memref<1x56xi32, #tpu.memory_space<vmem>> -> memref<56xi32, #tpu.memory_space<vmem>>
      %dma_start3A_1930 = arith.constant 0 : i32
      %dma_start3A_1931 = arith.constant 0 : i32
      %dma_start3A_1932 = tpu.memref_slice %arg16[%dma_start3A_1930, %dma_start3A_1931] : memref<10112x128xf32, #tpu.memory_space<vmem_shared>> -> memref<10112x128xf32, #tpu.memory_space<vmem_shared>>
      tpu.enqueue_indirect_dma source(%dma_start3A_1926 : memref<56x128xf32, #tpu.memory_space<vmem>>) target(%dma_start3A_1932 : memref<10112x128xf32, #tpu.memory_space<vmem_shared>>) offsets(%dma_start3A_1929 : memref<56xi32, #tpu.memory_space<vmem>>) semaphore(%arg27 : memref<!tpu.dma_semaphore, #tpu.memory_space<semaphore_mem>>) {add = true}
      %dma_wait3A_1933 = arith.constant 0 : i32
      %dma_wait3A_1934 = arith.constant 18 : i32
      %dma_wait3A_1935 = arith.constant 0 : i32
      %dma_wait3A_1936 = arith.constant 0 : i32
      %dma_wait3A_1937 = tpu.memref_slice %arg14[%dma_wait3A_1933, %dma_wait3A_1935, %dma_wait3A_1936] : memref<3x56x128xf32, #tpu.memory_space<vmem>> -> memref<1x56x128xf32, #tpu.memory_space<vmem>>
      %dma_wait3A_1938 = tpu.memref_squeeze %dma_wait3A_1937 : memref<1x56x128xf32, #tpu.memory_space<vmem>> -> memref<56x128xf32, #tpu.memory_space<vmem>>
      %dma_wait3A_1939 = arith.constant 0 : i32
      %dma_wait3A_1940 = tpu.memref_slice %arg11[%dma_wait3A_1934, %dma_wait3A_1939] : memref<24x56xi32, #tpu.memory_space<vmem>> -> memref<1x56xi32, #tpu.memory_space<vmem>>
      %dma_wait3A_1941 = tpu.memref_squeeze %dma_wait3A_1940 : memref<1x56xi32, #tpu.memory_space<vmem>> -> memref<56xi32, #tpu.memory_space<vmem>>
      %dma_wait3A_1942 = arith.constant 0 : i32
      %dma_wait3A_1943 = arith.constant 0 : i32
      %dma_wait3A_1944 = tpu.memref_slice %arg16[%dma_wait3A_1942, %dma_wait3A_1943] : memref<10112x128xf32, #tpu.memory_space<vmem_shared>> -> memref<10112x128xf32, #tpu.memory_space<vmem_shared>>
      tpu.wait_indirect_dma semaphore(%arg21 : memref<!tpu.dma_semaphore, #tpu.memory_space<semaphore_mem>>) src(%dma_wait3A_1938 : memref<56x128xf32, #tpu.memory_space<vmem>>) dst(%dma_wait3A_1944 : memref<10112x128xf32, #tpu.memory_space<vmem_shared>>)
      %dma_start3A_1945 = arith.constant 21 : i32
      %dma_start3A_1946 = arith.constant 0 : i32
      %dma_start3A_1947 = arith.constant 0 : i32
      %dma_start3A_1948 = arith.constant 0 : i32
      %dma_start3A_1949 = tpu.memref_slice %arg14[%dma_start3A_1946, %dma_start3A_1947, %dma_start3A_1948] : memref<3x56x128xf32, #tpu.memory_space<vmem>> -> memref<1x56x128xf32, #tpu.memory_space<vmem>>
      %dma_start3A_1950 = tpu.memref_squeeze %dma_start3A_1949 : memref<1x56x128xf32, #tpu.memory_space<vmem>> -> memref<56x128xf32, #tpu.memory_space<vmem>>
      %dma_start3A_1951 = arith.constant 0 : i32
      %dma_start3A_1952 = tpu.memref_slice %arg10[%dma_start3A_1945, %dma_start3A_1951] : memref<24x56xi32, #tpu.memory_space<vmem>> -> memref<1x56xi32, #tpu.memory_space<vmem>>
      %dma_start3A_1953 = tpu.memref_squeeze %dma_start3A_1952 : memref<1x56xi32, #tpu.memory_space<vmem>> -> memref<56xi32, #tpu.memory_space<vmem>>
      %dma_start3A_1954 = arith.constant 0 : i32
      %dma_start3A_1955 = arith.constant 0 : i32
      %dma_start3A_1956 = tpu.memref_slice %arg2[%dma_start3A_1954, %dma_start3A_1955] : memref<10000x128xf32, #tpu.memory_space<hbm>> -> memref<10000x128xf32, #tpu.memory_space<hbm>>
      tpu.enqueue_indirect_dma source(%dma_start3A_1956 : memref<10000x128xf32, #tpu.memory_space<hbm>>) target(%dma_start3A_1950 : memref<56x128xf32, #tpu.memory_space<vmem>>) offsets(%dma_start3A_1953 : memref<56xi32, #tpu.memory_space<vmem>>) semaphore(%arg18 : memref<!tpu.dma_semaphore, #tpu.memory_space<semaphore_mem>>)
      %dma_wait3A_1957 = arith.constant 1 : i32
      %dma_wait3A_1958 = arith.constant 19 : i32
      %dma_wait3A_1959 = arith.constant 0 : i32
      %dma_wait3A_1960 = arith.constant 0 : i32
      %dma_wait3A_1961 = tpu.memref_slice %arg15[%dma_wait3A_1957, %dma_wait3A_1959, %dma_wait3A_1960] : memref<2x56x128xf32, #tpu.memory_space<vmem>> -> memref<1x56x128xf32, #tpu.memory_space<vmem>>
      %dma_wait3A_1962 = tpu.memref_squeeze %dma_wait3A_1961 : memref<1x56x128xf32, #tpu.memory_space<vmem>> -> memref<56x128xf32, #tpu.memory_space<vmem>>
      %dma_wait3A_1963 = arith.constant 0 : i32
      %dma_wait3A_1964 = tpu.memref_slice %arg13[%dma_wait3A_1958, %dma_wait3A_1963] : memref<24x56xi32, #tpu.memory_space<vmem>> -> memref<1x56xi32, #tpu.memory_space<vmem>>
      %dma_wait3A_1965 = tpu.memref_squeeze %dma_wait3A_1964 : memref<1x56xi32, #tpu.memory_space<vmem>> -> memref<56xi32, #tpu.memory_space<vmem>>
      %dma_wait3A_1966 = arith.constant 0 : i32
      %dma_wait3A_1967 = arith.constant 0 : i32
      %dma_wait3A_1968 = tpu.memref_slice %arg16[%dma_wait3A_1966, %dma_wait3A_1967] : memref<10112x128xf32, #tpu.memory_space<vmem_shared>> -> memref<10112x128xf32, #tpu.memory_space<vmem_shared>>
      tpu.wait_indirect_dma semaphore(%arg27 : memref<!tpu.dma_semaphore, #tpu.memory_space<semaphore_mem>>) src(%dma_wait3A_1962 : memref<56x128xf32, #tpu.memory_space<vmem>>) dst(%dma_wait3A_1968 : memref<10112x128xf32, #tpu.memory_space<vmem_shared>>)
      %dma_start3A_1969 = arith.constant 21 : i32
      %dma_start3A_1970 = arith.constant 1 : i32
      %dma_start3A_1971 = arith.constant 0 : i32
      %dma_start3A_1972 = arith.constant 0 : i32
      %dma_start3A_1973 = tpu.memref_slice %arg15[%dma_start3A_1970, %dma_start3A_1971, %dma_start3A_1972] : memref<2x56x128xf32, #tpu.memory_space<vmem>> -> memref<1x56x128xf32, #tpu.memory_space<vmem>>
      %dma_start3A_1974 = tpu.memref_squeeze %dma_start3A_1973 : memref<1x56x128xf32, #tpu.memory_space<vmem>> -> memref<56x128xf32, #tpu.memory_space<vmem>>
      %dma_start3A_1975 = arith.constant 0 : i32
      %dma_start3A_1976 = tpu.memref_slice %arg12[%dma_start3A_1969, %dma_start3A_1975] : memref<24x56xi32, #tpu.memory_space<vmem>> -> memref<1x56xi32, #tpu.memory_space<vmem>>
      %dma_start3A_1977 = tpu.memref_squeeze %dma_start3A_1976 : memref<1x56xi32, #tpu.memory_space<vmem>> -> memref<56xi32, #tpu.memory_space<vmem>>
      %dma_start3A_1978 = arith.constant 0 : i32
      %dma_start3A_1979 = arith.constant 0 : i32
      %dma_start3A_1980 = tpu.memref_slice %arg17[%dma_start3A_1978, %dma_start3A_1979] : memref<18x128xf32, #tpu.memory_space<vmem_shared>> -> memref<18x128xf32, #tpu.memory_space<vmem_shared>>
      tpu.enqueue_indirect_dma source(%dma_start3A_1980 : memref<18x128xf32, #tpu.memory_space<vmem_shared>>) target(%dma_start3A_1974 : memref<56x128xf32, #tpu.memory_space<vmem>>) offsets(%dma_start3A_1977 : memref<56xi32, #tpu.memory_space<vmem>>) semaphore(%arg25 : memref<!tpu.dma_semaphore, #tpu.memory_space<semaphore_mem>>)
      %dma_wait3A_1981 = arith.constant 20 : i32
      %dma_wait3A_1982 = arith.constant 2 : i32
      %dma_wait3A_1983 = arith.constant 0 : i32
      %dma_wait3A_1984 = arith.constant 0 : i32
      %dma_wait3A_1985 = tpu.memref_slice %arg14[%dma_wait3A_1982, %dma_wait3A_1983, %dma_wait3A_1984] : memref<3x56x128xf32, #tpu.memory_space<vmem>> -> memref<1x56x128xf32, #tpu.memory_space<vmem>>
      %dma_wait3A_1986 = tpu.memref_squeeze %dma_wait3A_1985 : memref<1x56x128xf32, #tpu.memory_space<vmem>> -> memref<56x128xf32, #tpu.memory_space<vmem>>
      %dma_wait3A_1987 = arith.constant 0 : i32
      %dma_wait3A_1988 = tpu.memref_slice %arg10[%dma_wait3A_1981, %dma_wait3A_1987] : memref<24x56xi32, #tpu.memory_space<vmem>> -> memref<1x56xi32, #tpu.memory_space<vmem>>
      %dma_wait3A_1989 = tpu.memref_squeeze %dma_wait3A_1988 : memref<1x56xi32, #tpu.memory_space<vmem>> -> memref<56xi32, #tpu.memory_space<vmem>>
      %dma_wait3A_1990 = arith.constant 0 : i32
      %dma_wait3A_1991 = arith.constant 0 : i32
      %dma_wait3A_1992 = tpu.memref_slice %arg2[%dma_wait3A_1990, %dma_wait3A_1991] : memref<10000x128xf32, #tpu.memory_space<hbm>> -> memref<10000x128xf32, #tpu.memory_space<hbm>>
      tpu.wait_indirect_dma semaphore(%arg20 : memref<!tpu.dma_semaphore, #tpu.memory_space<semaphore_mem>>) src(%dma_wait3A_1992 : memref<10000x128xf32, #tpu.memory_space<hbm>>) dst(%dma_wait3A_1986 : memref<56x128xf32, #tpu.memory_space<vmem>>)
      %dma_start3A_1993 = arith.constant 2 : i32
      %dma_start3A_1994 = arith.constant 20 : i32
      %dma_start3A_1995 = arith.constant 0 : i32
      %dma_start3A_1996 = arith.constant 0 : i32
      %dma_start3A_1997 = tpu.memref_slice %arg14[%dma_start3A_1993, %dma_start3A_1995, %dma_start3A_1996] : memref<3x56x128xf32, #tpu.memory_space<vmem>> -> memref<1x56x128xf32, #tpu.memory_space<vmem>>
      %dma_start3A_1998 = tpu.memref_squeeze %dma_start3A_1997 : memref<1x56x128xf32, #tpu.memory_space<vmem>> -> memref<56x128xf32, #tpu.memory_space<vmem>>
      %dma_start3A_1999 = arith.constant 0 : i32
      %dma_start3A_2000 = tpu.memref_slice %arg11[%dma_start3A_1994, %dma_start3A_1999] : memref<24x56xi32, #tpu.memory_space<vmem>> -> memref<1x56xi32, #tpu.memory_space<vmem>>
      %dma_start3A_2001 = tpu.memref_squeeze %dma_start3A_2000 : memref<1x56xi32, #tpu.memory_space<vmem>> -> memref<56xi32, #tpu.memory_space<vmem>>
      %dma_start3A_2002 = arith.constant 0 : i32
      %dma_start3A_2003 = arith.constant 0 : i32
      %dma_start3A_2004 = tpu.memref_slice %arg16[%dma_start3A_2002, %dma_start3A_2003] : memref<10112x128xf32, #tpu.memory_space<vmem_shared>> -> memref<10112x128xf32, #tpu.memory_space<vmem_shared>>
      tpu.enqueue_indirect_dma source(%dma_start3A_1998 : memref<56x128xf32, #tpu.memory_space<vmem>>) target(%dma_start3A_2004 : memref<10112x128xf32, #tpu.memory_space<vmem_shared>>) offsets(%dma_start3A_2001 : memref<56xi32, #tpu.memory_space<vmem>>) semaphore(%arg23 : memref<!tpu.dma_semaphore, #tpu.memory_space<semaphore_mem>>) {add = true}
      %dma_wait3A_2005 = arith.constant 20 : i32
      %dma_wait3A_2006 = arith.constant 0 : i32
      %dma_wait3A_2007 = arith.constant 0 : i32
      %dma_wait3A_2008 = arith.constant 0 : i32
      %dma_wait3A_2009 = tpu.memref_slice %arg15[%dma_wait3A_2006, %dma_wait3A_2007, %dma_wait3A_2008] : memref<2x56x128xf32, #tpu.memory_space<vmem>> -> memref<1x56x128xf32, #tpu.memory_space<vmem>>
      %dma_wait3A_2010 = tpu.memref_squeeze %dma_wait3A_2009 : memref<1x56x128xf32, #tpu.memory_space<vmem>> -> memref<56x128xf32, #tpu.memory_space<vmem>>
      %dma_wait3A_2011 = arith.constant 0 : i32
      %dma_wait3A_2012 = tpu.memref_slice %arg12[%dma_wait3A_2005, %dma_wait3A_2011] : memref<24x56xi32, #tpu.memory_space<vmem>> -> memref<1x56xi32, #tpu.memory_space<vmem>>
      %dma_wait3A_2013 = tpu.memref_squeeze %dma_wait3A_2012 : memref<1x56xi32, #tpu.memory_space<vmem>> -> memref<56xi32, #tpu.memory_space<vmem>>
      %dma_wait3A_2014 = arith.constant 0 : i32
      %dma_wait3A_2015 = arith.constant 0 : i32
      %dma_wait3A_2016 = tpu.memref_slice %arg17[%dma_wait3A_2014, %dma_wait3A_2015] : memref<18x128xf32, #tpu.memory_space<vmem_shared>> -> memref<18x128xf32, #tpu.memory_space<vmem_shared>>
      tpu.wait_indirect_dma semaphore(%arg24 : memref<!tpu.dma_semaphore, #tpu.memory_space<semaphore_mem>>) src(%dma_wait3A_2016 : memref<18x128xf32, #tpu.memory_space<vmem_shared>>) dst(%dma_wait3A_2010 : memref<56x128xf32, #tpu.memory_space<vmem>>)
      %dma_start3A_2017 = arith.constant 0 : i32
      %dma_start3A_2018 = arith.constant 20 : i32
      %dma_start3A_2019 = arith.constant 0 : i32
      %dma_start3A_2020 = arith.constant 0 : i32
      %dma_start3A_2021 = tpu.memref_slice %arg15[%dma_start3A_2017, %dma_start3A_2019, %dma_start3A_2020] : memref<2x56x128xf32, #tpu.memory_space<vmem>> -> memref<1x56x128xf32, #tpu.memory_space<vmem>>
      %dma_start3A_2022 = tpu.memref_squeeze %dma_start3A_2021 : memref<1x56x128xf32, #tpu.memory_space<vmem>> -> memref<56x128xf32, #tpu.memory_space<vmem>>
      %dma_start3A_2023 = arith.constant 0 : i32
      %dma_start3A_2024 = tpu.memref_slice %arg13[%dma_start3A_2018, %dma_start3A_2023] : memref<24x56xi32, #tpu.memory_space<vmem>> -> memref<1x56xi32, #tpu.memory_space<vmem>>
      %dma_start3A_2025 = tpu.memref_squeeze %dma_start3A_2024 : memref<1x56xi32, #tpu.memory_space<vmem>> -> memref<56xi32, #tpu.memory_space<vmem>>
      %dma_start3A_2026 = arith.constant 0 : i32
      %dma_start3A_2027 = arith.constant 0 : i32
      %dma_start3A_2028 = tpu.memref_slice %arg16[%dma_start3A_2026, %dma_start3A_2027] : memref<10112x128xf32, #tpu.memory_space<vmem_shared>> -> memref<10112x128xf32, #tpu.memory_space<vmem_shared>>
      tpu.enqueue_indirect_dma source(%dma_start3A_2022 : memref<56x128xf32, #tpu.memory_space<vmem>>) target(%dma_start3A_2028 : memref<10112x128xf32, #tpu.memory_space<vmem_shared>>) offsets(%dma_start3A_2025 : memref<56xi32, #tpu.memory_space<vmem>>) semaphore(%arg26 : memref<!tpu.dma_semaphore, #tpu.memory_space<semaphore_mem>>) {add = true}
      %dma_wait3A_2029 = arith.constant 1 : i32
      %dma_wait3A_2030 = arith.constant 19 : i32
      %dma_wait3A_2031 = arith.constant 0 : i32
      %dma_wait3A_2032 = arith.constant 0 : i32
      %dma_wait3A_2033 = tpu.memref_slice %arg14[%dma_wait3A_2029, %dma_wait3A_2031, %dma_wait3A_2032] : memref<3x56x128xf32, #tpu.memory_space<vmem>> -> memref<1x56x128xf32, #tpu.memory_space<vmem>>
      %dma_wait3A_2034 = tpu.memref_squeeze %dma_wait3A_2033 : memref<1x56x128xf32, #tpu.memory_space<vmem>> -> memref<56x128xf32, #tpu.memory_space<vmem>>
      %dma_wait3A_2035 = arith.constant 0 : i32
      %dma_wait3A_2036 = tpu.memref_slice %arg11[%dma_wait3A_2030, %dma_wait3A_2035] : memref<24x56xi32, #tpu.memory_space<vmem>> -> memref<1x56xi32, #tpu.memory_space<vmem>>
      %dma_wait3A_2037 = tpu.memref_squeeze %dma_wait3A_2036 : memref<1x56xi32, #tpu.memory_space<vmem>> -> memref<56xi32, #tpu.memory_space<vmem>>
      %dma_wait3A_2038 = arith.constant 0 : i32
      %dma_wait3A_2039 = arith.constant 0 : i32
      %dma_wait3A_2040 = tpu.memref_slice %arg16[%dma_wait3A_2038, %dma_wait3A_2039] : memref<10112x128xf32, #tpu.memory_space<vmem_shared>> -> memref<10112x128xf32, #tpu.memory_space<vmem_shared>>
      tpu.wait_indirect_dma semaphore(%arg22 : memref<!tpu.dma_semaphore, #tpu.memory_space<semaphore_mem>>) src(%dma_wait3A_2034 : memref<56x128xf32, #tpu.memory_space<vmem>>) dst(%dma_wait3A_2040 : memref<10112x128xf32, #tpu.memory_space<vmem_shared>>)
      %dma_start3A_2041 = arith.constant 22 : i32
      %dma_start3A_2042 = arith.constant 1 : i32
      %dma_start3A_2043 = arith.constant 0 : i32
      %dma_start3A_2044 = arith.constant 0 : i32
      %dma_start3A_2045 = tpu.memref_slice %arg14[%dma_start3A_2042, %dma_start3A_2043, %dma_start3A_2044] : memref<3x56x128xf32, #tpu.memory_space<vmem>> -> memref<1x56x128xf32, #tpu.memory_space<vmem>>
      %dma_start3A_2046 = tpu.memref_squeeze %dma_start3A_2045 : memref<1x56x128xf32, #tpu.memory_space<vmem>> -> memref<56x128xf32, #tpu.memory_space<vmem>>
      %dma_start3A_2047 = arith.constant 0 : i32
      %dma_start3A_2048 = tpu.memref_slice %arg10[%dma_start3A_2041, %dma_start3A_2047] : memref<24x56xi32, #tpu.memory_space<vmem>> -> memref<1x56xi32, #tpu.memory_space<vmem>>
      %dma_start3A_2049 = tpu.memref_squeeze %dma_start3A_2048 : memref<1x56xi32, #tpu.memory_space<vmem>> -> memref<56xi32, #tpu.memory_space<vmem>>
      %dma_start3A_2050 = arith.constant 0 : i32
      %dma_start3A_2051 = arith.constant 0 : i32
      %dma_start3A_2052 = tpu.memref_slice %arg2[%dma_start3A_2050, %dma_start3A_2051] : memref<10000x128xf32, #tpu.memory_space<hbm>> -> memref<10000x128xf32, #tpu.memory_space<hbm>>
      tpu.enqueue_indirect_dma source(%dma_start3A_2052 : memref<10000x128xf32, #tpu.memory_space<hbm>>) target(%dma_start3A_2046 : memref<56x128xf32, #tpu.memory_space<vmem>>) offsets(%dma_start3A_2049 : memref<56xi32, #tpu.memory_space<vmem>>) semaphore(%arg19 : memref<!tpu.dma_semaphore, #tpu.memory_space<semaphore_mem>>)
      %dma_wait3A_2053 = arith.constant 0 : i32
      %dma_wait3A_2054 = arith.constant 20 : i32
      %dma_wait3A_2055 = arith.constant 0 : i32
      %dma_wait3A_2056 = arith.constant 0 : i32
      %dma_wait3A_2057 = tpu.memref_slice %arg15[%dma_wait3A_2053, %dma_wait3A_2055, %dma_wait3A_2056] : memref<2x56x128xf32, #tpu.memory_space<vmem>> -> memref<1x56x128xf32, #tpu.memory_space<vmem>>
      %dma_wait3A_2058 = tpu.memref_squeeze %dma_wait3A_2057 : memref<1x56x128xf32, #tpu.memory_space<vmem>> -> memref<56x128xf32, #tpu.memory_space<vmem>>
      %dma_wait3A_2059 = arith.constant 0 : i32
      %dma_wait3A_2060 = tpu.memref_slice %arg13[%dma_wait3A_2054, %dma_wait3A_2059] : memref<24x56xi32, #tpu.memory_space<vmem>> -> memref<1x56xi32, #tpu.memory_space<vmem>>
      %dma_wait3A_2061 = tpu.memref_squeeze %dma_wait3A_2060 : memref<1x56xi32, #tpu.memory_space<vmem>> -> memref<56xi32, #tpu.memory_space<vmem>>
      %dma_wait3A_2062 = arith.constant 0 : i32
      %dma_wait3A_2063 = arith.constant 0 : i32
      %dma_wait3A_2064 = tpu.memref_slice %arg16[%dma_wait3A_2062, %dma_wait3A_2063] : memref<10112x128xf32, #tpu.memory_space<vmem_shared>> -> memref<10112x128xf32, #tpu.memory_space<vmem_shared>>
      tpu.wait_indirect_dma semaphore(%arg26 : memref<!tpu.dma_semaphore, #tpu.memory_space<semaphore_mem>>) src(%dma_wait3A_2058 : memref<56x128xf32, #tpu.memory_space<vmem>>) dst(%dma_wait3A_2064 : memref<10112x128xf32, #tpu.memory_space<vmem_shared>>)
      %dma_start3A_2065 = arith.constant 22 : i32
      %dma_start3A_2066 = arith.constant 0 : i32
      %dma_start3A_2067 = arith.constant 0 : i32
      %dma_start3A_2068 = arith.constant 0 : i32
      %dma_start3A_2069 = tpu.memref_slice %arg15[%dma_start3A_2066, %dma_start3A_2067, %dma_start3A_2068] : memref<2x56x128xf32, #tpu.memory_space<vmem>> -> memref<1x56x128xf32, #tpu.memory_space<vmem>>
      %dma_start3A_2070 = tpu.memref_squeeze %dma_start3A_2069 : memref<1x56x128xf32, #tpu.memory_space<vmem>> -> memref<56x128xf32, #tpu.memory_space<vmem>>
      %dma_start3A_2071 = arith.constant 0 : i32
      %dma_start3A_2072 = tpu.memref_slice %arg12[%dma_start3A_2065, %dma_start3A_2071] : memref<24x56xi32, #tpu.memory_space<vmem>> -> memref<1x56xi32, #tpu.memory_space<vmem>>
      %dma_start3A_2073 = tpu.memref_squeeze %dma_start3A_2072 : memref<1x56xi32, #tpu.memory_space<vmem>> -> memref<56xi32, #tpu.memory_space<vmem>>
      %dma_start3A_2074 = arith.constant 0 : i32
      %dma_start3A_2075 = arith.constant 0 : i32
      %dma_start3A_2076 = tpu.memref_slice %arg17[%dma_start3A_2074, %dma_start3A_2075] : memref<18x128xf32, #tpu.memory_space<vmem_shared>> -> memref<18x128xf32, #tpu.memory_space<vmem_shared>>
      tpu.enqueue_indirect_dma source(%dma_start3A_2076 : memref<18x128xf32, #tpu.memory_space<vmem_shared>>) target(%dma_start3A_2070 : memref<56x128xf32, #tpu.memory_space<vmem>>) offsets(%dma_start3A_2073 : memref<56xi32, #tpu.memory_space<vmem>>) semaphore(%arg24 : memref<!tpu.dma_semaphore, #tpu.memory_space<semaphore_mem>>)
      %dma_wait3A_2077 = arith.constant 21 : i32
      %dma_wait3A_2078 = arith.constant 0 : i32
      %dma_wait3A_2079 = arith.constant 0 : i32
      %dma_wait3A_2080 = arith.constant 0 : i32
      %dma_wait3A_2081 = tpu.memref_slice %arg14[%dma_wait3A_2078, %dma_wait3A_2079, %dma_wait3A_2080] : memref<3x56x128xf32, #tpu.memory_space<vmem>> -> memref<1x56x128xf32, #tpu.memory_space<vmem>>
      %dma_wait3A_2082 = tpu.memref_squeeze %dma_wait3A_2081 : memref<1x56x128xf32, #tpu.memory_space<vmem>> -> memref<56x128xf32, #tpu.memory_space<vmem>>
      %dma_wait3A_2083 = arith.constant 0 : i32
      %dma_wait3A_2084 = tpu.memref_slice %arg10[%dma_wait3A_2077, %dma_wait3A_2083] : memref<24x56xi32, #tpu.memory_space<vmem>> -> memref<1x56xi32, #tpu.memory_space<vmem>>
      %dma_wait3A_2085 = tpu.memref_squeeze %dma_wait3A_2084 : memref<1x56xi32, #tpu.memory_space<vmem>> -> memref<56xi32, #tpu.memory_space<vmem>>
      %dma_wait3A_2086 = arith.constant 0 : i32
      %dma_wait3A_2087 = arith.constant 0 : i32
      %dma_wait3A_2088 = tpu.memref_slice %arg2[%dma_wait3A_2086, %dma_wait3A_2087] : memref<10000x128xf32, #tpu.memory_space<hbm>> -> memref<10000x128xf32, #tpu.memory_space<hbm>>
      tpu.wait_indirect_dma semaphore(%arg18 : memref<!tpu.dma_semaphore, #tpu.memory_space<semaphore_mem>>) src(%dma_wait3A_2088 : memref<10000x128xf32, #tpu.memory_space<hbm>>) dst(%dma_wait3A_2082 : memref<56x128xf32, #tpu.memory_space<vmem>>)
      %dma_start3A_2089 = arith.constant 0 : i32
      %dma_start3A_2090 = arith.constant 21 : i32
      %dma_start3A_2091 = arith.constant 0 : i32
      %dma_start3A_2092 = arith.constant 0 : i32
      %dma_start3A_2093 = tpu.memref_slice %arg14[%dma_start3A_2089, %dma_start3A_2091, %dma_start3A_2092] : memref<3x56x128xf32, #tpu.memory_space<vmem>> -> memref<1x56x128xf32, #tpu.memory_space<vmem>>
      %dma_start3A_2094 = tpu.memref_squeeze %dma_start3A_2093 : memref<1x56x128xf32, #tpu.memory_space<vmem>> -> memref<56x128xf32, #tpu.memory_space<vmem>>
      %dma_start3A_2095 = arith.constant 0 : i32
      %dma_start3A_2096 = tpu.memref_slice %arg11[%dma_start3A_2090, %dma_start3A_2095] : memref<24x56xi32, #tpu.memory_space<vmem>> -> memref<1x56xi32, #tpu.memory_space<vmem>>
      %dma_start3A_2097 = tpu.memref_squeeze %dma_start3A_2096 : memref<1x56xi32, #tpu.memory_space<vmem>> -> memref<56xi32, #tpu.memory_space<vmem>>
      %dma_start3A_2098 = arith.constant 0 : i32
      %dma_start3A_2099 = arith.constant 0 : i32
      %dma_start3A_2100 = tpu.memref_slice %arg16[%dma_start3A_2098, %dma_start3A_2099] : memref<10112x128xf32, #tpu.memory_space<vmem_shared>> -> memref<10112x128xf32, #tpu.memory_space<vmem_shared>>
      tpu.enqueue_indirect_dma source(%dma_start3A_2094 : memref<56x128xf32, #tpu.memory_space<vmem>>) target(%dma_start3A_2100 : memref<10112x128xf32, #tpu.memory_space<vmem_shared>>) offsets(%dma_start3A_2097 : memref<56xi32, #tpu.memory_space<vmem>>) semaphore(%arg21 : memref<!tpu.dma_semaphore, #tpu.memory_space<semaphore_mem>>) {add = true}
      %dma_wait3A_2101 = arith.constant 21 : i32
      %dma_wait3A_2102 = arith.constant 1 : i32
      %dma_wait3A_2103 = arith.constant 0 : i32
      %dma_wait3A_2104 = arith.constant 0 : i32
      %dma_wait3A_2105 = tpu.memref_slice %arg15[%dma_wait3A_2102, %dma_wait3A_2103, %dma_wait3A_2104] : memref<2x56x128xf32, #tpu.memory_space<vmem>> -> memref<1x56x128xf32, #tpu.memory_space<vmem>>
      %dma_wait3A_2106 = tpu.memref_squeeze %dma_wait3A_2105 : memref<1x56x128xf32, #tpu.memory_space<vmem>> -> memref<56x128xf32, #tpu.memory_space<vmem>>
      %dma_wait3A_2107 = arith.constant 0 : i32
      %dma_wait3A_2108 = tpu.memref_slice %arg12[%dma_wait3A_2101, %dma_wait3A_2107] : memref<24x56xi32, #tpu.memory_space<vmem>> -> memref<1x56xi32, #tpu.memory_space<vmem>>
      %dma_wait3A_2109 = tpu.memref_squeeze %dma_wait3A_2108 : memref<1x56xi32, #tpu.memory_space<vmem>> -> memref<56xi32, #tpu.memory_space<vmem>>
      %dma_wait3A_2110 = arith.constant 0 : i32
      %dma_wait3A_2111 = arith.constant 0 : i32
      %dma_wait3A_2112 = tpu.memref_slice %arg17[%dma_wait3A_2110, %dma_wait3A_2111] : memref<18x128xf32, #tpu.memory_space<vmem_shared>> -> memref<18x128xf32, #tpu.memory_space<vmem_shared>>
      tpu.wait_indirect_dma semaphore(%arg25 : memref<!tpu.dma_semaphore, #tpu.memory_space<semaphore_mem>>) src(%dma_wait3A_2112 : memref<18x128xf32, #tpu.memory_space<vmem_shared>>) dst(%dma_wait3A_2106 : memref<56x128xf32, #tpu.memory_space<vmem>>)
      %dma_start3A_2113 = arith.constant 1 : i32
      %dma_start3A_2114 = arith.constant 21 : i32
      %dma_start3A_2115 = arith.constant 0 : i32
      %dma_start3A_2116 = arith.constant 0 : i32
      %dma_start3A_2117 = tpu.memref_slice %arg15[%dma_start3A_2113, %dma_start3A_2115, %dma_start3A_2116] : memref<2x56x128xf32, #tpu.memory_space<vmem>> -> memref<1x56x128xf32, #tpu.memory_space<vmem>>
      %dma_start3A_2118 = tpu.memref_squeeze %dma_start3A_2117 : memref<1x56x128xf32, #tpu.memory_space<vmem>> -> memref<56x128xf32, #tpu.memory_space<vmem>>
      %dma_start3A_2119 = arith.constant 0 : i32
      %dma_start3A_2120 = tpu.memref_slice %arg13[%dma_start3A_2114, %dma_start3A_2119] : memref<24x56xi32, #tpu.memory_space<vmem>> -> memref<1x56xi32, #tpu.memory_space<vmem>>
      %dma_start3A_2121 = tpu.memref_squeeze %dma_start3A_2120 : memref<1x56xi32, #tpu.memory_space<vmem>> -> memref<56xi32, #tpu.memory_space<vmem>>
      %dma_start3A_2122 = arith.constant 0 : i32
      %dma_start3A_2123 = arith.constant 0 : i32
      %dma_start3A_2124 = tpu.memref_slice %arg16[%dma_start3A_2122, %dma_start3A_2123] : memref<10112x128xf32, #tpu.memory_space<vmem_shared>> -> memref<10112x128xf32, #tpu.memory_space<vmem_shared>>
      tpu.enqueue_indirect_dma source(%dma_start3A_2118 : memref<56x128xf32, #tpu.memory_space<vmem>>) target(%dma_start3A_2124 : memref<10112x128xf32, #tpu.memory_space<vmem_shared>>) offsets(%dma_start3A_2121 : memref<56xi32, #tpu.memory_space<vmem>>) semaphore(%arg27 : memref<!tpu.dma_semaphore, #tpu.memory_space<semaphore_mem>>) {add = true}
      %dma_wait3A_2125 = arith.constant 2 : i32
      %dma_wait3A_2126 = arith.constant 20 : i32
      %dma_wait3A_2127 = arith.constant 0 : i32
      %dma_wait3A_2128 = arith.constant 0 : i32
      %dma_wait3A_2129 = tpu.memref_slice %arg14[%dma_wait3A_2125, %dma_wait3A_2127, %dma_wait3A_2128] : memref<3x56x128xf32, #tpu.memory_space<vmem>> -> memref<1x56x128xf32, #tpu.memory_space<vmem>>
      %dma_wait3A_2130 = tpu.memref_squeeze %dma_wait3A_2129 : memref<1x56x128xf32, #tpu.memory_space<vmem>> -> memref<56x128xf32, #tpu.memory_space<vmem>>
      %dma_wait3A_2131 = arith.constant 0 : i32
      %dma_wait3A_2132 = tpu.memref_slice %arg11[%dma_wait3A_2126, %dma_wait3A_2131] : memref<24x56xi32, #tpu.memory_space<vmem>> -> memref<1x56xi32, #tpu.memory_space<vmem>>
      %dma_wait3A_2133 = tpu.memref_squeeze %dma_wait3A_2132 : memref<1x56xi32, #tpu.memory_space<vmem>> -> memref<56xi32, #tpu.memory_space<vmem>>
      %dma_wait3A_2134 = arith.constant 0 : i32
      %dma_wait3A_2135 = arith.constant 0 : i32
      %dma_wait3A_2136 = tpu.memref_slice %arg16[%dma_wait3A_2134, %dma_wait3A_2135] : memref<10112x128xf32, #tpu.memory_space<vmem_shared>> -> memref<10112x128xf32, #tpu.memory_space<vmem_shared>>
      tpu.wait_indirect_dma semaphore(%arg23 : memref<!tpu.dma_semaphore, #tpu.memory_space<semaphore_mem>>) src(%dma_wait3A_2130 : memref<56x128xf32, #tpu.memory_space<vmem>>) dst(%dma_wait3A_2136 : memref<10112x128xf32, #tpu.memory_space<vmem_shared>>)
      %dma_start3A_2137 = arith.constant 23 : i32
      %dma_start3A_2138 = arith.constant 2 : i32
      %dma_start3A_2139 = arith.constant 0 : i32
      %dma_start3A_2140 = arith.constant 0 : i32
      %dma_start3A_2141 = tpu.memref_slice %arg14[%dma_start3A_2138, %dma_start3A_2139, %dma_start3A_2140] : memref<3x56x128xf32, #tpu.memory_space<vmem>> -> memref<1x56x128xf32, #tpu.memory_space<vmem>>
      %dma_start3A_2142 = tpu.memref_squeeze %dma_start3A_2141 : memref<1x56x128xf32, #tpu.memory_space<vmem>> -> memref<56x128xf32, #tpu.memory_space<vmem>>
      %dma_start3A_2143 = arith.constant 0 : i32
      %dma_start3A_2144 = tpu.memref_slice %arg10[%dma_start3A_2137, %dma_start3A_2143] : memref<24x56xi32, #tpu.memory_space<vmem>> -> memref<1x56xi32, #tpu.memory_space<vmem>>
      %dma_start3A_2145 = tpu.memref_squeeze %dma_start3A_2144 : memref<1x56xi32, #tpu.memory_space<vmem>> -> memref<56xi32, #tpu.memory_space<vmem>>
      %dma_start3A_2146 = arith.constant 0 : i32
      %dma_start3A_2147 = arith.constant 0 : i32
      %dma_start3A_2148 = tpu.memref_slice %arg2[%dma_start3A_2146, %dma_start3A_2147] : memref<10000x128xf32, #tpu.memory_space<hbm>> -> memref<10000x128xf32, #tpu.memory_space<hbm>>
      tpu.enqueue_indirect_dma source(%dma_start3A_2148 : memref<10000x128xf32, #tpu.memory_space<hbm>>) target(%dma_start3A_2142 : memref<56x128xf32, #tpu.memory_space<vmem>>) offsets(%dma_start3A_2145 : memref<56xi32, #tpu.memory_space<vmem>>) semaphore(%arg20 : memref<!tpu.dma_semaphore, #tpu.memory_space<semaphore_mem>>)
      %dma_wait3A_2149 = arith.constant 1 : i32
      %dma_wait3A_2150 = arith.constant 21 : i32
      %dma_wait3A_2151 = arith.constant 0 : i32
      %dma_wait3A_2152 = arith.constant 0 : i32
      %dma_wait3A_2153 = tpu.memref_slice %arg15[%dma_wait3A_2149, %dma_wait3A_2151, %dma_wait3A_2152] : memref<2x56x128xf32, #tpu.memory_space<vmem>> -> memref<1x56x128xf32, #tpu.memory_space<vmem>>
      %dma_wait3A_2154 = tpu.memref_squeeze %dma_wait3A_2153 : memref<1x56x128xf32, #tpu.memory_space<vmem>> -> memref<56x128xf32, #tpu.memory_space<vmem>>
      %dma_wait3A_2155 = arith.constant 0 : i32
      %dma_wait3A_2156 = tpu.memref_slice %arg13[%dma_wait3A_2150, %dma_wait3A_2155] : memref<24x56xi32, #tpu.memory_space<vmem>> -> memref<1x56xi32, #tpu.memory_space<vmem>>
      %dma_wait3A_2157 = tpu.memref_squeeze %dma_wait3A_2156 : memref<1x56xi32, #tpu.memory_space<vmem>> -> memref<56xi32, #tpu.memory_space<vmem>>
      %dma_wait3A_2158 = arith.constant 0 : i32
      %dma_wait3A_2159 = arith.constant 0 : i32
      %dma_wait3A_2160 = tpu.memref_slice %arg16[%dma_wait3A_2158, %dma_wait3A_2159] : memref<10112x128xf32, #tpu.memory_space<vmem_shared>> -> memref<10112x128xf32, #tpu.memory_space<vmem_shared>>
      tpu.wait_indirect_dma semaphore(%arg27 : memref<!tpu.dma_semaphore, #tpu.memory_space<semaphore_mem>>) src(%dma_wait3A_2154 : memref<56x128xf32, #tpu.memory_space<vmem>>) dst(%dma_wait3A_2160 : memref<10112x128xf32, #tpu.memory_space<vmem_shared>>)
      %dma_start3A_2161 = arith.constant 23 : i32
      %dma_start3A_2162 = arith.constant 1 : i32
      %dma_start3A_2163 = arith.constant 0 : i32
      %dma_start3A_2164 = arith.constant 0 : i32
      %dma_start3A_2165 = tpu.memref_slice %arg15[%dma_start3A_2162, %dma_start3A_2163, %dma_start3A_2164] : memref<2x56x128xf32, #tpu.memory_space<vmem>> -> memref<1x56x128xf32, #tpu.memory_space<vmem>>
      %dma_start3A_2166 = tpu.memref_squeeze %dma_start3A_2165 : memref<1x56x128xf32, #tpu.memory_space<vmem>> -> memref<56x128xf32, #tpu.memory_space<vmem>>
      %dma_start3A_2167 = arith.constant 0 : i32
      %dma_start3A_2168 = tpu.memref_slice %arg12[%dma_start3A_2161, %dma_start3A_2167] : memref<24x56xi32, #tpu.memory_space<vmem>> -> memref<1x56xi32, #tpu.memory_space<vmem>>
      %dma_start3A_2169 = tpu.memref_squeeze %dma_start3A_2168 : memref<1x56xi32, #tpu.memory_space<vmem>> -> memref<56xi32, #tpu.memory_space<vmem>>
      %dma_start3A_2170 = arith.constant 0 : i32
      %dma_start3A_2171 = arith.constant 0 : i32
      %dma_start3A_2172 = tpu.memref_slice %arg17[%dma_start3A_2170, %dma_start3A_2171] : memref<18x128xf32, #tpu.memory_space<vmem_shared>> -> memref<18x128xf32, #tpu.memory_space<vmem_shared>>
      tpu.enqueue_indirect_dma source(%dma_start3A_2172 : memref<18x128xf32, #tpu.memory_space<vmem_shared>>) target(%dma_start3A_2166 : memref<56x128xf32, #tpu.memory_space<vmem>>) offsets(%dma_start3A_2169 : memref<56xi32, #tpu.memory_space<vmem>>) semaphore(%arg25 : memref<!tpu.dma_semaphore, #tpu.memory_space<semaphore_mem>>)
      %dma_wait3A_2173 = arith.constant 22 : i32
      %dma_wait3A_2174 = arith.constant 1 : i32
      %dma_wait3A_2175 = arith.constant 0 : i32
      %dma_wait3A_2176 = arith.constant 0 : i32
      %dma_wait3A_2177 = tpu.memref_slice %arg14[%dma_wait3A_2174, %dma_wait3A_2175, %dma_wait3A_2176] : memref<3x56x128xf32, #tpu.memory_space<vmem>> -> memref<1x56x128xf32, #tpu.memory_space<vmem>>
      %dma_wait3A_2178 = tpu.memref_squeeze %dma_wait3A_2177 : memref<1x56x128xf32, #tpu.memory_space<vmem>> -> memref<56x128xf32, #tpu.memory_space<vmem>>
      %dma_wait3A_2179 = arith.constant 0 : i32
      %dma_wait3A_2180 = tpu.memref_slice %arg10[%dma_wait3A_2173, %dma_wait3A_2179] : memref<24x56xi32, #tpu.memory_space<vmem>> -> memref<1x56xi32, #tpu.memory_space<vmem>>
      %dma_wait3A_2181 = tpu.memref_squeeze %dma_wait3A_2180 : memref<1x56xi32, #tpu.memory_space<vmem>> -> memref<56xi32, #tpu.memory_space<vmem>>
      %dma_wait3A_2182 = arith.constant 0 : i32
      %dma_wait3A_2183 = arith.constant 0 : i32
      %dma_wait3A_2184 = tpu.memref_slice %arg2[%dma_wait3A_2182, %dma_wait3A_2183] : memref<10000x128xf32, #tpu.memory_space<hbm>> -> memref<10000x128xf32, #tpu.memory_space<hbm>>
      tpu.wait_indirect_dma semaphore(%arg19 : memref<!tpu.dma_semaphore, #tpu.memory_space<semaphore_mem>>) src(%dma_wait3A_2184 : memref<10000x128xf32, #tpu.memory_space<hbm>>) dst(%dma_wait3A_2178 : memref<56x128xf32, #tpu.memory_space<vmem>>)
      %dma_start3A_2185 = arith.constant 1 : i32
      %dma_start3A_2186 = arith.constant 22 : i32
      %dma_start3A_2187 = arith.constant 0 : i32
      %dma_start3A_2188 = arith.constant 0 : i32
      %dma_start3A_2189 = tpu.memref_slice %arg14[%dma_start3A_2185, %dma_start3A_2187, %dma_start3A_2188] : memref<3x56x128xf32, #tpu.memory_space<vmem>> -> memref<1x56x128xf32, #tpu.memory_space<vmem>>
      %dma_start3A_2190 = tpu.memref_squeeze %dma_start3A_2189 : memref<1x56x128xf32, #tpu.memory_space<vmem>> -> memref<56x128xf32, #tpu.memory_space<vmem>>
      %dma_start3A_2191 = arith.constant 0 : i32
      %dma_start3A_2192 = tpu.memref_slice %arg11[%dma_start3A_2186, %dma_start3A_2191] : memref<24x56xi32, #tpu.memory_space<vmem>> -> memref<1x56xi32, #tpu.memory_space<vmem>>
      %dma_start3A_2193 = tpu.memref_squeeze %dma_start3A_2192 : memref<1x56xi32, #tpu.memory_space<vmem>> -> memref<56xi32, #tpu.memory_space<vmem>>
      %dma_start3A_2194 = arith.constant 0 : i32
      %dma_start3A_2195 = arith.constant 0 : i32
      %dma_start3A_2196 = tpu.memref_slice %arg16[%dma_start3A_2194, %dma_start3A_2195] : memref<10112x128xf32, #tpu.memory_space<vmem_shared>> -> memref<10112x128xf32, #tpu.memory_space<vmem_shared>>
      tpu.enqueue_indirect_dma source(%dma_start3A_2190 : memref<56x128xf32, #tpu.memory_space<vmem>>) target(%dma_start3A_2196 : memref<10112x128xf32, #tpu.memory_space<vmem_shared>>) offsets(%dma_start3A_2193 : memref<56xi32, #tpu.memory_space<vmem>>) semaphore(%arg22 : memref<!tpu.dma_semaphore, #tpu.memory_space<semaphore_mem>>) {add = true}
      %dma_wait3A_2197 = arith.constant 22 : i32
      %dma_wait3A_2198 = arith.constant 0 : i32
      %dma_wait3A_2199 = arith.constant 0 : i32
      %dma_wait3A_2200 = arith.constant 0 : i32
      %dma_wait3A_2201 = tpu.memref_slice %arg15[%dma_wait3A_2198, %dma_wait3A_2199, %dma_wait3A_2200] : memref<2x56x128xf32, #tpu.memory_space<vmem>> -> memref<1x56x128xf32, #tpu.memory_space<vmem>>
      %dma_wait3A_2202 = tpu.memref_squeeze %dma_wait3A_2201 : memref<1x56x128xf32, #tpu.memory_space<vmem>> -> memref<56x128xf32, #tpu.memory_space<vmem>>
      %dma_wait3A_2203 = arith.constant 0 : i32
      %dma_wait3A_2204 = tpu.memref_slice %arg12[%dma_wait3A_2197, %dma_wait3A_2203] : memref<24x56xi32, #tpu.memory_space<vmem>> -> memref<1x56xi32, #tpu.memory_space<vmem>>
      %dma_wait3A_2205 = tpu.memref_squeeze %dma_wait3A_2204 : memref<1x56xi32, #tpu.memory_space<vmem>> -> memref<56xi32, #tpu.memory_space<vmem>>
      %dma_wait3A_2206 = arith.constant 0 : i32
      %dma_wait3A_2207 = arith.constant 0 : i32
      %dma_wait3A_2208 = tpu.memref_slice %arg17[%dma_wait3A_2206, %dma_wait3A_2207] : memref<18x128xf32, #tpu.memory_space<vmem_shared>> -> memref<18x128xf32, #tpu.memory_space<vmem_shared>>
      tpu.wait_indirect_dma semaphore(%arg24 : memref<!tpu.dma_semaphore, #tpu.memory_space<semaphore_mem>>) src(%dma_wait3A_2208 : memref<18x128xf32, #tpu.memory_space<vmem_shared>>) dst(%dma_wait3A_2202 : memref<56x128xf32, #tpu.memory_space<vmem>>)
      %dma_start3A_2209 = arith.constant 0 : i32
      %dma_start3A_2210 = arith.constant 22 : i32
      %dma_start3A_2211 = arith.constant 0 : i32
      %dma_start3A_2212 = arith.constant 0 : i32
      %dma_start3A_2213 = tpu.memref_slice %arg15[%dma_start3A_2209, %dma_start3A_2211, %dma_start3A_2212] : memref<2x56x128xf32, #tpu.memory_space<vmem>> -> memref<1x56x128xf32, #tpu.memory_space<vmem>>
      %dma_start3A_2214 = tpu.memref_squeeze %dma_start3A_2213 : memref<1x56x128xf32, #tpu.memory_space<vmem>> -> memref<56x128xf32, #tpu.memory_space<vmem>>
      %dma_start3A_2215 = arith.constant 0 : i32
      %dma_start3A_2216 = tpu.memref_slice %arg13[%dma_start3A_2210, %dma_start3A_2215] : memref<24x56xi32, #tpu.memory_space<vmem>> -> memref<1x56xi32, #tpu.memory_space<vmem>>
      %dma_start3A_2217 = tpu.memref_squeeze %dma_start3A_2216 : memref<1x56xi32, #tpu.memory_space<vmem>> -> memref<56xi32, #tpu.memory_space<vmem>>
      %dma_start3A_2218 = arith.constant 0 : i32
      %dma_start3A_2219 = arith.constant 0 : i32
      %dma_start3A_2220 = tpu.memref_slice %arg16[%dma_start3A_2218, %dma_start3A_2219] : memref<10112x128xf32, #tpu.memory_space<vmem_shared>> -> memref<10112x128xf32, #tpu.memory_space<vmem_shared>>
      tpu.enqueue_indirect_dma source(%dma_start3A_2214 : memref<56x128xf32, #tpu.memory_space<vmem>>) target(%dma_start3A_2220 : memref<10112x128xf32, #tpu.memory_space<vmem_shared>>) offsets(%dma_start3A_2217 : memref<56xi32, #tpu.memory_space<vmem>>) semaphore(%arg26 : memref<!tpu.dma_semaphore, #tpu.memory_space<semaphore_mem>>) {add = true}
      %dma_wait3A_2221 = arith.constant 23 : i32
      %dma_wait3A_2222 = arith.constant 2 : i32
      %dma_wait3A_2223 = arith.constant 0 : i32
      %dma_wait3A_2224 = arith.constant 0 : i32
      %dma_wait3A_2225 = tpu.memref_slice %arg14[%dma_wait3A_2222, %dma_wait3A_2223, %dma_wait3A_2224] : memref<3x56x128xf32, #tpu.memory_space<vmem>> -> memref<1x56x128xf32, #tpu.memory_space<vmem>>
      %dma_wait3A_2226 = tpu.memref_squeeze %dma_wait3A_2225 : memref<1x56x128xf32, #tpu.memory_space<vmem>> -> memref<56x128xf32, #tpu.memory_space<vmem>>
      %dma_wait3A_2227 = arith.constant 0 : i32
      %dma_wait3A_2228 = tpu.memref_slice %arg10[%dma_wait3A_2221, %dma_wait3A_2227] : memref<24x56xi32, #tpu.memory_space<vmem>> -> memref<1x56xi32, #tpu.memory_space<vmem>>
      %dma_wait3A_2229 = tpu.memref_squeeze %dma_wait3A_2228 : memref<1x56xi32, #tpu.memory_space<vmem>> -> memref<56xi32, #tpu.memory_space<vmem>>
      %dma_wait3A_2230 = arith.constant 0 : i32
      %dma_wait3A_2231 = arith.constant 0 : i32
      %dma_wait3A_2232 = tpu.memref_slice %arg2[%dma_wait3A_2230, %dma_wait3A_2231] : memref<10000x128xf32, #tpu.memory_space<hbm>> -> memref<10000x128xf32, #tpu.memory_space<hbm>>
      tpu.wait_indirect_dma semaphore(%arg20 : memref<!tpu.dma_semaphore, #tpu.memory_space<semaphore_mem>>) src(%dma_wait3A_2232 : memref<10000x128xf32, #tpu.memory_space<hbm>>) dst(%dma_wait3A_2226 : memref<56x128xf32, #tpu.memory_space<vmem>>)
      %dma_start3A_2233 = arith.constant 2 : i32
      %dma_start3A_2234 = arith.constant 23 : i32
      %dma_start3A_2235 = arith.constant 0 : i32
      %dma_start3A_2236 = arith.constant 0 : i32
      %dma_start3A_2237 = tpu.memref_slice %arg14[%dma_start3A_2233, %dma_start3A_2235, %dma_start3A_2236] : memref<3x56x128xf32, #tpu.memory_space<vmem>> -> memref<1x56x128xf32, #tpu.memory_space<vmem>>
      %dma_start3A_2238 = tpu.memref_squeeze %dma_start3A_2237 : memref<1x56x128xf32, #tpu.memory_space<vmem>> -> memref<56x128xf32, #tpu.memory_space<vmem>>
      %dma_start3A_2239 = arith.constant 0 : i32
      %dma_start3A_2240 = tpu.memref_slice %arg11[%dma_start3A_2234, %dma_start3A_2239] : memref<24x56xi32, #tpu.memory_space<vmem>> -> memref<1x56xi32, #tpu.memory_space<vmem>>
      %dma_start3A_2241 = tpu.memref_squeeze %dma_start3A_2240 : memref<1x56xi32, #tpu.memory_space<vmem>> -> memref<56xi32, #tpu.memory_space<vmem>>
      %dma_start3A_2242 = arith.constant 0 : i32
      %dma_start3A_2243 = arith.constant 0 : i32
      %dma_start3A_2244 = tpu.memref_slice %arg16[%dma_start3A_2242, %dma_start3A_2243] : memref<10112x128xf32, #tpu.memory_space<vmem_shared>> -> memref<10112x128xf32, #tpu.memory_space<vmem_shared>>
      tpu.enqueue_indirect_dma source(%dma_start3A_2238 : memref<56x128xf32, #tpu.memory_space<vmem>>) target(%dma_start3A_2244 : memref<10112x128xf32, #tpu.memory_space<vmem_shared>>) offsets(%dma_start3A_2241 : memref<56xi32, #tpu.memory_space<vmem>>) semaphore(%arg23 : memref<!tpu.dma_semaphore, #tpu.memory_space<semaphore_mem>>) {add = true}
      %dma_wait3A_2245 = arith.constant 23 : i32
      %dma_wait3A_2246 = arith.constant 1 : i32
      %dma_wait3A_2247 = arith.constant 0 : i32
      %dma_wait3A_2248 = arith.constant 0 : i32
      %dma_wait3A_2249 = tpu.memref_slice %arg15[%dma_wait3A_2246, %dma_wait3A_2247, %dma_wait3A_2248] : memref<2x56x128xf32, #tpu.memory_space<vmem>> -> memref<1x56x128xf32, #tpu.memory_space<vmem>>
      %dma_wait3A_2250 = tpu.memref_squeeze %dma_wait3A_2249 : memref<1x56x128xf32, #tpu.memory_space<vmem>> -> memref<56x128xf32, #tpu.memory_space<vmem>>
      %dma_wait3A_2251 = arith.constant 0 : i32
      %dma_wait3A_2252 = tpu.memref_slice %arg12[%dma_wait3A_2245, %dma_wait3A_2251] : memref<24x56xi32, #tpu.memory_space<vmem>> -> memref<1x56xi32, #tpu.memory_space<vmem>>
      %dma_wait3A_2253 = tpu.memref_squeeze %dma_wait3A_2252 : memref<1x56xi32, #tpu.memory_space<vmem>> -> memref<56xi32, #tpu.memory_space<vmem>>
      %dma_wait3A_2254 = arith.constant 0 : i32
      %dma_wait3A_2255 = arith.constant 0 : i32
      %dma_wait3A_2256 = tpu.memref_slice %arg17[%dma_wait3A_2254, %dma_wait3A_2255] : memref<18x128xf32, #tpu.memory_space<vmem_shared>> -> memref<18x128xf32, #tpu.memory_space<vmem_shared>>
      tpu.wait_indirect_dma semaphore(%arg25 : memref<!tpu.dma_semaphore, #tpu.memory_space<semaphore_mem>>) src(%dma_wait3A_2256 : memref<18x128xf32, #tpu.memory_space<vmem_shared>>) dst(%dma_wait3A_2250 : memref<56x128xf32, #tpu.memory_space<vmem>>)
      %dma_start3A_2257 = arith.constant 1 : i32
      %dma_start3A_2258 = arith.constant 23 : i32
      %dma_start3A_2259 = arith.constant 0 : i32
      %dma_start3A_2260 = arith.constant 0 : i32
      %dma_start3A_2261 = tpu.memref_slice %arg15[%dma_start3A_2257, %dma_start3A_2259, %dma_start3A_2260] : memref<2x56x128xf32, #tpu.memory_space<vmem>> -> memref<1x56x128xf32, #tpu.memory_space<vmem>>
      %dma_start3A_2262 = tpu.memref_squeeze %dma_start3A_2261 : memref<1x56x128xf32, #tpu.memory_space<vmem>> -> memref<56x128xf32, #tpu.memory_space<vmem>>
      %dma_start3A_2263 = arith.constant 0 : i32
      %dma_start3A_2264 = tpu.memref_slice %arg13[%dma_start3A_2258, %dma_start3A_2263] : memref<24x56xi32, #tpu.memory_space<vmem>> -> memref<1x56xi32, #tpu.memory_space<vmem>>
      %dma_start3A_2265 = tpu.memref_squeeze %dma_start3A_2264 : memref<1x56xi32, #tpu.memory_space<vmem>> -> memref<56xi32, #tpu.memory_space<vmem>>
      %dma_start3A_2266 = arith.constant 0 : i32
      %dma_start3A_2267 = arith.constant 0 : i32
      %dma_start3A_2268 = tpu.memref_slice %arg16[%dma_start3A_2266, %dma_start3A_2267] : memref<10112x128xf32, #tpu.memory_space<vmem_shared>> -> memref<10112x128xf32, #tpu.memory_space<vmem_shared>>
      tpu.enqueue_indirect_dma source(%dma_start3A_2262 : memref<56x128xf32, #tpu.memory_space<vmem>>) target(%dma_start3A_2268 : memref<10112x128xf32, #tpu.memory_space<vmem_shared>>) offsets(%dma_start3A_2265 : memref<56xi32, #tpu.memory_space<vmem>>) semaphore(%arg27 : memref<!tpu.dma_semaphore, #tpu.memory_space<semaphore_mem>>) {add = true}
      %dma_wait3A_2269 = arith.constant 0 : i32
      %dma_wait3A_2270 = arith.constant 21 : i32
      %dma_wait3A_2271 = arith.constant 0 : i32
      %dma_wait3A_2272 = arith.constant 0 : i32
      %dma_wait3A_2273 = tpu.memref_slice %arg14[%dma_wait3A_2269, %dma_wait3A_2271, %dma_wait3A_2272] : memref<3x56x128xf32, #tpu.memory_space<vmem>> -> memref<1x56x128xf32, #tpu.memory_space<vmem>>
      %dma_wait3A_2274 = tpu.memref_squeeze %dma_wait3A_2273 : memref<1x56x128xf32, #tpu.memory_space<vmem>> -> memref<56x128xf32, #tpu.memory_space<vmem>>
      %dma_wait3A_2275 = arith.constant 0 : i32
      %dma_wait3A_2276 = tpu.memref_slice %arg11[%dma_wait3A_2270, %dma_wait3A_2275] : memref<24x56xi32, #tpu.memory_space<vmem>> -> memref<1x56xi32, #tpu.memory_space<vmem>>
      %dma_wait3A_2277 = tpu.memref_squeeze %dma_wait3A_2276 : memref<1x56xi32, #tpu.memory_space<vmem>> -> memref<56xi32, #tpu.memory_space<vmem>>
      %dma_wait3A_2278 = arith.constant 0 : i32
      %dma_wait3A_2279 = arith.constant 0 : i32
      %dma_wait3A_2280 = tpu.memref_slice %arg16[%dma_wait3A_2278, %dma_wait3A_2279] : memref<10112x128xf32, #tpu.memory_space<vmem_shared>> -> memref<10112x128xf32, #tpu.memory_space<vmem_shared>>
      tpu.wait_indirect_dma semaphore(%arg21 : memref<!tpu.dma_semaphore, #tpu.memory_space<semaphore_mem>>) src(%dma_wait3A_2274 : memref<56x128xf32, #tpu.memory_space<vmem>>) dst(%dma_wait3A_2280 : memref<10112x128xf32, #tpu.memory_space<vmem_shared>>)
      %dma_wait3A_2281 = arith.constant 1 : i32
      %dma_wait3A_2282 = arith.constant 22 : i32
      %dma_wait3A_2283 = arith.constant 0 : i32
      %dma_wait3A_2284 = arith.constant 0 : i32
      %dma_wait3A_2285 = tpu.memref_slice %arg14[%dma_wait3A_2281, %dma_wait3A_2283, %dma_wait3A_2284] : memref<3x56x128xf32, #tpu.memory_space<vmem>> -> memref<1x56x128xf32, #tpu.memory_space<vmem>>
      %dma_wait3A_2286 = tpu.memref_squeeze %dma_wait3A_2285 : memref<1x56x128xf32, #tpu.memory_space<vmem>> -> memref<56x128xf32, #tpu.memory_space<vmem>>
      %dma_wait3A_2287 = arith.constant 0 : i32
      %dma_wait3A_2288 = tpu.memref_slice %arg11[%dma_wait3A_2282, %dma_wait3A_2287] : memref<24x56xi32, #tpu.memory_space<vmem>> -> memref<1x56xi32, #tpu.memory_space<vmem>>
      %dma_wait3A_2289 = tpu.memref_squeeze %dma_wait3A_2288 : memref<1x56xi32, #tpu.memory_space<vmem>> -> memref<56xi32, #tpu.memory_space<vmem>>
      %dma_wait3A_2290 = arith.constant 0 : i32
      %dma_wait3A_2291 = arith.constant 0 : i32
      %dma_wait3A_2292 = tpu.memref_slice %arg16[%dma_wait3A_2290, %dma_wait3A_2291] : memref<10112x128xf32, #tpu.memory_space<vmem_shared>> -> memref<10112x128xf32, #tpu.memory_space<vmem_shared>>
      tpu.wait_indirect_dma semaphore(%arg22 : memref<!tpu.dma_semaphore, #tpu.memory_space<semaphore_mem>>) src(%dma_wait3A_2286 : memref<56x128xf32, #tpu.memory_space<vmem>>) dst(%dma_wait3A_2292 : memref<10112x128xf32, #tpu.memory_space<vmem_shared>>)
      %dma_wait3A_2293 = arith.constant 2 : i32
      %dma_wait3A_2294 = arith.constant 23 : i32
      %dma_wait3A_2295 = arith.constant 0 : i32
      %dma_wait3A_2296 = arith.constant 0 : i32
      %dma_wait3A_2297 = tpu.memref_slice %arg14[%dma_wait3A_2293, %dma_wait3A_2295, %dma_wait3A_2296] : memref<3x56x128xf32, #tpu.memory_space<vmem>> -> memref<1x56x128xf32, #tpu.memory_space<vmem>>
      %dma_wait3A_2298 = tpu.memref_squeeze %dma_wait3A_2297 : memref<1x56x128xf32, #tpu.memory_space<vmem>> -> memref<56x128xf32, #tpu.memory_space<vmem>>
      %dma_wait3A_2299 = arith.constant 0 : i32
      %dma_wait3A_2300 = tpu.memref_slice %arg11[%dma_wait3A_2294, %dma_wait3A_2299] : memref<24x56xi32, #tpu.memory_space<vmem>> -> memref<1x56xi32, #tpu.memory_space<vmem>>
      %dma_wait3A_2301 = tpu.memref_squeeze %dma_wait3A_2300 : memref<1x56xi32, #tpu.memory_space<vmem>> -> memref<56xi32, #tpu.memory_space<vmem>>
      %dma_wait3A_2302 = arith.constant 0 : i32
      %dma_wait3A_2303 = arith.constant 0 : i32
      %dma_wait3A_2304 = tpu.memref_slice %arg16[%dma_wait3A_2302, %dma_wait3A_2303] : memref<10112x128xf32, #tpu.memory_space<vmem_shared>> -> memref<10112x128xf32, #tpu.memory_space<vmem_shared>>
      tpu.wait_indirect_dma semaphore(%arg23 : memref<!tpu.dma_semaphore, #tpu.memory_space<semaphore_mem>>) src(%dma_wait3A_2298 : memref<56x128xf32, #tpu.memory_space<vmem>>) dst(%dma_wait3A_2304 : memref<10112x128xf32, #tpu.memory_space<vmem_shared>>)
      %dma_wait3A_2305 = arith.constant 0 : i32
      %dma_wait3A_2306 = arith.constant 22 : i32
      %dma_wait3A_2307 = arith.constant 0 : i32
      %dma_wait3A_2308 = arith.constant 0 : i32
      %dma_wait3A_2309 = tpu.memref_slice %arg15[%dma_wait3A_2305, %dma_wait3A_2307, %dma_wait3A_2308] : memref<2x56x128xf32, #tpu.memory_space<vmem>> -> memref<1x56x128xf32, #tpu.memory_space<vmem>>
      %dma_wait3A_2310 = tpu.memref_squeeze %dma_wait3A_2309 : memref<1x56x128xf32, #tpu.memory_space<vmem>> -> memref<56x128xf32, #tpu.memory_space<vmem>>
      %dma_wait3A_2311 = arith.constant 0 : i32
      %dma_wait3A_2312 = tpu.memref_slice %arg13[%dma_wait3A_2306, %dma_wait3A_2311] : memref<24x56xi32, #tpu.memory_space<vmem>> -> memref<1x56xi32, #tpu.memory_space<vmem>>
      %dma_wait3A_2313 = tpu.memref_squeeze %dma_wait3A_2312 : memref<1x56xi32, #tpu.memory_space<vmem>> -> memref<56xi32, #tpu.memory_space<vmem>>
      %dma_wait3A_2314 = arith.constant 0 : i32
      %dma_wait3A_2315 = arith.constant 0 : i32
      %dma_wait3A_2316 = tpu.memref_slice %arg16[%dma_wait3A_2314, %dma_wait3A_2315] : memref<10112x128xf32, #tpu.memory_space<vmem_shared>> -> memref<10112x128xf32, #tpu.memory_space<vmem_shared>>
      tpu.wait_indirect_dma semaphore(%arg26 : memref<!tpu.dma_semaphore, #tpu.memory_space<semaphore_mem>>) src(%dma_wait3A_2310 : memref<56x128xf32, #tpu.memory_space<vmem>>) dst(%dma_wait3A_2316 : memref<10112x128xf32, #tpu.memory_space<vmem_shared>>)
      %dma_wait3A_2317 = arith.constant 1 : i32
      %dma_wait3A_2318 = arith.constant 23 : i32
      %dma_wait3A_2319 = arith.constant 0 : i32
      %dma_wait3A_2320 = arith.constant 0 : i32
      %dma_wait3A_2321 = tpu.memref_slice %arg15[%dma_wait3A_2317, %dma_wait3A_2319, %dma_wait3A_2320] : memref<2x56x128xf32, #tpu.memory_space<vmem>> -> memref<1x56x128xf32, #tpu.memory_space<vmem>>
      %dma_wait3A_2322 = tpu.memref_squeeze %dma_wait3A_2321 : memref<1x56x128xf32, #tpu.memory_space<vmem>> -> memref<56x128xf32, #tpu.memory_space<vmem>>
      %dma_wait3A_2323 = arith.constant 0 : i32
      %dma_wait3A_2324 = tpu.memref_slice %arg13[%dma_wait3A_2318, %dma_wait3A_2323] : memref<24x56xi32, #tpu.memory_space<vmem>> -> memref<1x56xi32, #tpu.memory_space<vmem>>
      %dma_wait3A_2325 = tpu.memref_squeeze %dma_wait3A_2324 : memref<1x56xi32, #tpu.memory_space<vmem>> -> memref<56xi32, #tpu.memory_space<vmem>>
      %dma_wait3A_2326 = arith.constant 0 : i32
      %dma_wait3A_2327 = arith.constant 0 : i32
      %dma_wait3A_2328 = tpu.memref_slice %arg16[%dma_wait3A_2326, %dma_wait3A_2327] : memref<10112x128xf32, #tpu.memory_space<vmem_shared>> -> memref<10112x128xf32, #tpu.memory_space<vmem_shared>>
      tpu.wait_indirect_dma semaphore(%arg27 : memref<!tpu.dma_semaphore, #tpu.memory_space<semaphore_mem>>) src(%dma_wait3A_2322 : memref<56x128xf32, #tpu.memory_space<vmem>>) dst(%dma_wait3A_2328 : memref<10112x128xf32, #tpu.memory_space<vmem_shared>>)
    }
    %scan3A_8 = arith.constant 8 : i32
    %barrier3A_9 = arith.constant 0 : index
    tpu.barrier barrier_id(%barrier3A_9)
    %mul3A_10 = arith.constant 632 : i32
    %mul3A_11 = arith.muli %arg1, %mul3A_10 : i32
    %mul3A_12 = arith.constant 632 : i32
    %mul3A_13 = arith.muli %arg1, %mul3A_12 : i32
    "tpu.region"() ({
      %run_scoped3A = tpu.sem_alloc : memref<!tpu.dma_semaphore, #tpu.memory_space<semaphore_mem>>
      %dma_start3A = arith.constant 0 : i32
      %dma_start3A_14 = tpu.memref_slice %arg9[%arg0, %mul3A_13, %dma_start3A] : memref<2x10112x128xf32, #tpu.memory_space<hbm>> -> memref<1x632x128xf32, #tpu.memory_space<hbm>>
      %dma_start3A_15 = tpu.memref_squeeze %dma_start3A_14 : memref<1x632x128xf32, #tpu.memory_space<hbm>> -> memref<632x128xf32, #tpu.memory_space<hbm>>
      %dma_start3A_16 = arith.constant 0 : i32
      %dma_start3A_17 = tpu.memref_slice %arg16[%mul3A_11, %dma_start3A_16] : memref<10112x128xf32, #tpu.memory_space<vmem_shared>> -> memref<632x128xf32, #tpu.memory_space<vmem_shared>>
      tpu.enqueue_dma source(%dma_start3A_17 : memref<632x128xf32, #tpu.memory_space<vmem_shared>>) target(%dma_start3A_15 : memref<632x128xf32, #tpu.memory_space<hbm>>) target_semaphore(%run_scoped3A : memref<!tpu.dma_semaphore, #tpu.memory_space<semaphore_mem>>)
      %dma_wait3A = arith.constant 0 : i32
      %dma_wait3A_18 = tpu.memref_slice %arg9[%arg0, %mul3A_13, %dma_wait3A] : memref<2x10112x128xf32, #tpu.memory_space<hbm>> -> memref<1x632x128xf32, #tpu.memory_space<hbm>>
      %dma_wait3A_19 = tpu.memref_squeeze %dma_wait3A_18 : memref<1x632x128xf32, #tpu.memory_space<hbm>> -> memref<632x128xf32, #tpu.memory_space<hbm>>
      %dma_wait3A_20 = arith.constant 0 : i32
      %dma_wait3A_21 = tpu.memref_slice %arg16[%mul3A_11, %dma_wait3A_20] : memref<10112x128xf32, #tpu.memory_space<vmem_shared>> -> memref<632x128xf32, #tpu.memory_space<vmem_shared>>
      tpu.wait_dma2 semaphore(%run_scoped3A : memref<!tpu.dma_semaphore, #tpu.memory_space<semaphore_mem>>) src(%dma_wait3A_21 : memref<632x128xf32, #tpu.memory_space<vmem_shared>>) dst(%dma_wait3A_19 : memref<632x128xf32, #tpu.memory_space<hbm>>)
      tpu.yield
    }) : () -> ()
    return
  }
}

module attributes {stable_mosaic.version = 14 : i64} {
  func.func @body(%arg0: memref<2x10112x128xf32, #tpu.memory_space<vmem>>, %arg1: memref<10000x128xf32, #tpu.memory_space<vmem>>, %arg2: memref<128x256xf32, #tpu.memory_space<vmem>>, %arg3: memref<1x256xf32, #tpu.memory_space<vmem>>, %arg4: memref<256x128xf32, #tpu.memory_space<vmem>>, %arg5: memref<1x128xf32, #tpu.memory_space<vmem>>, %arg6: memref<128x128xf32, #tpu.memory_space<vmem>>, %arg7: memref<1x128xf32, #tpu.memory_space<vmem>>, %arg8: memref<1x128xf32, #tpu.memory_space<vmem>>, %arg9: memref<1x128xf32, #tpu.memory_space<vmem>>, %arg10: memref<10000x128xf32, #tpu.memory_space<vmem>>) attributes {dimension_semantics = [], scalar_prefetch = 0 : i64, scratch_operands = 0 : i64, tpu.core_type = #tpu.core_type<tc>} {
    %get3A = arith.constant 0 : index
    %get3A_0 = arith.constant 0 : index
    %get3A_1 = arith.constant 0 : index
    %get3A_2 = vector.load %arg0[%get3A, %get3A_0, %get3A_1] : memref<2x10112x128xf32, #tpu.memory_space<vmem>>, vector<1x10000x128xf32>
    %get3A_3 = vector.shape_cast %get3A_2 : vector<1x10000x128xf32> to vector<10000x128xf32>
    %get3A_4 = arith.constant 1 : index
    %get3A_5 = arith.constant 0 : index
    %get3A_6 = arith.constant 0 : index
    %get3A_7 = vector.load %arg0[%get3A_4, %get3A_5, %get3A_6] : memref<2x10112x128xf32, #tpu.memory_space<vmem>>, vector<1x10000x128xf32>
    %get3A_8 = vector.shape_cast %get3A_7 : vector<1x10000x128xf32> to vector<10000x128xf32>
    %add3A = arith.addf %get3A_3, %get3A_8 : vector<10000x128xf32>
    %get3A_9 = arith.constant 0 : index
    %get3A_10 = arith.constant 0 : index
    %get3A_11 = vector.load %arg2[%get3A_9, %get3A_10] : memref<128x256xf32, #tpu.memory_space<vmem>>, vector<128x256xf32>
    %dot_general3A = arith.constant dense<0.000000e+00> : vector<10000x256xf32>
    %dot_general3A_12 = tpu.matmul %add3A, %get3A_11, %dot_general3A {dimension_numbers = #tpu.dot_dimension_numbers<[1], [0], [0], [1], [0, 0, 1, 1], [], []>, transpose_lhs_hint = false} : vector<10000x128xf32>, vector<128x256xf32>, vector<10000x256xf32> -> vector<10000x256xf32>
    %get3A_13 = arith.constant 0 : index
    %get3A_14 = arith.constant 0 : index
    %get3A_15 = vector.load %arg3[%get3A_13, %get3A_14] : memref<1x256xf32, #tpu.memory_space<vmem>>, vector<1x256xf32>
    %add3A_16 = vector.broadcast %get3A_15 : vector<1x256xf32> to vector<10000x256xf32>
    %add3A_17 = arith.addf %dot_general3A_12, %add3A_16 : vector<10000x256xf32>
    %max3A = arith.constant 0.000000e+00 : f32
    %max3A_18 = vector.broadcast %max3A : f32 to vector<10000x256xf32>
    %max3A_19 = arith.maximumf %add3A_17, %max3A_18 : vector<10000x256xf32>
    %get3A_20 = arith.constant 0 : index
    %get3A_21 = arith.constant 0 : index
    %get3A_22 = vector.load %arg4[%get3A_20, %get3A_21] : memref<256x128xf32, #tpu.memory_space<vmem>>, vector<256x128xf32>
    %dot_general3A_23 = arith.constant dense<0.000000e+00> : vector<10000x128xf32>
    %dot_general3A_24 = tpu.matmul %max3A_19, %get3A_22, %dot_general3A_23 {dimension_numbers = #tpu.dot_dimension_numbers<[1], [0], [0], [1], [0, 0, 1, 1], [], []>, transpose_lhs_hint = false} : vector<10000x256xf32>, vector<256x128xf32>, vector<10000x128xf32> -> vector<10000x128xf32>
    %get3A_25 = arith.constant 0 : index
    %get3A_26 = arith.constant 0 : index
    %get3A_27 = vector.load %arg5[%get3A_25, %get3A_26] : memref<1x128xf32, #tpu.memory_space<vmem>>, vector<1x128xf32>
    %add3A_28 = vector.broadcast %get3A_27 : vector<1x128xf32> to vector<10000x128xf32>
    %add3A_29 = arith.addf %dot_general3A_24, %add3A_28 : vector<10000x128xf32>
    %get3A_30 = arith.constant 0 : index
    %get3A_31 = arith.constant 0 : index
    %get3A_32 = vector.load %arg1[%get3A_30, %get3A_31] : memref<10000x128xf32, #tpu.memory_space<vmem>>, vector<10000x128xf32>
    %get3A_33 = arith.constant 0 : index
    %get3A_34 = arith.constant 0 : index
    %get3A_35 = vector.load %arg6[%get3A_33, %get3A_34] : memref<128x128xf32, #tpu.memory_space<vmem>>, vector<128x128xf32>
    %dot_general3A_36 = arith.constant dense<0.000000e+00> : vector<10000x128xf32>
    %dot_general3A_37 = tpu.matmul %get3A_32, %get3A_35, %dot_general3A_36 {dimension_numbers = #tpu.dot_dimension_numbers<[1], [0], [0], [1], [0, 0, 1, 1], [], []>, transpose_lhs_hint = false} : vector<10000x128xf32>, vector<128x128xf32>, vector<10000x128xf32> -> vector<10000x128xf32>
    %get3A_38 = arith.constant 0 : index
    %get3A_39 = arith.constant 0 : index
    %get3A_40 = vector.load %arg7[%get3A_38, %get3A_39] : memref<1x128xf32, #tpu.memory_space<vmem>>, vector<1x128xf32>
    %add3A_41 = vector.broadcast %get3A_40 : vector<1x128xf32> to vector<10000x128xf32>
    %add3A_42 = arith.addf %dot_general3A_37, %add3A_41 : vector<10000x128xf32>
    %add3A_43 = arith.addf %add3A_29, %add3A_42 : vector<10000x128xf32>
    %reduce_sum3A = arith.constant dense<0.000000e+00> : vector<128xf32>
    %reduce_sum3A_44 = vector.multi_reduction <add>, %add3A_43, %reduce_sum3A [0] : vector<10000x128xf32> to vector<128xf32>
    %broadcast_in_dim3A = vector.shape_cast %reduce_sum3A_44 : vector<128xf32> to vector<1x128xf32>
    %div3A = arith.constant 1.000000e+04 : f32
    %div3A_45 = vector.broadcast %div3A : f32 to vector<1x128xf32>
    %div3A_46 = arith.divf %broadcast_in_dim3A, %div3A_45 : vector<1x128xf32>
    %sub3A = vector.broadcast %div3A_46 : vector<1x128xf32> to vector<10000x128xf32>
    %sub3A_47 = arith.subf %add3A_43, %sub3A : vector<10000x128xf32>
    %integer_pow3A = arith.mulf %sub3A_47, %sub3A_47 : vector<10000x128xf32>
    %reduce_sum3A_48 = arith.constant dense<0.000000e+00> : vector<128xf32>
    %reduce_sum3A_49 = vector.multi_reduction <add>, %integer_pow3A, %reduce_sum3A_48 [0] : vector<10000x128xf32> to vector<128xf32>
    %broadcast_in_dim3A_50 = vector.shape_cast %reduce_sum3A_49 : vector<128xf32> to vector<1x128xf32>
    %div3A_51 = arith.constant 1.000000e+04 : f32
    %div3A_52 = vector.broadcast %div3A_51 : f32 to vector<1x128xf32>
    %div3A_53 = arith.divf %broadcast_in_dim3A_50, %div3A_52 : vector<1x128xf32>
    %sub3A_54 = vector.broadcast %div3A_46 : vector<1x128xf32> to vector<10000x128xf32>
    %sub3A_55 = arith.subf %add3A_43, %sub3A_54 : vector<10000x128xf32>
    %add3A_56 = arith.constant 9.99999974E-6 : f32
    %add3A_57 = vector.broadcast %add3A_56 : f32 to vector<1x128xf32>
    %add3A_58 = arith.addf %div3A_53, %add3A_57 : vector<1x128xf32>
    %rsqrt3A = math.rsqrt %add3A_58 : vector<1x128xf32>
    %mul3A = vector.broadcast %rsqrt3A : vector<1x128xf32> to vector<10000x128xf32>
    %mul3A_59 = arith.mulf %sub3A_55, %mul3A : vector<10000x128xf32>
    %get3A_60 = arith.constant 0 : index
    %get3A_61 = arith.constant 0 : index
    %get3A_62 = vector.load %arg8[%get3A_60, %get3A_61] : memref<1x128xf32, #tpu.memory_space<vmem>>, vector<1x128xf32>
    %mul3A_63 = vector.broadcast %get3A_62 : vector<1x128xf32> to vector<10000x128xf32>
    %mul3A_64 = arith.mulf %mul3A_59, %mul3A_63 : vector<10000x128xf32>
    %get3A_65 = arith.constant 0 : index
    %get3A_66 = arith.constant 0 : index
    %get3A_67 = vector.load %arg9[%get3A_65, %get3A_66] : memref<1x128xf32, #tpu.memory_space<vmem>>, vector<1x128xf32>
    %add3A_68 = vector.broadcast %get3A_67 : vector<1x128xf32> to vector<10000x128xf32>
    %add3A_69 = arith.addf %mul3A_64, %add3A_68 : vector<10000x128xf32>
    %swap3A = arith.constant 0 : index
    %swap3A_70 = arith.constant 0 : index
    %swap3A_71 = vector.load %arg10[%swap3A, %swap3A_70] : memref<10000x128xf32, #tpu.memory_space<vmem>>, vector<10000x128xf32>
    tpu.vector_store %arg10[%swap3A, %swap3A_70], %add3A_69 {strides = array<i32>} : memref<10000x128xf32, #tpu.memory_space<vmem>>, vector<10000x128xf32>,
    return
  }
}

</mosaic_0001>

<sc_bundles>
// kernel: kernel.4.cloned.1.call-start
scs
__scs_entry_jumppad:
0x0: {  	(pc) =	sbr.rel $0x88, $3  }
0x1: {  	(tag) =	ssettag $0x0;
	lr =	simm.s32 $0x1  }
0x2: {  	[smem:$0x3F93] =	sst lr;
	_ =	strace $0xD0000000  }
0x3: {  	_ = 	snop  }
0x4: {  	_ = 	snop  }
0x5: {  	_ = 	snop  }
0x6: {  	_ = 	snop  }
0x7: {  	_ = 	snop  }
__scs_overlays_trampoline_lowered:
0x8: {  	[smem:$0x3FA2] =	sst s0  }
0x9: {  	[smem:$0x3FA3] =	sst s1  }
0xa: {  	[smem:$0x3FA4] =	sst s2  }
0xb: {  	[smem:$0x3FA5] =	sst s3  }
0xc: {  	[smem:$0x3FA6] =	sst s4  }
0xd: {  	[smem:$0x3FA7] =	sst s5  }
0xe: {  	[smem:$0x3FA8] =	sst s6  }
0xf: {  	[smem:$0x3FA9] =	sst s7  }
0x10: {  	[smem:$0x3FAA] =	sst s8  }
0x11: {  	[smem:$0x3FAB] =	sst s9;
	s0 =	simm.s32 @!p0 $0x0  }
0x12: {  	s1 =	sld [smem:$0x3F91];
	s0 =	simm.s32 @p0 $0x1  }
0x13: {  	[smem:$0x3FAC] =	sst s0;
	s0 =	simm.s32 @!p1 $0x0  }
0x14: {  	s2 =	sld [smem:$0x3F90];
	s0 =	simm.s32 @p1 $0x1  }
0x15: {  	[smem:$0x3FAD] =	sst s0;
	s0 =	simm.s32 @!p2 $0x0  }
0x16: {  	s3 =	sld [smem:$0x3FDB];
	s0 =	simm.s32 @p2 $0x1  }
0x17: {  	s4 =	simm.s32 $0x1BF5;
	[smem:$0x3FAF] =	sst s0  }
0x18: {  	s0 =	sld [smem:$0x3F92];
	_ =	swait.ge [sflag:s4], $0x0  }
0x19: {  	s7 =	sld [smem:$0x3F93]  }
0x1a: {  	s8 =	sadd.s32 $0xFFFFE003, lr  }
0x1b: {  	s9 =	sadd.s32 $0xFFFFFEF7, lr;
	s5 =	simm.s32 $0xFFFFFFFF;
	p2 =	slt.u32 s8, $0xFFFFF086  }
0x1c: {  	p1 =	slt.u32 s9, $0xF7A;
	s5 =	simm.s32 @!p2 $0x0  }
0x1d: {  	s5 =	simm.s32 @p1 $0x1;
	p0 =	seq.s32 s7, s2  }
0x1e: {  	s7 =	smul.u32 @!p0 $0xF7A, s2;
	p2 =	seq.s32 @!p0 s5, $0x0  }
0x1f: {  	s9 =	smul.u32 $0xF7A, s1;
	s8 =	simm.s32 @!p0 $0x1BF5;
	p2 =	por !p2, p0  }
0x20: {  	[sflag:s8] =	ssyncset.s32 @!p0 $0xFFFFF086;
	s6 =	sadd.s32 @!p0 s3, s7;
	s7 =	simm.s32 @!p0 $0x108  }
0x21: {  	s3 =	sadd.s32 s3, s9;
	s6 =	sadd.s32 @!p0 $0x88, s6;
	s7 =	simm.s32 @p2 $0x1082  }
0x22: {  	[simem:s7], [sflag:s8] =	dma.local @!p0 [hbm:s6], $0xF7A  }
0x23: {  	s9 =	sor.u32 $0xD0000000, s2;
	s6 =	simm.s32 $0x108;
	_ =	swait.ge @!p0 [sflag:s8], $0x0  }
0x24: {  	s3 =	sadd.s32 $0x88, s3;
	s6 =	simm.s32 @!p1 $0x1082;
	[sflag:s4] =	ssyncset.s32 $0xFFFFF086  }
0x25: {  	[simem:s6], [sflag:s4] =	dma.local [hbm:s3], $0xF7A  }
0x26: {  	[smem:$0x3F93] =	sst s1;
	(tag) =	ssettag s2;
	_ =	strace s9  }
0x27: {  	s1 =	sld [smem:$0x3FA3]  }
0x28: {  	s2 =	sld [smem:$0x3FA4]  }
0x29: {  	s4 =	sld [smem:$0x3FA6]  }
0x2a: {  	p0 =	seq.s32 s5, $0x0;
	s5 =	sld [smem:$0x3FA7]  }
0x2b: {  	s6 =	sld [smem:$0x3FA8]  }
0x2c: {  	s7 =	sld [smem:$0x3FA9]  }
0x2d: {  	s3 =	simm.s32 $0x108;
	s8 =	sld [smem:$0x3FAA]  }
0x2e: {  	s3 =	simm.s32 @!p0 $0x1082;
	s9 =	sld [smem:$0x3FAB]  }
0x2f: {  	lr =	sadd.s32 s0, s3;
	s0 =	sld [smem:$0x3FA2]  }
0x30: {  	s3 =	sld [smem:$0x3FA5]  }
0x31: {  	[smem:$0x3FAE] =	sst s10  }
0x32: {  	s10 =	sld [smem:$0x3FAC];
	_ =	sdelay $0x3  }
0x33: {  	p0 =	seq.s32 s10, $0x1;
	s10 =	sld [smem:$0x3FAE];
	_ =	sdelay $0x3  }
0x34: {  	[smem:$0x3FAE] =	sst s10  }
0x35: {  	s10 =	sld [smem:$0x3FAD];
	_ =	sdelay $0x3  }
0x36: {  	p1 =	seq.s32 s10, $0x1;
	s10 =	sld [smem:$0x3FAE];
	_ =	sdelay $0x3  }
0x37: {  	[smem:$0x3FAE] =	sst s10  }
0x38: {  	s10 =	sld [smem:$0x3FAF]  }
0x39: {  	_ = 	snop;
	(pc) =	sbr.ind lr, $3  }
0x3a: {  	_ = 	snop  }
0x3b: {  	_ = 	snop  }
0x3c: {  	p2 =	seq.s32 s10, $0x1;
	s10 =	sld [smem:$0x3FAE]  }
0x3d: {  	_ =	shalt  }
0x3e: {  	_ =	shalt  }
0x3f: {  	_ =	shalt  }
0x40: {  	_ =	shalt  }
0x41: {  	_ =	shalt  }
0x42: {  	_ =	shalt  }
0x43: {  	_ =	shalt  }
0x44: {  	_ =	shalt  }
0x45: {  	_ =	shalt  }
0x46: {  	_ =	shalt  }
0x47: {  	_ =	shalt  }
0x48: {  	_ =	shalt  }
0x49: {  	_ =	shalt  }
0x4a: {  	_ =	shalt  }
0x4b: {  	_ =	shalt  }
0x4c: {  	_ =	shalt  }
0x4d: {  	_ =	shalt  }
0x4e: {  	_ =	shalt  }
0x4f: {  	_ =	shalt  }
0x50: {  	_ =	shalt  }
0x51: {  	_ =	shalt  }
0x52: {  	_ =	shalt  }
0x53: {  	_ =	shalt  }
0x54: {  	_ =	shalt  }
0x55: {  	_ =	shalt  }
0x56: {  	_ =	shalt  }
0x57: {  	_ =	shalt  }
0x58: {  	_ =	shalt  }
0x59: {  	_ =	shalt  }
0x5a: {  	_ =	shalt  }
0x5b: {  	_ =	shalt  }
0x5c: {  	_ =	shalt  }
0x5d: {  	_ =	shalt  }
0x5e: {  	_ =	shalt  }
0x5f: {  	_ =	shalt  }
0x60: {  	_ =	shalt  }
0x61: {  	_ =	shalt  }
0x62: {  	_ =	shalt  }
0x63: {  	_ =	shalt  }
0x64: {  	_ =	shalt  }
0x65: {  	_ =	shalt  }
0x66: {  	_ =	shalt  }
0x67: {  	_ =	shalt  }
0x68: {  	_ =	shalt  }
0x69: {  	_ =	shalt  }
0x6a: {  	_ =	shalt  }
0x6b: {  	_ =	shalt  }
0x6c: {  	_ =	shalt  }
0x6d: {  	_ =	shalt  }
0x6e: {  	_ =	shalt  }
0x6f: {  	_ =	shalt  }
0x70: {  	_ =	shalt  }
0x71: {  	_ =	shalt  }
0x72: {  	_ =	shalt  }
0x73: {  	_ =	shalt  }
0x74: {  	_ =	shalt  }
0x75: {  	_ =	shalt  }
0x76: {  	_ =	shalt  }
0x77: {  	_ =	shalt  }
0x78: {  	_ =	shalt  }
0x79: {  	_ =	shalt  }
0x7a: {  	_ =	shalt  }
0x7b: {  	_ =	shalt  }
0x7c: {  	_ =	shalt  }
0x7d: {  	_ =	shalt  }
0x7e: {  	_ =	shalt  }
0x7f: {  	_ =	shalt  }
0x80: {  	_ =	shalt  }
0x81: {  	_ =	shalt  }
0x82: {  	_ =	shalt  }
0x83: {  	_ =	shalt  }
0x84: {  	_ =	shalt  }
0x85: {  	_ =	shalt  }
0x86: {  	_ =	shalt  }
0x87: {  	_ =	shalt  }
.Lfunc_end0:
.L_simem_size_0:
called_computation_lowered:
.L_overlay_start_0:
0x88: {  	s2 =	sld [smem:$0x3FD9]  }
0x89: {  	s3 =	sld [smem:$0x3FFE];
	_ =	sdelay $0x1  }
0x8a: {  	s1 =	srdreg.scid  }
0x8b: {  	s0 =	sand.u32 $0x1, s1  }
0x8c: {  	s17 =	sshll.u32 s0, $0xA;
	s2 =	sadd.s32 s3, s2  }
0x8d: {  	s2 =	sadd.s32 s2, s17  }
0x8e: {  	[smem:$0x3FBA] =	sst s2  }
0x8f: {  	_ = 	snop  }
0x90: {  	s2 =	sld [smem:$0x3FC9]  }
0x91: {  	s18 =	sld [smem:$0x3FD0];
	(tm) =	ssettm $0x1  }
0x92: {  	s4 =	sld [smem:$0x3FFB];
	_ =	sdelay $0x3  }
0x93: {  	_ =	strace s4  }
0x94: {  	s4 =	sld [smem:$0x3FFC];
	_ =	sdelay $0x3  }
0x95: {  	_ =	strace s4  }
0x96: {  	s4 =	sld [smem:$0x3FFD];
	_ =	sdelay $0x3  }
0x97: {  	_ =	strace s4  }
0x98: {  	_ =	strace $0x8FFFFFFF  }
0x99: {  	s19 =	sld [smem:$0x3FDB];
	_ =	sdelay $0x1  }
0x9a: {  	s5 =	simm.s32 $_scs_section_size  }
0x9b: {  	s6 =	simm.s32 $_size__tile_overlayer_lowered;
	s7 =	simm.s32 $_tile_overlayer_lowered  }
0x9c: {  	s22 =	simm.s32 $0x1BFF;
	s21 =	sshll.u32 s7, $0x1;
	s4 =	sadd.s32 s5, s19  }
0x9d: {  	s8 =	simm.s32 $0x0;
	s20 =	sshll.u32 s6, $0x1;
	s6 =	sadd.s32 s21, s4  }
0x9e: {  	[timem:s8], [sflag:s22] =	dma.local [hbm:s6], s20  }
0x9f: {  	_ =	swait.ge [sflag:s22], s20  }
0xa0: {  	s5 =	ssub.s32 $0x0, s20;
	[sflag:s22] =	ssyncset.done $0x0  }
0xa1: {  	[sflag:s22] =	ssyncadd.s32 s5;
	_ =	sdelay $0x1  }
0xa2: {  	s23 =	simm.s32 $0x1B8B  }
0xa3: {  	_ =	swait.ge [sflag:s23], $0x1  }
0xa4: {  	[sflag:s23] =	ssyncset.done $0x0  }
0xa5: {  	s25 =	simm.s32 $0x1B8E;
	s24 =	sld [smem:$0x3FFE];
	[sflag:s23] =	ssyncadd.s32 $0xFFFFFFFF  }
0xa6: {  	s26 =	simm.s32 $execute0_lowered;
	[smem:$0x3FD2] =	sst s25  }
0xa7: {  	s6 =	sshll.u32 s26, $0x1;
	_ =	strace $0x80000046;
	[dreg:$0x1] =	wrdreg $0xFFFFFFFF  }
0xa8: {  	s28 =	simm.s32 $_size_execute0_lowered;
	s4 =	sadd.s32 s4, s6;
	[dreg:$0x0] =	wrdreg $0x0  }
0xa9: {  	s6 =	sshll.u32 s28, $0x1;
	[dreg:$0x2] =	wrdreg s4  }
0xaa: {  	[dreg:$0x3] =	wrdreg s6  }
0xab: {  	[dreg:$0x4] =	wrdreg $0xC0  }
0xac: {  	_ =	task [dreg:s8], $0x5FFFF  }
0xad: {  	[dreg:$0x1] =	wrdreg $0xFFFFFFFF  }
0xae: {  	[dreg:$0x0] =	wrdreg $0x60  }
0xaf: {  	[dreg:$0x2] =	wrdreg s2  }
0xb0: {  	[dreg:$0x3] =	wrdreg s24  }
0xb1: {  	[dreg:$0x4] =	wrdreg s18  }
0xb2: {  	[dreg:$0x5] =	wrdreg $0xBC000  }
0xb3: {  	[dreg:$0x6] =	wrdreg $0x1F8000  }
0xb4: {  	[dreg:$0x7] =	wrdreg $0x9  }
0xb5: {  	_ =	task.clear_ibuf [dreg:s8], $0x8FFFF;
	_ =	strace $0x90000046  }
0xb6: {  	s29 =	simm.s32 $0x9;
	_ =	strace $0x80000048  }
0xb7: {  	_ =	swait.ge [sflag:s29], $0x1  }
0xb8: {  	[sflag:s29] =	ssyncadd.s32 $0xFFFFFFFF  }
0xb9: {  	_ =	strace $0x90000048  }
0xba: {  	_ =	sfence  }
0xbb: {  	s30 =	sld [smem:$0x0];
	_ =	sdelay $0x2  }
0xbc: {  	s31 =	sshll.u32 s1, $0xD;
	s1 =	sshrl.u32 s1, $0x2  }
0xbd: {  	s3 =	sand.u32 $0x4000, s31;
	s1 =	sadd.s32 s1, s30  }
0xbe: {  	s0 =	sor.u32 s3, s0;
	s1 =	sshll.u32 s1, $0x11  }
0xbf: {  	s0 =	sor.u32 s1, s0  }
0xc0: {  	s0 =	sadd.s32 $0x8F2B, s0  }
0xc1: {  	[sflag:s0] =	ssyncadd.remote.s32 $0x1  }
0xc2: {  	_ =	sfence.sel $0xFFFF  }
0xc3: {  	[dreg:$0x0] =	wrdreg $0xFFFFFFFF;
	(pc) =	sbr.abs _section_cstart, $3  }
0xc4: {  	[dreg:$0x1] =	wrdreg $0xFFFFFFFF  }
0xc5: {  	_ =	task.clear_ibuf [dreg:s8], $0x2FFFF;
	_ =	strace $0x9FFFFFFF  }
0xc6: {  	(tm) =	ssettm $0x7FFFFFFF  }
0xc7: {  	_ =	shalt  }
tec
execute0_lowered:
.L_overlay_start_1:
0x0: {  	(tag) =	ssettag $0x1  }
0x1: {  	s0 =	rddreg [dreg:$0x0]  }
0x2: {  	s2 =	srdreg.scid;
	s1 =	stileid.u32  }
0x3: {  	s6 =	rddreg [dreg:$0x1];
	s5 =	sand.u32 $0x1, s2;
	s4 =	smul.u32 $0xC000, s1  }
0x4: {  	s7 =	rddreg [dreg:$0x2];
	s8 =	smul.u32 $0x6000, s5  }
0x5: {  	s3 =	rddreg [dreg:$0x4]  }
0x6: {  	s2 =	rddreg [dreg:$0x3];
	s8 =	sadd.s32 s8, s4;
	s4 =	simm.s32 $0x0  }
0x7: {  	s20 =	simm.s32 $0x80;
	[smem:$0x7FF] =	sst s4  }
0x8: {  	s21 =	simm.s32 $0x1880;
	_ =	strace $0x80000047;
	[dreg:$0x9] =	wrdreg s20  }
0x9: {  	s22 =	simm.s32 $0x100;
	[dreg:$0xa] =	wrdreg s21  }
0xa: {  	s23 =	simm.s32 $0x1900;
	[dreg:$0xb] =	wrdreg s22  }
0xb: {  	s24 =	simm.s32 $0xC80;
	[dreg:$0xc] =	wrdreg s23  }
0xc: {  	s25 =	simm.s32 $0x2480;
	[dreg:$0xd] =	wrdreg s24  }
0xd: {  	s26 =	simm.s32 $0x180;
	[dreg:$0xe] =	wrdreg s25  }
0xe: {  	s11 =	simm.s32 $0x200;
	[dreg:$0xf] =	wrdreg s26  }
0xf: {  	s12 =	simm.s32 $0x1A00;
	[dreg:$0x13] =	wrdreg s11  }
0x10: {  	s13 =	simm.s32 $0xD80;
	[dreg:$0x14] =	wrdreg s12  }
0x11: {  	s14 =	simm.s32 $0x2580;
	[dreg:$0x15] =	wrdreg s13  }
0x12: {  	s15 =	simm.s32 $0x280;
	[dreg:$0x16] =	wrdreg s14  }
0x13: {  	s16 =	simm.s32 $0x1A80;
	[dreg:$0x17] =	wrdreg s15  }
0x14: {  	s17 =	simm.s32 $0xE00;
	[dreg:$0x18] =	wrdreg s16  }
0x15: {  	s18 =	simm.s32 $0x2600;
	[dreg:$0x19] =	wrdreg s17  }
0x16: {  	s19 =	simm.s32 $0x300;
	s8 =	sshrl.u32 s8, $0x3;
	[dreg:$0x1a] =	wrdreg s18  }
0x17: {  	s7 =	sadd.s32 s8, s7;
	[dreg:$0x1b] =	wrdreg s19  }
0x18: {  	s9 =	sadd.s32 s8, s6;
	s8 =	simm.s32 $0x1980;
	[dreg:$0x8] =	wrdreg s7  }
0x19: {  	s20 =	simm.s32 $0x1B00;
	[dreg:$0x10] =	wrdreg s8  }
0x1a: {  	s21 =	simm.s32 $0xE80;
	[dreg:$0x1c] =	wrdreg s20  }
0x1b: {  	s22 =	simm.s32 $0x2680;
	[dreg:$0x1d] =	wrdreg s21  }
0x1c: {  	s23 =	simm.s32 $0x380;
	[dreg:$0x1e] =	wrdreg s22  }
0x1d: {  	s24 =	simm.s32 $0x1B80;
	[dreg:$0x1f] =	wrdreg s23  }
0x1e: {  	s25 =	simm.s32 $0xF00;
	[smem:$0x7B4] =	sst s24  }
0x1f: {  	s26 =	simm.s32 $0x2700;
	[smem:$0x7B5] =	sst s25  }
0x20: {  	s11 =	simm.s32 $0x2780;
	[smem:$0x7B6] =	sst s26  }
0x21: {  	s12 =	simm.s32 $0x480;
	[smem:$0x7BA] =	sst s11  }
0x22: {  	s13 =	simm.s32 $0x1C80;
	[smem:$0x7BB] =	sst s12  }
0x23: {  	s14 =	simm.s32 $0x1000;
	[smem:$0x7BC] =	sst s13  }
0x24: {  	s15 =	simm.s32 $0x2800;
	[smem:$0x7BD] =	sst s14  }
0x25: {  	s16 =	simm.s32 $0x500;
	[smem:$0x7BE] =	sst s15  }
0x26: {  	s17 =	simm.s32 $0x1D00;
	[smem:$0x7BF] =	sst s16  }
0x27: {  	s18 =	simm.s32 $0x1080;
	[smem:$0x7C0] =	sst s17  }
0x28: {  	s19 =	simm.s32 $0x2880;
	[smem:$0x7C1] =	sst s18  }
0x29: {  	s10 =	sadd.s32 $0x1A00, s9;
	[smem:$0x7C2] =	sst s19  }
0x2a: {  	s9 =	sadd.s32 $0x19A00, s9;
	[dreg:$0x6] =	wrdreg s10  }
0x2b: {  	s8 =	simm.s32 $0x400;
	[dreg:$0x7] =	wrdreg s9  }
0x2c: {  	s20 =	simm.s32 $0x580;
	[smem:$0x7B7] =	sst s8  }
0x2d: {  	s21 =	simm.s32 $0x1D80;
	[smem:$0x7C3] =	sst s20  }
0x2e: {  	s22 =	simm.s32 $0x1100;
	[smem:$0x7C4] =	sst s21  }
0x2f: {  	s23 =	simm.s32 $0x2900;
	[smem:$0x7C5] =	sst s22  }
0x30: {  	s24 =	simm.s32 $0x600;
	[smem:$0x7C6] =	sst s23  }
0x31: {  	s25 =	simm.s32 $0x1E00;
	[smem:$0x7C7] =	sst s24  }
0x32: {  	s26 =	simm.s32 $0x1180;
	[smem:$0x7C8] =	sst s25  }
0x33: {  	s11 =	simm.s32 $0x1200;
	[smem:$0x7C9] =	sst s26  }
0x34: {  	s12 =	simm.s32 $0x2A00;
	[smem:$0x7CD] =	sst s11  }
0x35: {  	s13 =	simm.s32 $0x700;
	[smem:$0x7CE] =	sst s12  }
0x36: {  	s14 =	simm.s32 $0x1F00;
	[smem:$0x7CF] =	sst s13  }
0x37: {  	s15 =	simm.s32 $0x1280;
	[smem:$0x7D0] =	sst s14  }
0x38: {  	s16 =	simm.s32 $0x2A80;
	[smem:$0x7D1] =	sst s15  }
0x39: {  	s17 =	simm.s32 $0x780;
	[smem:$0x7D2] =	sst s16  }
0x3a: {  	s18 =	simm.s32 $0x1F80;
	[smem:$0x7D3] =	sst s17  }
0x3b: {  	s19 =	simm.s32 $0x1300;
	[smem:$0x7D4] =	sst s18  }
0x3c: {  	s7 =	simm.s32 $0x1500;
	[smem:$0x7D5] =	sst s19  }
0x3d: {  	s9 =	simm.s32 $0xD00;
	[smem:$0x7E8] =	sst s7  }
0x3e: {  	s10 =	simm.s32 $0x2500;
	[dreg:$0x11] =	wrdreg s9  }
0x3f: {  	s8 =	simm.s32 $0x2980;
	[dreg:$0x12] =	wrdreg s10  }
0x40: {  	s21 =	sadd.s32 $0x1800, s6;
	[smem:$0x7CA] =	sst s8  }
0x41: {  	s20 =	simm.s32 $0x2B00;
	[smem:$0x7D6] =	sst s21  }
0x42: {  	s22 =	simm.s32 $0x800;
	[smem:$0x7D7] =	sst s20  }
0x43: {  	s24 =	simm.s32 $0x2000;
	[smem:$0x7D8] =	sst s22  }
0x44: {  	s11 =	sadd.s32 $0x31A00, s6;
	[smem:$0x7D9] =	sst s24  }
0x45: {  	s26 =	simm.s32 $0x1380;
	[smem:$0x7DA] =	sst s11  }
0x46: {  	s12 =	simm.s32 $0x2B80;
	[smem:$0x7DB] =	sst s26  }
0x47: {  	s13 =	simm.s32 $0x880;
	[smem:$0x7DC] =	sst s12  }
0x48: {  	s14 =	simm.s32 $0x2080;
	[smem:$0x7DD] =	sst s13  }
0x49: {  	s28 =	simm.s32 $0x4;
	s15 =	simm.s32 $0x1400;
	[smem:$0x7DE] =	sst s14  }
0x4a: {  	s29 =	simm.s32 $0xA;
	s16 =	simm.s32 $0x2C00;
	[smem:$0x7DF] =	sst s15  }
0x4b: {  	s30 =	simm.s32 $0x3;
	s18 =	simm.s32 $0x900;
	[smem:$0x7E0] =	sst s16  }
0x4c: {  	s31 =	simm.s32 $0x5;
	s9 =	simm.s32 $0x1C00;
	[smem:$0x7E1] =	sst s18  }
0x4d: {  	p0 =	sne.s32 s1, $0x0;
	s10 =	simm.s32 $0xF80;
	[smem:$0x7B8] =	sst s9  }
0x4e: {  	s23 =	smul.u32 $0x13C000, s5;
	s20 =	simm.s32 $0x2100;
	[smem:$0x7B9] =	sst s10  }
0x4f: {  	s25 =	smul.u32 $0x13C00, s1;
	s21 =	simm.s32 $0x1480;
	[smem:$0x7E2] =	sst s20  }
0x50: {  	s5 =	ssub.s32 $0x2, s5;
	s24 =	simm.s32 $0x980;
	[smem:$0x7E3] =	sst s21  }
0x51: {  	s19 =	smul.u32 $0x4F000, s1;
	s26 =	simm.s32 $0x2180;
	[smem:$0x7E5] =	sst s24  }
0x52: {  	s17 =	sshrl.u32 s5, $0x1;
	s11 =	simm.s32 $0x2200;
	[smem:$0x7E6] =	sst s26  }
0x53: {  	s13 =	simm.s32 $0x1580;
	s14 =	simm.s32 $0x2D80;
	[smem:$0x7EC] =	sst s11  }
0x54: {  	s15 =	simm.s32 $0xA80;
	s16 =	simm.s32 $0x2280;
	[smem:$0x7ED] =	sst s13  }
0x55: {  	s18 =	simm.s32 $0x2E00;
	s9 =	simm.s32 $0x680;
	[smem:$0x7EF] =	sst s14  }
0x56: {  	s10 =	simm.s32 $0x1E80;
	s8 =	sadd.s32 s25, s23;
	[smem:$0x7F0] =	sst s15  }
0x57: {  	s5 =	ssub.s32 s5, s17;
	s22 =	sshrl.u32 s19, $0x2;
	[smem:$0x7F1] =	sst s16  }
0x58: {  	s23 =	simm.s32 $0x2C80;
	s25 =	sshll.u32 s1, $0x6;
	[smem:$0x7F3] =	sst s18  }
0x59: {  	s11 =	simm.s32 $0xB;
	s13 =	simm.s32 $0xC00;
	[smem:$0x7CB] =	sst s9  }
0x5a: {  	s14 =	simm.s32 $0x1800;
	s17 =	simm.s32 $0x1600;
	[smem:$0x7CC] =	sst s10  }
0x5b: {  	s15 =	simm.s32 $0x2400;
	s16 =	simm.s32 $0x38;
	[smem:$0x7E4] =	sst s23  }
0x5c: {  	s19 =	simm.s32 $0xB00;
	s20 =	simm.s32 $0x2300;
	[smem:$0x7F2] =	sst s17  }
0x5d: {  	s18 =	simm.s32 $0x4C00;
	s21 =	simm.s32 $0x1680;
	[smem:$0x7F4] =	sst s19  }
0x5e: {  	s24 =	simm.s32 $0x2380;
	s26 =	simm.s32 $0x2F00;
	[smem:$0x7F5] =	sst s20  }
0x5f: {  	s1 =	simm.s32 $0x6;
	s8 =	sshrl.u32 s8, $0x3;
	[smem:$0x7F6] =	sst s21  }
0x60: {  	s12 =	sor.u32 $0x1C0B, s25;
	s9 =	simm.s32 $0x2D00;
	[smem:$0x7F9] =	sst s24  }
0x61: {  	s5 =	smax.u32 s5, $0x1;
	s10 =	simm.s32 $0xA00;
	[smem:$0x7FB] =	sst s26  }
0x62: {  	s17 =	simm.s32 $0x3000;
	s19 =	simm.s32 $0x8400;
	[smem:$0x7E9] =	sst s5  }
0x63: {  	s20 =	simm.s32 $0xA000;
	s23 =	simm.s32 $0xB80;
	[smem:$0x7EA] =	sst s9  }
0x64: {  	s21 =	simm.s32 $0x1;
	s25 =	simm.s32 $0x1700;
	[smem:$0x7EB] =	sst s10  }
0x65: {  	s24 =	simm.s32 $0x9;
	s26 =	simm.s32 $0x8;
	[smem:$0x7F8] =	sst s23  }
0x66: {  	s6 =	sadd.s32 s8, s6;
	s8 =	sadd.s32 s22, s2;
	[smem:$0x7FA] =	sst s25  }
0x67: {  	s5 =	sshrl.u32 @!p0 s3, $0x3;
	s22 =	simm.s32 $0x2E80;
	[smem:$0x7FC] =	sst s12  }
0x68: {  	s23 =	simm.s32 $0x6800;
	s25 =	simm.s32 $0x2;
	[smem:$0x7EE] =	sst s5  }
0x69: {  	s9 =	simm.s32 $0x0;
	s6 =	sadd.s32 $0x34200, s6;
	[smem:$0x7F7] =	sst s22  }
0x6a: {  	s8 =	sshrl.u32 s8, $0x3;
	s22 =	simm.s32 $0x7;
	[smem:$0x7E7] =	sst s6  }
0x6b: {  	s5 =	simm.s32 $0x1780;
	s6 =	simm.s32 $0x2F80;
	[smem:$0x7FD] =	sst s8  }
.LBB2_1:
0x6c: {  	s7 =	sld [smem:$0x7DA];
	_ =	sdelay $0x1  }
0x6d: {  	[smem:$0x7B3] =	sst s9  }
0x6e: {  	[spmem:s8], [sflag:s12] =	dma.local [hbm:s7], $0x2780  }
0x6f: {  	_ =	swait.ge [sflag:s11], $0x2780  }
0x70: {  	s7 =	sld [smem:$0x7D6]  }
0x71: {  	s8 =	sld [smem:$0x7EE]  }
0x72: {  	[sflag:s11] =	ssyncset.done $0x0  }
0x73: {  	s9 =	simm.s32 @!p0 $0xB;
	[sflag:s11] =	ssyncadd.s32 $0xFFFFD880  }
0x74: {  	[spmem:s8], [sflag:s12] =	dma.local @!p0 [hbm:s7], $0x120  }
0x75: {  	_ =	swait.ge @!p0 [sflag:s9], $0x120  }
0x76: {  	[sflag:s9] =	ssyncset.done @!p0 $0x0  }
0x77: {  	[sflag:s9] =	ssyncadd.s32 @!p0 $0xFFFFFEE0  }
0x78: {  	[bflag:$0x0] =	sbarrier.arrive $0xFFFF  }
0x79: {  	s7 =	rddreg [dreg:$0x8]  }
0x7a: {  	s9 =	sadd.s32 $0x0, s7  }
0x7b: {  	[tilespmem:s4], [sflag:$0xB] =	stream.linear.gather [hbm4b:s9+s4], $0xC00, $0x38;
	[tilespmem:$0x1F890] =	vst v63  }
0x7c: {  	_ =	swait.ge [sflag:s11], $0xC00  }
0x7d: {  	s8 =	rddreg [dreg:$0x7];
	[sflag:s11] =	ssyncset.done $0x0  }
0x7e: {  	[sflag:s11] =	ssyncadd.s32 $0xFFFFF400;
	s9 =	sadd.s32 $0x0, s8  }
0x7f: {  	[tilespmem:s13], [sflag:$0xB] =	stream.linear.gather [hbm4b:s9+s4], $0xC00, $0x38;
	[tilespmem:$0x1F890] =	vst v63  }
0x80: {  	_ =	swait.ge [sflag:s11], $0xC00  }
0x81: {  	s10 =	rddreg [dreg:$0x6];
	[sflag:s11] =	ssyncset.done $0x0  }
0x82: {  	[sflag:s11] =	ssyncadd.s32 $0xFFFFF400;
	s10 =	sadd.s32 $0x0, s10  }
0x83: {  	[tilespmem:s14], [sflag:$0xB] =	stream.linear.gather [hbm4b:s10+s4], $0xC00, $0x38;
	[tilespmem:$0x1F890] =	vst v63  }
0x84: {  	_ =	swait.ge [sflag:s11], $0xC00  }
0x85: {  	[sflag:s11] =	ssyncset.done $0x0  }
0x86: {  	[sflag:s11] =	ssyncadd.s32 $0xFFFFF400  }
0x87: {  	[tilespmem:s15], [sflag:$0xB] =	stream.linear.gather [hbm4b:s9+s4], $0xC00, $0x38;
	[tilespmem:$0x1F890] =	vst v63  }
0x88: {  	_ =	swait.ge [sflag:s11], $0xC00  }
0x89: {  	[sflag:s11] =	ssyncset.done $0x0  }
0x8a: {  	[sflag:s11] =	ssyncadd.s32 $0xFFFFF400  }
0x8b: {  	[tilespmem:s17], [sflag:$0x1] =	stream.indirect.gather [hbm4b:s0+s16], $0x80, s4, s16, $0xb8;
	[tilespmem:$0x1F890] =	vst v63  }
0x8c: {  	s10 =	rddreg [dreg:$0x9]  }
0x8d: {  	[tilespmem:s18], [sflag:$0x2] =	stream.indirect.gather [hbm4b:s0+s16], $0x80, s10, s16, $0xb8;
	[tilespmem:$0x1F890] =	vst v63  }
0x8e: {  	_ = 	snop  }
0x8f: {  	[tilespmem:s19], [sflag:$0x7] =	stream.indirect.gather [spmem:s3], $0x80, s14, s16, $0xb8;
	[tilespmem:$0x1F890] =	vst v63  }
0x90: {  	s12 =	rddreg [dreg:$0xa]  }
0x91: {  	[tilespmem:s20], [sflag:$0x8] =	stream.indirect.gather [spmem:s3], $0x80, s12, s16, $0xb8;
	[tilespmem:$0x1F890] =	vst v63  }
0x92: {  	_ =	swait.ge [sflag:s21], $0x1C00  }
0x93: {  	[sflag:s21] =	ssyncset.done $0x0  }
0x94: {  	[sflag:s21] =	ssyncadd.s32 $0xFFFFE400  }
0x95: {  	[spmem:s2] =	stream.indirect.scatter.add.f32 [tilespmem:s17], [sflag:$0x4], $0x80, s13, s16, $0xb8;
	[tilespmem:$0x1F890] =	vst v63  }
0x96: {  	_ =	swait.ge [sflag:s22], $0x1C00  }
0x97: {  	[sflag:s22] =	ssyncset.done $0x0  }
0x98: {  	[sflag:s22] =	ssyncadd.s32 $0xFFFFE400  }
0x99: {  	[spmem:s2] =	stream.indirect.scatter.add.f32 [tilespmem:s19], [sflag:$0x9], $0x80, s15, s16, $0xb8;
	[tilespmem:$0x1F890] =	vst v63  }
0x9a: {  	s7 =	rddreg [dreg:$0xb]  }
0x9b: {  	[tilespmem:s23], [sflag:$0x3] =	stream.indirect.gather [hbm4b:s0+s16], $0x80, s7, s16, $0xb8;
	[tilespmem:$0x1F890] =	vst v63  }
0x9c: {  	_ =	swait.ge [sflag:s24], $0x1C00  }
0x9d: {  	[sflag:s24] =	ssyncset.done $0x0  }
0x9e: {  	s8 =	rddreg [dreg:$0xc];
	[sflag:s24] =	ssyncadd.s32 $0xFFFFE400  }
0x9f: {  	[tilespmem:s19], [sflag:$0x7] =	stream.indirect.gather [spmem:s3], $0x80, s8, s16, $0xb8;
	[tilespmem:$0x1F890] =	vst v63  }
0xa0: {  	_ =	swait.ge [sflag:s25], $0x1C00  }
0xa1: {  	[sflag:s25] =	ssyncset.done $0x0  }
0xa2: {  	s10 =	rddreg [dreg:$0xd];
	[sflag:s25] =	ssyncadd.s32 $0xFFFFE400  }
0xa3: {  	[spmem:s2] =	stream.indirect.scatter.add.f32 [tilespmem:s18], [sflag:$0x5], $0x80, s10, s16, $0xb8;
	[tilespmem:$0x1F890] =	vst v63  }
0xa4: {  	_ =	swait.ge [sflag:s26], $0x1C00  }
0xa5: {  	[sflag:s26] =	ssyncset.done $0x0  }
0xa6: {  	s12 =	rddreg [dreg:$0xe];
	[sflag:s26] =	ssyncadd.s32 $0xFFFFE400  }
0xa7: {  	[spmem:s2] =	stream.indirect.scatter.add.f32 [tilespmem:s20], [sflag:$0xA], $0x80, s12, s16, $0xb8;
	[tilespmem:$0x1F890] =	vst v63  }
0xa8: {  	_ =	swait.ge [sflag:s28], $0x1C00  }
0xa9: {  	[sflag:s28] =	ssyncset.done $0x0  }
0xaa: {  	s7 =	rddreg [dreg:$0xf];
	[sflag:s28] =	ssyncadd.s32 $0xFFFFE400  }
0xab: {  	[tilespmem:s17], [sflag:$0x1] =	stream.indirect.gather [hbm4b:s0+s16], $0x80, s7, s16, $0xb8;
	[tilespmem:$0x1F890] =	vst v63  }
0xac: {  	_ =	swait.ge [sflag:s29], $0x1C00  }
0xad: {  	[sflag:s29] =	ssyncset.done $0x0  }
0xae: {  	s8 =	rddreg [dreg:$0x10];
	[sflag:s29] =	ssyncadd.s32 $0xFFFFE400  }
0xaf: {  	[tilespmem:s20], [sflag:$0x8] =	stream.indirect.gather [spmem:s3], $0x80, s8, s16, $0xb8;
	[tilespmem:$0x1F890] =	vst v63  }
0xb0: {  	_ =	swait.ge [sflag:s30], $0x1C00  }
0xb1: {  	[sflag:s30] =	ssyncset.done $0x0  }
0xb2: {  	s10 =	rddreg [dreg:$0x11];
	[sflag:s30] =	ssyncadd.s32 $0xFFFFE400  }
0xb3: {  	[spmem:s2] =	stream.indirect.scatter.add.f32 [tilespmem:s23], [sflag:$0x6], $0x80, s10, s16, $0xb8;
	[tilespmem:$0x1F890] =	vst v63  }
0xb4: {  	_ =	swait.ge [sflag:s22], $0x1C00  }
0xb5: {  	[sflag:s22] =	ssyncset.done $0x0  }
0xb6: {  	s12 =	rddreg [dreg:$0x12];
	[sflag:s22] =	ssyncadd.s32 $0xFFFFE400  }
0xb7: {  	[spmem:s2] =	stream.indirect.scatter.add.f32 [tilespmem:s19], [sflag:$0x9], $0x80, s12, s16, $0xb8;
	[tilespmem:$0x1F890] =	vst v63  }
0xb8: {  	_ =	swait.ge [sflag:s31], $0x1C00  }
0xb9: {  	[sflag:s31] =	ssyncset.done $0x0  }
0xba: {  	s7 =	rddreg [dreg:$0x13];
	[sflag:s31] =	ssyncadd.s32 $0xFFFFE400  }
0xbb: {  	[tilespmem:s18], [sflag:$0x2] =	stream.indirect.gather [hbm4b:s0+s16], $0x80, s7, s16, $0xb8;
	[tilespmem:$0x1F890] =	vst v63  }
0xbc: {  	_ =	swait.ge [sflag:s24], $0x1C00  }
0xbd: {  	[sflag:s24] =	ssyncset.done $0x0  }
0xbe: {  	s8 =	rddreg [dreg:$0x14];
	[sflag:s24] =	ssyncadd.s32 $0xFFFFE400  }
0xbf: {  	[tilespmem:s19], [sflag:$0x7] =	stream.indirect.gather [spmem:s3], $0x80, s8, s16, $0xb8;
	[tilespmem:$0x1F890] =	vst v63  }
0xc0: {  	_ =	swait.ge [sflag:s21], $0x1C00  }
0xc1: {  	[sflag:s21] =	ssyncset.done $0x0  }
0xc2: {  	s10 =	rddreg [dreg:$0x15];
	[sflag:s21] =	ssyncadd.s32 $0xFFFFE400  }
0xc3: {  	[spmem:s2] =	stream.indirect.scatter.add.f32 [tilespmem:s17], [sflag:$0x4], $0x80, s10, s16, $0xb8;
	[tilespmem:$0x1F890] =	vst v63  }
0xc4: {  	_ =	swait.ge [sflag:s26], $0x1C00  }
0xc5: {  	[sflag:s26] =	ssyncset.done $0x0  }
0xc6: {  	s12 =	rddreg [dreg:$0x16];
	[sflag:s26] =	ssyncadd.s32 $0xFFFFE400  }
0xc7: {  	[spmem:s2] =	stream.indirect.scatter.add.f32 [tilespmem:s20], [sflag:$0xA], $0x80, s12, s16, $0xb8;
	[tilespmem:$0x1F890] =	vst v63  }
0xc8: {  	_ =	swait.ge [sflag:s1], $0x1C00  }
0xc9: {  	[sflag:s1] =	ssyncset.done $0x0  }
0xca: {  	s7 =	rddreg [dreg:$0x17];
	[sflag:s1] =	ssyncadd.s32 $0xFFFFE400  }
0xcb: {  	[tilespmem:s23], [sflag:$0x3] =	stream.indirect.gather [hbm4b:s0+s16], $0x80, s7, s16, $0xb8;
	[tilespmem:$0x1F890] =	vst v63  }
0xcc: {  	_ =	swait.ge [sflag:s29], $0x1C00  }
0xcd: {  	[sflag:s29] =	ssyncset.done $0x0  }
0xce: {  	s8 =	rddreg [dreg:$0x18];
	[sflag:s29] =	ssyncadd.s32 $0xFFFFE400  }
0xcf: {  	[tilespmem:s20], [sflag:$0x8] =	stream.indirect.gather [spmem:s3], $0x80, s8, s16, $0xb8;
	[tilespmem:$0x1F890] =	vst v63  }
0xd0: {  	_ =	swait.ge [sflag:s25], $0x1C00  }
0xd1: {  	[sflag:s25] =	ssyncset.done $0x0  }
0xd2: {  	s10 =	rddreg [dreg:$0x19];
	[sflag:s25] =	ssyncadd.s32 $0xFFFFE400  }
0xd3: {  	[spmem:s2] =	stream.indirect.scatter.add.f32 [tilespmem:s18], [sflag:$0x5], $0x80, s10, s16, $0xb8;
	[tilespmem:$0x1F890] =	vst v63  }
0xd4: {  	_ =	swait.ge [sflag:s22], $0x1C00  }
0xd5: {  	[sflag:s22] =	ssyncset.done $0x0  }
0xd6: {  	s12 =	rddreg [dreg:$0x1a];
	[sflag:s22] =	ssyncadd.s32 $0xFFFFE400  }
0xd7: {  	[spmem:s2] =	stream.indirect.scatter.add.f32 [tilespmem:s19], [sflag:$0x9], $0x80, s12, s16, $0xb8;
	[tilespmem:$0x1F890] =	vst v63  }
0xd8: {  	_ =	swait.ge [sflag:s28], $0x1C00  }
0xd9: {  	[sflag:s28] =	ssyncset.done $0x0  }
0xda: {  	s7 =	rddreg [dreg:$0x1b];
	[sflag:s28] =	ssyncadd.s32 $0xFFFFE400  }
0xdb: {  	[tilespmem:s17], [sflag:$0x1] =	stream.indirect.gather [hbm4b:s0+s16], $0x80, s7, s16, $0xb8;
	[tilespmem:$0x1F890] =	vst v63  }
0xdc: {  	_ =	swait.ge [sflag:s24], $0x1C00  }
0xdd: {  	[sflag:s24] =	ssyncset.done $0x0  }
0xde: {  	s8 =	rddreg [dreg:$0x1c];
	[sflag:s24] =	ssyncadd.s32 $0xFFFFE400  }
0xdf: {  	[tilespmem:s19], [sflag:$0x7] =	stream.indirect.gather [spmem:s3], $0x80, s8, s16, $0xb8;
	[tilespmem:$0x1F890] =	vst v63  }
0xe0: {  	_ =	swait.ge [sflag:s30], $0x1C00  }
0xe1: {  	[sflag:s30] =	ssyncset.done $0x0  }
0xe2: {  	s10 =	rddreg [dreg:$0x1d];
	[sflag:s30] =	ssyncadd.s32 $0xFFFFE400  }
0xe3: {  	[spmem:s2] =	stream.indirect.scatter.add.f32 [tilespmem:s23], [sflag:$0x6], $0x80, s10, s16, $0xb8;
	[tilespmem:$0x1F890] =	vst v63  }
0xe4: {  	_ =	swait.ge [sflag:s26], $0x1C00  }
0xe5: {  	[sflag:s26] =	ssyncset.done $0x0  }
0xe6: {  	s12 =	rddreg [dreg:$0x1e];
	[sflag:s26] =	ssyncadd.s32 $0xFFFFE400  }
0xe7: {  	[spmem:s2] =	stream.indirect.scatter.add.f32 [tilespmem:s20], [sflag:$0xA], $0x80, s12, s16, $0xb8;
	[tilespmem:$0x1F890] =	vst v63  }
0xe8: {  	_ =	swait.ge [sflag:s31], $0x1C00  }
0xe9: {  	[sflag:s31] =	ssyncset.done $0x0  }
0xea: {  	s7 =	rddreg [dreg:$0x1f];
	[sflag:s31] =	ssyncadd.s32 $0xFFFFE400  }
0xeb: {  	[tilespmem:s18], [sflag:$0x2] =	stream.indirect.gather [hbm4b:s0+s16], $0x80, s7, s16, $0xb8;
	[tilespmem:$0x1F890] =	vst v63  }
0xec: {  	_ =	swait.ge [sflag:s29], $0x1C00  }
0xed: {  	s8 =	sld [smem:$0x7B4]  }
0xee: {  	[sflag:s29] =	ssyncset.done $0x0  }
0xef: {  	[sflag:s29] =	ssyncadd.s32 $0xFFFFE400  }
0xf0: {  	[tilespmem:s20], [sflag:$0x8] =	stream.indirect.gather [spmem:s3], $0x80, s8, s16, $0xb8;
	[tilespmem:$0x1F890] =	vst v63  }
0xf1: {  	_ =	swait.ge [sflag:s21], $0x1C00  }
0xf2: {  	s10 =	sld [smem:$0x7B5]  }
0xf3: {  	[sflag:s21] =	ssyncset.done $0x0  }
0xf4: {  	[sflag:s21] =	ssyncadd.s32 $0xFFFFE400  }
0xf5: {  	[spmem:s2] =	stream.indirect.scatter.add.f32 [tilespmem:s17], [sflag:$0x4], $0x80, s10, s16, $0xb8;
	[tilespmem:$0x1F890] =	vst v63  }
0xf6: {  	_ =	swait.ge [sflag:s22], $0x1C00  }
0xf7: {  	s12 =	sld [smem:$0x7B6]  }
0xf8: {  	[sflag:s22] =	ssyncset.done $0x0  }
0xf9: {  	[sflag:s22] =	ssyncadd.s32 $0xFFFFE400  }
0xfa: {  	[spmem:s2] =	stream.indirect.scatter.add.f32 [tilespmem:s19], [sflag:$0x9], $0x80, s12, s16, $0xb8;
	[tilespmem:$0x1F890] =	vst v63  }
0xfb: {  	_ =	swait.ge [sflag:s1], $0x1C00  }
0xfc: {  	s7 =	sld [smem:$0x7B7]  }
0xfd: {  	[sflag:s1] =	ssyncset.done $0x0  }
0xfe: {  	[sflag:s1] =	ssyncadd.s32 $0xFFFFE400  }
0xff: {  	[tilespmem:s23], [sflag:$0x3] =	stream.indirect.gather [hbm4b:s0+s16], $0x80, s7, s16, $0xb8;
	[tilespmem:$0x1F890] =	vst v63  }
0x100: {  	_ =	swait.ge [sflag:s24], $0x1C00  }
0x101: {  	s8 =	sld [smem:$0x7B8]  }
0x102: {  	[sflag:s24] =	ssyncset.done $0x0  }
0x103: {  	[sflag:s24] =	ssyncadd.s32 $0xFFFFE400  }
0x104: {  	[tilespmem:s19], [sflag:$0x7] =	stream.indirect.gather [spmem:s3], $0x80, s8, s16, $0xb8;
	[tilespmem:$0x1F890] =	vst v63  }
0x105: {  	_ =	swait.ge [sflag:s25], $0x1C00  }
0x106: {  	s10 =	sld [smem:$0x7B9]  }
0x107: {  	[sflag:s25] =	ssyncset.done $0x0  }
0x108: {  	[sflag:s25] =	ssyncadd.s32 $0xFFFFE400  }
0x109: {  	[spmem:s2] =	stream.indirect.scatter.add.f32 [tilespmem:s18], [sflag:$0x5], $0x80, s10, s16, $0xb8;
	[tilespmem:$0x1F890] =	vst v63  }
0x10a: {  	_ =	swait.ge [sflag:s26], $0x1C00  }
0x10b: {  	s12 =	sld [smem:$0x7BA]  }
0x10c: {  	[sflag:s26] =	ssyncset.done $0x0  }
0x10d: {  	[sflag:s26] =	ssyncadd.s32 $0xFFFFE400  }
0x10e: {  	[spmem:s2] =	stream.indirect.scatter.add.f32 [tilespmem:s20], [sflag:$0xA], $0x80, s12, s16, $0xb8;
	[tilespmem:$0x1F890] =	vst v63  }
0x10f: {  	_ =	swait.ge [sflag:s28], $0x1C00  }
0x110: {  	s7 =	sld [smem:$0x7BB]  }
0x111: {  	[sflag:s28] =	ssyncset.done $0x0  }
0x112: {  	[sflag:s28] =	ssyncadd.s32 $0xFFFFE400  }
0x113: {  	[tilespmem:s17], [sflag:$0x1] =	stream.indirect.gather [hbm4b:s0+s16], $0x80, s7, s16, $0xb8;
	[tilespmem:$0x1F890] =	vst v63  }
0x114: {  	_ =	swait.ge [sflag:s29], $0x1C00  }
0x115: {  	s8 =	sld [smem:$0x7BC]  }
0x116: {  	[sflag:s29] =	ssyncset.done $0x0  }
0x117: {  	[sflag:s29] =	ssyncadd.s32 $0xFFFFE400  }
0x118: {  	[tilespmem:s20], [sflag:$0x8] =	stream.indirect.gather [spmem:s3], $0x80, s8, s16, $0xb8;
	[tilespmem:$0x1F890] =	vst v63  }
0x119: {  	_ =	swait.ge [sflag:s30], $0x1C00  }
0x11a: {  	s10 =	sld [smem:$0x7BD]  }
0x11b: {  	[sflag:s30] =	ssyncset.done $0x0  }
0x11c: {  	[sflag:s30] =	ssyncadd.s32 $0xFFFFE400  }
0x11d: {  	[spmem:s2] =	stream.indirect.scatter.add.f32 [tilespmem:s23], [sflag:$0x6], $0x80, s10, s16, $0xb8;
	[tilespmem:$0x1F890] =	vst v63  }
0x11e: {  	_ =	swait.ge [sflag:s22], $0x1C00  }
0x11f: {  	s12 =	sld [smem:$0x7BE]  }
0x120: {  	[sflag:s22] =	ssyncset.done $0x0  }
0x121: {  	[sflag:s22] =	ssyncadd.s32 $0xFFFFE400  }
0x122: {  	[spmem:s2] =	stream.indirect.scatter.add.f32 [tilespmem:s19], [sflag:$0x9], $0x80, s12, s16, $0xb8;
	[tilespmem:$0x1F890] =	vst v63  }
0x123: {  	_ =	swait.ge [sflag:s31], $0x1C00  }
0x124: {  	s7 =	sld [smem:$0x7BF]  }
0x125: {  	[sflag:s31] =	ssyncset.done $0x0  }
0x126: {  	[sflag:s31] =	ssyncadd.s32 $0xFFFFE400  }
0x127: {  	[tilespmem:s18], [sflag:$0x2] =	stream.indirect.gather [hbm4b:s0+s16], $0x80, s7, s16, $0xb8;
	[tilespmem:$0x1F890] =	vst v63  }
0x128: {  	_ =	swait.ge [sflag:s24], $0x1C00  }
0x129: {  	s8 =	sld [smem:$0x7C0]  }
0x12a: {  	[sflag:s24] =	ssyncset.done $0x0  }
0x12b: {  	[sflag:s24] =	ssyncadd.s32 $0xFFFFE400  }
0x12c: {  	[tilespmem:s19], [sflag:$0x7] =	stream.indirect.gather [spmem:s3], $0x80, s8, s16, $0xb8;
	[tilespmem:$0x1F890] =	vst v63  }
0x12d: {  	_ =	swait.ge [sflag:s21], $0x1C00  }
0x12e: {  	s10 =	sld [smem:$0x7C1]  }
0x12f: {  	[sflag:s21] =	ssyncset.done $0x0  }
0x130: {  	[sflag:s21] =	ssyncadd.s32 $0xFFFFE400  }
0x131: {  	[spmem:s2] =	stream.indirect.scatter.add.f32 [tilespmem:s17], [sflag:$0x4], $0x80, s10, s16, $0xb8;
	[tilespmem:$0x1F890] =	vst v63  }
0x132: {  	_ =	swait.ge [sflag:s26], $0x1C00  }
0x133: {  	s12 =	sld [smem:$0x7C2]  }
0x134: {  	[sflag:s26] =	ssyncset.done $0x0  }
0x135: {  	[sflag:s26] =	ssyncadd.s32 $0xFFFFE400  }
0x136: {  	[spmem:s2] =	stream.indirect.scatter.add.f32 [tilespmem:s20], [sflag:$0xA], $0x80, s12, s16, $0xb8;
	[tilespmem:$0x1F890] =	vst v63  }
0x137: {  	_ =	swait.ge [sflag:s1], $0x1C00  }
0x138: {  	s7 =	sld [smem:$0x7C3]  }
0x139: {  	[sflag:s1] =	ssyncset.done $0x0  }
0x13a: {  	[sflag:s1] =	ssyncadd.s32 $0xFFFFE400  }
0x13b: {  	[tilespmem:s23], [sflag:$0x3] =	stream.indirect.gather [hbm4b:s0+s16], $0x80, s7, s16, $0xb8;
	[tilespmem:$0x1F890] =	vst v63  }
0x13c: {  	_ =	swait.ge [sflag:s29], $0x1C00  }
0x13d: {  	s8 =	sld [smem:$0x7C4]  }
0x13e: {  	[sflag:s29] =	ssyncset.done $0x0  }
0x13f: {  	[sflag:s29] =	ssyncadd.s32 $0xFFFFE400  }
0x140: {  	[tilespmem:s20], [sflag:$0x8] =	stream.indirect.gather [spmem:s3], $0x80, s8, s16, $0xb8;
	[tilespmem:$0x1F890] =	vst v63  }
0x141: {  	_ =	swait.ge [sflag:s25], $0x1C00  }
0x142: {  	s10 =	sld [smem:$0x7C5]  }
0x143: {  	[sflag:s25] =	ssyncset.done $0x0  }
0x144: {  	[sflag:s25] =	ssyncadd.s32 $0xFFFFE400  }
0x145: {  	[spmem:s2] =	stream.indirect.scatter.add.f32 [tilespmem:s18], [sflag:$0x5], $0x80, s10, s16, $0xb8;
	[tilespmem:$0x1F890] =	vst v63  }
0x146: {  	_ =	swait.ge [sflag:s22], $0x1C00  }
0x147: {  	s12 =	sld [smem:$0x7C6]  }
0x148: {  	[sflag:s22] =	ssyncset.done $0x0  }
0x149: {  	[sflag:s22] =	ssyncadd.s32 $0xFFFFE400  }
0x14a: {  	[spmem:s2] =	stream.indirect.scatter.add.f32 [tilespmem:s19], [sflag:$0x9], $0x80, s12, s16, $0xb8;
	[tilespmem:$0x1F890] =	vst v63  }
0x14b: {  	_ =	swait.ge [sflag:s28], $0x1C00  }
0x14c: {  	s7 =	sld [smem:$0x7C7]  }
0x14d: {  	[sflag:s28] =	ssyncset.done $0x0  }
0x14e: {  	[sflag:s28] =	ssyncadd.s32 $0xFFFFE400  }
0x14f: {  	[tilespmem:s17], [sflag:$0x1] =	stream.indirect.gather [hbm4b:s0+s16], $0x80, s7, s16, $0xb8;
	[tilespmem:$0x1F890] =	vst v63  }
0x150: {  	_ =	swait.ge [sflag:s24], $0x1C00  }
0x151: {  	s8 =	sld [smem:$0x7C8]  }
0x152: {  	[sflag:s24] =	ssyncset.done $0x0  }
0x153: {  	[sflag:s24] =	ssyncadd.s32 $0xFFFFE400  }
0x154: {  	[tilespmem:s19], [sflag:$0x7] =	stream.indirect.gather [spmem:s3], $0x80, s8, s16, $0xb8;
	[tilespmem:$0x1F890] =	vst v63  }
0x155: {  	_ =	swait.ge [sflag:s30], $0x1C00  }
0x156: {  	s10 =	sld [smem:$0x7C9]  }
0x157: {  	[sflag:s30] =	ssyncset.done $0x0  }
0x158: {  	[sflag:s30] =	ssyncadd.s32 $0xFFFFE400  }
0x159: {  	[spmem:s2] =	stream.indirect.scatter.add.f32 [tilespmem:s23], [sflag:$0x6], $0x80, s10, s16, $0xb8;
	[tilespmem:$0x1F890] =	vst v63  }
0x15a: {  	_ =	swait.ge [sflag:s26], $0x1C00  }
0x15b: {  	s12 =	sld [smem:$0x7CA]  }
0x15c: {  	[sflag:s26] =	ssyncset.done $0x0  }
0x15d: {  	[sflag:s26] =	ssyncadd.s32 $0xFFFFE400  }
0x15e: {  	[spmem:s2] =	stream.indirect.scatter.add.f32 [tilespmem:s20], [sflag:$0xA], $0x80, s12, s16, $0xb8;
	[tilespmem:$0x1F890] =	vst v63  }
0x15f: {  	_ =	swait.ge [sflag:s31], $0x1C00  }
0x160: {  	s7 =	sld [smem:$0x7CB]  }
0x161: {  	[sflag:s31] =	ssyncset.done $0x0  }
0x162: {  	[sflag:s31] =	ssyncadd.s32 $0xFFFFE400  }
0x163: {  	[tilespmem:s18], [sflag:$0x2] =	stream.indirect.gather [hbm4b:s0+s16], $0x80, s7, s16, $0xb8;
	[tilespmem:$0x1F890] =	vst v63  }
0x164: {  	_ =	swait.ge [sflag:s29], $0x1C00  }
0x165: {  	s8 =	sld [smem:$0x7CC]  }
0x166: {  	[sflag:s29] =	ssyncset.done $0x0  }
0x167: {  	[sflag:s29] =	ssyncadd.s32 $0xFFFFE400  }
0x168: {  	[tilespmem:s20], [sflag:$0x8] =	stream.indirect.gather [spmem:s3], $0x80, s8, s16, $0xb8;
	[tilespmem:$0x1F890] =	vst v63  }
0x169: {  	_ =	swait.ge [sflag:s21], $0x1C00  }
0x16a: {  	s10 =	sld [smem:$0x7CD]  }
0x16b: {  	[sflag:s21] =	ssyncset.done $0x0  }
0x16c: {  	[sflag:s21] =	ssyncadd.s32 $0xFFFFE400  }
0x16d: {  	[spmem:s2] =	stream.indirect.scatter.add.f32 [tilespmem:s17], [sflag:$0x4], $0x80, s10, s16, $0xb8;
	[tilespmem:$0x1F890] =	vst v63  }
0x16e: {  	_ =	swait.ge [sflag:s22], $0x1C00  }
0x16f: {  	s12 =	sld [smem:$0x7CE]  }
0x170: {  	[sflag:s22] =	ssyncset.done $0x0  }
0x171: {  	[sflag:s22] =	ssyncadd.s32 $0xFFFFE400  }
0x172: {  	[spmem:s2] =	stream.indirect.scatter.add.f32 [tilespmem:s19], [sflag:$0x9], $0x80, s12, s16, $0xb8;
	[tilespmem:$0x1F890] =	vst v63  }
0x173: {  	_ =	swait.ge [sflag:s1], $0x1C00  }
0x174: {  	s7 =	sld [smem:$0x7CF]  }
0x175: {  	[sflag:s1] =	ssyncset.done $0x0  }
0x176: {  	[sflag:s1] =	ssyncadd.s32 $0xFFFFE400  }
0x177: {  	[tilespmem:s23], [sflag:$0x3] =	stream.indirect.gather [hbm4b:s0+s16], $0x80, s7, s16, $0xb8;
	[tilespmem:$0x1F890] =	vst v63  }
0x178: {  	_ =	swait.ge [sflag:s24], $0x1C00  }
0x179: {  	s8 =	sld [smem:$0x7D0]  }
0x17a: {  	[sflag:s24] =	ssyncset.done $0x0  }
0x17b: {  	[sflag:s24] =	ssyncadd.s32 $0xFFFFE400  }
0x17c: {  	[tilespmem:s19], [sflag:$0x7] =	stream.indirect.gather [spmem:s3], $0x80, s8, s16, $0xb8;
	[tilespmem:$0x1F890] =	vst v63  }
0x17d: {  	_ =	swait.ge [sflag:s25], $0x1C00  }
0x17e: {  	s10 =	sld [smem:$0x7D1]  }
0x17f: {  	[sflag:s25] =	ssyncset.done $0x0  }
0x180: {  	[sflag:s25] =	ssyncadd.s32 $0xFFFFE400  }
0x181: {  	[spmem:s2] =	stream.indirect.scatter.add.f32 [tilespmem:s18], [sflag:$0x5], $0x80, s10, s16, $0xb8;
	[tilespmem:$0x1F890] =	vst v63  }
0x182: {  	_ =	swait.ge [sflag:s26], $0x1C00  }
0x183: {  	s12 =	sld [smem:$0x7D2]  }
0x184: {  	[sflag:s26] =	ssyncset.done $0x0  }
0x185: {  	[sflag:s26] =	ssyncadd.s32 $0xFFFFE400  }
0x186: {  	[spmem:s2] =	stream.indirect.scatter.add.f32 [tilespmem:s20], [sflag:$0xA], $0x80, s12, s16, $0xb8;
	[tilespmem:$0x1F890] =	vst v63  }
0x187: {  	_ =	swait.ge [sflag:s28], $0x1C00  }
0x188: {  	s7 =	sld [smem:$0x7D3]  }
0x189: {  	[sflag:s28] =	ssyncset.done $0x0  }
0x18a: {  	[sflag:s28] =	ssyncadd.s32 $0xFFFFE400  }
0x18b: {  	[tilespmem:s17], [sflag:$0x1] =	stream.indirect.gather [hbm4b:s0+s16], $0x80, s7, s16, $0xb8;
	[tilespmem:$0x1F890] =	vst v63  }
0x18c: {  	_ =	swait.ge [sflag:s29], $0x1C00  }
0x18d: {  	s8 =	sld [smem:$0x7D4]  }
0x18e: {  	[sflag:s29] =	ssyncset.done $0x0  }
0x18f: {  	[sflag:s29] =	ssyncadd.s32 $0xFFFFE400  }
0x190: {  	[tilespmem:s20], [sflag:$0x8] =	stream.indirect.gather [spmem:s3], $0x80, s8, s16, $0xb8;
	[tilespmem:$0x1F890] =	vst v63  }
0x191: {  	_ =	swait.ge [sflag:s30], $0x1C00  }
0x192: {  	s10 =	sld [smem:$0x7D5]  }
0x193: {  	[sflag:s30] =	ssyncset.done $0x0  }
0x194: {  	[sflag:s30] =	ssyncadd.s32 $0xFFFFE400  }
0x195: {  	[spmem:s2] =	stream.indirect.scatter.add.f32 [tilespmem:s23], [sflag:$0x6], $0x80, s10, s16, $0xb8;
	[tilespmem:$0x1F890] =	vst v63  }
0x196: {  	_ =	swait.ge [sflag:s22], $0x1C00  }
0x197: {  	s12 =	sld [smem:$0x7D7]  }
0x198: {  	[sflag:s22] =	ssyncset.done $0x0  }
0x199: {  	[sflag:s22] =	ssyncadd.s32 $0xFFFFE400  }
0x19a: {  	[spmem:s2] =	stream.indirect.scatter.add.f32 [tilespmem:s19], [sflag:$0x9], $0x80, s12, s16, $0xb8;
	[tilespmem:$0x1F890] =	vst v63  }
0x19b: {  	_ =	swait.ge [sflag:s31], $0x1C00  }
0x19c: {  	s7 =	sld [smem:$0x7D8]  }
0x19d: {  	[sflag:s31] =	ssyncset.done $0x0  }
0x19e: {  	[sflag:s31] =	ssyncadd.s32 $0xFFFFE400  }
0x19f: {  	[tilespmem:s18], [sflag:$0x2] =	stream.indirect.gather [hbm4b:s0+s16], $0x80, s7, s16, $0xb8;
	[tilespmem:$0x1F890] =	vst v63  }
0x1a0: {  	_ =	swait.ge [sflag:s24], $0x1C00  }
0x1a1: {  	s8 =	sld [smem:$0x7D9]  }
0x1a2: {  	[sflag:s24] =	ssyncset.done $0x0  }
0x1a3: {  	[sflag:s24] =	ssyncadd.s32 $0xFFFFE400  }
0x1a4: {  	[tilespmem:s19], [sflag:$0x7] =	stream.indirect.gather [spmem:s3], $0x80, s8, s16, $0xb8;
	[tilespmem:$0x1F890] =	vst v63  }
0x1a5: {  	_ =	swait.ge [sflag:s21], $0x1C00  }
0x1a6: {  	s10 =	sld [smem:$0x7DB]  }
0x1a7: {  	[sflag:s21] =	ssyncset.done $0x0  }
0x1a8: {  	[sflag:s21] =	ssyncadd.s32 $0xFFFFE400  }
0x1a9: {  	[spmem:s2] =	stream.indirect.scatter.add.f32 [tilespmem:s17], [sflag:$0x4], $0x80, s10, s16, $0xb8;
	[tilespmem:$0x1F890] =	vst v63  }
0x1aa: {  	_ =	swait.ge [sflag:s26], $0x1C00  }
0x1ab: {  	s12 =	sld [smem:$0x7DC]  }
0x1ac: {  	[sflag:s26] =	ssyncset.done $0x0  }
0x1ad: {  	[sflag:s26] =	ssyncadd.s32 $0xFFFFE400  }
0x1ae: {  	[spmem:s2] =	stream.indirect.scatter.add.f32 [tilespmem:s20], [sflag:$0xA], $0x80, s12, s16, $0xb8;
	[tilespmem:$0x1F890] =	vst v63  }
0x1af: {  	_ =	swait.ge [sflag:s1], $0x1C00  }
0x1b0: {  	s7 =	sld [smem:$0x7DD]  }
0x1b1: {  	[sflag:s1] =	ssyncset.done $0x0  }
0x1b2: {  	[sflag:s1] =	ssyncadd.s32 $0xFFFFE400  }
0x1b3: {  	[tilespmem:s23], [sflag:$0x3] =	stream.indirect.gather [hbm4b:s0+s16], $0x80, s7, s16, $0xb8;
	[tilespmem:$0x1F890] =	vst v63  }
0x1b4: {  	_ =	swait.ge [sflag:s29], $0x1C00  }
0x1b5: {  	s8 =	sld [smem:$0x7DE]  }
0x1b6: {  	[sflag:s29] =	ssyncset.done $0x0  }
0x1b7: {  	[sflag:s29] =	ssyncadd.s32 $0xFFFFE400  }
0x1b8: {  	[tilespmem:s20], [sflag:$0x8] =	stream.indirect.gather [spmem:s3], $0x80, s8, s16, $0xb8;
	[tilespmem:$0x1F890] =	vst v63  }
0x1b9: {  	_ =	swait.ge [sflag:s25], $0x1C00  }
0x1ba: {  	s10 =	sld [smem:$0x7DF]  }
0x1bb: {  	[sflag:s25] =	ssyncset.done $0x0  }
0x1bc: {  	[sflag:s25] =	ssyncadd.s32 $0xFFFFE400  }
0x1bd: {  	[spmem:s2] =	stream.indirect.scatter.add.f32 [tilespmem:s18], [sflag:$0x5], $0x80, s10, s16, $0xb8;
	[tilespmem:$0x1F890] =	vst v63  }
0x1be: {  	_ =	swait.ge [sflag:s22], $0x1C00  }
0x1bf: {  	s12 =	sld [smem:$0x7E0]  }
0x1c0: {  	[sflag:s22] =	ssyncset.done $0x0  }
0x1c1: {  	[sflag:s22] =	ssyncadd.s32 $0xFFFFE400  }
0x1c2: {  	[spmem:s2] =	stream.indirect.scatter.add.f32 [tilespmem:s19], [sflag:$0x9], $0x80, s12, s16, $0xb8;
	[tilespmem:$0x1F890] =	vst v63  }
0x1c3: {  	_ =	swait.ge [sflag:s28], $0x1C00  }
0x1c4: {  	s7 =	sld [smem:$0x7E1]  }
0x1c5: {  	[sflag:s28] =	ssyncset.done $0x0  }
0x1c6: {  	[sflag:s28] =	ssyncadd.s32 $0xFFFFE400  }
0x1c7: {  	[tilespmem:s17], [sflag:$0x1] =	stream.indirect.gather [hbm4b:s0+s16], $0x80, s7, s16, $0xb8;
	[tilespmem:$0x1F890] =	vst v63  }
0x1c8: {  	_ =	swait.ge [sflag:s24], $0x1C00  }
0x1c9: {  	s8 =	sld [smem:$0x7E2]  }
0x1ca: {  	[sflag:s24] =	ssyncset.done $0x0  }
0x1cb: {  	[sflag:s24] =	ssyncadd.s32 $0xFFFFE400  }
0x1cc: {  	[tilespmem:s19], [sflag:$0x7] =	stream.indirect.gather [spmem:s3], $0x80, s8, s16, $0xb8;
	[tilespmem:$0x1F890] =	vst v63  }
0x1cd: {  	_ =	swait.ge [sflag:s30], $0x1C00  }
0x1ce: {  	s10 =	sld [smem:$0x7E3]  }
0x1cf: {  	[sflag:s30] =	ssyncset.done $0x0  }
0x1d0: {  	[sflag:s30] =	ssyncadd.s32 $0xFFFFE400  }
0x1d1: {  	[spmem:s2] =	stream.indirect.scatter.add.f32 [tilespmem:s23], [sflag:$0x6], $0x80, s10, s16, $0xb8;
	[tilespmem:$0x1F890] =	vst v63  }
0x1d2: {  	_ =	swait.ge [sflag:s26], $0x1C00  }
0x1d3: {  	s12 =	sld [smem:$0x7E4]  }
0x1d4: {  	[sflag:s26] =	ssyncset.done $0x0  }
0x1d5: {  	[sflag:s26] =	ssyncadd.s32 $0xFFFFE400  }
0x1d6: {  	[spmem:s2] =	stream.indirect.scatter.add.f32 [tilespmem:s20], [sflag:$0xA], $0x80, s12, s16, $0xb8;
	[tilespmem:$0x1F890] =	vst v63  }
0x1d7: {  	_ =	swait.ge [sflag:s31], $0x1C00  }
0x1d8: {  	s7 =	sld [smem:$0x7E5]  }
0x1d9: {  	[sflag:s31] =	ssyncset.done $0x0  }
0x1da: {  	[sflag:s31] =	ssyncadd.s32 $0xFFFFE400  }
0x1db: {  	[tilespmem:s18], [sflag:$0x2] =	stream.indirect.gather [hbm4b:s0+s16], $0x80, s7, s16, $0xb8;
	[tilespmem:$0x1F890] =	vst v63  }
0x1dc: {  	_ =	swait.ge [sflag:s29], $0x1C00  }
0x1dd: {  	s8 =	sld [smem:$0x7E6]  }
0x1de: {  	[sflag:s29] =	ssyncset.done $0x0  }
0x1df: {  	[sflag:s29] =	ssyncadd.s32 $0xFFFFE400  }
0x1e0: {  	[tilespmem:s20], [sflag:$0x8] =	stream.indirect.gather [spmem:s3], $0x80, s8, s16, $0xb8;
	[tilespmem:$0x1F890] =	vst v63  }
0x1e1: {  	_ =	swait.ge [sflag:s21], $0x1C00  }
0x1e2: {  	s10 =	sld [smem:$0x7E8]  }
0x1e3: {  	[sflag:s21] =	ssyncset.done $0x0  }
0x1e4: {  	[sflag:s21] =	ssyncadd.s32 $0xFFFFE400  }
0x1e5: {  	[spmem:s2] =	stream.indirect.scatter.add.f32 [tilespmem:s17], [sflag:$0x4], $0x80, s10, s16, $0xb8;
	[tilespmem:$0x1F890] =	vst v63  }
0x1e6: {  	_ =	swait.ge [sflag:s22], $0x1C00  }
0x1e7: {  	s12 =	sld [smem:$0x7EA]  }
0x1e8: {  	[sflag:s22] =	ssyncset.done $0x0  }
0x1e9: {  	[sflag:s22] =	ssyncadd.s32 $0xFFFFE400  }
0x1ea: {  	[spmem:s2] =	stream.indirect.scatter.add.f32 [tilespmem:s19], [sflag:$0x9], $0x80, s12, s16, $0xb8;
	[tilespmem:$0x1F890] =	vst v63  }
0x1eb: {  	_ =	swait.ge [sflag:s1], $0x1C00  }
0x1ec: {  	s7 =	sld [smem:$0x7EB]  }
0x1ed: {  	[sflag:s1] =	ssyncset.done $0x0  }
0x1ee: {  	[sflag:s1] =	ssyncadd.s32 $0xFFFFE400  }
0x1ef: {  	[tilespmem:s23], [sflag:$0x3] =	stream.indirect.gather [hbm4b:s0+s16], $0x80, s7, s16, $0xb8;
	[tilespmem:$0x1F890] =	vst v63  }
0x1f0: {  	_ =	swait.ge [sflag:s24], $0x1C00  }
0x1f1: {  	s8 =	sld [smem:$0x7EC]  }
0x1f2: {  	[sflag:s24] =	ssyncset.done $0x0  }
0x1f3: {  	[sflag:s24] =	ssyncadd.s32 $0xFFFFE400  }
0x1f4: {  	[tilespmem:s19], [sflag:$0x7] =	stream.indirect.gather [spmem:s3], $0x80, s8, s16, $0xb8;
	[tilespmem:$0x1F890] =	vst v63  }
0x1f5: {  	_ =	swait.ge [sflag:s25], $0x1C00  }
0x1f6: {  	s10 =	sld [smem:$0x7ED]  }
0x1f7: {  	[sflag:s25] =	ssyncset.done $0x0  }
0x1f8: {  	[sflag:s25] =	ssyncadd.s32 $0xFFFFE400  }
0x1f9: {  	[spmem:s2] =	stream.indirect.scatter.add.f32 [tilespmem:s18], [sflag:$0x5], $0x80, s10, s16, $0xb8;
	[tilespmem:$0x1F890] =	vst v63  }
0x1fa: {  	_ =	swait.ge [sflag:s26], $0x1C00  }
0x1fb: {  	s12 =	sld [smem:$0x7EF]  }
0x1fc: {  	[sflag:s26] =	ssyncset.done $0x0  }
0x1fd: {  	[sflag:s26] =	ssyncadd.s32 $0xFFFFE400  }
0x1fe: {  	[spmem:s2] =	stream.indirect.scatter.add.f32 [tilespmem:s20], [sflag:$0xA], $0x80, s12, s16, $0xb8;
	[tilespmem:$0x1F890] =	vst v63  }
0x1ff: {  	_ =	swait.ge [sflag:s28], $0x1C00  }
0x200: {  	s7 =	sld [smem:$0x7F0]  }
0x201: {  	[sflag:s28] =	ssyncset.done $0x0  }
0x202: {  	[sflag:s28] =	ssyncadd.s32 $0xFFFFE400  }
0x203: {  	[tilespmem:s17], [sflag:$0x1] =	stream.indirect.gather [hbm4b:s0+s16], $0x80, s7, s16, $0xb8;
	[tilespmem:$0x1F890] =	vst v63  }
0x204: {  	_ =	swait.ge [sflag:s29], $0x1C00  }
0x205: {  	s8 =	sld [smem:$0x7F1]  }
0x206: {  	[sflag:s29] =	ssyncset.done $0x0  }
0x207: {  	[sflag:s29] =	ssyncadd.s32 $0xFFFFE400  }
0x208: {  	[tilespmem:s20], [sflag:$0x8] =	stream.indirect.gather [spmem:s3], $0x80, s8, s16, $0xb8;
	[tilespmem:$0x1F890] =	vst v63  }
0x209: {  	_ =	swait.ge [sflag:s30], $0x1C00  }
0x20a: {  	s10 =	sld [smem:$0x7F2]  }
0x20b: {  	[sflag:s30] =	ssyncset.done $0x0  }
0x20c: {  	[sflag:s30] =	ssyncadd.s32 $0xFFFFE400  }
0x20d: {  	[spmem:s2] =	stream.indirect.scatter.add.f32 [tilespmem:s23], [sflag:$0x6], $0x80, s10, s16, $0xb8;
	[tilespmem:$0x1F890] =	vst v63  }
0x20e: {  	_ =	swait.ge [sflag:s22], $0x1C00  }
0x20f: {  	s12 =	sld [smem:$0x7F3]  }
0x210: {  	[sflag:s22] =	ssyncset.done $0x0  }
0x211: {  	[sflag:s22] =	ssyncadd.s32 $0xFFFFE400  }
0x212: {  	[spmem:s2] =	stream.indirect.scatter.add.f32 [tilespmem:s19], [sflag:$0x9], $0x80, s12, s16, $0xb8;
	[tilespmem:$0x1F890] =	vst v63  }
0x213: {  	_ =	swait.ge [sflag:s31], $0x1C00  }
0x214: {  	s7 =	sld [smem:$0x7F4]  }
0x215: {  	[sflag:s31] =	ssyncset.done $0x0  }
0x216: {  	[sflag:s31] =	ssyncadd.s32 $0xFFFFE400  }
0x217: {  	[tilespmem:s18], [sflag:$0x2] =	stream.indirect.gather [hbm4b:s0+s16], $0x80, s7, s16, $0xb8;
	[tilespmem:$0x1F890] =	vst v63  }
0x218: {  	_ =	swait.ge [sflag:s24], $0x1C00  }
0x219: {  	s8 =	sld [smem:$0x7F5]  }
0x21a: {  	[sflag:s24] =	ssyncset.done $0x0  }
0x21b: {  	[sflag:s24] =	ssyncadd.s32 $0xFFFFE400  }
0x21c: {  	[tilespmem:s19], [sflag:$0x7] =	stream.indirect.gather [spmem:s3], $0x80, s8, s16, $0xb8;
	[tilespmem:$0x1F890] =	vst v63  }
0x21d: {  	_ =	swait.ge [sflag:s21], $0x1C00  }
0x21e: {  	s10 =	sld [smem:$0x7F6]  }
0x21f: {  	[sflag:s21] =	ssyncset.done $0x0  }
0x220: {  	[sflag:s21] =	ssyncadd.s32 $0xFFFFE400  }
0x221: {  	[spmem:s2] =	stream.indirect.scatter.add.f32 [tilespmem:s17], [sflag:$0x4], $0x80, s10, s16, $0xb8;
	[tilespmem:$0x1F890] =	vst v63  }
0x222: {  	_ =	swait.ge [sflag:s26], $0x1C00  }
0x223: {  	s12 =	sld [smem:$0x7F7]  }
0x224: {  	[sflag:s26] =	ssyncset.done $0x0  }
0x225: {  	[sflag:s26] =	ssyncadd.s32 $0xFFFFE400  }
0x226: {  	[spmem:s2] =	stream.indirect.scatter.add.f32 [tilespmem:s20], [sflag:$0xA], $0x80, s12, s16, $0xb8;
	[tilespmem:$0x1F890] =	vst v63  }
0x227: {  	_ =	swait.ge [sflag:s1], $0x1C00  }
0x228: {  	s7 =	sld [smem:$0x7F8]  }
0x229: {  	[sflag:s1] =	ssyncset.done $0x0  }
0x22a: {  	[sflag:s1] =	ssyncadd.s32 $0xFFFFE400  }
0x22b: {  	[tilespmem:s23], [sflag:$0x3] =	stream.indirect.gather [hbm4b:s0+s16], $0x80, s7, s16, $0xb8;
	[tilespmem:$0x1F890] =	vst v63  }
0x22c: {  	_ =	swait.ge [sflag:s29], $0x1C00  }
0x22d: {  	s8 =	sld [smem:$0x7F9]  }
0x22e: {  	[sflag:s29] =	ssyncset.done $0x0  }
0x22f: {  	[sflag:s29] =	ssyncadd.s32 $0xFFFFE400  }
0x230: {  	[tilespmem:s20], [sflag:$0x8] =	stream.indirect.gather [spmem:s3], $0x80, s8, s16, $0xb8;
	[tilespmem:$0x1F890] =	vst v63  }
0x231: {  	_ =	swait.ge [sflag:s25], $0x1C00  }
0x232: {  	s10 =	sld [smem:$0x7FA]  }
0x233: {  	[sflag:s25] =	ssyncset.done $0x0  }
0x234: {  	[sflag:s25] =	ssyncadd.s32 $0xFFFFE400  }
0x235: {  	[spmem:s2] =	stream.indirect.scatter.add.f32 [tilespmem:s18], [sflag:$0x5], $0x80, s10, s16, $0xb8;
	[tilespmem:$0x1F890] =	vst v63  }
0x236: {  	_ =	swait.ge [sflag:s22], $0x1C00  }
0x237: {  	s12 =	sld [smem:$0x7FB]  }
0x238: {  	[sflag:s22] =	ssyncset.done $0x0  }
0x239: {  	[sflag:s22] =	ssyncadd.s32 $0xFFFFE400  }
0x23a: {  	[spmem:s2] =	stream.indirect.scatter.add.f32 [tilespmem:s19], [sflag:$0x9], $0x80, s12, s16, $0xb8;
	[tilespmem:$0x1F890] =	vst v63  }
0x23b: {  	_ =	swait.ge [sflag:s30], $0x1C00  }
0x23c: {  	[sflag:s30] =	ssyncset.done $0x0  }
0x23d: {  	[sflag:s30] =	ssyncadd.s32 $0xFFFFE400  }
0x23e: {  	[spmem:s2] =	stream.indirect.scatter.add.f32 [tilespmem:s23], [sflag:$0x6], $0x80, s5, s16, $0xb8;
	[tilespmem:$0x1F890] =	vst v63  }
0x23f: {  	_ =	swait.ge [sflag:s26], $0x1C00  }
0x240: {  	[sflag:s26] =	ssyncset.done $0x0  }
0x241: {  	[sflag:s26] =	ssyncadd.s32 $0xFFFFE400  }
0x242: {  	[spmem:s2] =	stream.indirect.scatter.add.f32 [tilespmem:s20], [sflag:$0xA], $0x80, s6, s16, $0xb8;
	[tilespmem:$0x1F890] =	vst v63  }
0x243: {  	_ =	swait.ge [sflag:s28], $0x1C00  }
0x244: {  	[sflag:s28] =	ssyncset.done $0x0  }
0x245: {  	[sflag:s28] =	ssyncadd.s32 $0xFFFFE400  }
0x246: {  	_ =	swait.ge [sflag:s31], $0x1C00  }
0x247: {  	[sflag:s31] =	ssyncset.done $0x0  }
0x248: {  	[sflag:s31] =	ssyncadd.s32 $0xFFFFE400  }
0x249: {  	_ =	swait.ge [sflag:s1], $0x1C00  }
0x24a: {  	[sflag:s1] =	ssyncset.done $0x0  }
0x24b: {  	[sflag:s1] =	ssyncadd.s32 $0xFFFFE400  }
0x24c: {  	_ =	swait.ge [sflag:s24], $0x1C00  }
0x24d: {  	[sflag:s24] =	ssyncset.done $0x0  }
0x24e: {  	[sflag:s24] =	ssyncadd.s32 $0xFFFFE400  }
0x24f: {  	s9 =	simm.s32 $0x180;
	_ =	swait.ge [sflag:s29], $0x1C00  }
0x250: {  	s12 =	simm.s32 $0x300;
	s10 =	rddreg [dreg:$0x8];
	[sflag:s29] =	ssyncset.done $0x0  }
.LBB2_2:
0x251: {  	[sflag:s29] =	ssyncadd.s32 $0xFFFFE400;
	s10 =	sadd.s32 s9, s10  }
0x252: {  	[tilespmem:s4], [sflag:$0xB] =	stream.linear.gather [hbm4b:s10+s4], $0xC00, $0x38;
	[tilespmem:$0x1F890] =	vst v63  }
0x253: {  	_ =	swait.ge [sflag:s11], $0xC00  }
0x254: {  	s8 =	rddreg [dreg:$0x7];
	[sflag:s11] =	ssyncset.done $0x0  }
0x255: {  	[sflag:s11] =	ssyncadd.s32 $0xFFFFF400;
	s10 =	sadd.s32 s9, s8  }
0x256: {  	[tilespmem:s13], [sflag:$0xB] =	stream.linear.gather [hbm4b:s10+s4], $0xC00, $0x38;
	[tilespmem:$0x1F890] =	vst v63  }
0x257: {  	_ =	swait.ge [sflag:s11], $0xC00  }
0x258: {  	s8 =	rddreg [dreg:$0x6];
	[sflag:s11] =	ssyncset.done $0x0  }
0x259: {  	[sflag:s11] =	ssyncadd.s32 $0xFFFFF400;
	s8 =	sadd.s32 s9, s8  }
0x25a: {  	[tilespmem:s14], [sflag:$0xB] =	stream.linear.gather [hbm4b:s8+s4], $0xC00, $0x38;
	[tilespmem:$0x1F890] =	vst v63  }
0x25b: {  	_ =	swait.ge [sflag:s11], $0xC00  }
0x25c: {  	[sflag:s11] =	ssyncset.done $0x0  }
0x25d: {  	[sflag:s11] =	ssyncadd.s32 $0xFFFFF400  }
0x25e: {  	[tilespmem:s15], [sflag:$0xB] =	stream.linear.gather [hbm4b:s10+s4], $0xC00, $0x38;
	[tilespmem:$0x1F890] =	vst v63  }
0x25f: {  	_ =	swait.ge [sflag:s11], $0xC00  }
0x260: {  	[sflag:s11] =	ssyncset.done $0x0  }
0x261: {  	[sflag:s11] =	ssyncadd.s32 $0xFFFFF400  }
0x262: {  	[tilespmem:s17], [sflag:$0x1] =	stream.indirect.gather [hbm4b:s0+s16], $0x80, s4, s16, $0xb8;
	[tilespmem:$0x1F890] =	vst v63  }
0x263: {  	s8 =	rddreg [dreg:$0x9]  }
0x264: {  	[tilespmem:s18], [sflag:$0x2] =	stream.indirect.gather [hbm4b:s0+s16], $0x80, s8, s16, $0xb8;
	[tilespmem:$0x1F890] =	vst v63  }
0x265: {  	_ = 	snop  }
0x266: {  	[tilespmem:s19], [sflag:$0x7] =	stream.indirect.gather [spmem:s3], $0x80, s14, s16, $0xb8;
	[tilespmem:$0x1F890] =	vst v63  }
0x267: {  	s10 =	rddreg [dreg:$0xa]  }
0x268: {  	[tilespmem:s20], [sflag:$0x8] =	stream.indirect.gather [spmem:s3], $0x80, s10, s16, $0xb8;
	[tilespmem:$0x1F890] =	vst v63  }
0x269: {  	_ =	swait.ge [sflag:s21], $0x1C00  }
0x26a: {  	[sflag:s21] =	ssyncset.done $0x0  }
0x26b: {  	[sflag:s21] =	ssyncadd.s32 $0xFFFFE400  }
0x26c: {  	[spmem:s2] =	stream.indirect.scatter.add.f32 [tilespmem:s17], [sflag:$0x4], $0x80, s13, s16, $0xb8;
	[tilespmem:$0x1F890] =	vst v63  }
0x26d: {  	_ =	swait.ge [sflag:s22], $0x1C00  }
0x26e: {  	[sflag:s22] =	ssyncset.done $0x0  }
0x26f: {  	[sflag:s22] =	ssyncadd.s32 $0xFFFFE400  }
0x270: {  	[spmem:s2] =	stream.indirect.scatter.add.f32 [tilespmem:s19], [sflag:$0x9], $0x80, s15, s16, $0xb8;
	[tilespmem:$0x1F890] =	vst v63  }
0x271: {  	s8 =	rddreg [dreg:$0xb]  }
0x272: {  	[tilespmem:s23], [sflag:$0x3] =	stream.indirect.gather [hbm4b:s0+s16], $0x80, s8, s16, $0xb8;
	[tilespmem:$0x1F890] =	vst v63  }
0x273: {  	_ =	swait.ge [sflag:s24], $0x1C00  }
0x274: {  	[sflag:s24] =	ssyncset.done $0x0  }
0x275: {  	s10 =	rddreg [dreg:$0xc];
	[sflag:s24] =	ssyncadd.s32 $0xFFFFE400  }
0x276: {  	[tilespmem:s19], [sflag:$0x7] =	stream.indirect.gather [spmem:s3], $0x80, s10, s16, $0xb8;
	[tilespmem:$0x1F890] =	vst v63  }
0x277: {  	_ =	swait.ge [sflag:s25], $0x1C00  }
0x278: {  	[sflag:s25] =	ssyncset.done $0x0  }
0x279: {  	s8 =	rddreg [dreg:$0xd];
	[sflag:s25] =	ssyncadd.s32 $0xFFFFE400  }
0x27a: {  	[spmem:s2] =	stream.indirect.scatter.add.f32 [tilespmem:s18], [sflag:$0x5], $0x80, s8, s16, $0xb8;
	[tilespmem:$0x1F890] =	vst v63  }
0x27b: {  	_ =	swait.ge [sflag:s26], $0x1C00  }
0x27c: {  	[sflag:s26] =	ssyncset.done $0x0  }
0x27d: {  	s10 =	rddreg [dreg:$0xe];
	[sflag:s26] =	ssyncadd.s32 $0xFFFFE400  }
0x27e: {  	[spmem:s2] =	stream.indirect.scatter.add.f32 [tilespmem:s20], [sflag:$0xA], $0x80, s10, s16, $0xb8;
	[tilespmem:$0x1F890] =	vst v63  }
0x27f: {  	_ =	swait.ge [sflag:s28], $0x1C00  }
0x280: {  	[sflag:s28] =	ssyncset.done $0x0  }
0x281: {  	s8 =	rddreg [dreg:$0xf];
	[sflag:s28] =	ssyncadd.s32 $0xFFFFE400  }
0x282: {  	[tilespmem:s17], [sflag:$0x1] =	stream.indirect.gather [hbm4b:s0+s16], $0x80, s8, s16, $0xb8;
	[tilespmem:$0x1F890] =	vst v63  }
0x283: {  	_ =	swait.ge [sflag:s29], $0x1C00  }
0x284: {  	[sflag:s29] =	ssyncset.done $0x0  }
0x285: {  	s10 =	rddreg [dreg:$0x10];
	[sflag:s29] =	ssyncadd.s32 $0xFFFFE400  }
0x286: {  	[tilespmem:s20], [sflag:$0x8] =	stream.indirect.gather [spmem:s3], $0x80, s10, s16, $0xb8;
	[tilespmem:$0x1F890] =	vst v63  }
0x287: {  	_ =	swait.ge [sflag:s30], $0x1C00  }
0x288: {  	[sflag:s30] =	ssyncset.done $0x0  }
0x289: {  	s8 =	rddreg [dreg:$0x11];
	[sflag:s30] =	ssyncadd.s32 $0xFFFFE400  }
0x28a: {  	[spmem:s2] =	stream.indirect.scatter.add.f32 [tilespmem:s23], [sflag:$0x6], $0x80, s8, s16, $0xb8;
	[tilespmem:$0x1F890] =	vst v63  }
0x28b: {  	_ =	swait.ge [sflag:s22], $0x1C00  }
0x28c: {  	[sflag:s22] =	ssyncset.done $0x0  }
0x28d: {  	s10 =	rddreg [dreg:$0x12];
	[sflag:s22] =	ssyncadd.s32 $0xFFFFE400  }
0x28e: {  	[spmem:s2] =	stream.indirect.scatter.add.f32 [tilespmem:s19], [sflag:$0x9], $0x80, s10, s16, $0xb8;
	[tilespmem:$0x1F890] =	vst v63  }
0x28f: {  	_ =	swait.ge [sflag:s31], $0x1C00  }
0x290: {  	[sflag:s31] =	ssyncset.done $0x0  }
0x291: {  	s8 =	rddreg [dreg:$0x13];
	[sflag:s31] =	ssyncadd.s32 $0xFFFFE400  }
0x292: {  	[tilespmem:s18], [sflag:$0x2] =	stream.indirect.gather [hbm4b:s0+s16], $0x80, s8, s16, $0xb8;
	[tilespmem:$0x1F890] =	vst v63  }
0x293: {  	_ =	swait.ge [sflag:s24], $0x1C00  }
0x294: {  	[sflag:s24] =	ssyncset.done $0x0  }
0x295: {  	s10 =	rddreg [dreg:$0x14];
	[sflag:s24] =	ssyncadd.s32 $0xFFFFE400  }
0x296: {  	[tilespmem:s19], [sflag:$0x7] =	stream.indirect.gather [spmem:s3], $0x80, s10, s16, $0xb8;
	[tilespmem:$0x1F890] =	vst v63  }
0x297: {  	_ =	swait.ge [sflag:s21], $0x1C00  }
0x298: {  	[sflag:s21] =	ssyncset.done $0x0  }
0x299: {  	s8 =	rddreg [dreg:$0x15];
	[sflag:s21] =	ssyncadd.s32 $0xFFFFE400  }
0x29a: {  	[spmem:s2] =	stream.indirect.scatter.add.f32 [tilespmem:s17], [sflag:$0x4], $0x80, s8, s16, $0xb8;
	[tilespmem:$0x1F890] =	vst v63  }
0x29b: {  	_ =	swait.ge [sflag:s26], $0x1C00  }
0x29c: {  	[sflag:s26] =	ssyncset.done $0x0  }
0x29d: {  	s10 =	rddreg [dreg:$0x16];
	[sflag:s26] =	ssyncadd.s32 $0xFFFFE400  }
0x29e: {  	[spmem:s2] =	stream.indirect.scatter.add.f32 [tilespmem:s20], [sflag:$0xA], $0x80, s10, s16, $0xb8;
	[tilespmem:$0x1F890] =	vst v63  }
0x29f: {  	_ =	swait.ge [sflag:s1], $0x1C00  }
0x2a0: {  	[sflag:s1] =	ssyncset.done $0x0  }
0x2a1: {  	s8 =	rddreg [dreg:$0x17];
	[sflag:s1] =	ssyncadd.s32 $0xFFFFE400  }
0x2a2: {  	[tilespmem:s23], [sflag:$0x3] =	stream.indirect.gather [hbm4b:s0+s16], $0x80, s8, s16, $0xb8;
	[tilespmem:$0x1F890] =	vst v63  }
0x2a3: {  	_ =	swait.ge [sflag:s29], $0x1C00  }
0x2a4: {  	[sflag:s29] =	ssyncset.done $0x0  }
0x2a5: {  	s10 =	rddreg [dreg:$0x18];
	[sflag:s29] =	ssyncadd.s32 $0xFFFFE400  }
0x2a6: {  	[tilespmem:s20], [sflag:$0x8] =	stream.indirect.gather [spmem:s3], $0x80, s10, s16, $0xb8;
	[tilespmem:$0x1F890] =	vst v63  }
0x2a7: {  	_ =	swait.ge [sflag:s25], $0x1C00  }
0x2a8: {  	[sflag:s25] =	ssyncset.done $0x0  }
0x2a9: {  	s8 =	rddreg [dreg:$0x19];
	[sflag:s25] =	ssyncadd.s32 $0xFFFFE400  }
0x2aa: {  	[spmem:s2] =	stream.indirect.scatter.add.f32 [tilespmem:s18], [sflag:$0x5], $0x80, s8, s16, $0xb8;
	[tilespmem:$0x1F890] =	vst v63  }
0x2ab: {  	_ =	swait.ge [sflag:s22], $0x1C00  }
0x2ac: {  	[sflag:s22] =	ssyncset.done $0x0  }
0x2ad: {  	s10 =	rddreg [dreg:$0x1a];
	[sflag:s22] =	ssyncadd.s32 $0xFFFFE400  }
0x2ae: {  	[spmem:s2] =	stream.indirect.scatter.add.f32 [tilespmem:s19], [sflag:$0x9], $0x80, s10, s16, $0xb8;
	[tilespmem:$0x1F890] =	vst v63  }
0x2af: {  	_ =	swait.ge [sflag:s28], $0x1C00  }
0x2b0: {  	[sflag:s28] =	ssyncset.done $0x0  }
0x2b1: {  	s8 =	rddreg [dreg:$0x1b];
	[sflag:s28] =	ssyncadd.s32 $0xFFFFE400  }
0x2b2: {  	[tilespmem:s17], [sflag:$0x1] =	stream.indirect.gather [hbm4b:s0+s16], $0x80, s8, s16, $0xb8;
	[tilespmem:$0x1F890] =	vst v63  }
0x2b3: {  	_ =	swait.ge [sflag:s24], $0x1C00  }
0x2b4: {  	[sflag:s24] =	ssyncset.done $0x0  }
0x2b5: {  	s10 =	rddreg [dreg:$0x1c];
	[sflag:s24] =	ssyncadd.s32 $0xFFFFE400  }
0x2b6: {  	[tilespmem:s19], [sflag:$0x7] =	stream.indirect.gather [spmem:s3], $0x80, s10, s16, $0xb8;
	[tilespmem:$0x1F890] =	vst v63  }
0x2b7: {  	_ =	swait.ge [sflag:s30], $0x1C00  }
0x2b8: {  	[sflag:s30] =	ssyncset.done $0x0  }
0x2b9: {  	s8 =	rddreg [dreg:$0x1d];
	[sflag:s30] =	ssyncadd.s32 $0xFFFFE400  }
0x2ba: {  	[spmem:s2] =	stream.indirect.scatter.add.f32 [tilespmem:s23], [sflag:$0x6], $0x80, s8, s16, $0xb8;
	[tilespmem:$0x1F890] =	vst v63  }
0x2bb: {  	_ =	swait.ge [sflag:s26], $0x1C00  }
0x2bc: {  	[sflag:s26] =	ssyncset.done $0x0  }
0x2bd: {  	s10 =	rddreg [dreg:$0x1e];
	[sflag:s26] =	ssyncadd.s32 $0xFFFFE400  }
0x2be: {  	[spmem:s2] =	stream.indirect.scatter.add.f32 [tilespmem:s20], [sflag:$0xA], $0x80, s10, s16, $0xb8;
	[tilespmem:$0x1F890] =	vst v63  }
0x2bf: {  	_ =	swait.ge [sflag:s31], $0x1C00  }
0x2c0: {  	[sflag:s31] =	ssyncset.done $0x0  }
0x2c1: {  	s8 =	rddreg [dreg:$0x1f];
	[sflag:s31] =	ssyncadd.s32 $0xFFFFE400  }
0x2c2: {  	[tilespmem:s18], [sflag:$0x2] =	stream.indirect.gather [hbm4b:s0+s16], $0x80, s8, s16, $0xb8;
	[tilespmem:$0x1F890] =	vst v63  }
0x2c3: {  	_ =	swait.ge [sflag:s29], $0x1C00  }
0x2c4: {  	s10 =	sld [smem:$0x7B4]  }
0x2c5: {  	[sflag:s29] =	ssyncset.done $0x0  }
0x2c6: {  	[sflag:s29] =	ssyncadd.s32 $0xFFFFE400  }
0x2c7: {  	[tilespmem:s20], [sflag:$0x8] =	stream.indirect.gather [spmem:s3], $0x80, s10, s16, $0xb8;
	[tilespmem:$0x1F890] =	vst v63  }
0x2c8: {  	_ =	swait.ge [sflag:s21], $0x1C00  }
0x2c9: {  	s8 =	sld [smem:$0x7B5]  }
0x2ca: {  	[sflag:s21] =	ssyncset.done $0x0  }
0x2cb: {  	[sflag:s21] =	ssyncadd.s32 $0xFFFFE400  }
0x2cc: {  	[spmem:s2] =	stream.indirect.scatter.add.f32 [tilespmem:s17], [sflag:$0x4], $0x80, s8, s16, $0xb8;
	[tilespmem:$0x1F890] =	vst v63  }
0x2cd: {  	_ =	swait.ge [sflag:s22], $0x1C00  }
0x2ce: {  	s10 =	sld [smem:$0x7B6]  }
0x2cf: {  	[sflag:s22] =	ssyncset.done $0x0  }
0x2d0: {  	[sflag:s22] =	ssyncadd.s32 $0xFFFFE400  }
0x2d1: {  	[spmem:s2] =	stream.indirect.scatter.add.f32 [tilespmem:s19], [sflag:$0x9], $0x80, s10, s16, $0xb8;
	[tilespmem:$0x1F890] =	vst v63  }
0x2d2: {  	_ =	swait.ge [sflag:s1], $0x1C00  }
0x2d3: {  	s8 =	sld [smem:$0x7B7]  }
0x2d4: {  	[sflag:s1] =	ssyncset.done $0x0  }
0x2d5: {  	[sflag:s1] =	ssyncadd.s32 $0xFFFFE400  }
0x2d6: {  	[tilespmem:s23], [sflag:$0x3] =	stream.indirect.gather [hbm4b:s0+s16], $0x80, s8, s16, $0xb8;
	[tilespmem:$0x1F890] =	vst v63  }
0x2d7: {  	_ =	swait.ge [sflag:s24], $0x1C00  }
0x2d8: {  	s10 =	sld [smem:$0x7B8]  }
0x2d9: {  	[sflag:s24] =	ssyncset.done $0x0  }
0x2da: {  	[sflag:s24] =	ssyncadd.s32 $0xFFFFE400  }
0x2db: {  	[tilespmem:s19], [sflag:$0x7] =	stream.indirect.gather [spmem:s3], $0x80, s10, s16, $0xb8;
	[tilespmem:$0x1F890] =	vst v63  }
0x2dc: {  	_ =	swait.ge [sflag:s25], $0x1C00  }
0x2dd: {  	s8 =	sld [smem:$0x7B9]  }
0x2de: {  	[sflag:s25] =	ssyncset.done $0x0  }
0x2df: {  	[sflag:s25] =	ssyncadd.s32 $0xFFFFE400  }
0x2e0: {  	[spmem:s2] =	stream.indirect.scatter.add.f32 [tilespmem:s18], [sflag:$0x5], $0x80, s8, s16, $0xb8;
	[tilespmem:$0x1F890] =	vst v63  }
0x2e1: {  	_ =	swait.ge [sflag:s26], $0x1C00  }
0x2e2: {  	s10 =	sld [smem:$0x7BA]  }
0x2e3: {  	[sflag:s26] =	ssyncset.done $0x0  }
0x2e4: {  	[sflag:s26] =	ssyncadd.s32 $0xFFFFE400  }
0x2e5: {  	[spmem:s2] =	stream.indirect.scatter.add.f32 [tilespmem:s20], [sflag:$0xA], $0x80, s10, s16, $0xb8;
	[tilespmem:$0x1F890] =	vst v63  }
0x2e6: {  	_ =	swait.ge [sflag:s28], $0x1C00  }
0x2e7: {  	s8 =	sld [smem:$0x7BB]  }
0x2e8: {  	[sflag:s28] =	ssyncset.done $0x0  }
0x2e9: {  	[sflag:s28] =	ssyncadd.s32 $0xFFFFE400  }
0x2ea: {  	[tilespmem:s17], [sflag:$0x1] =	stream.indirect.gather [hbm4b:s0+s16], $0x80, s8, s16, $0xb8;
	[tilespmem:$0x1F890] =	vst v63  }
0x2eb: {  	_ =	swait.ge [sflag:s29], $0x1C00  }
0x2ec: {  	s10 =	sld [smem:$0x7BC]  }
0x2ed: {  	[sflag:s29] =	ssyncset.done $0x0  }
0x2ee: {  	[sflag:s29] =	ssyncadd.s32 $0xFFFFE400  }
0x2ef: {  	[tilespmem:s20], [sflag:$0x8] =	stream.indirect.gather [spmem:s3], $0x80, s10, s16, $0xb8;
	[tilespmem:$0x1F890] =	vst v63  }
0x2f0: {  	_ =	swait.ge [sflag:s30], $0x1C00  }
0x2f1: {  	s8 =	sld [smem:$0x7BD]  }
0x2f2: {  	[sflag:s30] =	ssyncset.done $0x0  }
0x2f3: {  	[sflag:s30] =	ssyncadd.s32 $0xFFFFE400  }
0x2f4: {  	[spmem:s2] =	stream.indirect.scatter.add.f32 [tilespmem:s23], [sflag:$0x6], $0x80, s8, s16, $0xb8;
	[tilespmem:$0x1F890] =	vst v63  }
0x2f5: {  	_ =	swait.ge [sflag:s22], $0x1C00  }
0x2f6: {  	s10 =	sld [smem:$0x7BE]  }
0x2f7: {  	[sflag:s22] =	ssyncset.done $0x0  }
0x2f8: {  	[sflag:s22] =	ssyncadd.s32 $0xFFFFE400  }
0x2f9: {  	[spmem:s2] =	stream.indirect.scatter.add.f32 [tilespmem:s19], [sflag:$0x9], $0x80, s10, s16, $0xb8;
	[tilespmem:$0x1F890] =	vst v63  }
0x2fa: {  	_ =	swait.ge [sflag:s31], $0x1C00  }
0x2fb: {  	s8 =	sld [smem:$0x7BF]  }
0x2fc: {  	[sflag:s31] =	ssyncset.done $0x0  }
0x2fd: {  	[sflag:s31] =	ssyncadd.s32 $0xFFFFE400  }
0x2fe: {  	[tilespmem:s18], [sflag:$0x2] =	stream.indirect.gather [hbm4b:s0+s16], $0x80, s8, s16, $0xb8;
	[tilespmem:$0x1F890] =	vst v63  }
0x2ff: {  	_ =	swait.ge [sflag:s24], $0x1C00  }
0x300: {  	s10 =	sld [smem:$0x7C0]  }
0x301: {  	[sflag:s24] =	ssyncset.done $0x0  }
0x302: {  	[sflag:s24] =	ssyncadd.s32 $0xFFFFE400  }
0x303: {  	[tilespmem:s19], [sflag:$0x7] =	stream.indirect.gather [spmem:s3], $0x80, s10, s16, $0xb8;
	[tilespmem:$0x1F890] =	vst v63  }
0x304: {  	_ =	swait.ge [sflag:s21], $0x1C00  }
0x305: {  	s8 =	sld [smem:$0x7C1]  }
0x306: {  	[sflag:s21] =	ssyncset.done $0x0  }
0x307: {  	[sflag:s21] =	ssyncadd.s32 $0xFFFFE400  }
0x308: {  	[spmem:s2] =	stream.indirect.scatter.add.f32 [tilespmem:s17], [sflag:$0x4], $0x80, s8, s16, $0xb8;
	[tilespmem:$0x1F890] =	vst v63  }
0x309: {  	_ =	swait.ge [sflag:s26], $0x1C00  }
0x30a: {  	s10 =	sld [smem:$0x7C2]  }
0x30b: {  	[sflag:s26] =	ssyncset.done $0x0  }
0x30c: {  	[sflag:s26] =	ssyncadd.s32 $0xFFFFE400  }
0x30d: {  	[spmem:s2] =	stream.indirect.scatter.add.f32 [tilespmem:s20], [sflag:$0xA], $0x80, s10, s16, $0xb8;
	[tilespmem:$0x1F890] =	vst v63  }
0x30e: {  	_ =	swait.ge [sflag:s1], $0x1C00  }
0x30f: {  	s8 =	sld [smem:$0x7C3]  }
0x310: {  	[sflag:s1] =	ssyncset.done $0x0  }
0x311: {  	[sflag:s1] =	ssyncadd.s32 $0xFFFFE400  }
0x312: {  	[tilespmem:s23], [sflag:$0x3] =	stream.indirect.gather [hbm4b:s0+s16], $0x80, s8, s16, $0xb8;
	[tilespmem:$0x1F890] =	vst v63  }
0x313: {  	_ =	swait.ge [sflag:s29], $0x1C00  }
0x314: {  	s10 =	sld [smem:$0x7C4]  }
0x315: {  	[sflag:s29] =	ssyncset.done $0x0  }
0x316: {  	[sflag:s29] =	ssyncadd.s32 $0xFFFFE400  }
0x317: {  	[tilespmem:s20], [sflag:$0x8] =	stream.indirect.gather [spmem:s3], $0x80, s10, s16, $0xb8;
	[tilespmem:$0x1F890] =	vst v63  }
0x318: {  	_ =	swait.ge [sflag:s25], $0x1C00  }
0x319: {  	s8 =	sld [smem:$0x7C5]  }
0x31a: {  	[sflag:s25] =	ssyncset.done $0x0  }
0x31b: {  	[sflag:s25] =	ssyncadd.s32 $0xFFFFE400  }
0x31c: {  	[spmem:s2] =	stream.indirect.scatter.add.f32 [tilespmem:s18], [sflag:$0x5], $0x80, s8, s16, $0xb8;
	[tilespmem:$0x1F890] =	vst v63  }
0x31d: {  	_ =	swait.ge [sflag:s22], $0x1C00  }
0x31e: {  	s10 =	sld [smem:$0x7C6]  }
0x31f: {  	[sflag:s22] =	ssyncset.done $0x0  }
0x320: {  	[sflag:s22] =	ssyncadd.s32 $0xFFFFE400  }
0x321: {  	[spmem:s2] =	stream.indirect.scatter.add.f32 [tilespmem:s19], [sflag:$0x9], $0x80, s10, s16, $0xb8;
	[tilespmem:$0x1F890] =	vst v63  }
0x322: {  	_ =	swait.ge [sflag:s28], $0x1C00  }
0x323: {  	s8 =	sld [smem:$0x7C7]  }
0x324: {  	[sflag:s28] =	ssyncset.done $0x0  }
0x325: {  	[sflag:s28] =	ssyncadd.s32 $0xFFFFE400  }
0x326: {  	[tilespmem:s17], [sflag:$0x1] =	stream.indirect.gather [hbm4b:s0+s16], $0x80, s8, s16, $0xb8;
	[tilespmem:$0x1F890] =	vst v63  }
0x327: {  	_ =	swait.ge [sflag:s24], $0x1C00  }
0x328: {  	s10 =	sld [smem:$0x7C8]  }
0x329: {  	[sflag:s24] =	ssyncset.done $0x0  }
0x32a: {  	[sflag:s24] =	ssyncadd.s32 $0xFFFFE400  }
0x32b: {  	[tilespmem:s19], [sflag:$0x7] =	stream.indirect.gather [spmem:s3], $0x80, s10, s16, $0xb8;
	[tilespmem:$0x1F890] =	vst v63  }
0x32c: {  	_ =	swait.ge [sflag:s30], $0x1C00  }
0x32d: {  	s8 =	sld [smem:$0x7C9]  }
0x32e: {  	[sflag:s30] =	ssyncset.done $0x0  }
0x32f: {  	[sflag:s30] =	ssyncadd.s32 $0xFFFFE400  }
0x330: {  	[spmem:s2] =	stream.indirect.scatter.add.f32 [tilespmem:s23], [sflag:$0x6], $0x80, s8, s16, $0xb8;
	[tilespmem:$0x1F890] =	vst v63  }
0x331: {  	_ =	swait.ge [sflag:s26], $0x1C00  }
0x332: {  	s10 =	sld [smem:$0x7CA]  }
0x333: {  	[sflag:s26] =	ssyncset.done $0x0  }
0x334: {  	[sflag:s26] =	ssyncadd.s32 $0xFFFFE400  }
0x335: {  	[spmem:s2] =	stream.indirect.scatter.add.f32 [tilespmem:s20], [sflag:$0xA], $0x80, s10, s16, $0xb8;
	[tilespmem:$0x1F890] =	vst v63  }
0x336: {  	_ =	swait.ge [sflag:s31], $0x1C00  }
0x337: {  	s8 =	sld [smem:$0x7CB]  }
0x338: {  	[sflag:s31] =	ssyncset.done $0x0  }
0x339: {  	[sflag:s31] =	ssyncadd.s32 $0xFFFFE400  }
0x33a: {  	[tilespmem:s18], [sflag:$0x2] =	stream.indirect.gather [hbm4b:s0+s16], $0x80, s8, s16, $0xb8;
	[tilespmem:$0x1F890] =	vst v63  }
0x33b: {  	_ =	swait.ge [sflag:s29], $0x1C00  }
0x33c: {  	s10 =	sld [smem:$0x7CC]  }
0x33d: {  	[sflag:s29] =	ssyncset.done $0x0  }
0x33e: {  	[sflag:s29] =	ssyncadd.s32 $0xFFFFE400  }
0x33f: {  	[tilespmem:s20], [sflag:$0x8] =	stream.indirect.gather [spmem:s3], $0x80, s10, s16, $0xb8;
	[tilespmem:$0x1F890] =	vst v63  }
0x340: {  	_ =	swait.ge [sflag:s21], $0x1C00  }
0x341: {  	s8 =	sld [smem:$0x7CD]  }
0x342: {  	[sflag:s21] =	ssyncset.done $0x0  }
0x343: {  	[sflag:s21] =	ssyncadd.s32 $0xFFFFE400  }
0x344: {  	[spmem:s2] =	stream.indirect.scatter.add.f32 [tilespmem:s17], [sflag:$0x4], $0x80, s8, s16, $0xb8;
	[tilespmem:$0x1F890] =	vst v63  }
0x345: {  	_ =	swait.ge [sflag:s22], $0x1C00  }
0x346: {  	s10 =	sld [smem:$0x7CE]  }
0x347: {  	[sflag:s22] =	ssyncset.done $0x0  }
0x348: {  	[sflag:s22] =	ssyncadd.s32 $0xFFFFE400  }
0x349: {  	[spmem:s2] =	stream.indirect.scatter.add.f32 [tilespmem:s19], [sflag:$0x9], $0x80, s10, s16, $0xb8;
	[tilespmem:$0x1F890] =	vst v63  }
0x34a: {  	_ =	swait.ge [sflag:s1], $0x1C00  }
0x34b: {  	s8 =	sld [smem:$0x7CF]  }
0x34c: {  	[sflag:s1] =	ssyncset.done $0x0  }
0x34d: {  	[sflag:s1] =	ssyncadd.s32 $0xFFFFE400  }
0x34e: {  	[tilespmem:s23], [sflag:$0x3] =	stream.indirect.gather [hbm4b:s0+s16], $0x80, s8, s16, $0xb8;
	[tilespmem:$0x1F890] =	vst v63  }
0x34f: {  	_ =	swait.ge [sflag:s24], $0x1C00  }
0x350: {  	s10 =	sld [smem:$0x7D0]  }
0x351: {  	[sflag:s24] =	ssyncset.done $0x0  }
0x352: {  	[sflag:s24] =	ssyncadd.s32 $0xFFFFE400  }
0x353: {  	[tilespmem:s19], [sflag:$0x7] =	stream.indirect.gather [spmem:s3], $0x80, s10, s16, $0xb8;
	[tilespmem:$0x1F890] =	vst v63  }
0x354: {  	_ =	swait.ge [sflag:s25], $0x1C00  }
0x355: {  	s8 =	sld [smem:$0x7D1]  }
0x356: {  	[sflag:s25] =	ssyncset.done $0x0  }
0x357: {  	[sflag:s25] =	ssyncadd.s32 $0xFFFFE400  }
0x358: {  	[spmem:s2] =	stream.indirect.scatter.add.f32 [tilespmem:s18], [sflag:$0x5], $0x80, s8, s16, $0xb8;
	[tilespmem:$0x1F890] =	vst v63  }
0x359: {  	_ =	swait.ge [sflag:s26], $0x1C00  }
0x35a: {  	s10 =	sld [smem:$0x7D2]  }
0x35b: {  	[sflag:s26] =	ssyncset.done $0x0  }
0x35c: {  	[sflag:s26] =	ssyncadd.s32 $0xFFFFE400  }
0x35d: {  	[spmem:s2] =	stream.indirect.scatter.add.f32 [tilespmem:s20], [sflag:$0xA], $0x80, s10, s16, $0xb8;
	[tilespmem:$0x1F890] =	vst v63  }
0x35e: {  	_ =	swait.ge [sflag:s28], $0x1C00  }
0x35f: {  	s8 =	sld [smem:$0x7D3]  }
0x360: {  	[sflag:s28] =	ssyncset.done $0x0  }
0x361: {  	[sflag:s28] =	ssyncadd.s32 $0xFFFFE400  }
0x362: {  	[tilespmem:s17], [sflag:$0x1] =	stream.indirect.gather [hbm4b:s0+s16], $0x80, s8, s16, $0xb8;
	[tilespmem:$0x1F890] =	vst v63  }
0x363: {  	_ =	swait.ge [sflag:s29], $0x1C00  }
0x364: {  	s10 =	sld [smem:$0x7D4]  }
0x365: {  	[sflag:s29] =	ssyncset.done $0x0  }
0x366: {  	[sflag:s29] =	ssyncadd.s32 $0xFFFFE400  }
0x367: {  	[tilespmem:s20], [sflag:$0x8] =	stream.indirect.gather [spmem:s3], $0x80, s10, s16, $0xb8;
	[tilespmem:$0x1F890] =	vst v63  }
0x368: {  	_ =	swait.ge [sflag:s30], $0x1C00  }
0x369: {  	s8 =	sld [smem:$0x7D5]  }
0x36a: {  	[sflag:s30] =	ssyncset.done $0x0  }
0x36b: {  	[sflag:s30] =	ssyncadd.s32 $0xFFFFE400  }
0x36c: {  	[spmem:s2] =	stream.indirect.scatter.add.f32 [tilespmem:s23], [sflag:$0x6], $0x80, s8, s16, $0xb8;
	[tilespmem:$0x1F890] =	vst v63  }
0x36d: {  	_ =	swait.ge [sflag:s22], $0x1C00  }
0x36e: {  	s10 =	sld [smem:$0x7D7]  }
0x36f: {  	[sflag:s22] =	ssyncset.done $0x0  }
0x370: {  	[sflag:s22] =	ssyncadd.s32 $0xFFFFE400  }
0x371: {  	[spmem:s2] =	stream.indirect.scatter.add.f32 [tilespmem:s19], [sflag:$0x9], $0x80, s10, s16, $0xb8;
	[tilespmem:$0x1F890] =	vst v63  }
0x372: {  	_ =	swait.ge [sflag:s31], $0x1C00  }
0x373: {  	s8 =	sld [smem:$0x7D8]  }
0x374: {  	[sflag:s31] =	ssyncset.done $0x0  }
0x375: {  	[sflag:s31] =	ssyncadd.s32 $0xFFFFE400  }
0x376: {  	[tilespmem:s18], [sflag:$0x2] =	stream.indirect.gather [hbm4b:s0+s16], $0x80, s8, s16, $0xb8;
	[tilespmem:$0x1F890] =	vst v63  }
0x377: {  	_ =	swait.ge [sflag:s24], $0x1C00  }
0x378: {  	s10 =	sld [smem:$0x7D9]  }
0x379: {  	[sflag:s24] =	ssyncset.done $0x0  }
0x37a: {  	[sflag:s24] =	ssyncadd.s32 $0xFFFFE400  }
0x37b: {  	[tilespmem:s19], [sflag:$0x7] =	stream.indirect.gather [spmem:s3], $0x80, s10, s16, $0xb8;
	[tilespmem:$0x1F890] =	vst v63  }
0x37c: {  	_ =	swait.ge [sflag:s21], $0x1C00  }
0x37d: {  	s8 =	sld [smem:$0x7DB]  }
0x37e: {  	[sflag:s21] =	ssyncset.done $0x0  }
0x37f: {  	[sflag:s21] =	ssyncadd.s32 $0xFFFFE400  }
0x380: {  	[spmem:s2] =	stream.indirect.scatter.add.f32 [tilespmem:s17], [sflag:$0x4], $0x80, s8, s16, $0xb8;
	[tilespmem:$0x1F890] =	vst v63  }
0x381: {  	_ =	swait.ge [sflag:s26], $0x1C00  }
0x382: {  	s10 =	sld [smem:$0x7DC]  }
0x383: {  	[sflag:s26] =	ssyncset.done $0x0  }
0x384: {  	[sflag:s26] =	ssyncadd.s32 $0xFFFFE400  }
0x385: {  	[spmem:s2] =	stream.indirect.scatter.add.f32 [tilespmem:s20], [sflag:$0xA], $0x80, s10, s16, $0xb8;
	[tilespmem:$0x1F890] =	vst v63  }
0x386: {  	_ =	swait.ge [sflag:s1], $0x1C00  }
0x387: {  	s8 =	sld [smem:$0x7DD]  }
0x388: {  	[sflag:s1] =	ssyncset.done $0x0  }
0x389: {  	[sflag:s1] =	ssyncadd.s32 $0xFFFFE400  }
0x38a: {  	[tilespmem:s23], [sflag:$0x3] =	stream.indirect.gather [hbm4b:s0+s16], $0x80, s8, s16, $0xb8;
	[tilespmem:$0x1F890] =	vst v63  }
0x38b: {  	_ =	swait.ge [sflag:s29], $0x1C00  }
0x38c: {  	s10 =	sld [smem:$0x7DE]  }
0x38d: {  	[sflag:s29] =	ssyncset.done $0x0  }
0x38e: {  	[sflag:s29] =	ssyncadd.s32 $0xFFFFE400  }
0x38f: {  	[tilespmem:s20], [sflag:$0x8] =	stream.indirect.gather [spmem:s3], $0x80, s10, s16, $0xb8;
	[tilespmem:$0x1F890] =	vst v63  }
0x390: {  	_ =	swait.ge [sflag:s25], $0x1C00  }
0x391: {  	s8 =	sld [smem:$0x7DF]  }
0x392: {  	[sflag:s25] =	ssyncset.done $0x0  }
0x393: {  	[sflag:s25] =	ssyncadd.s32 $0xFFFFE400  }
0x394: {  	[spmem:s2] =	stream.indirect.scatter.add.f32 [tilespmem:s18], [sflag:$0x5], $0x80, s8, s16, $0xb8;
	[tilespmem:$0x1F890] =	vst v63  }
0x395: {  	_ =	swait.ge [sflag:s22], $0x1C00  }
0x396: {  	s10 =	sld [smem:$0x7E0]  }
0x397: {  	[sflag:s22] =	ssyncset.done $0x0  }
0x398: {  	[sflag:s22] =	ssyncadd.s32 $0xFFFFE400  }
0x399: {  	[spmem:s2] =	stream.indirect.scatter.add.f32 [tilespmem:s19], [sflag:$0x9], $0x80, s10, s16, $0xb8;
	[tilespmem:$0x1F890] =	vst v63  }
0x39a: {  	_ =	swait.ge [sflag:s28], $0x1C00  }
0x39b: {  	s8 =	sld [smem:$0x7E1]  }
0x39c: {  	[sflag:s28] =	ssyncset.done $0x0  }
0x39d: {  	[sflag:s28] =	ssyncadd.s32 $0xFFFFE400  }
0x39e: {  	[tilespmem:s17], [sflag:$0x1] =	stream.indirect.gather [hbm4b:s0+s16], $0x80, s8, s16, $0xb8;
	[tilespmem:$0x1F890] =	vst v63  }
0x39f: {  	_ =	swait.ge [sflag:s24], $0x1C00  }
0x3a0: {  	s10 =	sld [smem:$0x7E2]  }
0x3a1: {  	[sflag:s24] =	ssyncset.done $0x0  }
0x3a2: {  	[sflag:s24] =	ssyncadd.s32 $0xFFFFE400  }
0x3a3: {  	[tilespmem:s19], [sflag:$0x7] =	stream.indirect.gather [spmem:s3], $0x80, s10, s16, $0xb8;
	[tilespmem:$0x1F890] =	vst v63  }
0x3a4: {  	_ =	swait.ge [sflag:s30], $0x1C00  }
0x3a5: {  	s8 =	sld [smem:$0x7E3]  }
0x3a6: {  	[sflag:s30] =	ssyncset.done $0x0  }
0x3a7: {  	[sflag:s30] =	ssyncadd.s32 $0xFFFFE400  }
0x3a8: {  	[spmem:s2] =	stream.indirect.scatter.add.f32 [tilespmem:s23], [sflag:$0x6], $0x80, s8, s16, $0xb8;
	[tilespmem:$0x1F890] =	vst v63  }
0x3a9: {  	_ =	swait.ge [sflag:s26], $0x1C00  }
0x3aa: {  	s10 =	sld [smem:$0x7E4]  }
0x3ab: {  	[sflag:s26] =	ssyncset.done $0x0  }
0x3ac: {  	[sflag:s26] =	ssyncadd.s32 $0xFFFFE400  }
0x3ad: {  	[spmem:s2] =	stream.indirect.scatter.add.f32 [tilespmem:s20], [sflag:$0xA], $0x80, s10, s16, $0xb8;
	[tilespmem:$0x1F890] =	vst v63  }
0x3ae: {  	_ =	swait.ge [sflag:s31], $0x1C00  }
0x3af: {  	s8 =	sld [smem:$0x7E5]  }
0x3b0: {  	[sflag:s31] =	ssyncset.done $0x0  }
0x3b1: {  	[sflag:s31] =	ssyncadd.s32 $0xFFFFE400  }
0x3b2: {  	[tilespmem:s18], [sflag:$0x2] =	stream.indirect.gather [hbm4b:s0+s16], $0x80, s8, s16, $0xb8;
	[tilespmem:$0x1F890] =	vst v63  }
0x3b3: {  	_ =	swait.ge [sflag:s29], $0x1C00  }
0x3b4: {  	s10 =	sld [smem:$0x7E6]  }
0x3b5: {  	[sflag:s29] =	ssyncset.done $0x0  }
0x3b6: {  	[sflag:s29] =	ssyncadd.s32 $0xFFFFE400  }
0x3b7: {  	[tilespmem:s20], [sflag:$0x8] =	stream.indirect.gather [spmem:s3], $0x80, s10, s16, $0xb8;
	[tilespmem:$0x1F890] =	vst v63  }
0x3b8: {  	_ =	swait.ge [sflag:s21], $0x1C00  }
0x3b9: {  	s8 =	sld [smem:$0x7E8]  }
0x3ba: {  	[sflag:s21] =	ssyncset.done $0x0  }
0x3bb: {  	[sflag:s21] =	ssyncadd.s32 $0xFFFFE400  }
0x3bc: {  	[spmem:s2] =	stream.indirect.scatter.add.f32 [tilespmem:s17], [sflag:$0x4], $0x80, s8, s16, $0xb8;
	[tilespmem:$0x1F890] =	vst v63  }
0x3bd: {  	_ =	swait.ge [sflag:s22], $0x1C00  }
0x3be: {  	s10 =	sld [smem:$0x7EA]  }
0x3bf: {  	[sflag:s22] =	ssyncset.done $0x0  }
0x3c0: {  	[sflag:s22] =	ssyncadd.s32 $0xFFFFE400  }
0x3c1: {  	[spmem:s2] =	stream.indirect.scatter.add.f32 [tilespmem:s19], [sflag:$0x9], $0x80, s10, s16, $0xb8;
	[tilespmem:$0x1F890] =	vst v63  }
0x3c2: {  	_ =	swait.ge [sflag:s1], $0x1C00  }
0x3c3: {  	s8 =	sld [smem:$0x7EB]  }
0x3c4: {  	[sflag:s1] =	ssyncset.done $0x0  }
0x3c5: {  	[sflag:s1] =	ssyncadd.s32 $0xFFFFE400  }
0x3c6: {  	[tilespmem:s23], [sflag:$0x3] =	stream.indirect.gather [hbm4b:s0+s16], $0x80, s8, s16, $0xb8;
	[tilespmem:$0x1F890] =	vst v63  }
0x3c7: {  	_ =	swait.ge [sflag:s24], $0x1C00  }
0x3c8: {  	s10 =	sld [smem:$0x7EC]  }
0x3c9: {  	[sflag:s24] =	ssyncset.done $0x0  }
0x3ca: {  	[sflag:s24] =	ssyncadd.s32 $0xFFFFE400  }
0x3cb: {  	[tilespmem:s19], [sflag:$0x7] =	stream.indirect.gather [spmem:s3], $0x80, s10, s16, $0xb8;
	[tilespmem:$0x1F890] =	vst v63  }
0x3cc: {  	_ =	swait.ge [sflag:s25], $0x1C00  }
0x3cd: {  	s8 =	sld [smem:$0x7ED]  }
0x3ce: {  	[sflag:s25] =	ssyncset.done $0x0  }
0x3cf: {  	[sflag:s25] =	ssyncadd.s32 $0xFFFFE400  }
0x3d0: {  	[spmem:s2] =	stream.indirect.scatter.add.f32 [tilespmem:s18], [sflag:$0x5], $0x80, s8, s16, $0xb8;
	[tilespmem:$0x1F890] =	vst v63  }
0x3d1: {  	_ =	swait.ge [sflag:s26], $0x1C00  }
0x3d2: {  	s10 =	sld [smem:$0x7EF]  }
0x3d3: {  	[sflag:s26] =	ssyncset.done $0x0  }
0x3d4: {  	[sflag:s26] =	ssyncadd.s32 $0xFFFFE400  }
0x3d5: {  	[spmem:s2] =	stream.indirect.scatter.add.f32 [tilespmem:s20], [sflag:$0xA], $0x80, s10, s16, $0xb8;
	[tilespmem:$0x1F890] =	vst v63  }
0x3d6: {  	_ =	swait.ge [sflag:s28], $0x1C00  }
0x3d7: {  	s8 =	sld [smem:$0x7F0]  }
0x3d8: {  	[sflag:s28] =	ssyncset.done $0x0  }
0x3d9: {  	[sflag:s28] =	ssyncadd.s32 $0xFFFFE400  }
0x3da: {  	[tilespmem:s17], [sflag:$0x1] =	stream.indirect.gather [hbm4b:s0+s16], $0x80, s8, s16, $0xb8;
	[tilespmem:$0x1F890] =	vst v63  }
0x3db: {  	_ =	swait.ge [sflag:s29], $0x1C00  }
0x3dc: {  	s10 =	sld [smem:$0x7F1]  }
0x3dd: {  	[sflag:s29] =	ssyncset.done $0x0  }
0x3de: {  	[sflag:s29] =	ssyncadd.s32 $0xFFFFE400  }
0x3df: {  	[tilespmem:s20], [sflag:$0x8] =	stream.indirect.gather [spmem:s3], $0x80, s10, s16, $0xb8;
	[tilespmem:$0x1F890] =	vst v63  }
0x3e0: {  	_ =	swait.ge [sflag:s30], $0x1C00  }
0x3e1: {  	s8 =	sld [smem:$0x7F2]  }
0x3e2: {  	[sflag:s30] =	ssyncset.done $0x0  }
0x3e3: {  	[sflag:s30] =	ssyncadd.s32 $0xFFFFE400  }
0x3e4: {  	[spmem:s2] =	stream.indirect.scatter.add.f32 [tilespmem:s23], [sflag:$0x6], $0x80, s8, s16, $0xb8;
	[tilespmem:$0x1F890] =	vst v63  }
0x3e5: {  	_ =	swait.ge [sflag:s22], $0x1C00  }
0x3e6: {  	s10 =	sld [smem:$0x7F3]  }
0x3e7: {  	[sflag:s22] =	ssyncset.done $0x0  }
0x3e8: {  	[sflag:s22] =	ssyncadd.s32 $0xFFFFE400  }
0x3e9: {  	[spmem:s2] =	stream.indirect.scatter.add.f32 [tilespmem:s19], [sflag:$0x9], $0x80, s10, s16, $0xb8;
	[tilespmem:$0x1F890] =	vst v63  }
0x3ea: {  	_ =	swait.ge [sflag:s31], $0x1C00  }
0x3eb: {  	s8 =	sld [smem:$0x7F4]  }
0x3ec: {  	[sflag:s31] =	ssyncset.done $0x0  }
0x3ed: {  	[sflag:s31] =	ssyncadd.s32 $0xFFFFE400  }
0x3ee: {  	[tilespmem:s18], [sflag:$0x2] =	stream.indirect.gather [hbm4b:s0+s16], $0x80, s8, s16, $0xb8;
	[tilespmem:$0x1F890] =	vst v63  }
0x3ef: {  	_ =	swait.ge [sflag:s24], $0x1C00  }
0x3f0: {  	s10 =	sld [smem:$0x7F5]  }
0x3f1: {  	[sflag:s24] =	ssyncset.done $0x0  }
0x3f2: {  	[sflag:s24] =	ssyncadd.s32 $0xFFFFE400  }
0x3f3: {  	[tilespmem:s19], [sflag:$0x7] =	stream.indirect.gather [spmem:s3], $0x80, s10, s16, $0xb8;
	[tilespmem:$0x1F890] =	vst v63  }
0x3f4: {  	_ =	swait.ge [sflag:s21], $0x1C00  }
0x3f5: {  	s8 =	sld [smem:$0x7F6]  }
0x3f6: {  	[sflag:s21] =	ssyncset.done $0x0  }
0x3f7: {  	[sflag:s21] =	ssyncadd.s32 $0xFFFFE400  }
0x3f8: {  	[spmem:s2] =	stream.indirect.scatter.add.f32 [tilespmem:s17], [sflag:$0x4], $0x80, s8, s16, $0xb8;
	[tilespmem:$0x1F890] =	vst v63  }
0x3f9: {  	_ =	swait.ge [sflag:s26], $0x1C00  }
0x3fa: {  	s10 =	sld [smem:$0x7F7]  }
0x3fb: {  	[sflag:s26] =	ssyncset.done $0x0  }
0x3fc: {  	[sflag:s26] =	ssyncadd.s32 $0xFFFFE400  }
0x3fd: {  	[spmem:s2] =	stream.indirect.scatter.add.f32 [tilespmem:s20], [sflag:$0xA], $0x80, s10, s16, $0xb8;
	[tilespmem:$0x1F890] =	vst v63  }
0x3fe: {  	_ =	swait.ge [sflag:s1], $0x1C00  }
0x3ff: {  	s8 =	sld [smem:$0x7F8]  }
0x400: {  	[sflag:s1] =	ssyncset.done $0x0  }
0x401: {  	[sflag:s1] =	ssyncadd.s32 $0xFFFFE400  }
0x402: {  	[tilespmem:s23], [sflag:$0x3] =	stream.indirect.gather [hbm4b:s0+s16], $0x80, s8, s16, $0xb8;
	[tilespmem:$0x1F890] =	vst v63  }
0x403: {  	_ =	swait.ge [sflag:s29], $0x1C00  }
0x404: {  	s10 =	sld [smem:$0x7F9]  }
0x405: {  	[sflag:s29] =	ssyncset.done $0x0  }
0x406: {  	[sflag:s29] =	ssyncadd.s32 $0xFFFFE400  }
0x407: {  	[tilespmem:s20], [sflag:$0x8] =	stream.indirect.gather [spmem:s3], $0x80, s10, s16, $0xb8;
	[tilespmem:$0x1F890] =	vst v63  }
0x408: {  	_ =	swait.ge [sflag:s25], $0x1C00  }
0x409: {  	s8 =	sld [smem:$0x7FA]  }
0x40a: {  	[sflag:s25] =	ssyncset.done $0x0  }
0x40b: {  	[sflag:s25] =	ssyncadd.s32 $0xFFFFE400  }
0x40c: {  	[spmem:s2] =	stream.indirect.scatter.add.f32 [tilespmem:s18], [sflag:$0x5], $0x80, s8, s16, $0xb8;
	[tilespmem:$0x1F890] =	vst v63  }
0x40d: {  	_ =	swait.ge [sflag:s22], $0x1C00  }
0x40e: {  	s10 =	sld [smem:$0x7FB]  }
0x40f: {  	[sflag:s22] =	ssyncset.done $0x0  }
0x410: {  	[sflag:s22] =	ssyncadd.s32 $0xFFFFE400  }
0x411: {  	[spmem:s2] =	stream.indirect.scatter.add.f32 [tilespmem:s19], [sflag:$0x9], $0x80, s10, s16, $0xb8;
	[tilespmem:$0x1F890] =	vst v63  }
0x412: {  	_ =	swait.ge [sflag:s30], $0x1C00  }
0x413: {  	[sflag:s30] =	ssyncset.done $0x0  }
0x414: {  	[sflag:s30] =	ssyncadd.s32 $0xFFFFE400  }
0x415: {  	[spmem:s2] =	stream.indirect.scatter.add.f32 [tilespmem:s23], [sflag:$0x6], $0x80, s5, s16, $0xb8;
	[tilespmem:$0x1F890] =	vst v63  }
0x416: {  	_ =	swait.ge [sflag:s26], $0x1C00  }
0x417: {  	[sflag:s26] =	ssyncset.done $0x0  }
0x418: {  	[sflag:s26] =	ssyncadd.s32 $0xFFFFE400  }
0x419: {  	[spmem:s2] =	stream.indirect.scatter.add.f32 [tilespmem:s20], [sflag:$0xA], $0x80, s6, s16, $0xb8;
	[tilespmem:$0x1F890] =	vst v63  }
0x41a: {  	_ =	swait.ge [sflag:s28], $0x1C00  }
0x41b: {  	[sflag:s28] =	ssyncset.done $0x0  }
0x41c: {  	[sflag:s28] =	ssyncadd.s32 $0xFFFFE400  }
0x41d: {  	_ =	swait.ge [sflag:s31], $0x1C00  }
0x41e: {  	[sflag:s31] =	ssyncset.done $0x0  }
0x41f: {  	[sflag:s31] =	ssyncadd.s32 $0xFFFFE400  }
0x420: {  	_ =	swait.ge [sflag:s1], $0x1C00  }
0x421: {  	[sflag:s1] =	ssyncset.done $0x0  }
0x422: {  	p1 =	sne.s32 s12, $0xA80;
	[sflag:s1] =	ssyncadd.s32 $0xFFFFE400  }
.Ltmp0:
0x423: {  	_ =	swait.ge [sflag:s24], $0x1C00;
	(pc) =	sbr.rel @p1 .LBB2_2-.Ltmp0, $4  }
0x424: {  	[sflag:s24] =	ssyncset.done $0x0  }
0x425: {  	[sflag:s24] =	ssyncadd.s32 $0xFFFFE400  }
0x426: {  	s7 =	smov.u32 s12;
	s12 =	sadd.s32 $0x180, s12;
	_ =	swait.ge [sflag:s29], $0x1C00  }
0x427: {  	s9 =	smov.u32 s7;
	s10 =	rddreg [dreg:$0x8];
	[sflag:s29] =	ssyncset.done $0x0  }
0x428: {  	[sflag:s29] =	ssyncadd.s32 $0xFFFFE400;
	s7 =	sadd.s32 s9, s10  }
0x429: {  	[tilespmem:s4], [sflag:$0xB] =	stream.linear.gather [hbm4b:s7+s4], $0xC00, $0x38;
	[tilespmem:$0x1F890] =	vst v63  }
0x42a: {  	_ =	swait.ge [sflag:s11], $0xC00  }
0x42b: {  	s12 =	rddreg [dreg:$0x7];
	[sflag:s11] =	ssyncset.done $0x0  }
0x42c: {  	[sflag:s11] =	ssyncadd.s32 $0xFFFFF400;
	s7 =	sadd.s32 s9, s12  }
0x42d: {  	[tilespmem:s13], [sflag:$0xB] =	stream.linear.gather [hbm4b:s7+s4], $0xC00, $0x38;
	[tilespmem:$0x1F890] =	vst v63  }
0x42e: {  	_ =	swait.ge [sflag:s11], $0xC00  }
0x42f: {  	s8 =	rddreg [dreg:$0x6];
	[sflag:s11] =	ssyncset.done $0x0  }
0x430: {  	s8 =	sadd.s32 s9, s8;
	[sflag:s11] =	ssyncadd.s32 $0xFFFFF400  }
0x431: {  	[tilespmem:s14], [sflag:$0xB] =	stream.linear.gather [hbm4b:s8+s4], $0xC00, $0x38;
	[tilespmem:$0x1F890] =	vst v63  }
0x432: {  	_ =	swait.ge [sflag:s11], $0xC00  }
0x433: {  	[sflag:s11] =	ssyncset.done $0x0  }
0x434: {  	[sflag:s11] =	ssyncadd.s32 $0xFFFFF400  }
0x435: {  	[tilespmem:s15], [sflag:$0xB] =	stream.linear.gather [hbm4b:s7+s4], $0xC00, $0x38;
	[tilespmem:$0x1F890] =	vst v63  }
0x436: {  	_ =	swait.ge [sflag:s11], $0xC00  }
0x437: {  	[sflag:s11] =	ssyncset.done $0x0  }
0x438: {  	[sflag:s11] =	ssyncadd.s32 $0xFFFFF400  }
0x439: {  	[tilespmem:s17], [sflag:$0x1] =	stream.indirect.gather [hbm4b:s0+s16], $0x80, s4, s16, $0xb8;
	[tilespmem:$0x1F890] =	vst v63  }
0x43a: {  	s8 =	rddreg [dreg:$0x9]  }
0x43b: {  	[tilespmem:s18], [sflag:$0x2] =	stream.indirect.gather [hbm4b:s0+s16], $0x80, s8, s16, $0xb8;
	[tilespmem:$0x1F890] =	vst v63  }
0x43c: {  	_ = 	snop  }
0x43d: {  	[tilespmem:s19], [sflag:$0x7] =	stream.indirect.gather [spmem:s3], $0x80, s14, s16, $0xb8;
	[tilespmem:$0x1F890] =	vst v63  }
0x43e: {  	s9 =	rddreg [dreg:$0xa]  }
0x43f: {  	[tilespmem:s20], [sflag:$0x8] =	stream.indirect.gather [spmem:s3], $0x80, s9, s16, $0xb8;
	[tilespmem:$0x1F890] =	vst v63  }
0x440: {  	_ =	swait.ge [sflag:s21], $0x1C00  }
0x441: {  	[sflag:s21] =	ssyncset.done $0x0  }
0x442: {  	[sflag:s21] =	ssyncadd.s32 $0xFFFFE400  }
0x443: {  	[spmem:s2] =	stream.indirect.scatter.add.f32 [tilespmem:s17], [sflag:$0x4], $0x80, s13, s16, $0xb8;
	[tilespmem:$0x1F890] =	vst v63  }
0x444: {  	_ =	swait.ge [sflag:s22], $0x1C00  }
0x445: {  	[sflag:s22] =	ssyncset.done $0x0  }
0x446: {  	[sflag:s22] =	ssyncadd.s32 $0xFFFFE400  }
0x447: {  	[spmem:s2] =	stream.indirect.scatter.add.f32 [tilespmem:s19], [sflag:$0x9], $0x80, s15, s16, $0xb8;
	[tilespmem:$0x1F890] =	vst v63  }
0x448: {  	s10 =	rddreg [dreg:$0xb]  }
0x449: {  	[tilespmem:s23], [sflag:$0x3] =	stream.indirect.gather [hbm4b:s0+s16], $0x80, s10, s16, $0xb8;
	[tilespmem:$0x1F890] =	vst v63  }
0x44a: {  	_ =	swait.ge [sflag:s24], $0x1C00  }
0x44b: {  	[sflag:s24] =	ssyncset.done $0x0  }
0x44c: {  	s12 =	rddreg [dreg:$0xc];
	[sflag:s24] =	ssyncadd.s32 $0xFFFFE400  }
0x44d: {  	[tilespmem:s19], [sflag:$0x7] =	stream.indirect.gather [spmem:s3], $0x80, s12, s16, $0xb8;
	[tilespmem:$0x1F890] =	vst v63  }
0x44e: {  	_ =	swait.ge [sflag:s25], $0x1C00  }
0x44f: {  	[sflag:s25] =	ssyncset.done $0x0  }
0x450: {  	s8 =	rddreg [dreg:$0xd];
	[sflag:s25] =	ssyncadd.s32 $0xFFFFE400  }
0x451: {  	[spmem:s2] =	stream.indirect.scatter.add.f32 [tilespmem:s18], [sflag:$0x5], $0x80, s8, s16, $0xb8;
	[tilespmem:$0x1F890] =	vst v63  }
0x452: {  	_ =	swait.ge [sflag:s26], $0x1C00  }
0x453: {  	[sflag:s26] =	ssyncset.done $0x0  }
0x454: {  	s9 =	rddreg [dreg:$0xe];
	[sflag:s26] =	ssyncadd.s32 $0xFFFFE400  }
0x455: {  	[spmem:s2] =	stream.indirect.scatter.add.f32 [tilespmem:s20], [sflag:$0xA], $0x80, s9, s16, $0xb8;
	[tilespmem:$0x1F890] =	vst v63  }
0x456: {  	_ =	swait.ge [sflag:s28], $0x1C00  }
0x457: {  	[sflag:s28] =	ssyncset.done $0x0  }
0x458: {  	s10 =	rddreg [dreg:$0xf];
	[sflag:s28] =	ssyncadd.s32 $0xFFFFE400  }
0x459: {  	[tilespmem:s17], [sflag:$0x1] =	stream.indirect.gather [hbm4b:s0+s16], $0x80, s10, s16, $0xb8;
	[tilespmem:$0x1F890] =	vst v63  }
0x45a: {  	_ =	swait.ge [sflag:s29], $0x1C00  }
0x45b: {  	[sflag:s29] =	ssyncset.done $0x0  }
0x45c: {  	s12 =	rddreg [dreg:$0x10];
	[sflag:s29] =	ssyncadd.s32 $0xFFFFE400  }
0x45d: {  	[tilespmem:s20], [sflag:$0x8] =	stream.indirect.gather [spmem:s3], $0x80, s12, s16, $0xb8;
	[tilespmem:$0x1F890] =	vst v63  }
0x45e: {  	_ =	swait.ge [sflag:s30], $0x1C00  }
0x45f: {  	[sflag:s30] =	ssyncset.done $0x0  }
0x460: {  	s8 =	rddreg [dreg:$0x11];
	[sflag:s30] =	ssyncadd.s32 $0xFFFFE400  }
0x461: {  	[spmem:s2] =	stream.indirect.scatter.add.f32 [tilespmem:s23], [sflag:$0x6], $0x80, s8, s16, $0xb8;
	[tilespmem:$0x1F890] =	vst v63  }
0x462: {  	_ =	swait.ge [sflag:s22], $0x1C00  }
0x463: {  	[sflag:s22] =	ssyncset.done $0x0  }
0x464: {  	s9 =	rddreg [dreg:$0x12];
	[sflag:s22] =	ssyncadd.s32 $0xFFFFE400  }
0x465: {  	[spmem:s2] =	stream.indirect.scatter.add.f32 [tilespmem:s19], [sflag:$0x9], $0x80, s9, s16, $0xb8;
	[tilespmem:$0x1F890] =	vst v63  }
0x466: {  	_ =	swait.ge [sflag:s31], $0x1C00  }
0x467: {  	[sflag:s31] =	ssyncset.done $0x0  }
0x468: {  	s10 =	rddreg [dreg:$0x13];
	[sflag:s31] =	ssyncadd.s32 $0xFFFFE400  }
0x469: {  	[tilespmem:s18], [sflag:$0x2] =	stream.indirect.gather [hbm4b:s0+s16], $0x80, s10, s16, $0xb8;
	[tilespmem:$0x1F890] =	vst v63  }
0x46a: {  	_ =	swait.ge [sflag:s24], $0x1C00  }
0x46b: {  	[sflag:s24] =	ssyncset.done $0x0  }
0x46c: {  	s12 =	rddreg [dreg:$0x14];
	[sflag:s24] =	ssyncadd.s32 $0xFFFFE400  }
0x46d: {  	[tilespmem:s19], [sflag:$0x7] =	stream.indirect.gather [spmem:s3], $0x80, s12, s16, $0xb8;
	[tilespmem:$0x1F890] =	vst v63  }
0x46e: {  	_ =	swait.ge [sflag:s21], $0x1C00  }
0x46f: {  	[sflag:s21] =	ssyncset.done $0x0  }
0x470: {  	s8 =	rddreg [dreg:$0x15];
	[sflag:s21] =	ssyncadd.s32 $0xFFFFE400  }
0x471: {  	[spmem:s2] =	stream.indirect.scatter.add.f32 [tilespmem:s17], [sflag:$0x4], $0x80, s8, s16, $0xb8;
	[tilespmem:$0x1F890] =	vst v63  }
0x472: {  	_ =	swait.ge [sflag:s26], $0x1C00  }
0x473: {  	[sflag:s26] =	ssyncset.done $0x0  }
0x474: {  	s9 =	rddreg [dreg:$0x16];
	[sflag:s26] =	ssyncadd.s32 $0xFFFFE400  }
0x475: {  	[spmem:s2] =	stream.indirect.scatter.add.f32 [tilespmem:s20], [sflag:$0xA], $0x80, s9, s16, $0xb8;
	[tilespmem:$0x1F890] =	vst v63  }
0x476: {  	_ =	swait.ge [sflag:s1], $0x1C00  }
0x477: {  	[sflag:s1] =	ssyncset.done $0x0  }
0x478: {  	s10 =	rddreg [dreg:$0x17];
	[sflag:s1] =	ssyncadd.s32 $0xFFFFE400  }
0x479: {  	[tilespmem:s23], [sflag:$0x3] =	stream.indirect.gather [hbm4b:s0+s16], $0x80, s10, s16, $0xb8;
	[tilespmem:$0x1F890] =	vst v63  }
0x47a: {  	_ =	swait.ge [sflag:s29], $0x1C00  }
0x47b: {  	[sflag:s29] =	ssyncset.done $0x0  }
0x47c: {  	s12 =	rddreg [dreg:$0x18];
	[sflag:s29] =	ssyncadd.s32 $0xFFFFE400  }
0x47d: {  	[tilespmem:s20], [sflag:$0x8] =	stream.indirect.gather [spmem:s3], $0x80, s12, s16, $0xb8;
	[tilespmem:$0x1F890] =	vst v63  }
0x47e: {  	_ =	swait.ge [sflag:s25], $0x1C00  }
0x47f: {  	[sflag:s25] =	ssyncset.done $0x0  }
0x480: {  	s8 =	rddreg [dreg:$0x19];
	[sflag:s25] =	ssyncadd.s32 $0xFFFFE400  }
0x481: {  	[spmem:s2] =	stream.indirect.scatter.add.f32 [tilespmem:s18], [sflag:$0x5], $0x80, s8, s16, $0xb8;
	[tilespmem:$0x1F890] =	vst v63  }
0x482: {  	_ =	swait.ge [sflag:s22], $0x1C00  }
0x483: {  	[sflag:s22] =	ssyncset.done $0x0  }
0x484: {  	s9 =	rddreg [dreg:$0x1a];
	[sflag:s22] =	ssyncadd.s32 $0xFFFFE400  }
0x485: {  	[spmem:s2] =	stream.indirect.scatter.add.f32 [tilespmem:s19], [sflag:$0x9], $0x80, s9, s16, $0xb8;
	[tilespmem:$0x1F890] =	vst v63  }
0x486: {  	_ =	swait.ge [sflag:s28], $0x1C00  }
0x487: {  	[sflag:s28] =	ssyncset.done $0x0  }
0x488: {  	s10 =	rddreg [dreg:$0x1b];
	[sflag:s28] =	ssyncadd.s32 $0xFFFFE400  }
0x489: {  	[tilespmem:s17], [sflag:$0x1] =	stream.indirect.gather [hbm4b:s0+s16], $0x80, s10, s16, $0xb8;
	[tilespmem:$0x1F890] =	vst v63  }
0x48a: {  	_ =	swait.ge [sflag:s24], $0x1C00  }
0x48b: {  	[sflag:s24] =	ssyncset.done $0x0  }
0x48c: {  	s12 =	rddreg [dreg:$0x1c];
	[sflag:s24] =	ssyncadd.s32 $0xFFFFE400  }
0x48d: {  	[tilespmem:s19], [sflag:$0x7] =	stream.indirect.gather [spmem:s3], $0x80, s12, s16, $0xb8;
	[tilespmem:$0x1F890] =	vst v63  }
0x48e: {  	_ =	swait.ge [sflag:s30], $0x1C00  }
0x48f: {  	[sflag:s30] =	ssyncset.done $0x0  }
0x490: {  	s8 =	rddreg [dreg:$0x1d];
	[sflag:s30] =	ssyncadd.s32 $0xFFFFE400  }
0x491: {  	[spmem:s2] =	stream.indirect.scatter.add.f32 [tilespmem:s23], [sflag:$0x6], $0x80, s8, s16, $0xb8;
	[tilespmem:$0x1F890] =	vst v63  }
0x492: {  	_ =	swait.ge [sflag:s26], $0x1C00  }
0x493: {  	[sflag:s26] =	ssyncset.done $0x0  }
0x494: {  	s9 =	rddreg [dreg:$0x1e];
	[sflag:s26] =	ssyncadd.s32 $0xFFFFE400  }
0x495: {  	[spmem:s2] =	stream.indirect.scatter.add.f32 [tilespmem:s20], [sflag:$0xA], $0x80, s9, s16, $0xb8;
	[tilespmem:$0x1F890] =	vst v63  }
0x496: {  	_ =	swait.ge [sflag:s31], $0x1C00  }
0x497: {  	[sflag:s31] =	ssyncset.done $0x0  }
0x498: {  	s10 =	rddreg [dreg:$0x1f];
	[sflag:s31] =	ssyncadd.s32 $0xFFFFE400  }
0x499: {  	[tilespmem:s18], [sflag:$0x2] =	stream.indirect.gather [hbm4b:s0+s16], $0x80, s10, s16, $0xb8;
	[tilespmem:$0x1F890] =	vst v63  }
0x49a: {  	_ =	swait.ge [sflag:s29], $0x1C00  }
0x49b: {  	s12 =	sld [smem:$0x7B4]  }
0x49c: {  	[sflag:s29] =	ssyncset.done $0x0  }
0x49d: {  	[sflag:s29] =	ssyncadd.s32 $0xFFFFE400  }
0x49e: {  	[tilespmem:s20], [sflag:$0x8] =	stream.indirect.gather [spmem:s3], $0x80, s12, s16, $0xb8;
	[tilespmem:$0x1F890] =	vst v63  }
0x49f: {  	_ =	swait.ge [sflag:s21], $0x1C00  }
0x4a0: {  	s8 =	sld [smem:$0x7B5]  }
0x4a1: {  	[sflag:s21] =	ssyncset.done $0x0  }
0x4a2: {  	[sflag:s21] =	ssyncadd.s32 $0xFFFFE400  }
0x4a3: {  	[spmem:s2] =	stream.indirect.scatter.add.f32 [tilespmem:s17], [sflag:$0x4], $0x80, s8, s16, $0xb8;
	[tilespmem:$0x1F890] =	vst v63  }
0x4a4: {  	_ =	swait.ge [sflag:s22], $0x1C00  }
0x4a5: {  	s9 =	sld [smem:$0x7B6]  }
0x4a6: {  	[sflag:s22] =	ssyncset.done $0x0  }
0x4a7: {  	[sflag:s22] =	ssyncadd.s32 $0xFFFFE400  }
0x4a8: {  	[spmem:s2] =	stream.indirect.scatter.add.f32 [tilespmem:s19], [sflag:$0x9], $0x80, s9, s16, $0xb8;
	[tilespmem:$0x1F890] =	vst v63  }
0x4a9: {  	_ =	swait.ge [sflag:s1], $0x1C00  }
0x4aa: {  	s10 =	sld [smem:$0x7B7]  }
0x4ab: {  	[sflag:s1] =	ssyncset.done $0x0  }
0x4ac: {  	[sflag:s1] =	ssyncadd.s32 $0xFFFFE400  }
0x4ad: {  	[tilespmem:s23], [sflag:$0x3] =	stream.indirect.gather [hbm4b:s0+s16], $0x80, s10, s16, $0xb8;
	[tilespmem:$0x1F890] =	vst v63  }
0x4ae: {  	_ =	swait.ge [sflag:s24], $0x1C00  }
0x4af: {  	s12 =	sld [smem:$0x7B8]  }
0x4b0: {  	[sflag:s24] =	ssyncset.done $0x0  }
0x4b1: {  	[sflag:s24] =	ssyncadd.s32 $0xFFFFE400  }
0x4b2: {  	[tilespmem:s19], [sflag:$0x7] =	stream.indirect.gather [spmem:s3], $0x80, s12, s16, $0xb8;
	[tilespmem:$0x1F890] =	vst v63  }
0x4b3: {  	_ =	swait.ge [sflag:s25], $0x1C00  }
0x4b4: {  	s8 =	sld [smem:$0x7B9]  }
0x4b5: {  	[sflag:s25] =	ssyncset.done $0x0  }
0x4b6: {  	[sflag:s25] =	ssyncadd.s32 $0xFFFFE400  }
0x4b7: {  	[spmem:s2] =	stream.indirect.scatter.add.f32 [tilespmem:s18], [sflag:$0x5], $0x80, s8, s16, $0xb8;
	[tilespmem:$0x1F890] =	vst v63  }
0x4b8: {  	_ =	swait.ge [sflag:s26], $0x1C00  }
0x4b9: {  	s9 =	sld [smem:$0x7BA]  }
0x4ba: {  	[sflag:s26] =	ssyncset.done $0x0  }
0x4bb: {  	[sflag:s26] =	ssyncadd.s32 $0xFFFFE400  }
0x4bc: {  	[spmem:s2] =	stream.indirect.scatter.add.f32 [tilespmem:s20], [sflag:$0xA], $0x80, s9, s16, $0xb8;
	[tilespmem:$0x1F890] =	vst v63  }
0x4bd: {  	_ =	swait.ge [sflag:s28], $0x1C00  }
0x4be: {  	s10 =	sld [smem:$0x7BB]  }
0x4bf: {  	[sflag:s28] =	ssyncset.done $0x0  }
0x4c0: {  	[sflag:s28] =	ssyncadd.s32 $0xFFFFE400  }
0x4c1: {  	[tilespmem:s17], [sflag:$0x1] =	stream.indirect.gather [hbm4b:s0+s16], $0x80, s10, s16, $0xb8;
	[tilespmem:$0x1F890] =	vst v63  }
0x4c2: {  	_ =	swait.ge [sflag:s29], $0x1C00  }
0x4c3: {  	s12 =	sld [smem:$0x7BC]  }
0x4c4: {  	[sflag:s29] =	ssyncset.done $0x0  }
0x4c5: {  	[sflag:s29] =	ssyncadd.s32 $0xFFFFE400  }
0x4c6: {  	[tilespmem:s20], [sflag:$0x8] =	stream.indirect.gather [spmem:s3], $0x80, s12, s16, $0xb8;
	[tilespmem:$0x1F890] =	vst v63  }
0x4c7: {  	_ =	swait.ge [sflag:s30], $0x1C00  }
0x4c8: {  	s8 =	sld [smem:$0x7BD]  }
0x4c9: {  	[sflag:s30] =	ssyncset.done $0x0  }
0x4ca: {  	[sflag:s30] =	ssyncadd.s32 $0xFFFFE400  }
0x4cb: {  	[spmem:s2] =	stream.indirect.scatter.add.f32 [tilespmem:s23], [sflag:$0x6], $0x80, s8, s16, $0xb8;
	[tilespmem:$0x1F890] =	vst v63  }
0x4cc: {  	_ =	swait.ge [sflag:s22], $0x1C00  }
0x4cd: {  	s9 =	sld [smem:$0x7BE]  }
0x4ce: {  	[sflag:s22] =	ssyncset.done $0x0  }
0x4cf: {  	[sflag:s22] =	ssyncadd.s32 $0xFFFFE400  }
0x4d0: {  	[spmem:s2] =	stream.indirect.scatter.add.f32 [tilespmem:s19], [sflag:$0x9], $0x80, s9, s16, $0xb8;
	[tilespmem:$0x1F890] =	vst v63  }
0x4d1: {  	_ =	swait.ge [sflag:s31], $0x1C00  }
0x4d2: {  	s10 =	sld [smem:$0x7BF]  }
0x4d3: {  	[sflag:s31] =	ssyncset.done $0x0  }
0x4d4: {  	[sflag:s31] =	ssyncadd.s32 $0xFFFFE400  }
0x4d5: {  	[tilespmem:s18], [sflag:$0x2] =	stream.indirect.gather [hbm4b:s0+s16], $0x80, s10, s16, $0xb8;
	[tilespmem:$0x1F890] =	vst v63  }
0x4d6: {  	_ =	swait.ge [sflag:s24], $0x1C00  }
0x4d7: {  	s12 =	sld [smem:$0x7C0]  }
0x4d8: {  	[sflag:s24] =	ssyncset.done $0x0  }
0x4d9: {  	[sflag:s24] =	ssyncadd.s32 $0xFFFFE400  }
0x4da: {  	[tilespmem:s19], [sflag:$0x7] =	stream.indirect.gather [spmem:s3], $0x80, s12, s16, $0xb8;
	[tilespmem:$0x1F890] =	vst v63  }
0x4db: {  	_ =	swait.ge [sflag:s21], $0x1C00  }
0x4dc: {  	s8 =	sld [smem:$0x7C1]  }
0x4dd: {  	[sflag:s21] =	ssyncset.done $0x0  }
0x4de: {  	[sflag:s21] =	ssyncadd.s32 $0xFFFFE400  }
0x4df: {  	[spmem:s2] =	stream.indirect.scatter.add.f32 [tilespmem:s17], [sflag:$0x4], $0x80, s8, s16, $0xb8;
	[tilespmem:$0x1F890] =	vst v63  }
0x4e0: {  	_ =	swait.ge [sflag:s26], $0x1C00  }
0x4e1: {  	s9 =	sld [smem:$0x7C2]  }
0x4e2: {  	[sflag:s26] =	ssyncset.done $0x0  }
0x4e3: {  	[sflag:s26] =	ssyncadd.s32 $0xFFFFE400  }
0x4e4: {  	[spmem:s2] =	stream.indirect.scatter.add.f32 [tilespmem:s20], [sflag:$0xA], $0x80, s9, s16, $0xb8;
	[tilespmem:$0x1F890] =	vst v63  }
0x4e5: {  	_ =	swait.ge [sflag:s1], $0x1C00  }
0x4e6: {  	s10 =	sld [smem:$0x7C3]  }
0x4e7: {  	[sflag:s1] =	ssyncset.done $0x0  }
0x4e8: {  	[sflag:s1] =	ssyncadd.s32 $0xFFFFE400  }
0x4e9: {  	[tilespmem:s23], [sflag:$0x3] =	stream.indirect.gather [hbm4b:s0+s16], $0x80, s10, s16, $0xb8;
	[tilespmem:$0x1F890] =	vst v63  }
0x4ea: {  	_ =	swait.ge [sflag:s29], $0x1C00  }
0x4eb: {  	s12 =	sld [smem:$0x7C4]  }
0x4ec: {  	[sflag:s29] =	ssyncset.done $0x0  }
0x4ed: {  	[sflag:s29] =	ssyncadd.s32 $0xFFFFE400  }
0x4ee: {  	[tilespmem:s20], [sflag:$0x8] =	stream.indirect.gather [spmem:s3], $0x80, s12, s16, $0xb8;
	[tilespmem:$0x1F890] =	vst v63  }
0x4ef: {  	_ =	swait.ge [sflag:s25], $0x1C00  }
0x4f0: {  	s8 =	sld [smem:$0x7C5]  }
0x4f1: {  	[sflag:s25] =	ssyncset.done $0x0  }
0x4f2: {  	[sflag:s25] =	ssyncadd.s32 $0xFFFFE400  }
0x4f3: {  	[spmem:s2] =	stream.indirect.scatter.add.f32 [tilespmem:s18], [sflag:$0x5], $0x80, s8, s16, $0xb8;
	[tilespmem:$0x1F890] =	vst v63  }
0x4f4: {  	_ =	swait.ge [sflag:s22], $0x1C00  }
0x4f5: {  	s9 =	sld [smem:$0x7C6]  }
0x4f6: {  	[sflag:s22] =	ssyncset.done $0x0  }
0x4f7: {  	[sflag:s22] =	ssyncadd.s32 $0xFFFFE400  }
0x4f8: {  	[spmem:s2] =	stream.indirect.scatter.add.f32 [tilespmem:s19], [sflag:$0x9], $0x80, s9, s16, $0xb8;
	[tilespmem:$0x1F890] =	vst v63  }
0x4f9: {  	_ =	swait.ge [sflag:s28], $0x1C00  }
0x4fa: {  	s10 =	sld [smem:$0x7C7]  }
0x4fb: {  	[sflag:s28] =	ssyncset.done $0x0  }
0x4fc: {  	[sflag:s28] =	ssyncadd.s32 $0xFFFFE400  }
0x4fd: {  	[tilespmem:s17], [sflag:$0x1] =	stream.indirect.gather [hbm4b:s0+s16], $0x80, s10, s16, $0xb8;
	[tilespmem:$0x1F890] =	vst v63  }
0x4fe: {  	_ =	swait.ge [sflag:s24], $0x1C00  }
0x4ff: {  	s12 =	sld [smem:$0x7C8]  }
0x500: {  	[sflag:s24] =	ssyncset.done $0x0  }
0x501: {  	[sflag:s24] =	ssyncadd.s32 $0xFFFFE400  }
0x502: {  	[tilespmem:s19], [sflag:$0x7] =	stream.indirect.gather [spmem:s3], $0x80, s12, s16, $0xb8;
	[tilespmem:$0x1F890] =	vst v63  }
0x503: {  	_ =	swait.ge [sflag:s30], $0x1C00  }
0x504: {  	s8 =	sld [smem:$0x7C9]  }
0x505: {  	[sflag:s30] =	ssyncset.done $0x0  }
0x506: {  	[sflag:s30] =	ssyncadd.s32 $0xFFFFE400  }
0x507: {  	[spmem:s2] =	stream.indirect.scatter.add.f32 [tilespmem:s23], [sflag:$0x6], $0x80, s8, s16, $0xb8;
	[tilespmem:$0x1F890] =	vst v63  }
0x508: {  	_ =	swait.ge [sflag:s26], $0x1C00  }
0x509: {  	s9 =	sld [smem:$0x7CA]  }
0x50a: {  	[sflag:s26] =	ssyncset.done $0x0  }
0x50b: {  	[sflag:s26] =	ssyncadd.s32 $0xFFFFE400  }
0x50c: {  	[spmem:s2] =	stream.indirect.scatter.add.f32 [tilespmem:s20], [sflag:$0xA], $0x80, s9, s16, $0xb8;
	[tilespmem:$0x1F890] =	vst v63  }
0x50d: {  	_ =	swait.ge [sflag:s31], $0x1C00  }
0x50e: {  	s10 =	sld [smem:$0x7CB]  }
0x50f: {  	[sflag:s31] =	ssyncset.done $0x0  }
0x510: {  	[sflag:s31] =	ssyncadd.s32 $0xFFFFE400  }
0x511: {  	[tilespmem:s18], [sflag:$0x2] =	stream.indirect.gather [hbm4b:s0+s16], $0x80, s10, s16, $0xb8;
	[tilespmem:$0x1F890] =	vst v63  }
0x512: {  	_ =	swait.ge [sflag:s29], $0x1C00  }
0x513: {  	s12 =	sld [smem:$0x7CC]  }
0x514: {  	[sflag:s29] =	ssyncset.done $0x0  }
0x515: {  	[sflag:s29] =	ssyncadd.s32 $0xFFFFE400  }
0x516: {  	[tilespmem:s20], [sflag:$0x8] =	stream.indirect.gather [spmem:s3], $0x80, s12, s16, $0xb8;
	[tilespmem:$0x1F890] =	vst v63  }
0x517: {  	_ =	swait.ge [sflag:s21], $0x1C00  }
0x518: {  	s8 =	sld [smem:$0x7CD]  }
0x519: {  	[sflag:s21] =	ssyncset.done $0x0  }
0x51a: {  	[sflag:s21] =	ssyncadd.s32 $0xFFFFE400  }
0x51b: {  	[spmem:s2] =	stream.indirect.scatter.add.f32 [tilespmem:s17], [sflag:$0x4], $0x80, s8, s16, $0xb8;
	[tilespmem:$0x1F890] =	vst v63  }
0x51c: {  	_ =	swait.ge [sflag:s22], $0x1C00  }
0x51d: {  	s9 =	sld [smem:$0x7CE]  }
0x51e: {  	[sflag:s22] =	ssyncset.done $0x0  }
0x51f: {  	[sflag:s22] =	ssyncadd.s32 $0xFFFFE400  }
0x520: {  	[spmem:s2] =	stream.indirect.scatter.add.f32 [tilespmem:s19], [sflag:$0x9], $0x80, s9, s16, $0xb8;
	[tilespmem:$0x1F890] =	vst v63  }
0x521: {  	_ =	swait.ge [sflag:s1], $0x1C00  }
0x522: {  	s10 =	sld [smem:$0x7CF]  }
0x523: {  	[sflag:s1] =	ssyncset.done $0x0  }
0x524: {  	[sflag:s1] =	ssyncadd.s32 $0xFFFFE400  }
0x525: {  	[tilespmem:s23], [sflag:$0x3] =	stream.indirect.gather [hbm4b:s0+s16], $0x80, s10, s16, $0xb8;
	[tilespmem:$0x1F890] =	vst v63  }
0x526: {  	_ =	swait.ge [sflag:s24], $0x1C00  }
0x527: {  	s12 =	sld [smem:$0x7D0]  }
0x528: {  	[sflag:s24] =	ssyncset.done $0x0  }
0x529: {  	[sflag:s24] =	ssyncadd.s32 $0xFFFFE400  }
0x52a: {  	[tilespmem:s19], [sflag:$0x7] =	stream.indirect.gather [spmem:s3], $0x80, s12, s16, $0xb8;
	[tilespmem:$0x1F890] =	vst v63  }
0x52b: {  	_ =	swait.ge [sflag:s25], $0x1C00  }
0x52c: {  	s8 =	sld [smem:$0x7D1]  }
0x52d: {  	[sflag:s25] =	ssyncset.done $0x0  }
0x52e: {  	[sflag:s25] =	ssyncadd.s32 $0xFFFFE400  }
0x52f: {  	[spmem:s2] =	stream.indirect.scatter.add.f32 [tilespmem:s18], [sflag:$0x5], $0x80, s8, s16, $0xb8;
	[tilespmem:$0x1F890] =	vst v63  }
0x530: {  	_ =	swait.ge [sflag:s26], $0x1C00  }
0x531: {  	s9 =	sld [smem:$0x7D2]  }
0x532: {  	[sflag:s26] =	ssyncset.done $0x0  }
0x533: {  	[sflag:s26] =	ssyncadd.s32 $0xFFFFE400  }
0x534: {  	[spmem:s2] =	stream.indirect.scatter.add.f32 [tilespmem:s20], [sflag:$0xA], $0x80, s9, s16, $0xb8;
	[tilespmem:$0x1F890] =	vst v63  }
0x535: {  	_ =	swait.ge [sflag:s28], $0x1C00  }
0x536: {  	s10 =	sld [smem:$0x7D3]  }
0x537: {  	[sflag:s28] =	ssyncset.done $0x0  }
0x538: {  	[sflag:s28] =	ssyncadd.s32 $0xFFFFE400  }
0x539: {  	[tilespmem:s17], [sflag:$0x1] =	stream.indirect.gather [hbm4b:s0+s16], $0x80, s10, s16, $0xb8;
	[tilespmem:$0x1F890] =	vst v63  }
0x53a: {  	_ =	swait.ge [sflag:s29], $0x1C00  }
0x53b: {  	s12 =	sld [smem:$0x7D4]  }
0x53c: {  	[sflag:s29] =	ssyncset.done $0x0  }
0x53d: {  	[sflag:s29] =	ssyncadd.s32 $0xFFFFE400  }
0x53e: {  	[tilespmem:s20], [sflag:$0x8] =	stream.indirect.gather [spmem:s3], $0x80, s12, s16, $0xb8;
	[tilespmem:$0x1F890] =	vst v63  }
0x53f: {  	_ =	swait.ge [sflag:s30], $0x1C00  }
0x540: {  	s8 =	sld [smem:$0x7D5]  }
0x541: {  	[sflag:s30] =	ssyncset.done $0x0  }
0x542: {  	[sflag:s30] =	ssyncadd.s32 $0xFFFFE400  }
0x543: {  	[spmem:s2] =	stream.indirect.scatter.add.f32 [tilespmem:s23], [sflag:$0x6], $0x80, s8, s16, $0xb8;
	[tilespmem:$0x1F890] =	vst v63  }
0x544: {  	_ =	swait.ge [sflag:s22], $0x1C00  }
0x545: {  	s9 =	sld [smem:$0x7D7]  }
0x546: {  	[sflag:s22] =	ssyncset.done $0x0  }
0x547: {  	[sflag:s22] =	ssyncadd.s32 $0xFFFFE400  }
0x548: {  	[spmem:s2] =	stream.indirect.scatter.add.f32 [tilespmem:s19], [sflag:$0x9], $0x80, s9, s16, $0xb8;
	[tilespmem:$0x1F890] =	vst v63  }
0x549: {  	_ =	swait.ge [sflag:s31], $0x1C00  }
0x54a: {  	s10 =	sld [smem:$0x7D8]  }
0x54b: {  	[sflag:s31] =	ssyncset.done $0x0  }
0x54c: {  	[sflag:s31] =	ssyncadd.s32 $0xFFFFE400  }
0x54d: {  	[tilespmem:s18], [sflag:$0x2] =	stream.indirect.gather [hbm4b:s0+s16], $0x80, s10, s16, $0xb8;
	[tilespmem:$0x1F890] =	vst v63  }
0x54e: {  	_ =	swait.ge [sflag:s24], $0x1C00  }
0x54f: {  	s12 =	sld [smem:$0x7D9]  }
0x550: {  	[sflag:s24] =	ssyncset.done $0x0  }
0x551: {  	[sflag:s24] =	ssyncadd.s32 $0xFFFFE400  }
0x552: {  	[tilespmem:s19], [sflag:$0x7] =	stream.indirect.gather [spmem:s3], $0x80, s12, s16, $0xb8;
	[tilespmem:$0x1F890] =	vst v63  }
0x553: {  	_ =	swait.ge [sflag:s21], $0x1C00  }
0x554: {  	s8 =	sld [smem:$0x7DB]  }
0x555: {  	[sflag:s21] =	ssyncset.done $0x0  }
0x556: {  	[sflag:s21] =	ssyncadd.s32 $0xFFFFE400  }
0x557: {  	[spmem:s2] =	stream.indirect.scatter.add.f32 [tilespmem:s17], [sflag:$0x4], $0x80, s8, s16, $0xb8;
	[tilespmem:$0x1F890] =	vst v63  }
0x558: {  	_ =	swait.ge [sflag:s26], $0x1C00  }
0x559: {  	s9 =	sld [smem:$0x7DC]  }
0x55a: {  	[sflag:s26] =	ssyncset.done $0x0  }
0x55b: {  	[sflag:s26] =	ssyncadd.s32 $0xFFFFE400  }
0x55c: {  	[spmem:s2] =	stream.indirect.scatter.add.f32 [tilespmem:s20], [sflag:$0xA], $0x80, s9, s16, $0xb8;
	[tilespmem:$0x1F890] =	vst v63  }
0x55d: {  	_ =	swait.ge [sflag:s1], $0x1C00  }
0x55e: {  	s10 =	sld [smem:$0x7DD]  }
0x55f: {  	[sflag:s1] =	ssyncset.done $0x0  }
0x560: {  	[sflag:s1] =	ssyncadd.s32 $0xFFFFE400  }
0x561: {  	[tilespmem:s23], [sflag:$0x3] =	stream.indirect.gather [hbm4b:s0+s16], $0x80, s10, s16, $0xb8;
	[tilespmem:$0x1F890] =	vst v63  }
0x562: {  	_ =	swait.ge [sflag:s29], $0x1C00  }
0x563: {  	s12 =	sld [smem:$0x7DE]  }
0x564: {  	[sflag:s29] =	ssyncset.done $0x0  }
0x565: {  	[sflag:s29] =	ssyncadd.s32 $0xFFFFE400  }
0x566: {  	[tilespmem:s20], [sflag:$0x8] =	stream.indirect.gather [spmem:s3], $0x80, s12, s16, $0xb8;
	[tilespmem:$0x1F890] =	vst v63  }
0x567: {  	_ =	swait.ge [sflag:s25], $0x1C00  }
0x568: {  	s8 =	sld [smem:$0x7DF]  }
0x569: {  	[sflag:s25] =	ssyncset.done $0x0  }
0x56a: {  	[sflag:s25] =	ssyncadd.s32 $0xFFFFE400  }
0x56b: {  	[spmem:s2] =	stream.indirect.scatter.add.f32 [tilespmem:s18], [sflag:$0x5], $0x80, s8, s16, $0xb8;
	[tilespmem:$0x1F890] =	vst v63  }
0x56c: {  	_ =	swait.ge [sflag:s22], $0x1C00  }
0x56d: {  	s9 =	sld [smem:$0x7E0]  }
0x56e: {  	[sflag:s22] =	ssyncset.done $0x0  }
0x56f: {  	[sflag:s22] =	ssyncadd.s32 $0xFFFFE400  }
0x570: {  	[spmem:s2] =	stream.indirect.scatter.add.f32 [tilespmem:s19], [sflag:$0x9], $0x80, s9, s16, $0xb8;
	[tilespmem:$0x1F890] =	vst v63  }
0x571: {  	_ =	swait.ge [sflag:s28], $0x1C00  }
0x572: {  	s10 =	sld [smem:$0x7E1]  }
0x573: {  	[sflag:s28] =	ssyncset.done $0x0  }
0x574: {  	[sflag:s28] =	ssyncadd.s32 $0xFFFFE400  }
0x575: {  	[tilespmem:s17], [sflag:$0x1] =	stream.indirect.gather [hbm4b:s0+s16], $0x80, s10, s16, $0xb8;
	[tilespmem:$0x1F890] =	vst v63  }
0x576: {  	_ =	swait.ge [sflag:s24], $0x1C00  }
0x577: {  	s12 =	sld [smem:$0x7E2]  }
0x578: {  	[sflag:s24] =	ssyncset.done $0x0  }
0x579: {  	[sflag:s24] =	ssyncadd.s32 $0xFFFFE400  }
0x57a: {  	[tilespmem:s19], [sflag:$0x7] =	stream.indirect.gather [spmem:s3], $0x80, s12, s16, $0xb8;
	[tilespmem:$0x1F890] =	vst v63  }
0x57b: {  	_ =	swait.ge [sflag:s30], $0x1C00  }
0x57c: {  	s8 =	sld [smem:$0x7E3]  }
0x57d: {  	[sflag:s30] =	ssyncset.done $0x0  }
0x57e: {  	[sflag:s30] =	ssyncadd.s32 $0xFFFFE400  }
0x57f: {  	[spmem:s2] =	stream.indirect.scatter.add.f32 [tilespmem:s23], [sflag:$0x6], $0x80, s8, s16, $0xb8;
	[tilespmem:$0x1F890] =	vst v63  }
0x580: {  	_ =	swait.ge [sflag:s26], $0x1C00  }
0x581: {  	s9 =	sld [smem:$0x7E4]  }
0x582: {  	[sflag:s26] =	ssyncset.done $0x0  }
0x583: {  	[sflag:s26] =	ssyncadd.s32 $0xFFFFE400  }
0x584: {  	[spmem:s2] =	stream.indirect.scatter.add.f32 [tilespmem:s20], [sflag:$0xA], $0x80, s9, s16, $0xb8;
	[tilespmem:$0x1F890] =	vst v63  }
0x585: {  	_ =	swait.ge [sflag:s31], $0x1C00  }
0x586: {  	s10 =	sld [smem:$0x7E5]  }
0x587: {  	[sflag:s31] =	ssyncset.done $0x0  }
0x588: {  	[sflag:s31] =	ssyncadd.s32 $0xFFFFE400  }
0x589: {  	[tilespmem:s18], [sflag:$0x2] =	stream.indirect.gather [hbm4b:s0+s16], $0x80, s10, s16, $0xb8;
	[tilespmem:$0x1F890] =	vst v63  }
0x58a: {  	_ =	swait.ge [sflag:s29], $0x1C00  }
0x58b: {  	s12 =	sld [smem:$0x7E6]  }
0x58c: {  	[sflag:s29] =	ssyncset.done $0x0  }
0x58d: {  	[sflag:s29] =	ssyncadd.s32 $0xFFFFE400  }
0x58e: {  	[tilespmem:s20], [sflag:$0x8] =	stream.indirect.gather [spmem:s3], $0x80, s12, s16, $0xb8;
	[tilespmem:$0x1F890] =	vst v63  }
0x58f: {  	_ =	swait.ge [sflag:s21], $0x1C00  }
0x590: {  	s8 =	sld [smem:$0x7E8]  }
0x591: {  	[sflag:s21] =	ssyncset.done $0x0  }
0x592: {  	[sflag:s21] =	ssyncadd.s32 $0xFFFFE400  }
0x593: {  	[spmem:s2] =	stream.indirect.scatter.add.f32 [tilespmem:s17], [sflag:$0x4], $0x80, s8, s16, $0xb8;
	[tilespmem:$0x1F890] =	vst v63  }
0x594: {  	_ =	swait.ge [sflag:s22], $0x1C00  }
0x595: {  	s9 =	sld [smem:$0x7EA]  }
0x596: {  	[sflag:s22] =	ssyncset.done $0x0  }
0x597: {  	[sflag:s22] =	ssyncadd.s32 $0xFFFFE400  }
0x598: {  	[spmem:s2] =	stream.indirect.scatter.add.f32 [tilespmem:s19], [sflag:$0x9], $0x80, s9, s16, $0xb8;
	[tilespmem:$0x1F890] =	vst v63  }
0x599: {  	_ =	swait.ge [sflag:s1], $0x1C00  }
0x59a: {  	s10 =	sld [smem:$0x7EB]  }
0x59b: {  	[sflag:s1] =	ssyncset.done $0x0  }
0x59c: {  	[sflag:s1] =	ssyncadd.s32 $0xFFFFE400  }
0x59d: {  	[tilespmem:s23], [sflag:$0x3] =	stream.indirect.gather [hbm4b:s0+s16], $0x80, s10, s16, $0xb8;
	[tilespmem:$0x1F890] =	vst v63  }
0x59e: {  	_ =	swait.ge [sflag:s24], $0x1C00  }
0x59f: {  	s12 =	sld [smem:$0x7EC]  }
0x5a0: {  	[sflag:s24] =	ssyncset.done $0x0  }
0x5a1: {  	[sflag:s24] =	ssyncadd.s32 $0xFFFFE400  }
0x5a2: {  	[tilespmem:s19], [sflag:$0x7] =	stream.indirect.gather [spmem:s3], $0x80, s12, s16, $0xb8;
	[tilespmem:$0x1F890] =	vst v63  }
0x5a3: {  	_ =	swait.ge [sflag:s25], $0x1C00  }
0x5a4: {  	s8 =	sld [smem:$0x7ED]  }
0x5a5: {  	[sflag:s25] =	ssyncset.done $0x0  }
0x5a6: {  	[sflag:s25] =	ssyncadd.s32 $0xFFFFE400  }
0x5a7: {  	[spmem:s2] =	stream.indirect.scatter.add.f32 [tilespmem:s18], [sflag:$0x5], $0x80, s8, s16, $0xb8;
	[tilespmem:$0x1F890] =	vst v63  }
0x5a8: {  	_ =	swait.ge [sflag:s26], $0x1C00  }
0x5a9: {  	s9 =	sld [smem:$0x7EF]  }
0x5aa: {  	[sflag:s26] =	ssyncset.done $0x0  }
0x5ab: {  	[sflag:s26] =	ssyncadd.s32 $0xFFFFE400  }
0x5ac: {  	[spmem:s2] =	stream.indirect.scatter.add.f32 [tilespmem:s20], [sflag:$0xA], $0x80, s9, s16, $0xb8;
	[tilespmem:$0x1F890] =	vst v63  }
0x5ad: {  	_ =	swait.ge [sflag:s28], $0x1C00  }
0x5ae: {  	s10 =	sld [smem:$0x7F0]  }
0x5af: {  	[sflag:s28] =	ssyncset.done $0x0  }
0x5b0: {  	[sflag:s28] =	ssyncadd.s32 $0xFFFFE400  }
0x5b1: {  	[tilespmem:s17], [sflag:$0x1] =	stream.indirect.gather [hbm4b:s0+s16], $0x80, s10, s16, $0xb8;
	[tilespmem:$0x1F890] =	vst v63  }
0x5b2: {  	_ =	swait.ge [sflag:s29], $0x1C00  }
0x5b3: {  	s12 =	sld [smem:$0x7F1]  }
0x5b4: {  	[sflag:s29] =	ssyncset.done $0x0  }
0x5b5: {  	[sflag:s29] =	ssyncadd.s32 $0xFFFFE400  }
0x5b6: {  	[tilespmem:s20], [sflag:$0x8] =	stream.indirect.gather [spmem:s3], $0x80, s12, s16, $0xb8;
	[tilespmem:$0x1F890] =	vst v63  }
0x5b7: {  	_ =	swait.ge [sflag:s30], $0x1C00  }
0x5b8: {  	s8 =	sld [smem:$0x7F2]  }
0x5b9: {  	[sflag:s30] =	ssyncset.done $0x0  }
0x5ba: {  	[sflag:s30] =	ssyncadd.s32 $0xFFFFE400  }
0x5bb: {  	[spmem:s2] =	stream.indirect.scatter.add.f32 [tilespmem:s23], [sflag:$0x6], $0x80, s8, s16, $0xb8;
	[tilespmem:$0x1F890] =	vst v63  }
0x5bc: {  	_ =	swait.ge [sflag:s22], $0x1C00  }
0x5bd: {  	s9 =	sld [smem:$0x7F3]  }
0x5be: {  	[sflag:s22] =	ssyncset.done $0x0  }
0x5bf: {  	[sflag:s22] =	ssyncadd.s32 $0xFFFFE400  }
0x5c0: {  	[spmem:s2] =	stream.indirect.scatter.add.f32 [tilespmem:s19], [sflag:$0x9], $0x80, s9, s16, $0xb8;
	[tilespmem:$0x1F890] =	vst v63  }
0x5c1: {  	_ =	swait.ge [sflag:s31], $0x1C00  }
0x5c2: {  	s10 =	sld [smem:$0x7F4]  }
0x5c3: {  	[sflag:s31] =	ssyncset.done $0x0  }
0x5c4: {  	[sflag:s31] =	ssyncadd.s32 $0xFFFFE400  }
0x5c5: {  	[tilespmem:s18], [sflag:$0x2] =	stream.indirect.gather [hbm4b:s0+s16], $0x80, s10, s16, $0xb8;
	[tilespmem:$0x1F890] =	vst v63  }
0x5c6: {  	_ =	swait.ge [sflag:s24], $0x1C00  }
0x5c7: {  	s12 =	sld [smem:$0x7F5]  }
0x5c8: {  	[sflag:s24] =	ssyncset.done $0x0  }
0x5c9: {  	[sflag:s24] =	ssyncadd.s32 $0xFFFFE400  }
0x5ca: {  	[tilespmem:s19], [sflag:$0x7] =	stream.indirect.gather [spmem:s3], $0x80, s12, s16, $0xb8;
	[tilespmem:$0x1F890] =	vst v63  }
0x5cb: {  	_ =	swait.ge [sflag:s21], $0x1C00  }
0x5cc: {  	s8 =	sld [smem:$0x7F6]  }
0x5cd: {  	[sflag:s21] =	ssyncset.done $0x0  }
0x5ce: {  	[sflag:s21] =	ssyncadd.s32 $0xFFFFE400  }
0x5cf: {  	[spmem:s2] =	stream.indirect.scatter.add.f32 [tilespmem:s17], [sflag:$0x4], $0x80, s8, s16, $0xb8;
	[tilespmem:$0x1F890] =	vst v63  }
0x5d0: {  	_ =	swait.ge [sflag:s26], $0x1C00  }
0x5d1: {  	s9 =	sld [smem:$0x7F7]  }
0x5d2: {  	[sflag:s26] =	ssyncset.done $0x0  }
0x5d3: {  	[sflag:s26] =	ssyncadd.s32 $0xFFFFE400  }
0x5d4: {  	[spmem:s2] =	stream.indirect.scatter.add.f32 [tilespmem:s20], [sflag:$0xA], $0x80, s9, s16, $0xb8;
	[tilespmem:$0x1F890] =	vst v63  }
0x5d5: {  	_ =	swait.ge [sflag:s1], $0x1C00  }
0x5d6: {  	s10 =	sld [smem:$0x7F8]  }
0x5d7: {  	[sflag:s1] =	ssyncset.done $0x0  }
0x5d8: {  	[sflag:s1] =	ssyncadd.s32 $0xFFFFE400  }
0x5d9: {  	[tilespmem:s23], [sflag:$0x3] =	stream.indirect.gather [hbm4b:s0+s16], $0x80, s10, s16, $0xb8;
	[tilespmem:$0x1F890] =	vst v63  }
0x5da: {  	_ =	swait.ge [sflag:s29], $0x1C00  }
0x5db: {  	s12 =	sld [smem:$0x7F9]  }
0x5dc: {  	[sflag:s29] =	ssyncset.done $0x0  }
0x5dd: {  	[sflag:s29] =	ssyncadd.s32 $0xFFFFE400  }
0x5de: {  	[tilespmem:s20], [sflag:$0x8] =	stream.indirect.gather [spmem:s3], $0x80, s12, s16, $0xb8;
	[tilespmem:$0x1F890] =	vst v63  }
0x5df: {  	_ =	swait.ge [sflag:s25], $0x1C00  }
0x5e0: {  	s8 =	sld [smem:$0x7FA]  }
0x5e1: {  	[sflag:s25] =	ssyncset.done $0x0  }
0x5e2: {  	[sflag:s25] =	ssyncadd.s32 $0xFFFFE400  }
0x5e3: {  	[spmem:s2] =	stream.indirect.scatter.add.f32 [tilespmem:s18], [sflag:$0x5], $0x80, s8, s16, $0xb8;
	[tilespmem:$0x1F890] =	vst v63  }
0x5e4: {  	_ =	swait.ge [sflag:s22], $0x1C00  }
0x5e5: {  	s9 =	sld [smem:$0x7FB]  }
0x5e6: {  	[sflag:s22] =	ssyncset.done $0x0  }
0x5e7: {  	[sflag:s22] =	ssyncadd.s32 $0xFFFFE400  }
0x5e8: {  	[spmem:s2] =	stream.indirect.scatter.add.f32 [tilespmem:s19], [sflag:$0x9], $0x80, s9, s16, $0xb8;
	[tilespmem:$0x1F890] =	vst v63  }
0x5e9: {  	_ =	swait.ge [sflag:s30], $0x1C00  }
0x5ea: {  	[sflag:s30] =	ssyncset.done $0x0  }
0x5eb: {  	[sflag:s30] =	ssyncadd.s32 $0xFFFFE400  }
0x5ec: {  	[spmem:s2] =	stream.indirect.scatter.add.f32 [tilespmem:s23], [sflag:$0x6], $0x80, s5, s16, $0xb8;
	[tilespmem:$0x1F890] =	vst v63  }
0x5ed: {  	_ =	swait.ge [sflag:s26], $0x1C00  }
0x5ee: {  	[sflag:s26] =	ssyncset.done $0x0  }
0x5ef: {  	[sflag:s26] =	ssyncadd.s32 $0xFFFFE400  }
0x5f0: {  	[spmem:s2] =	stream.indirect.scatter.add.f32 [tilespmem:s20], [sflag:$0xA], $0x80, s6, s16, $0xb8;
	[tilespmem:$0x1F890] =	vst v63  }
0x5f1: {  	_ =	swait.ge [sflag:s28], $0x1C00  }
0x5f2: {  	[sflag:s28] =	ssyncset.done $0x0  }
0x5f3: {  	[sflag:s28] =	ssyncadd.s32 $0xFFFFE400  }
0x5f4: {  	_ =	swait.ge [sflag:s31], $0x1C00  }
0x5f5: {  	[sflag:s31] =	ssyncset.done $0x0  }
0x5f6: {  	[sflag:s31] =	ssyncadd.s32 $0xFFFFE400  }
0x5f7: {  	_ =	swait.ge [sflag:s1], $0x1C00  }
0x5f8: {  	[sflag:s1] =	ssyncset.done $0x0  }
0x5f9: {  	[sflag:s1] =	ssyncadd.s32 $0xFFFFE400  }
0x5fa: {  	_ =	swait.ge [sflag:s24], $0x1C00  }
0x5fb: {  	[sflag:s24] =	ssyncset.done $0x0  }
0x5fc: {  	[sflag:s24] =	ssyncadd.s32 $0xFFFFE400  }
0x5fd: {  	_ =	swait.ge [sflag:s29], $0x1C00  }
0x5fe: {  	[sflag:s29] =	ssyncset.done $0x0  }
0x5ff: {  	[sflag:s29] =	ssyncadd.s32 $0xFFFFE400  }
0x600: {  	[bflag:$0x0] =	sbarrier.arrive $0xFFFF  }
0x601: {  	s12 =	sld [smem:$0x7FC]  }
0x602: {  	s10 =	sld [smem:$0x7E7]  }
0x603: {  	s8 =	sld [smem:$0x7FD];
	_ =	sdelay $0x2  }
0x604: {  	[hbm:s10], [sflag:s12] =	dma.local [spmem:s8], $0x2780  }
0x605: {  	_ =	swait.ge [sflag:s11], $0x2780  }
0x606: {  	s7 =	sld [smem:$0x7B3]  }
0x607: {  	s10 =	sld [smem:$0x7E9];
	_ =	sdelay $0x1  }
0x608: {  	s9 =	sadd.s32 $0x1, s7  }
0x609: {  	p1 =	sne.s32 s9, s10  }
.Ltmp1:
0x60a: {  	_ = 	snop;
	(pc) =	sbr.rel @p1 .LBB2_1-.Ltmp1, $3  }
0x60b: {  	_ =	sdelay $0x1  }
0x60c: {  	[sflag:s11] =	ssyncset.done $0x0  }
0x60d: {  	[sflag:s11] =	ssyncadd.s32 $0xFFFFD880  }
0x60e: {  	_ =	sfence.sel $0x180000  }
0x60f: {  	[bflag:$0x0] =	sbarrier.arrive $0xFFFF  }
0x610: {  	_ =	strace $0x90000047  }
0x611: {  	[bflag:$0x2] =	sbarrier.arrive $0xFFFF  }
0x612: {  	s0 =	rddreg [dreg:$0x5]  }
0x613: {  	s0 =	sadd.s32 @!p0 $0x100000, s0  }
0x614: {  	[sflag:s0] =	ssyncadd.tile.s32 @!p0 $0x1;
	_ =	shalt  }
.Lfunc_end2:
_tile_overlayer_lowered:
.L_overlay_start_2:
0x615: {  	(tag) =	ssettag $0x2  }
0x616: {  	s0 =	rddreg [dreg:$0x0];
	s2 =	stileid.u32  }
0x617: {  	s1 =	rddreg [dreg:$0x1];
	p0 =	sne.s32 s2, $0x0  }
0x618: {  	s3 =	rddreg [dreg:$0x2];
	[bflag:$0x3] =	sbarrier.arrive $0xFFFF;
	s2 =	simm.s32 @!p0 $0x1C0B  }
0x619: {  	[timem:s3], [sflag:s2] =	dma.local @!p0 [hbm:s0], s1  }
0x61a: {  	s0 =	simm.s32 @!p0 $0xB  }
0x61b: {  	_ =	swait.ge @!p0 [sflag:s0], s1  }
0x61c: {  	s1 =	ssub.s32 @!p0 $0x0, s1;
	[sflag:s0] =	ssyncset.done @!p0 $0x0  }
0x61d: {  	[sflag:s0] =	ssyncadd.s32 @!p0 s1  }
0x61e: {  	[bflag:$0x3] =	sbarrier.arrive $0xFFFF  }
0x61f: {  	_ =	shalt  }

</sc_bundles>
